<compile_context>
chip_gen: v7x
topology: tpu7x:2x2x1
jax: 0.10.2.dev20260603
libtpu: 0.0.44.dev20260713+nightly
codegen_flags: <defaults>
</compile_context>

<pallas_src>
import jax
import jax.numpy as jnp
from jax import lax
from jax.experimental import pallas as pl
from jax.experimental.pallas import tpu as pltpu
from jax.experimental.pallas import tpu_sc as plsc

_N = 320000
_D = 128
_G = 5000
_T = 10

_G_PAD = 5120
_PAD_SEG = _G
_N_PAD = 327680
_K = 5
_CHUNK = _N_PAD // _K
_BLK_A = 2048
_CH = 128
_BLK_B = 512


def _elu(x):
    return jnp.where(x > 0.0, x, jnp.exp(jnp.minimum(x, 0.0)) - 1.0)


def _dense_body(x_ref, w0_ref, b0_ref, w1_ref, b1_ref, out_ref):
    x = x_ref[...].astype(jnp.bfloat16)
    w0 = w0_ref[...].astype(jnp.bfloat16)
    a = jnp.dot(x, w0, preferred_element_type=jnp.float32)
    a = _elu(a + b0_ref[...])
    w1 = w1_ref[...].astype(jnp.bfloat16)
    a = jnp.dot(a.astype(jnp.bfloat16), w1, preferred_element_type=jnp.float32)
    out_ref[...] = _elu(a + b1_ref[...])


def _dense_chunk(h, w0, b0, w1, b1, k):
    nblk_in = (_N + _BLK_A - 1) // _BLK_A
    grid = _CHUNK // _BLK_A
    return pl.pallas_call(
        _dense_body,
        grid=(grid,),
        in_specs=[
            pl.BlockSpec((_BLK_A, _D),
                         lambda i, k=k: (jnp.minimum(k * grid + i, nblk_in - 1), 0)),
            pl.BlockSpec((_D, _D), lambda i: (0, 0)),
            pl.BlockSpec((1, _D), lambda i: (0, 0)),
            pl.BlockSpec((_D, _D), lambda i: (0, 0)),
            pl.BlockSpec((1, _D), lambda i: (0, 0)),
        ],
        out_specs=pl.BlockSpec((_BLK_A, _D), lambda i: (i, 0)),
        out_shape=jax.ShapeDtypeStruct((_CHUNK, _D), jnp.float32),
    )(h, w0, b0.reshape(1, _D), w1, b1.reshape(1, _D))


def _seg_body(act, idx2d, zsum, ones, out_sum, out_cnt,
              shsum, shcnt, buf_a, buf_b, idx_v, ones_v,
              sem_a, sem_b):
    c = lax.axis_index("c")
    s = lax.axis_index("s")
    rows_per_tile = _CHUNK // 32
    base = (c * 16 + s) * rows_per_tile
    gsl = pl.ds(s * (_G_PAD // 16), _G_PAD // 16)

    pltpu.sync_copy(zsum, shsum.at[gsl])
    pltpu.sync_copy(zsum, shcnt.at[gsl])
    pltpu.sync_copy(ones, ones_v)
    plsc.subcore_barrier()

    def scatter(buf, q):
        pltpu.sync_copy(buf, shsum.at[idx_v.at[q]], add=True)
        pltpu.sync_copy(ones_v, shcnt.at[idx_v.at[q, pl.ds(0, 64)]], add=True)
        pltpu.sync_copy(ones_v, shcnt.at[idx_v.at[q, pl.ds(64, 64)]], add=True)

    npairs = rows_per_tile // (2 * _CH)

    pltpu.async_copy(act.at[pl.ds(pl.multiple_of(base, 8), _CH)], buf_a, sem_a)

    def pair_body(p, carry):
        off = pl.multiple_of(base + p * (2 * _CH), 8)

        @pl.when(lax.rem(p, 4) == 0)
        def _():
            irow = pl.multiple_of(base // 128 + (p // 4) * 8, 8)
            pltpu.sync_copy(idx2d.at[pl.ds(irow, 8)], idx_v)

        q = lax.rem(p, 4) * 2
        pltpu.make_async_copy(act.at[pl.ds(off, _CH)], buf_a, sem_a).wait()
        pltpu.async_copy(act.at[pl.ds(off + _CH, _CH)], buf_b, sem_b)
        scatter(buf_a, q)
        pltpu.make_async_copy(act.at[pl.ds(off, _CH)], buf_b, sem_b).wait()

        @pl.when(p < npairs - 1)
        def _():
            nxt = pl.multiple_of(off + 2 * _CH, 8)
            pltpu.async_copy(act.at[pl.ds(nxt, _CH)], buf_a, sem_a)

        scatter(buf_b, q + 1)
        return carry

    lax.fori_loop(0, npairs, pair_body, 0)
    plsc.subcore_barrier()

    pltpu.sync_copy(shsum.at[gsl], out_sum.at[c, gsl])
    pltpu.sync_copy(shcnt.at[gsl], out_cnt.at[c, gsl])


def _segment_sums(act, idx2d, zsum, ones):
    mesh = plsc.VectorSubcoreMesh(core_axis_name="c", subcore_axis_name="s")
    return pl.kernel(
        _seg_body,
        out_type=[
            jax.ShapeDtypeStruct((2, _G_PAD, _D), jnp.float32),
            jax.ShapeDtypeStruct((2, _G_PAD, _D), jnp.float32),
        ],
        mesh=mesh,
        scratch_types=[
            pltpu.VMEM_SHARED((_G_PAD, _D), jnp.float32),
            pltpu.VMEM_SHARED((_G_PAD, _D), jnp.float32),
            pltpu.VMEM((_CH, _D), jnp.float32),
            pltpu.VMEM((_CH, _D), jnp.float32),
            pltpu.VMEM((8, 128), jnp.int32),
            pltpu.VMEM((64, _D), jnp.float32),
            pltpu.SemaphoreType.DMA,
            pltpu.SemaphoreType.DMA,
        ],
    )(act, idx2d, zsum, ones)


def _head_body(*refs):
    sum_refs = refs[:_K]
    cnt_refs = refs[_K:2 * _K]
    (ws0_ref, bs0_ref, ws1_ref, bs1_ref,
     wo1_ref, bo1_ref, wo2_ref, bo2_ref, out_ref) = refs[2 * _K:]
    ssum = sum_refs[0][0] + sum_refs[0][1]
    cnt = cnt_refs[0][0] + cnt_refs[0][1]
    for k in range(1, _K):
        ssum = ssum + sum_refs[k][0] + sum_refs[k][1]
        cnt = cnt + cnt_refs[k][0] + cnt_refs[k][1]
    mean = ssum / jnp.maximum(cnt, 1.0)
    g = jnp.dot(mean, ws0_ref[...], preferred_element_type=jnp.float32)
    g = _elu(g + bs0_ref[...])
    g = jnp.dot(g, ws1_ref[...], preferred_element_type=jnp.float32)
    g = _elu(g + bs1_ref[...])
    r = jnp.dot(g, wo1_ref[...], preferred_element_type=jnp.float32)
    r = jnp.maximum(r + bo1_ref[...], 0.0)
    o = jnp.dot(r, wo2_ref[...], preferred_element_type=jnp.float32)
    out_ref[...] = o + bo2_ref[...]


def _head(sums, cnts, ws0, bs0, ws1, bs1, wo1, bo1, wo2p, bo2p):
    grid = _G_PAD // _BLK_B
    part_spec = pl.BlockSpec((2, _BLK_B, _D), lambda i: (0, i, 0))
    return pl.pallas_call(
        _head_body,
        grid=(grid,),
        in_specs=[part_spec] * (2 * _K) + [
            pl.BlockSpec((_D, _D), lambda i: (0, 0)),
            pl.BlockSpec((1, _D), lambda i: (0, 0)),
            pl.BlockSpec((_D, _D), lambda i: (0, 0)),
            pl.BlockSpec((1, _D), lambda i: (0, 0)),
            pl.BlockSpec((_D, 256), lambda i: (0, 0)),
            pl.BlockSpec((1, 256), lambda i: (0, 0)),
            pl.BlockSpec((256, 128), lambda i: (0, 0)),
            pl.BlockSpec((1, 128), lambda i: (0, 0)),
        ],
        out_specs=pl.BlockSpec((_BLK_B, 128), lambda i: (i, 0)),
        out_shape=jax.ShapeDtypeStruct((_G_PAD, 128), jnp.float32),
    )(*sums, *cnts, ws0, bs0.reshape(1, _D), ws1, bs1.reshape(1, _D),
      wo1, bo1.reshape(1, 256), wo2p, bo2p)


def kernel(h_subgraph, subgraph_idx_batch, W_fc0, b_fc0, W_fc1, b_fc1,
           W_sum0, b_sum0, W_sum1, b_sum1, W_out1, b_out1, W_out2, b_out2):
    idx_pad = jnp.concatenate(
        [subgraph_idx_batch,
         jnp.full((_N_PAD - _N,), _PAD_SEG, jnp.int32)])
    idx2d = idx_pad.reshape(_N_PAD // 128, 128)
    zsum = jnp.zeros((_G_PAD // 16, _D), jnp.float32)
    ones = jnp.ones((64, _D), jnp.float32)

    sums, cnts = [], []
    for k in range(_K):
        act_k = _dense_chunk(h_subgraph, W_fc0, b_fc0, W_fc1, b_fc1, k)
        idx_k = lax.slice_in_dim(idx2d, k * (_CHUNK // 128),
                                 (k + 1) * (_CHUNK // 128))
        s_k, c_k = _segment_sums(act_k, idx_k, zsum, ones)
        sums.append(s_k)
        cnts.append(c_k)

    wo2p = jnp.zeros((256, 128), jnp.float32).at[:, :_T].set(W_out2)
    bo2p = jnp.zeros((1, 128), jnp.float32).at[0, :_T].set(b_out2)
    out = _head(sums, cnts, W_sum0, b_sum0, W_sum1, b_sum1,
                W_out1, b_out1, wo2p, bo2p)
    return out[:_G, :_T]

# --- scband reference (transcript-rebuilt; emitter-appended) ---
"""Pipeline reference for scband-dsnetwork-12352325943915 (READ-ONLY COPY).

The authoritative reference and input builder live on the scoring server;
editing this copy changes nothing except your own understanding.
"""

import jax, jax.numpy as jnp
import numpy as np

N = 320000
D = 128
G = 5000
T = 10


def segment_mean(x, idx, num_segments):
    s = jax.ops.segment_sum(x, idx, num_segments=num_segments)
    c = jax.ops.segment_sum(jnp.ones((x.shape[0], 1), x.dtype), idx, num_segments=num_segments)
    return s / jnp.maximum(c, 1.0)


def setup_inputs(seed: int = 0):
    key = jax.random.key(seed)
    ks = jax.random.split(key, 14)
    h_subgraph = jax.random.normal(ks[0], (N, D), dtype=jnp.float32)
    subgraph_idx_batch = jnp.sort(jax.random.randint(ks[1], (N,), 0, G, dtype=jnp.int32))
    def lin(k, din, dout):
        kw, kb = jax.random.split(k)
        W = jax.random.normal(kw, (din, dout), dtype=jnp.float32) * 0.05
        b = jax.random.normal(kb, (dout,), dtype=jnp.float32) * 0.05
        return W, b
    W_fc0, b_fc0 = lin(ks[2], D, 128)
    W_fc1, b_fc1 = lin(ks[3], 128, 128)
    W_sum0, b_sum0 = lin(ks[4], 128, 128)
    W_sum1, b_sum1 = lin(ks[5], 128, 128)
    W_out1, b_out1 = lin(ks[6], 128, 256)
    W_out2, b_out2 = lin(ks[7], 256, T)
    return {
        "h_subgraph": h_subgraph,
        "subgraph_idx_batch": subgraph_idx_batch,
        "W_fc0": W_fc0, "b_fc0": b_fc0,
        "W_fc1": W_fc1, "b_fc1": b_fc1,
        "W_sum0": W_sum0, "b_sum0": b_sum0,
        "W_sum1": W_sum1, "b_sum1": b_sum1,
        "W_out1": W_out1, "b_out1": b_out1,
        "W_out2": W_out2, "b_out2": b_out2,
    }


def reference(h_subgraph, subgraph_idx_batch, W_fc0, b_fc0, W_fc1, b_fc1,
              W_sum0, b_sum0, W_sum1, b_sum1, W_out1, b_out1, W_out2, b_out2):
    # invariant=True path of DSnetwork.forward, starting from h_subgraph = subgraph_gnn(batched_data)
    h = h_subgraph
    # fc_list with ELU on per-subgraph features
    h = jax.nn.elu(h @ W_fc0 + b_fc0)
    h = jax.nn.elu(h @ W_fc1 + b_fc1)
    # scatter mean over subgraph_idx_batch -> per-graph representation
    h_graph = segment_mean(h, subgraph_idx_batch, G)
    # fc_sum_list with ELU on per-graph features
    h_graph = jax.nn.elu(h_graph @ W_sum0 + b_sum0)
    h_graph = jax.nn.elu(h_graph @ W_sum1 + b_sum1)
    # final_layers: Linear -> ReLU -> Linear
    h_graph = jnp.maximum(h_graph @ W_out1 + b_out1, 0.0)
    return h_graph @ W_out2 + b_out2

if __name__ == "__main__":
    import jax
    _d = setup_inputs()
    print(jax.jit(kernel)(*tuple(_d.values())))

</pallas_src>

<mosaic_0001>
#map = affine_map<(d0, d1) -> (0, 0)>
#map1 = affine_map<(d0, d1) -> (0, 0, 0)>
module attributes {stable_mosaic.version = 14 : i64} {
  func.func @_seg_body(%arg0: i32, %arg1: i32, %arg2: memref<65536x128xf32, #tpu.memory_space<hbm>>, %arg3: memref<512x128xi32, #tpu.memory_space<hbm>>, %arg4: memref<320x128xf32, #tpu.memory_space<hbm>>, %arg5: memref<64x128xf32, #tpu.memory_space<hbm>>, %arg6: memref<2x5120x128xf32, #tpu.memory_space<hbm>>, %arg7: memref<2x5120x128xf32, #tpu.memory_space<hbm>>, %arg8: memref<5120x128xf32, #tpu.memory_space<vmem_shared>>, %arg9: memref<5120x128xf32, #tpu.memory_space<vmem_shared>>, %arg10: memref<128x128xf32, #tpu.memory_space<vmem>>, %arg11: memref<128x128xf32, #tpu.memory_space<vmem>>, %arg12: memref<8x128xi32, #tpu.memory_space<vmem>>, %arg13: memref<64x128xf32, #tpu.memory_space<vmem>>, %arg14: memref<!tpu.dma_semaphore, #tpu.memory_space<semaphore_mem>>, %arg15: memref<!tpu.dma_semaphore, #tpu.memory_space<semaphore_mem>>) attributes {dimension_semantics = [#tpu.dimension_semantics<core_parallel>, #tpu.dimension_semantics<subcore_parallel>], iteration_bounds = array<i64: 2, 16>, scalar_prefetch = 0 : i64, scratch_operands = 8 : i64, tpu.core_type = #tpu.core_type<sc_vector_subcore>, window_params = [{transform_indices = #map}, {transform_indices = #map}, {transform_indices = #map}, {transform_indices = #map}, {transform_indices = #map1}, {transform_indices = #map1}]} {
    %mul3A = arith.constant 16 : i32
    %mul3A_0 = arith.muli %arg0, %mul3A : i32
    %add3A = arith.addi %mul3A_0, %arg1 : i32
    %mul3A_1 = arith.constant 2048 : i32
    %mul3A_2 = arith.muli %add3A, %mul3A_1 : i32
    %mul3A_3 = arith.constant 320 : i32
    %mul3A_4 = arith.muli %arg1, %mul3A_3 : i32
    "tpu.region"() ({
      %run_scoped3A = tpu.sem_alloc : memref<!tpu.dma_semaphore, #tpu.memory_space<semaphore_mem>>
      %dma_start3A_14 = arith.constant 0 : i32
      %dma_start3A_15 = tpu.memref_slice %arg8[%mul3A_4, %dma_start3A_14] : memref<5120x128xf32, #tpu.memory_space<vmem_shared>> -> memref<320x128xf32, #tpu.memory_space<vmem_shared>>
      tpu.enqueue_dma source(%arg4 : memref<320x128xf32, #tpu.memory_space<hbm>>) target(%dma_start3A_15 : memref<320x128xf32, #tpu.memory_space<vmem_shared>>) target_semaphore(%run_scoped3A : memref<!tpu.dma_semaphore, #tpu.memory_space<semaphore_mem>>)
      %dma_wait3A = arith.constant 0 : i32
      %dma_wait3A_16 = tpu.memref_slice %arg8[%mul3A_4, %dma_wait3A] : memref<5120x128xf32, #tpu.memory_space<vmem_shared>> -> memref<320x128xf32, #tpu.memory_space<vmem_shared>>
      tpu.wait_dma2 semaphore(%run_scoped3A : memref<!tpu.dma_semaphore, #tpu.memory_space<semaphore_mem>>) src(%arg4 : memref<320x128xf32, #tpu.memory_space<hbm>>) dst(%dma_wait3A_16 : memref<320x128xf32, #tpu.memory_space<vmem_shared>>)
      tpu.yield
    }) : () -> ()
    "tpu.region"() ({
      %run_scoped3A = tpu.sem_alloc : memref<!tpu.dma_semaphore, #tpu.memory_space<semaphore_mem>>
      %dma_start3A_14 = arith.constant 0 : i32
      %dma_start3A_15 = tpu.memref_slice %arg9[%mul3A_4, %dma_start3A_14] : memref<5120x128xf32, #tpu.memory_space<vmem_shared>> -> memref<320x128xf32, #tpu.memory_space<vmem_shared>>
      tpu.enqueue_dma source(%arg4 : memref<320x128xf32, #tpu.memory_space<hbm>>) target(%dma_start3A_15 : memref<320x128xf32, #tpu.memory_space<vmem_shared>>) target_semaphore(%run_scoped3A : memref<!tpu.dma_semaphore, #tpu.memory_space<semaphore_mem>>)
      %dma_wait3A = arith.constant 0 : i32
      %dma_wait3A_16 = tpu.memref_slice %arg9[%mul3A_4, %dma_wait3A] : memref<5120x128xf32, #tpu.memory_space<vmem_shared>> -> memref<320x128xf32, #tpu.memory_space<vmem_shared>>
      tpu.wait_dma2 semaphore(%run_scoped3A : memref<!tpu.dma_semaphore, #tpu.memory_space<semaphore_mem>>) src(%arg4 : memref<320x128xf32, #tpu.memory_space<hbm>>) dst(%dma_wait3A_16 : memref<320x128xf32, #tpu.memory_space<vmem_shared>>)
      tpu.yield
    }) : () -> ()
    "tpu.region"() ({
      %run_scoped3A = tpu.sem_alloc : memref<!tpu.dma_semaphore, #tpu.memory_space<semaphore_mem>>
      tpu.enqueue_dma source(%arg5 : memref<64x128xf32, #tpu.memory_space<hbm>>) target(%arg13 : memref<64x128xf32, #tpu.memory_space<vmem>>) target_semaphore(%run_scoped3A : memref<!tpu.dma_semaphore, #tpu.memory_space<semaphore_mem>>)
      tpu.wait_dma2 semaphore(%run_scoped3A : memref<!tpu.dma_semaphore, #tpu.memory_space<semaphore_mem>>) src(%arg5 : memref<64x128xf32, #tpu.memory_space<hbm>>) dst(%arg13 : memref<64x128xf32, #tpu.memory_space<vmem>>)
      tpu.yield
    }) : () -> ()
    %barrier3A = arith.constant 0 : index
    tpu.barrier barrier_id(%barrier3A)
    %multiple_of3A = tpu.assume_multiple %mul3A_2, 8 : i32
    %dma_start3A = arith.constant 0 : i32
    %dma_start3A_5 = tpu.memref_slice %arg2[%multiple_of3A, %dma_start3A] : memref<65536x128xf32, #tpu.memory_space<hbm>> -> memref<128x128xf32, #tpu.memory_space<hbm>>
    %dma_start3A_6 = arith.constant 0 : i32
    %dma_start3A_7 = tpu.memref_slice %arg2[%multiple_of3A, %dma_start3A_6] : memref<65536x128xf32, #tpu.memory_space<hbm>> -> memref<128x128xf32, #tpu.memory_space<hbm>>
    tpu.enqueue_dma source(%dma_start3A_7 : memref<128x128xf32, #tpu.memory_space<hbm>>) target(%arg10 : memref<128x128xf32, #tpu.memory_space<vmem>>) target_semaphore(%arg14 : memref<!tpu.dma_semaphore, #tpu.memory_space<semaphore_mem>>)
    %scan3A = arith.constant 0 : i32
    %scan3A_8 = arith.constant 0 : i32
    %scan3A_9 = arith.constant 8 : i32
    %scan3A_10 = arith.addi %scan3A_8, %scan3A_9 : i32
    %scan3A_11 = arith.constant 1 : i32
    scf.for %scan3A_14 = %scan3A_8 to %scan3A_10 step %scan3A_11  : i32 {
      %mul3A_15 = arith.constant 256 : i32
      %mul3A_16 = arith.muli %scan3A_14, %mul3A_15 : i32
      %add3A_17 = arith.addi %mul3A_2, %mul3A_16 : i32
      %multiple_of3A_18 = tpu.assume_multiple %add3A_17, 8 : i32
      %rem3A = arith.constant 4 : i32
      %rem3A_19 = arith.remsi %scan3A_14, %rem3A : i32
      %eq3A = arith.constant 0 : i32
      %eq3A_20 = arith.cmpi eq, %rem3A_19, %eq3A : i32
      %convert_element_type3A = arith.extui %eq3A_20 : i1 to i32
      %cond3A = arith.constant 0 : i32
      %cond3A_21 = arith.cmpi ne, %convert_element_type3A, %cond3A : i32
      scf.if %cond3A_21 {
        %jit3A = arith.constant 128 : i32
        %div3A = arith.divsi %mul3A_2, %jit3A : i32
        %sign3A = arith.constant 0 : i32
        %sign3A_45 = arith.cmpi sgt, %mul3A_2, %sign3A : i32
        %sign3A_46 = arith.extui %sign3A_45 : i1 to i32
        %sign3A_47 = arith.constant 0 : i32
        %sign3A_48 = arith.cmpi slt, %mul3A_2, %sign3A_47 : i32
        %sign3A_49 = arith.extui %sign3A_48 : i1 to i32
        %sign3A_50 = arith.subi %sign3A_46, %sign3A_49 : i32
        %sign3A_51 = arith.constant 0 : i32
        %sign3A_52 = arith.cmpi sgt, %jit3A, %sign3A_51 : i32
        %sign3A_53 = arith.extui %sign3A_52 : i1 to i32
        %sign3A_54 = arith.constant 0 : i32
        %sign3A_55 = arith.cmpi slt, %jit3A, %sign3A_54 : i32
        %sign3A_56 = arith.extui %sign3A_55 : i1 to i32
        %sign3A_57 = arith.subi %sign3A_53, %sign3A_56 : i32
        %ne3A = arith.cmpi ne, %sign3A_50, %sign3A_57 : i32
        %rem3A_58 = arith.remsi %mul3A_2, %jit3A : i32
        %ne3A_59 = arith.constant 0 : i32
        %ne3A_60 = arith.cmpi ne, %rem3A_58, %ne3A_59 : i32
        %and3A = arith.andi %ne3A, %ne3A_60 : i1
        %sub3A = arith.constant 1 : i32
        %sub3A_61 = arith.subi %div3A, %sub3A : i32
        %select_n3A = arith.select %and3A, %sub3A_61, %div3A : i32
        %jit3A_62 = arith.constant 4 : i32
        %div3A_63 = arith.divsi %scan3A_14, %jit3A_62 : i32
        %sign3A_64 = arith.constant 0 : i32
        %sign3A_65 = arith.cmpi sgt, %scan3A_14, %sign3A_64 : i32
        %sign3A_66 = arith.extui %sign3A_65 : i1 to i32
        %sign3A_67 = arith.constant 0 : i32
        %sign3A_68 = arith.cmpi slt, %scan3A_14, %sign3A_67 : i32
        %sign3A_69 = arith.extui %sign3A_68 : i1 to i32
        %sign3A_70 = arith.subi %sign3A_66, %sign3A_69 : i32
        %sign3A_71 = arith.constant 0 : i32
        %sign3A_72 = arith.cmpi sgt, %jit3A_62, %sign3A_71 : i32
        %sign3A_73 = arith.extui %sign3A_72 : i1 to i32
        %sign3A_74 = arith.constant 0 : i32
        %sign3A_75 = arith.cmpi slt, %jit3A_62, %sign3A_74 : i32
        %sign3A_76 = arith.extui %sign3A_75 : i1 to i32
        %sign3A_77 = arith.subi %sign3A_73, %sign3A_76 : i32
        %ne3A_78 = arith.cmpi ne, %sign3A_70, %sign3A_77 : i32
        %rem3A_79 = arith.remsi %scan3A_14, %jit3A_62 : i32
        %ne3A_80 = arith.constant 0 : i32
        %ne3A_81 = arith.cmpi ne, %rem3A_79, %ne3A_80 : i32
        %and3A_82 = arith.andi %ne3A_78, %ne3A_81 : i1
        %sub3A_83 = arith.constant 1 : i32
        %sub3A_84 = arith.subi %div3A_63, %sub3A_83 : i32
        %select_n3A_85 = arith.select %and3A_82, %sub3A_84, %div3A_63 : i32
        %mul3A_86 = arith.constant 8 : i32
        %mul3A_87 = arith.muli %select_n3A_85, %mul3A_86 : i32
        %add3A_88 = arith.addi %select_n3A, %mul3A_87 : i32
        %multiple_of3A_89 = tpu.assume_multiple %add3A_88, 8 : i32
        "tpu.region"() ({
          %run_scoped3A = tpu.sem_alloc : memref<!tpu.dma_semaphore, #tpu.memory_space<semaphore_mem>>
          %dma_start3A_90 = arith.constant 0 : i32
          %dma_start3A_91 = tpu.memref_slice %arg3[%multiple_of3A_89, %dma_start3A_90] : memref<512x128xi32, #tpu.memory_space<hbm>> -> memref<8x128xi32, #tpu.memory_space<hbm>>
          %dma_start3A_92 = arith.constant 0 : i32
          %dma_start3A_93 = tpu.memref_slice %arg3[%multiple_of3A_89, %dma_start3A_92] : memref<512x128xi32, #tpu.memory_space<hbm>> -> memref<8x128xi32, #tpu.memory_space<hbm>>
          tpu.enqueue_dma source(%dma_start3A_93 : memref<8x128xi32, #tpu.memory_space<hbm>>) target(%arg12 : memref<8x128xi32, #tpu.memory_space<vmem>>) target_semaphore(%run_scoped3A : memref<!tpu.dma_semaphore, #tpu.memory_space<semaphore_mem>>)
          %dma_wait3A_94 = arith.constant 0 : i32
          %dma_wait3A_95 = tpu.memref_slice %arg3[%multiple_of3A_89, %dma_wait3A_94] : memref<512x128xi32, #tpu.memory_space<hbm>> -> memref<8x128xi32, #tpu.memory_space<hbm>>
          %dma_wait3A_96 = arith.constant 0 : i32
          %dma_wait3A_97 = tpu.memref_slice %arg3[%multiple_of3A_89, %dma_wait3A_96] : memref<512x128xi32, #tpu.memory_space<hbm>> -> memref<8x128xi32, #tpu.memory_space<hbm>>
          tpu.wait_dma2 semaphore(%run_scoped3A : memref<!tpu.dma_semaphore, #tpu.memory_space<semaphore_mem>>) src(%dma_wait3A_97 : memref<8x128xi32, #tpu.memory_space<hbm>>) dst(%arg12 : memref<8x128xi32, #tpu.memory_space<vmem>>)
          tpu.yield
        }) : () -> ()
      } else {
      }
      %rem3A_22 = arith.constant 4 : i32
      %rem3A_23 = arith.remsi %scan3A_14, %rem3A_22 : i32
      %mul3A_24 = arith.constant 2 : i32
      %mul3A_25 = arith.muli %rem3A_23, %mul3A_24 : i32
      %dma_wait3A = arith.constant 0 : i32
      %dma_wait3A_26 = tpu.memref_slice %arg2[%multiple_of3A_18, %dma_wait3A] : memref<65536x128xf32, #tpu.memory_space<hbm>> -> memref<128x128xf32, #tpu.memory_space<hbm>>
      %dma_wait3A_27 = arith.constant 0 : i32
      %dma_wait3A_28 = tpu.memref_slice %arg2[%multiple_of3A_18, %dma_wait3A_27] : memref<65536x128xf32, #tpu.memory_space<hbm>> -> memref<128x128xf32, #tpu.memory_space<hbm>>
      tpu.wait_dma2 semaphore(%arg14 : memref<!tpu.dma_semaphore, #tpu.memory_space<semaphore_mem>>) src(%dma_wait3A_28 : memref<128x128xf32, #tpu.memory_space<hbm>>) dst(%arg10 : memref<128x128xf32, #tpu.memory_space<vmem>>)
      %add3A_29 = arith.constant 128 : i32
      %add3A_30 = arith.addi %multiple_of3A_18, %add3A_29 : i32
      %dma_start3A_31 = arith.constant 0 : i32
      %dma_start3A_32 = tpu.memref_slice %arg2[%add3A_30, %dma_start3A_31] : memref<65536x128xf32, #tpu.memory_space<hbm>> -> memref<128x128xf32, #tpu.memory_space<hbm>>
      %dma_start3A_33 = arith.constant 0 : i32
      %dma_start3A_34 = tpu.memref_slice %arg2[%add3A_30, %dma_start3A_33] : memref<65536x128xf32, #tpu.memory_space<hbm>> -> memref<128x128xf32, #tpu.memory_space<hbm>>
      tpu.enqueue_dma source(%dma_start3A_34 : memref<128x128xf32, #tpu.memory_space<hbm>>) target(%arg11 : memref<128x128xf32, #tpu.memory_space<vmem>>) target_semaphore(%arg15 : memref<!tpu.dma_semaphore, #tpu.memory_space<semaphore_mem>>)
      "tpu.region"() ({
        %run_scoped3A = tpu.sem_alloc : memref<!tpu.dma_semaphore, #tpu.memory_space<semaphore_mem>>
        %dma_start3A_45 = arith.constant 0 : i32
        %dma_start3A_46 = tpu.memref_slice %arg12[%mul3A_25, %dma_start3A_45] : memref<8x128xi32, #tpu.memory_space<vmem>> -> memref<1x128xi32, #tpu.memory_space<vmem>>
        %dma_start3A_47 = tpu.memref_squeeze %dma_start3A_46 : memref<1x128xi32, #tpu.memory_space<vmem>> -> memref<128xi32, #tpu.memory_space<vmem>>
        %dma_start3A_48 = arith.constant 0 : i32
        %dma_start3A_49 = arith.constant 0 : i32
        %dma_start3A_50 = tpu.memref_slice %arg8[%dma_start3A_48, %dma_start3A_49] : memref<5120x128xf32, #tpu.memory_space<vmem_shared>> -> memref<5120x128xf32, #tpu.memory_space<vmem_shared>>
        tpu.enqueue_indirect_dma source(%arg10 : memref<128x128xf32, #tpu.memory_space<vmem>>) target(%dma_start3A_50 : memref<5120x128xf32, #tpu.memory_space<vmem_shared>>) offsets(%dma_start3A_47 : memref<128xi32, #tpu.memory_space<vmem>>) semaphore(%run_scoped3A : memref<!tpu.dma_semaphore, #tpu.memory_space<semaphore_mem>>) {add = true}
        %dma_wait3A_51 = arith.constant 0 : i32
        %dma_wait3A_52 = tpu.memref_slice %arg12[%mul3A_25, %dma_wait3A_51] : memref<8x128xi32, #tpu.memory_space<vmem>> -> memref<1x128xi32, #tpu.memory_space<vmem>>
        %dma_wait3A_53 = tpu.memref_squeeze %dma_wait3A_52 : memref<1x128xi32, #tpu.memory_space<vmem>> -> memref<128xi32, #tpu.memory_space<vmem>>
        %dma_wait3A_54 = arith.constant 0 : i32
        %dma_wait3A_55 = arith.constant 0 : i32
        %dma_wait3A_56 = tpu.memref_slice %arg8[%dma_wait3A_54, %dma_wait3A_55] : memref<5120x128xf32, #tpu.memory_space<vmem_shared>> -> memref<5120x128xf32, #tpu.memory_space<vmem_shared>>
        tpu.wait_indirect_dma semaphore(%run_scoped3A : memref<!tpu.dma_semaphore, #tpu.memory_space<semaphore_mem>>) src(%arg10 : memref<128x128xf32, #tpu.memory_space<vmem>>) dst(%dma_wait3A_56 : memref<5120x128xf32, #tpu.memory_space<vmem_shared>>)
        tpu.yield
      }) : () -> ()
      "tpu.region"() ({
        %run_scoped3A = tpu.sem_alloc : memref<!tpu.dma_semaphore, #tpu.memory_space<semaphore_mem>>
        %dma_start3A_45 = arith.constant 0 : i32
        %dma_start3A_46 = tpu.memref_slice %arg12[%mul3A_25, %dma_start3A_45] : memref<8x128xi32, #tpu.memory_space<vmem>> -> memref<1x64xi32, #tpu.memory_space<vmem>>
        %dma_start3A_47 = tpu.memref_squeeze %dma_start3A_46 : memref<1x64xi32, #tpu.memory_space<vmem>> -> memref<64xi32, #tpu.memory_space<vmem>>
        %dma_start3A_48 = arith.constant 0 : i32
        %dma_start3A_49 = arith.constant 0 : i32
        %dma_start3A_50 = tpu.memref_slice %arg9[%dma_start3A_48, %dma_start3A_49] : memref<5120x128xf32, #tpu.memory_space<vmem_shared>> -> memref<5120x128xf32, #tpu.memory_space<vmem_shared>>
        tpu.enqueue_indirect_dma source(%arg13 : memref<64x128xf32, #tpu.memory_space<vmem>>) target(%dma_start3A_50 : memref<5120x128xf32, #tpu.memory_space<vmem_shared>>) offsets(%dma_start3A_47 : memref<64xi32, #tpu.memory_space<vmem>>) semaphore(%run_scoped3A : memref<!tpu.dma_semaphore, #tpu.memory_space<semaphore_mem>>) {add = true}
        %dma_wait3A_51 = arith.constant 0 : i32
        %dma_wait3A_52 = tpu.memref_slice %arg12[%mul3A_25, %dma_wait3A_51] : memref<8x128xi32, #tpu.memory_space<vmem>> -> memref<1x64xi32, #tpu.memory_space<vmem>>
        %dma_wait3A_53 = tpu.memref_squeeze %dma_wait3A_52 : memref<1x64xi32, #tpu.memory_space<vmem>> -> memref<64xi32, #tpu.memory_space<vmem>>
        %dma_wait3A_54 = arith.constant 0 : i32
        %dma_wait3A_55 = arith.constant 0 : i32
        %dma_wait3A_56 = tpu.memref_slice %arg9[%dma_wait3A_54, %dma_wait3A_55] : memref<5120x128xf32, #tpu.memory_space<vmem_shared>> -> memref<5120x128xf32, #tpu.memory_space<vmem_shared>>
        tpu.wait_indirect_dma semaphore(%run_scoped3A : memref<!tpu.dma_semaphore, #tpu.memory_space<semaphore_mem>>) src(%arg13 : memref<64x128xf32, #tpu.memory_space<vmem>>) dst(%dma_wait3A_56 : memref<5120x128xf32, #tpu.memory_space<vmem_shared>>)
        tpu.yield
      }) : () -> ()
      "tpu.region"() ({
        %run_scoped3A = tpu.sem_alloc : memref<!tpu.dma_semaphore, #tpu.memory_space<semaphore_mem>>
        %dma_start3A_45 = arith.constant 64 : i32
        %dma_start3A_46 = tpu.memref_slice %arg12[%mul3A_25, %dma_start3A_45] : memref<8x128xi32, #tpu.memory_space<vmem>> -> memref<1x64xi32, #tpu.memory_space<vmem>>
        %dma_start3A_47 = tpu.memref_squeeze %dma_start3A_46 : memref<1x64xi32, #tpu.memory_space<vmem>> -> memref<64xi32, #tpu.memory_space<vmem>>
        %dma_start3A_48 = arith.constant 0 : i32
        %dma_start3A_49 = arith.constant 0 : i32
        %dma_start3A_50 = tpu.memref_slice %arg9[%dma_start3A_48, %dma_start3A_49] : memref<5120x128xf32, #tpu.memory_space<vmem_shared>> -> memref<5120x128xf32, #tpu.memory_space<vmem_shared>>
        tpu.enqueue_indirect_dma source(%arg13 : memref<64x128xf32, #tpu.memory_space<vmem>>) target(%dma_start3A_50 : memref<5120x128xf32, #tpu.memory_space<vmem_shared>>) offsets(%dma_start3A_47 : memref<64xi32, #tpu.memory_space<vmem>>) semaphore(%run_scoped3A : memref<!tpu.dma_semaphore, #tpu.memory_space<semaphore_mem>>) {add = true}
        %dma_wait3A_51 = arith.constant 64 : i32
        %dma_wait3A_52 = tpu.memref_slice %arg12[%mul3A_25, %dma_wait3A_51] : memref<8x128xi32, #tpu.memory_space<vmem>> -> memref<1x64xi32, #tpu.memory_space<vmem>>
        %dma_wait3A_53 = tpu.memref_squeeze %dma_wait3A_52 : memref<1x64xi32, #tpu.memory_space<vmem>> -> memref<64xi32, #tpu.memory_space<vmem>>
        %dma_wait3A_54 = arith.constant 0 : i32
        %dma_wait3A_55 = arith.constant 0 : i32
        %dma_wait3A_56 = tpu.memref_slice %arg9[%dma_wait3A_54, %dma_wait3A_55] : memref<5120x128xf32, #tpu.memory_space<vmem_shared>> -> memref<5120x128xf32, #tpu.memory_space<vmem_shared>>
        tpu.wait_indirect_dma semaphore(%run_scoped3A : memref<!tpu.dma_semaphore, #tpu.memory_space<semaphore_mem>>) src(%arg13 : memref<64x128xf32, #tpu.memory_space<vmem>>) dst(%dma_wait3A_56 : memref<5120x128xf32, #tpu.memory_space<vmem_shared>>)
        tpu.yield
      }) : () -> ()
      %dma_wait3A_35 = arith.constant 0 : i32
      %dma_wait3A_36 = tpu.memref_slice %arg2[%multiple_of3A_18, %dma_wait3A_35] : memref<65536x128xf32, #tpu.memory_space<hbm>> -> memref<128x128xf32, #tpu.memory_space<hbm>>
      %dma_wait3A_37 = arith.constant 0 : i32
      %dma_wait3A_38 = tpu.memref_slice %arg2[%multiple_of3A_18, %dma_wait3A_37] : memref<65536x128xf32, #tpu.memory_space<hbm>> -> memref<128x128xf32, #tpu.memory_space<hbm>>
      tpu.wait_dma2 semaphore(%arg15 : memref<!tpu.dma_semaphore, #tpu.memory_space<semaphore_mem>>) src(%dma_wait3A_38 : memref<128x128xf32, #tpu.memory_space<hbm>>) dst(%arg11 : memref<128x128xf32, #tpu.memory_space<vmem>>)
      %lt3A = arith.constant 7 : i32
      %lt3A_39 = arith.cmpi slt, %scan3A_14, %lt3A : i32
      %convert_element_type3A_40 = arith.extui %lt3A_39 : i1 to i32
      %cond3A_41 = arith.constant 0 : i32
      %cond3A_42 = arith.cmpi ne, %convert_element_type3A_40, %cond3A_41 : i32
      scf.if %cond3A_42 {
        %add3A_45 = arith.constant 256 : i32
        %add3A_46 = arith.addi %multiple_of3A_18, %add3A_45 : i32
        %multiple_of3A_47 = tpu.assume_multiple %add3A_46, 8 : i32
        %dma_start3A_48 = arith.constant 0 : i32
        %dma_start3A_49 = tpu.memref_slice %arg2[%multiple_of3A_47, %dma_start3A_48] : memref<65536x128xf32, #tpu.memory_space<hbm>> -> memref<128x128xf32, #tpu.memory_space<hbm>>
        %dma_start3A_50 = arith.constant 0 : i32
        %dma_start3A_51 = tpu.memref_slice %arg2[%multiple_of3A_47, %dma_start3A_50] : memref<65536x128xf32, #tpu.memory_space<hbm>> -> memref<128x128xf32, #tpu.memory_space<hbm>>
        tpu.enqueue_dma source(%dma_start3A_51 : memref<128x128xf32, #tpu.memory_space<hbm>>) target(%arg10 : memref<128x128xf32, #tpu.memory_space<vmem>>) target_semaphore(%arg14 : memref<!tpu.dma_semaphore, #tpu.memory_space<semaphore_mem>>)
      } else {
      }
      %add3A_43 = arith.constant 1 : i32
      %add3A_44 = arith.addi %mul3A_25, %add3A_43 : i32
      "tpu.region"() ({
        %run_scoped3A = tpu.sem_alloc : memref<!tpu.dma_semaphore, #tpu.memory_space<semaphore_mem>>
        %dma_start3A_45 = arith.constant 0 : i32
        %dma_start3A_46 = tpu.memref_slice %arg12[%add3A_44, %dma_start3A_45] : memref<8x128xi32, #tpu.memory_space<vmem>> -> memref<1x128xi32, #tpu.memory_space<vmem>>
        %dma_start3A_47 = tpu.memref_squeeze %dma_start3A_46 : memref<1x128xi32, #tpu.memory_space<vmem>> -> memref<128xi32, #tpu.memory_space<vmem>>
        %dma_start3A_48 = arith.constant 0 : i32
        %dma_start3A_49 = arith.constant 0 : i32
        %dma_start3A_50 = tpu.memref_slice %arg8[%dma_start3A_48, %dma_start3A_49] : memref<5120x128xf32, #tpu.memory_space<vmem_shared>> -> memref<5120x128xf32, #tpu.memory_space<vmem_shared>>
        tpu.enqueue_indirect_dma source(%arg11 : memref<128x128xf32, #tpu.memory_space<vmem>>) target(%dma_start3A_50 : memref<5120x128xf32, #tpu.memory_space<vmem_shared>>) offsets(%dma_start3A_47 : memref<128xi32, #tpu.memory_space<vmem>>) semaphore(%run_scoped3A : memref<!tpu.dma_semaphore, #tpu.memory_space<semaphore_mem>>) {add = true}
        %dma_wait3A_51 = arith.constant 0 : i32
        %dma_wait3A_52 = tpu.memref_slice %arg12[%add3A_44, %dma_wait3A_51] : memref<8x128xi32, #tpu.memory_space<vmem>> -> memref<1x128xi32, #tpu.memory_space<vmem>>
        %dma_wait3A_53 = tpu.memref_squeeze %dma_wait3A_52 : memref<1x128xi32, #tpu.memory_space<vmem>> -> memref<128xi32, #tpu.memory_space<vmem>>
        %dma_wait3A_54 = arith.constant 0 : i32
        %dma_wait3A_55 = arith.constant 0 : i32
        %dma_wait3A_56 = tpu.memref_slice %arg8[%dma_wait3A_54, %dma_wait3A_55] : memref<5120x128xf32, #tpu.memory_space<vmem_shared>> -> memref<5120x128xf32, #tpu.memory_space<vmem_shared>>
        tpu.wait_indirect_dma semaphore(%run_scoped3A : memref<!tpu.dma_semaphore, #tpu.memory_space<semaphore_mem>>) src(%arg11 : memref<128x128xf32, #tpu.memory_space<vmem>>) dst(%dma_wait3A_56 : memref<5120x128xf32, #tpu.memory_space<vmem_shared>>)
        tpu.yield
      }) : () -> ()
      "tpu.region"() ({
        %run_scoped3A = tpu.sem_alloc : memref<!tpu.dma_semaphore, #tpu.memory_space<semaphore_mem>>
        %dma_start3A_45 = arith.constant 0 : i32
        %dma_start3A_46 = tpu.memref_slice %arg12[%add3A_44, %dma_start3A_45] : memref<8x128xi32, #tpu.memory_space<vmem>> -> memref<1x64xi32, #tpu.memory_space<vmem>>
        %dma_start3A_47 = tpu.memref_squeeze %dma_start3A_46 : memref<1x64xi32, #tpu.memory_space<vmem>> -> memref<64xi32, #tpu.memory_space<vmem>>
        %dma_start3A_48 = arith.constant 0 : i32
        %dma_start3A_49 = arith.constant 0 : i32
        %dma_start3A_50 = tpu.memref_slice %arg9[%dma_start3A_48, %dma_start3A_49] : memref<5120x128xf32, #tpu.memory_space<vmem_shared>> -> memref<5120x128xf32, #tpu.memory_space<vmem_shared>>
        tpu.enqueue_indirect_dma source(%arg13 : memref<64x128xf32, #tpu.memory_space<vmem>>) target(%dma_start3A_50 : memref<5120x128xf32, #tpu.memory_space<vmem_shared>>) offsets(%dma_start3A_47 : memref<64xi32, #tpu.memory_space<vmem>>) semaphore(%run_scoped3A : memref<!tpu.dma_semaphore, #tpu.memory_space<semaphore_mem>>) {add = true}
        %dma_wait3A_51 = arith.constant 0 : i32
        %dma_wait3A_52 = tpu.memref_slice %arg12[%add3A_44, %dma_wait3A_51] : memref<8x128xi32, #tpu.memory_space<vmem>> -> memref<1x64xi32, #tpu.memory_space<vmem>>
        %dma_wait3A_53 = tpu.memref_squeeze %dma_wait3A_52 : memref<1x64xi32, #tpu.memory_space<vmem>> -> memref<64xi32, #tpu.memory_space<vmem>>
        %dma_wait3A_54 = arith.constant 0 : i32
        %dma_wait3A_55 = arith.constant 0 : i32
        %dma_wait3A_56 = tpu.memref_slice %arg9[%dma_wait3A_54, %dma_wait3A_55] : memref<5120x128xf32, #tpu.memory_space<vmem_shared>> -> memref<5120x128xf32, #tpu.memory_space<vmem_shared>>
        tpu.wait_indirect_dma semaphore(%run_scoped3A : memref<!tpu.dma_semaphore, #tpu.memory_space<semaphore_mem>>) src(%arg13 : memref<64x128xf32, #tpu.memory_space<vmem>>) dst(%dma_wait3A_56 : memref<5120x128xf32, #tpu.memory_space<vmem_shared>>)
        tpu.yield
      }) : () -> ()
      "tpu.region"() ({
        %run_scoped3A = tpu.sem_alloc : memref<!tpu.dma_semaphore, #tpu.memory_space<semaphore_mem>>
        %dma_start3A_45 = arith.constant 64 : i32
        %dma_start3A_46 = tpu.memref_slice %arg12[%add3A_44, %dma_start3A_45] : memref<8x128xi32, #tpu.memory_space<vmem>> -> memref<1x64xi32, #tpu.memory_space<vmem>>
        %dma_start3A_47 = tpu.memref_squeeze %dma_start3A_46 : memref<1x64xi32, #tpu.memory_space<vmem>> -> memref<64xi32, #tpu.memory_space<vmem>>
        %dma_start3A_48 = arith.constant 0 : i32
        %dma_start3A_49 = arith.constant 0 : i32
        %dma_start3A_50 = tpu.memref_slice %arg9[%dma_start3A_48, %dma_start3A_49] : memref<5120x128xf32, #tpu.memory_space<vmem_shared>> -> memref<5120x128xf32, #tpu.memory_space<vmem_shared>>
        tpu.enqueue_indirect_dma source(%arg13 : memref<64x128xf32, #tpu.memory_space<vmem>>) target(%dma_start3A_50 : memref<5120x128xf32, #tpu.memory_space<vmem_shared>>) offsets(%dma_start3A_47 : memref<64xi32, #tpu.memory_space<vmem>>) semaphore(%run_scoped3A : memref<!tpu.dma_semaphore, #tpu.memory_space<semaphore_mem>>) {add = true}
        %dma_wait3A_51 = arith.constant 64 : i32
        %dma_wait3A_52 = tpu.memref_slice %arg12[%add3A_44, %dma_wait3A_51] : memref<8x128xi32, #tpu.memory_space<vmem>> -> memref<1x64xi32, #tpu.memory_space<vmem>>
        %dma_wait3A_53 = tpu.memref_squeeze %dma_wait3A_52 : memref<1x64xi32, #tpu.memory_space<vmem>> -> memref<64xi32, #tpu.memory_space<vmem>>
        %dma_wait3A_54 = arith.constant 0 : i32
        %dma_wait3A_55 = arith.constant 0 : i32
        %dma_wait3A_56 = tpu.memref_slice %arg9[%dma_wait3A_54, %dma_wait3A_55] : memref<5120x128xf32, #tpu.memory_space<vmem_shared>> -> memref<5120x128xf32, #tpu.memory_space<vmem_shared>>
        tpu.wait_indirect_dma semaphore(%run_scoped3A : memref<!tpu.dma_semaphore, #tpu.memory_space<semaphore_mem>>) src(%arg13 : memref<64x128xf32, #tpu.memory_space<vmem>>) dst(%dma_wait3A_56 : memref<5120x128xf32, #tpu.memory_space<vmem_shared>>)
        tpu.yield
      }) : () -> ()
    }
    %scan3A_12 = arith.constant 8 : i32
    %barrier3A_13 = arith.constant 0 : index
    tpu.barrier barrier_id(%barrier3A_13)
    "tpu.region"() ({
      %run_scoped3A = tpu.sem_alloc : memref<!tpu.dma_semaphore, #tpu.memory_space<semaphore_mem>>
      %dma_start3A_14 = arith.constant 0 : i32
      %dma_start3A_15 = tpu.memref_slice %arg6[%arg0, %mul3A_4, %dma_start3A_14] : memref<2x5120x128xf32, #tpu.memory_space<hbm>> -> memref<1x320x128xf32, #tpu.memory_space<hbm>>
      %dma_start3A_16 = tpu.memref_squeeze %dma_start3A_15 : memref<1x320x128xf32, #tpu.memory_space<hbm>> -> memref<320x128xf32, #tpu.memory_space<hbm>>
      %dma_start3A_17 = arith.constant 0 : i32
      %dma_start3A_18 = tpu.memref_slice %arg8[%mul3A_4, %dma_start3A_17] : memref<5120x128xf32, #tpu.memory_space<vmem_shared>> -> memref<320x128xf32, #tpu.memory_space<vmem_shared>>
      tpu.enqueue_dma source(%dma_start3A_18 : memref<320x128xf32, #tpu.memory_space<vmem_shared>>) target(%dma_start3A_16 : memref<320x128xf32, #tpu.memory_space<hbm>>) target_semaphore(%run_scoped3A : memref<!tpu.dma_semaphore, #tpu.memory_space<semaphore_mem>>)
      %dma_wait3A = arith.constant 0 : i32
      %dma_wait3A_19 = tpu.memref_slice %arg6[%arg0, %mul3A_4, %dma_wait3A] : memref<2x5120x128xf32, #tpu.memory_space<hbm>> -> memref<1x320x128xf32, #tpu.memory_space<hbm>>
      %dma_wait3A_20 = tpu.memref_squeeze %dma_wait3A_19 : memref<1x320x128xf32, #tpu.memory_space<hbm>> -> memref<320x128xf32, #tpu.memory_space<hbm>>
      %dma_wait3A_21 = arith.constant 0 : i32
      %dma_wait3A_22 = tpu.memref_slice %arg8[%mul3A_4, %dma_wait3A_21] : memref<5120x128xf32, #tpu.memory_space<vmem_shared>> -> memref<320x128xf32, #tpu.memory_space<vmem_shared>>
      tpu.wait_dma2 semaphore(%run_scoped3A : memref<!tpu.dma_semaphore, #tpu.memory_space<semaphore_mem>>) src(%dma_wait3A_22 : memref<320x128xf32, #tpu.memory_space<vmem_shared>>) dst(%dma_wait3A_20 : memref<320x128xf32, #tpu.memory_space<hbm>>)
      tpu.yield
    }) : () -> ()
    "tpu.region"() ({
      %run_scoped3A = tpu.sem_alloc : memref<!tpu.dma_semaphore, #tpu.memory_space<semaphore_mem>>
      %dma_start3A_14 = arith.constant 0 : i32
      %dma_start3A_15 = tpu.memref_slice %arg7[%arg0, %mul3A_4, %dma_start3A_14] : memref<2x5120x128xf32, #tpu.memory_space<hbm>> -> memref<1x320x128xf32, #tpu.memory_space<hbm>>
      %dma_start3A_16 = tpu.memref_squeeze %dma_start3A_15 : memref<1x320x128xf32, #tpu.memory_space<hbm>> -> memref<320x128xf32, #tpu.memory_space<hbm>>
      %dma_start3A_17 = arith.constant 0 : i32
      %dma_start3A_18 = tpu.memref_slice %arg9[%mul3A_4, %dma_start3A_17] : memref<5120x128xf32, #tpu.memory_space<vmem_shared>> -> memref<320x128xf32, #tpu.memory_space<vmem_shared>>
      tpu.enqueue_dma source(%dma_start3A_18 : memref<320x128xf32, #tpu.memory_space<vmem_shared>>) target(%dma_start3A_16 : memref<320x128xf32, #tpu.memory_space<hbm>>) target_semaphore(%run_scoped3A : memref<!tpu.dma_semaphore, #tpu.memory_space<semaphore_mem>>)
      %dma_wait3A = arith.constant 0 : i32
      %dma_wait3A_19 = tpu.memref_slice %arg7[%arg0, %mul3A_4, %dma_wait3A] : memref<2x5120x128xf32, #tpu.memory_space<hbm>> -> memref<1x320x128xf32, #tpu.memory_space<hbm>>
      %dma_wait3A_20 = tpu.memref_squeeze %dma_wait3A_19 : memref<1x320x128xf32, #tpu.memory_space<hbm>> -> memref<320x128xf32, #tpu.memory_space<hbm>>
      %dma_wait3A_21 = arith.constant 0 : i32
      %dma_wait3A_22 = tpu.memref_slice %arg9[%mul3A_4, %dma_wait3A_21] : memref<5120x128xf32, #tpu.memory_space<vmem_shared>> -> memref<320x128xf32, #tpu.memory_space<vmem_shared>>
      tpu.wait_dma2 semaphore(%run_scoped3A : memref<!tpu.dma_semaphore, #tpu.memory_space<semaphore_mem>>) src(%dma_wait3A_22 : memref<320x128xf32, #tpu.memory_space<vmem_shared>>) dst(%dma_wait3A_20 : memref<320x128xf32, #tpu.memory_space<hbm>>)
      tpu.yield
    }) : () -> ()
    return
  }
}

#map = affine_map<(d0, d1) -> (0, 0)>
#map1 = affine_map<(d0, d1) -> (0, 0, 0)>
module attributes {stable_mosaic.version = 14 : i64} {
  func.func @_seg_body(%arg0: i32, %arg1: i32, %arg2: memref<65536x128xf32, #tpu.memory_space<hbm>>, %arg3: memref<512x128xi32, #tpu.memory_space<hbm>>, %arg4: memref<320x128xf32, #tpu.memory_space<hbm>>, %arg5: memref<64x128xf32, #tpu.memory_space<hbm>>, %arg6: memref<2x5120x128xf32, #tpu.memory_space<hbm>>, %arg7: memref<2x5120x128xf32, #tpu.memory_space<hbm>>, %arg8: memref<5120x128xf32, #tpu.memory_space<vmem_shared>>, %arg9: memref<5120x128xf32, #tpu.memory_space<vmem_shared>>, %arg10: memref<128x128xf32, #tpu.memory_space<vmem>>, %arg11: memref<128x128xf32, #tpu.memory_space<vmem>>, %arg12: memref<8x128xi32, #tpu.memory_space<vmem>>, %arg13: memref<64x128xf32, #tpu.memory_space<vmem>>, %arg14: memref<!tpu.dma_semaphore, #tpu.memory_space<semaphore_mem>>, %arg15: memref<!tpu.dma_semaphore, #tpu.memory_space<semaphore_mem>>) attributes {dimension_semantics = [#tpu.dimension_semantics<core_parallel>, #tpu.dimension_semantics<subcore_parallel>], iteration_bounds = array<i64: 2, 16>, scalar_prefetch = 0 : i64, scratch_operands = 8 : i64, tpu.core_type = #tpu.core_type<sc_vector_subcore>, window_params = [{transform_indices = #map}, {transform_indices = #map}, {transform_indices = #map}, {transform_indices = #map}, {transform_indices = #map1}, {transform_indices = #map1}]} {
    %mul3A = arith.constant 16 : i32
    %mul3A_0 = arith.muli %arg0, %mul3A : i32
    %add3A = arith.addi %mul3A_0, %arg1 : i32
    %mul3A_1 = arith.constant 2048 : i32
    %mul3A_2 = arith.muli %add3A, %mul3A_1 : i32
    %mul3A_3 = arith.constant 320 : i32
    %mul3A_4 = arith.muli %arg1, %mul3A_3 : i32
    "tpu.region"() ({
      %run_scoped3A = tpu.sem_alloc : memref<!tpu.dma_semaphore, #tpu.memory_space<semaphore_mem>>
      %dma_start3A_14 = arith.constant 0 : i32
      %dma_start3A_15 = tpu.memref_slice %arg8[%mul3A_4, %dma_start3A_14] : memref<5120x128xf32, #tpu.memory_space<vmem_shared>> -> memref<320x128xf32, #tpu.memory_space<vmem_shared>>
      tpu.enqueue_dma source(%arg4 : memref<320x128xf32, #tpu.memory_space<hbm>>) target(%dma_start3A_15 : memref<320x128xf32, #tpu.memory_space<vmem_shared>>) target_semaphore(%run_scoped3A : memref<!tpu.dma_semaphore, #tpu.memory_space<semaphore_mem>>)
      %dma_wait3A = arith.constant 0 : i32
      %dma_wait3A_16 = tpu.memref_slice %arg8[%mul3A_4, %dma_wait3A] : memref<5120x128xf32, #tpu.memory_space<vmem_shared>> -> memref<320x128xf32, #tpu.memory_space<vmem_shared>>
      tpu.wait_dma2 semaphore(%run_scoped3A : memref<!tpu.dma_semaphore, #tpu.memory_space<semaphore_mem>>) src(%arg4 : memref<320x128xf32, #tpu.memory_space<hbm>>) dst(%dma_wait3A_16 : memref<320x128xf32, #tpu.memory_space<vmem_shared>>)
      tpu.yield
    }) : () -> ()
    "tpu.region"() ({
      %run_scoped3A = tpu.sem_alloc : memref<!tpu.dma_semaphore, #tpu.memory_space<semaphore_mem>>
      %dma_start3A_14 = arith.constant 0 : i32
      %dma_start3A_15 = tpu.memref_slice %arg9[%mul3A_4, %dma_start3A_14] : memref<5120x128xf32, #tpu.memory_space<vmem_shared>> -> memref<320x128xf32, #tpu.memory_space<vmem_shared>>
      tpu.enqueue_dma source(%arg4 : memref<320x128xf32, #tpu.memory_space<hbm>>) target(%dma_start3A_15 : memref<320x128xf32, #tpu.memory_space<vmem_shared>>) target_semaphore(%run_scoped3A : memref<!tpu.dma_semaphore, #tpu.memory_space<semaphore_mem>>)
      %dma_wait3A = arith.constant 0 : i32
      %dma_wait3A_16 = tpu.memref_slice %arg9[%mul3A_4, %dma_wait3A] : memref<5120x128xf32, #tpu.memory_space<vmem_shared>> -> memref<320x128xf32, #tpu.memory_space<vmem_shared>>
      tpu.wait_dma2 semaphore(%run_scoped3A : memref<!tpu.dma_semaphore, #tpu.memory_space<semaphore_mem>>) src(%arg4 : memref<320x128xf32, #tpu.memory_space<hbm>>) dst(%dma_wait3A_16 : memref<320x128xf32, #tpu.memory_space<vmem_shared>>)
      tpu.yield
    }) : () -> ()
    "tpu.region"() ({
      %run_scoped3A = tpu.sem_alloc : memref<!tpu.dma_semaphore, #tpu.memory_space<semaphore_mem>>
      tpu.enqueue_dma source(%arg5 : memref<64x128xf32, #tpu.memory_space<hbm>>) target(%arg13 : memref<64x128xf32, #tpu.memory_space<vmem>>) target_semaphore(%run_scoped3A : memref<!tpu.dma_semaphore, #tpu.memory_space<semaphore_mem>>)
      tpu.wait_dma2 semaphore(%run_scoped3A : memref<!tpu.dma_semaphore, #tpu.memory_space<semaphore_mem>>) src(%arg5 : memref<64x128xf32, #tpu.memory_space<hbm>>) dst(%arg13 : memref<64x128xf32, #tpu.memory_space<vmem>>)
      tpu.yield
    }) : () -> ()
    %barrier3A = arith.constant 0 : index
    tpu.barrier barrier_id(%barrier3A)
    %multiple_of3A = tpu.assume_multiple %mul3A_2, 8 : i32
    %dma_start3A = arith.constant 0 : i32
    %dma_start3A_5 = tpu.memref_slice %arg2[%multiple_of3A, %dma_start3A] : memref<65536x128xf32, #tpu.memory_space<hbm>> -> memref<128x128xf32, #tpu.memory_space<hbm>>
    %dma_start3A_6 = arith.constant 0 : i32
    %dma_start3A_7 = tpu.memref_slice %arg2[%multiple_of3A, %dma_start3A_6] : memref<65536x128xf32, #tpu.memory_space<hbm>> -> memref<128x128xf32, #tpu.memory_space<hbm>>
    tpu.enqueue_dma source(%dma_start3A_7 : memref<128x128xf32, #tpu.memory_space<hbm>>) target(%arg10 : memref<128x128xf32, #tpu.memory_space<vmem>>) target_semaphore(%arg14 : memref<!tpu.dma_semaphore, #tpu.memory_space<semaphore_mem>>)
    %scan3A = arith.constant 0 : i32
    %scan3A_8 = arith.constant 0 : i32
    %scan3A_9 = arith.constant 8 : i32
    %scan3A_10 = arith.addi %scan3A_8, %scan3A_9 : i32
    %scan3A_11 = arith.constant 1 : i32
    scf.for %scan3A_14 = %scan3A_8 to %scan3A_10 step %scan3A_11  : i32 {
      %mul3A_15 = arith.constant 256 : i32
      %mul3A_16 = arith.muli %scan3A_14, %mul3A_15 : i32
      %add3A_17 = arith.addi %mul3A_2, %mul3A_16 : i32
      %multiple_of3A_18 = tpu.assume_multiple %add3A_17, 8 : i32
      %rem3A = arith.constant 4 : i32
      %rem3A_19 = arith.remsi %scan3A_14, %rem3A : i32
      %eq3A = arith.constant 0 : i32
      %eq3A_20 = arith.cmpi eq, %rem3A_19, %eq3A : i32
      %convert_element_type3A = arith.extui %eq3A_20 : i1 to i32
      %cond3A = arith.constant 0 : i32
      %cond3A_21 = arith.cmpi ne, %convert_element_type3A, %cond3A : i32
      scf.if %cond3A_21 {
        %jit3A = arith.constant 128 : i32
        %div3A = arith.divsi %mul3A_2, %jit3A : i32
        %sign3A = arith.constant 0 : i32
        %sign3A_45 = arith.cmpi sgt, %mul3A_2, %sign3A : i32
        %sign3A_46 = arith.extui %sign3A_45 : i1 to i32
        %sign3A_47 = arith.constant 0 : i32
        %sign3A_48 = arith.cmpi slt, %mul3A_2, %sign3A_47 : i32
        %sign3A_49 = arith.extui %sign3A_48 : i1 to i32
        %sign3A_50 = arith.subi %sign3A_46, %sign3A_49 : i32
        %sign3A_51 = arith.constant 0 : i32
        %sign3A_52 = arith.cmpi sgt, %jit3A, %sign3A_51 : i32
        %sign3A_53 = arith.extui %sign3A_52 : i1 to i32
        %sign3A_54 = arith.constant 0 : i32
        %sign3A_55 = arith.cmpi slt, %jit3A, %sign3A_54 : i32
        %sign3A_56 = arith.extui %sign3A_55 : i1 to i32
        %sign3A_57 = arith.subi %sign3A_53, %sign3A_56 : i32
        %ne3A = arith.cmpi ne, %sign3A_50, %sign3A_57 : i32
        %rem3A_58 = arith.remsi %mul3A_2, %jit3A : i32
        %ne3A_59 = arith.constant 0 : i32
        %ne3A_60 = arith.cmpi ne, %rem3A_58, %ne3A_59 : i32
        %and3A = arith.andi %ne3A, %ne3A_60 : i1
        %sub3A = arith.constant 1 : i32
        %sub3A_61 = arith.subi %div3A, %sub3A : i32
        %select_n3A = arith.select %and3A, %sub3A_61, %div3A : i32
        %jit3A_62 = arith.constant 4 : i32
        %div3A_63 = arith.divsi %scan3A_14, %jit3A_62 : i32
        %sign3A_64 = arith.constant 0 : i32
        %sign3A_65 = arith.cmpi sgt, %scan3A_14, %sign3A_64 : i32
        %sign3A_66 = arith.extui %sign3A_65 : i1 to i32
        %sign3A_67 = arith.constant 0 : i32
        %sign3A_68 = arith.cmpi slt, %scan3A_14, %sign3A_67 : i32
        %sign3A_69 = arith.extui %sign3A_68 : i1 to i32
        %sign3A_70 = arith.subi %sign3A_66, %sign3A_69 : i32
        %sign3A_71 = arith.constant 0 : i32
        %sign3A_72 = arith.cmpi sgt, %jit3A_62, %sign3A_71 : i32
        %sign3A_73 = arith.extui %sign3A_72 : i1 to i32
        %sign3A_74 = arith.constant 0 : i32
        %sign3A_75 = arith.cmpi slt, %jit3A_62, %sign3A_74 : i32
        %sign3A_76 = arith.extui %sign3A_75 : i1 to i32
        %sign3A_77 = arith.subi %sign3A_73, %sign3A_76 : i32
        %ne3A_78 = arith.cmpi ne, %sign3A_70, %sign3A_77 : i32
        %rem3A_79 = arith.remsi %scan3A_14, %jit3A_62 : i32
        %ne3A_80 = arith.constant 0 : i32
        %ne3A_81 = arith.cmpi ne, %rem3A_79, %ne3A_80 : i32
        %and3A_82 = arith.andi %ne3A_78, %ne3A_81 : i1
        %sub3A_83 = arith.constant 1 : i32
        %sub3A_84 = arith.subi %div3A_63, %sub3A_83 : i32
        %select_n3A_85 = arith.select %and3A_82, %sub3A_84, %div3A_63 : i32
        %mul3A_86 = arith.constant 8 : i32
        %mul3A_87 = arith.muli %select_n3A_85, %mul3A_86 : i32
        %add3A_88 = arith.addi %select_n3A, %mul3A_87 : i32
        %multiple_of3A_89 = tpu.assume_multiple %add3A_88, 8 : i32
        "tpu.region"() ({
          %run_scoped3A = tpu.sem_alloc : memref<!tpu.dma_semaphore, #tpu.memory_space<semaphore_mem>>
          %dma_start3A_90 = arith.constant 0 : i32
          %dma_start3A_91 = tpu.memref_slice %arg3[%multiple_of3A_89, %dma_start3A_90] : memref<512x128xi32, #tpu.memory_space<hbm>> -> memref<8x128xi32, #tpu.memory_space<hbm>>
          %dma_start3A_92 = arith.constant 0 : i32
          %dma_start3A_93 = tpu.memref_slice %arg3[%multiple_of3A_89, %dma_start3A_92] : memref<512x128xi32, #tpu.memory_space<hbm>> -> memref<8x128xi32, #tpu.memory_space<hbm>>
          tpu.enqueue_dma source(%dma_start3A_93 : memref<8x128xi32, #tpu.memory_space<hbm>>) target(%arg12 : memref<8x128xi32, #tpu.memory_space<vmem>>) target_semaphore(%run_scoped3A : memref<!tpu.dma_semaphore, #tpu.memory_space<semaphore_mem>>)
          %dma_wait3A_94 = arith.constant 0 : i32
          %dma_wait3A_95 = tpu.memref_slice %arg3[%multiple_of3A_89, %dma_wait3A_94] : memref<512x128xi32, #tpu.memory_space<hbm>> -> memref<8x128xi32, #tpu.memory_space<hbm>>
          %dma_wait3A_96 = arith.constant 0 : i32
          %dma_wait3A_97 = tpu.memref_slice %arg3[%multiple_of3A_89, %dma_wait3A_96] : memref<512x128xi32, #tpu.memory_space<hbm>> -> memref<8x128xi32, #tpu.memory_space<hbm>>
          tpu.wait_dma2 semaphore(%run_scoped3A : memref<!tpu.dma_semaphore, #tpu.memory_space<semaphore_mem>>) src(%dma_wait3A_97 : memref<8x128xi32, #tpu.memory_space<hbm>>) dst(%arg12 : memref<8x128xi32, #tpu.memory_space<vmem>>)
          tpu.yield
        }) : () -> ()
      } else {
      }
      %rem3A_22 = arith.constant 4 : i32
      %rem3A_23 = arith.remsi %scan3A_14, %rem3A_22 : i32
      %mul3A_24 = arith.constant 2 : i32
      %mul3A_25 = arith.muli %rem3A_23, %mul3A_24 : i32
      %dma_wait3A = arith.constant 0 : i32
      %dma_wait3A_26 = tpu.memref_slice %arg2[%multiple_of3A_18, %dma_wait3A] : memref<65536x128xf32, #tpu.memory_space<hbm>> -> memref<128x128xf32, #tpu.memory_space<hbm>>
      %dma_wait3A_27 = arith.constant 0 : i32
      %dma_wait3A_28 = tpu.memref_slice %arg2[%multiple_of3A_18, %dma_wait3A_27] : memref<65536x128xf32, #tpu.memory_space<hbm>> -> memref<128x128xf32, #tpu.memory_space<hbm>>
      tpu.wait_dma2 semaphore(%arg14 : memref<!tpu.dma_semaphore, #tpu.memory_space<semaphore_mem>>) src(%dma_wait3A_28 : memref<128x128xf32, #tpu.memory_space<hbm>>) dst(%arg10 : memref<128x128xf32, #tpu.memory_space<vmem>>)
      %add3A_29 = arith.constant 128 : i32
      %add3A_30 = arith.addi %multiple_of3A_18, %add3A_29 : i32
      %dma_start3A_31 = arith.constant 0 : i32
      %dma_start3A_32 = tpu.memref_slice %arg2[%add3A_30, %dma_start3A_31] : memref<65536x128xf32, #tpu.memory_space<hbm>> -> memref<128x128xf32, #tpu.memory_space<hbm>>
      %dma_start3A_33 = arith.constant 0 : i32
      %dma_start3A_34 = tpu.memref_slice %arg2[%add3A_30, %dma_start3A_33] : memref<65536x128xf32, #tpu.memory_space<hbm>> -> memref<128x128xf32, #tpu.memory_space<hbm>>
      tpu.enqueue_dma source(%dma_start3A_34 : memref<128x128xf32, #tpu.memory_space<hbm>>) target(%arg11 : memref<128x128xf32, #tpu.memory_space<vmem>>) target_semaphore(%arg15 : memref<!tpu.dma_semaphore, #tpu.memory_space<semaphore_mem>>)
      "tpu.region"() ({
        %run_scoped3A = tpu.sem_alloc : memref<!tpu.dma_semaphore, #tpu.memory_space<semaphore_mem>>
        %dma_start3A_45 = arith.constant 0 : i32
        %dma_start3A_46 = tpu.memref_slice %arg12[%mul3A_25, %dma_start3A_45] : memref<8x128xi32, #tpu.memory_space<vmem>> -> memref<1x128xi32, #tpu.memory_space<vmem>>
        %dma_start3A_47 = tpu.memref_squeeze %dma_start3A_46 : memref<1x128xi32, #tpu.memory_space<vmem>> -> memref<128xi32, #tpu.memory_space<vmem>>
        %dma_start3A_48 = arith.constant 0 : i32
        %dma_start3A_49 = arith.constant 0 : i32
        %dma_start3A_50 = tpu.memref_slice %arg8[%dma_start3A_48, %dma_start3A_49] : memref<5120x128xf32, #tpu.memory_space<vmem_shared>> -> memref<5120x128xf32, #tpu.memory_space<vmem_shared>>
        tpu.enqueue_indirect_dma source(%arg10 : memref<128x128xf32, #tpu.memory_space<vmem>>) target(%dma_start3A_50 : memref<5120x128xf32, #tpu.memory_space<vmem_shared>>) offsets(%dma_start3A_47 : memref<128xi32, #tpu.memory_space<vmem>>) semaphore(%run_scoped3A : memref<!tpu.dma_semaphore, #tpu.memory_space<semaphore_mem>>) {add = true}
        %dma_wait3A_51 = arith.constant 0 : i32
        %dma_wait3A_52 = tpu.memref_slice %arg12[%mul3A_25, %dma_wait3A_51] : memref<8x128xi32, #tpu.memory_space<vmem>> -> memref<1x128xi32, #tpu.memory_space<vmem>>
        %dma_wait3A_53 = tpu.memref_squeeze %dma_wait3A_52 : memref<1x128xi32, #tpu.memory_space<vmem>> -> memref<128xi32, #tpu.memory_space<vmem>>
        %dma_wait3A_54 = arith.constant 0 : i32
        %dma_wait3A_55 = arith.constant 0 : i32
        %dma_wait3A_56 = tpu.memref_slice %arg8[%dma_wait3A_54, %dma_wait3A_55] : memref<5120x128xf32, #tpu.memory_space<vmem_shared>> -> memref<5120x128xf32, #tpu.memory_space<vmem_shared>>
        tpu.wait_indirect_dma semaphore(%run_scoped3A : memref<!tpu.dma_semaphore, #tpu.memory_space<semaphore_mem>>) src(%arg10 : memref<128x128xf32, #tpu.memory_space<vmem>>) dst(%dma_wait3A_56 : memref<5120x128xf32, #tpu.memory_space<vmem_shared>>)
        tpu.yield
      }) : () -> ()
      "tpu.region"() ({
        %run_scoped3A = tpu.sem_alloc : memref<!tpu.dma_semaphore, #tpu.memory_space<semaphore_mem>>
        %dma_start3A_45 = arith.constant 0 : i32
        %dma_start3A_46 = tpu.memref_slice %arg12[%mul3A_25, %dma_start3A_45] : memref<8x128xi32, #tpu.memory_space<vmem>> -> memref<1x64xi32, #tpu.memory_space<vmem>>
        %dma_start3A_47 = tpu.memref_squeeze %dma_start3A_46 : memref<1x64xi32, #tpu.memory_space<vmem>> -> memref<64xi32, #tpu.memory_space<vmem>>
        %dma_start3A_48 = arith.constant 0 : i32
        %dma_start3A_49 = arith.constant 0 : i32
        %dma_start3A_50 = tpu.memref_slice %arg9[%dma_start3A_48, %dma_start3A_49] : memref<5120x128xf32, #tpu.memory_space<vmem_shared>> -> memref<5120x128xf32, #tpu.memory_space<vmem_shared>>
        tpu.enqueue_indirect_dma source(%arg13 : memref<64x128xf32, #tpu.memory_space<vmem>>) target(%dma_start3A_50 : memref<5120x128xf32, #tpu.memory_space<vmem_shared>>) offsets(%dma_start3A_47 : memref<64xi32, #tpu.memory_space<vmem>>) semaphore(%run_scoped3A : memref<!tpu.dma_semaphore, #tpu.memory_space<semaphore_mem>>) {add = true}
        %dma_wait3A_51 = arith.constant 0 : i32
        %dma_wait3A_52 = tpu.memref_slice %arg12[%mul3A_25, %dma_wait3A_51] : memref<8x128xi32, #tpu.memory_space<vmem>> -> memref<1x64xi32, #tpu.memory_space<vmem>>
        %dma_wait3A_53 = tpu.memref_squeeze %dma_wait3A_52 : memref<1x64xi32, #tpu.memory_space<vmem>> -> memref<64xi32, #tpu.memory_space<vmem>>
        %dma_wait3A_54 = arith.constant 0 : i32
        %dma_wait3A_55 = arith.constant 0 : i32
        %dma_wait3A_56 = tpu.memref_slice %arg9[%dma_wait3A_54, %dma_wait3A_55] : memref<5120x128xf32, #tpu.memory_space<vmem_shared>> -> memref<5120x128xf32, #tpu.memory_space<vmem_shared>>
        tpu.wait_indirect_dma semaphore(%run_scoped3A : memref<!tpu.dma_semaphore, #tpu.memory_space<semaphore_mem>>) src(%arg13 : memref<64x128xf32, #tpu.memory_space<vmem>>) dst(%dma_wait3A_56 : memref<5120x128xf32, #tpu.memory_space<vmem_shared>>)
        tpu.yield
      }) : () -> ()
      "tpu.region"() ({
        %run_scoped3A = tpu.sem_alloc : memref<!tpu.dma_semaphore, #tpu.memory_space<semaphore_mem>>
        %dma_start3A_45 = arith.constant 64 : i32
        %dma_start3A_46 = tpu.memref_slice %arg12[%mul3A_25, %dma_start3A_45] : memref<8x128xi32, #tpu.memory_space<vmem>> -> memref<1x64xi32, #tpu.memory_space<vmem>>
        %dma_start3A_47 = tpu.memref_squeeze %dma_start3A_46 : memref<1x64xi32, #tpu.memory_space<vmem>> -> memref<64xi32, #tpu.memory_space<vmem>>
        %dma_start3A_48 = arith.constant 0 : i32
        %dma_start3A_49 = arith.constant 0 : i32
        %dma_start3A_50 = tpu.memref_slice %arg9[%dma_start3A_48, %dma_start3A_49] : memref<5120x128xf32, #tpu.memory_space<vmem_shared>> -> memref<5120x128xf32, #tpu.memory_space<vmem_shared>>
        tpu.enqueue_indirect_dma source(%arg13 : memref<64x128xf32, #tpu.memory_space<vmem>>) target(%dma_start3A_50 : memref<5120x128xf32, #tpu.memory_space<vmem_shared>>) offsets(%dma_start3A_47 : memref<64xi32, #tpu.memory_space<vmem>>) semaphore(%run_scoped3A : memref<!tpu.dma_semaphore, #tpu.memory_space<semaphore_mem>>) {add = true}
        %dma_wait3A_51 = arith.constant 64 : i32
        %dma_wait3A_52 = tpu.memref_slice %arg12[%mul3A_25, %dma_wait3A_51] : memref<8x128xi32, #tpu.memory_space<vmem>> -> memref<1x64xi32, #tpu.memory_space<vmem>>
        %dma_wait3A_53 = tpu.memref_squeeze %dma_wait3A_52 : memref<1x64xi32, #tpu.memory_space<vmem>> -> memref<64xi32, #tpu.memory_space<vmem>>
        %dma_wait3A_54 = arith.constant 0 : i32
        %dma_wait3A_55 = arith.constant 0 : i32
        %dma_wait3A_56 = tpu.memref_slice %arg9[%dma_wait3A_54, %dma_wait3A_55] : memref<5120x128xf32, #tpu.memory_space<vmem_shared>> -> memref<5120x128xf32, #tpu.memory_space<vmem_shared>>
        tpu.wait_indirect_dma semaphore(%run_scoped3A : memref<!tpu.dma_semaphore, #tpu.memory_space<semaphore_mem>>) src(%arg13 : memref<64x128xf32, #tpu.memory_space<vmem>>) dst(%dma_wait3A_56 : memref<5120x128xf32, #tpu.memory_space<vmem_shared>>)
        tpu.yield
      }) : () -> ()
      %dma_wait3A_35 = arith.constant 0 : i32
      %dma_wait3A_36 = tpu.memref_slice %arg2[%multiple_of3A_18, %dma_wait3A_35] : memref<65536x128xf32, #tpu.memory_space<hbm>> -> memref<128x128xf32, #tpu.memory_space<hbm>>
      %dma_wait3A_37 = arith.constant 0 : i32
      %dma_wait3A_38 = tpu.memref_slice %arg2[%multiple_of3A_18, %dma_wait3A_37] : memref<65536x128xf32, #tpu.memory_space<hbm>> -> memref<128x128xf32, #tpu.memory_space<hbm>>
      tpu.wait_dma2 semaphore(%arg15 : memref<!tpu.dma_semaphore, #tpu.memory_space<semaphore_mem>>) src(%dma_wait3A_38 : memref<128x128xf32, #tpu.memory_space<hbm>>) dst(%arg11 : memref<128x128xf32, #tpu.memory_space<vmem>>)
      %lt3A = arith.constant 7 : i32
      %lt3A_39 = arith.cmpi slt, %scan3A_14, %lt3A : i32
      %convert_element_type3A_40 = arith.extui %lt3A_39 : i1 to i32
      %cond3A_41 = arith.constant 0 : i32
      %cond3A_42 = arith.cmpi ne, %convert_element_type3A_40, %cond3A_41 : i32
      scf.if %cond3A_42 {
        %add3A_45 = arith.constant 256 : i32
        %add3A_46 = arith.addi %multiple_of3A_18, %add3A_45 : i32
        %multiple_of3A_47 = tpu.assume_multiple %add3A_46, 8 : i32
        %dma_start3A_48 = arith.constant 0 : i32
        %dma_start3A_49 = tpu.memref_slice %arg2[%multiple_of3A_47, %dma_start3A_48] : memref<65536x128xf32, #tpu.memory_space<hbm>> -> memref<128x128xf32, #tpu.memory_space<hbm>>
        %dma_start3A_50 = arith.constant 0 : i32
        %dma_start3A_51 = tpu.memref_slice %arg2[%multiple_of3A_47, %dma_start3A_50] : memref<65536x128xf32, #tpu.memory_space<hbm>> -> memref<128x128xf32, #tpu.memory_space<hbm>>
        tpu.enqueue_dma source(%dma_start3A_51 : memref<128x128xf32, #tpu.memory_space<hbm>>) target(%arg10 : memref<128x128xf32, #tpu.memory_space<vmem>>) target_semaphore(%arg14 : memref<!tpu.dma_semaphore, #tpu.memory_space<semaphore_mem>>)
      } else {
      }
      %add3A_43 = arith.constant 1 : i32
      %add3A_44 = arith.addi %mul3A_25, %add3A_43 : i32
      "tpu.region"() ({
        %run_scoped3A = tpu.sem_alloc : memref<!tpu.dma_semaphore, #tpu.memory_space<semaphore_mem>>
        %dma_start3A_45 = arith.constant 0 : i32
        %dma_start3A_46 = tpu.memref_slice %arg12[%add3A_44, %dma_start3A_45] : memref<8x128xi32, #tpu.memory_space<vmem>> -> memref<1x128xi32, #tpu.memory_space<vmem>>
        %dma_start3A_47 = tpu.memref_squeeze %dma_start3A_46 : memref<1x128xi32, #tpu.memory_space<vmem>> -> memref<128xi32, #tpu.memory_space<vmem>>
        %dma_start3A_48 = arith.constant 0 : i32
        %dma_start3A_49 = arith.constant 0 : i32
        %dma_start3A_50 = tpu.memref_slice %arg8[%dma_start3A_48, %dma_start3A_49] : memref<5120x128xf32, #tpu.memory_space<vmem_shared>> -> memref<5120x128xf32, #tpu.memory_space<vmem_shared>>
        tpu.enqueue_indirect_dma source(%arg11 : memref<128x128xf32, #tpu.memory_space<vmem>>) target(%dma_start3A_50 : memref<5120x128xf32, #tpu.memory_space<vmem_shared>>) offsets(%dma_start3A_47 : memref<128xi32, #tpu.memory_space<vmem>>) semaphore(%run_scoped3A : memref<!tpu.dma_semaphore, #tpu.memory_space<semaphore_mem>>) {add = true}
        %dma_wait3A_51 = arith.constant 0 : i32
        %dma_wait3A_52 = tpu.memref_slice %arg12[%add3A_44, %dma_wait3A_51] : memref<8x128xi32, #tpu.memory_space<vmem>> -> memref<1x128xi32, #tpu.memory_space<vmem>>
        %dma_wait3A_53 = tpu.memref_squeeze %dma_wait3A_52 : memref<1x128xi32, #tpu.memory_space<vmem>> -> memref<128xi32, #tpu.memory_space<vmem>>
        %dma_wait3A_54 = arith.constant 0 : i32
        %dma_wait3A_55 = arith.constant 0 : i32
        %dma_wait3A_56 = tpu.memref_slice %arg8[%dma_wait3A_54, %dma_wait3A_55] : memref<5120x128xf32, #tpu.memory_space<vmem_shared>> -> memref<5120x128xf32, #tpu.memory_space<vmem_shared>>
        tpu.wait_indirect_dma semaphore(%run_scoped3A : memref<!tpu.dma_semaphore, #tpu.memory_space<semaphore_mem>>) src(%arg11 : memref<128x128xf32, #tpu.memory_space<vmem>>) dst(%dma_wait3A_56 : memref<5120x128xf32, #tpu.memory_space<vmem_shared>>)
        tpu.yield
      }) : () -> ()
      "tpu.region"() ({
        %run_scoped3A = tpu.sem_alloc : memref<!tpu.dma_semaphore, #tpu.memory_space<semaphore_mem>>
        %dma_start3A_45 = arith.constant 0 : i32
        %dma_start3A_46 = tpu.memref_slice %arg12[%add3A_44, %dma_start3A_45] : memref<8x128xi32, #tpu.memory_space<vmem>> -> memref<1x64xi32, #tpu.memory_space<vmem>>
        %dma_start3A_47 = tpu.memref_squeeze %dma_start3A_46 : memref<1x64xi32, #tpu.memory_space<vmem>> -> memref<64xi32, #tpu.memory_space<vmem>>
        %dma_start3A_48 = arith.constant 0 : i32
        %dma_start3A_49 = arith.constant 0 : i32
        %dma_start3A_50 = tpu.memref_slice %arg9[%dma_start3A_48, %dma_start3A_49] : memref<5120x128xf32, #tpu.memory_space<vmem_shared>> -> memref<5120x128xf32, #tpu.memory_space<vmem_shared>>
        tpu.enqueue_indirect_dma source(%arg13 : memref<64x128xf32, #tpu.memory_space<vmem>>) target(%dma_start3A_50 : memref<5120x128xf32, #tpu.memory_space<vmem_shared>>) offsets(%dma_start3A_47 : memref<64xi32, #tpu.memory_space<vmem>>) semaphore(%run_scoped3A : memref<!tpu.dma_semaphore, #tpu.memory_space<semaphore_mem>>) {add = true}
        %dma_wait3A_51 = arith.constant 0 : i32
        %dma_wait3A_52 = tpu.memref_slice %arg12[%add3A_44, %dma_wait3A_51] : memref<8x128xi32, #tpu.memory_space<vmem>> -> memref<1x64xi32, #tpu.memory_space<vmem>>
        %dma_wait3A_53 = tpu.memref_squeeze %dma_wait3A_52 : memref<1x64xi32, #tpu.memory_space<vmem>> -> memref<64xi32, #tpu.memory_space<vmem>>
        %dma_wait3A_54 = arith.constant 0 : i32
        %dma_wait3A_55 = arith.constant 0 : i32
        %dma_wait3A_56 = tpu.memref_slice %arg9[%dma_wait3A_54, %dma_wait3A_55] : memref<5120x128xf32, #tpu.memory_space<vmem_shared>> -> memref<5120x128xf32, #tpu.memory_space<vmem_shared>>
        tpu.wait_indirect_dma semaphore(%run_scoped3A : memref<!tpu.dma_semaphore, #tpu.memory_space<semaphore_mem>>) src(%arg13 : memref<64x128xf32, #tpu.memory_space<vmem>>) dst(%dma_wait3A_56 : memref<5120x128xf32, #tpu.memory_space<vmem_shared>>)
        tpu.yield
      }) : () -> ()
      "tpu.region"() ({
        %run_scoped3A = tpu.sem_alloc : memref<!tpu.dma_semaphore, #tpu.memory_space<semaphore_mem>>
        %dma_start3A_45 = arith.constant 64 : i32
        %dma_start3A_46 = tpu.memref_slice %arg12[%add3A_44, %dma_start3A_45] : memref<8x128xi32, #tpu.memory_space<vmem>> -> memref<1x64xi32, #tpu.memory_space<vmem>>
        %dma_start3A_47 = tpu.memref_squeeze %dma_start3A_46 : memref<1x64xi32, #tpu.memory_space<vmem>> -> memref<64xi32, #tpu.memory_space<vmem>>
        %dma_start3A_48 = arith.constant 0 : i32
        %dma_start3A_49 = arith.constant 0 : i32
        %dma_start3A_50 = tpu.memref_slice %arg9[%dma_start3A_48, %dma_start3A_49] : memref<5120x128xf32, #tpu.memory_space<vmem_shared>> -> memref<5120x128xf32, #tpu.memory_space<vmem_shared>>
        tpu.enqueue_indirect_dma source(%arg13 : memref<64x128xf32, #tpu.memory_space<vmem>>) target(%dma_start3A_50 : memref<5120x128xf32, #tpu.memory_space<vmem_shared>>) offsets(%dma_start3A_47 : memref<64xi32, #tpu.memory_space<vmem>>) semaphore(%run_scoped3A : memref<!tpu.dma_semaphore, #tpu.memory_space<semaphore_mem>>) {add = true}
        %dma_wait3A_51 = arith.constant 64 : i32
        %dma_wait3A_52 = tpu.memref_slice %arg12[%add3A_44, %dma_wait3A_51] : memref<8x128xi32, #tpu.memory_space<vmem>> -> memref<1x64xi32, #tpu.memory_space<vmem>>
        %dma_wait3A_53 = tpu.memref_squeeze %dma_wait3A_52 : memref<1x64xi32, #tpu.memory_space<vmem>> -> memref<64xi32, #tpu.memory_space<vmem>>
        %dma_wait3A_54 = arith.constant 0 : i32
        %dma_wait3A_55 = arith.constant 0 : i32
        %dma_wait3A_56 = tpu.memref_slice %arg9[%dma_wait3A_54, %dma_wait3A_55] : memref<5120x128xf32, #tpu.memory_space<vmem_shared>> -> memref<5120x128xf32, #tpu.memory_space<vmem_shared>>
        tpu.wait_indirect_dma semaphore(%run_scoped3A : memref<!tpu.dma_semaphore, #tpu.memory_space<semaphore_mem>>) src(%arg13 : memref<64x128xf32, #tpu.memory_space<vmem>>) dst(%dma_wait3A_56 : memref<5120x128xf32, #tpu.memory_space<vmem_shared>>)
        tpu.yield
      }) : () -> ()
    }
    %scan3A_12 = arith.constant 8 : i32
    %barrier3A_13 = arith.constant 0 : index
    tpu.barrier barrier_id(%barrier3A_13)
    "tpu.region"() ({
      %run_scoped3A = tpu.sem_alloc : memref<!tpu.dma_semaphore, #tpu.memory_space<semaphore_mem>>
      %dma_start3A_14 = arith.constant 0 : i32
      %dma_start3A_15 = tpu.memref_slice %arg6[%arg0, %mul3A_4, %dma_start3A_14] : memref<2x5120x128xf32, #tpu.memory_space<hbm>> -> memref<1x320x128xf32, #tpu.memory_space<hbm>>
      %dma_start3A_16 = tpu.memref_squeeze %dma_start3A_15 : memref<1x320x128xf32, #tpu.memory_space<hbm>> -> memref<320x128xf32, #tpu.memory_space<hbm>>
      %dma_start3A_17 = arith.constant 0 : i32
      %dma_start3A_18 = tpu.memref_slice %arg8[%mul3A_4, %dma_start3A_17] : memref<5120x128xf32, #tpu.memory_space<vmem_shared>> -> memref<320x128xf32, #tpu.memory_space<vmem_shared>>
      tpu.enqueue_dma source(%dma_start3A_18 : memref<320x128xf32, #tpu.memory_space<vmem_shared>>) target(%dma_start3A_16 : memref<320x128xf32, #tpu.memory_space<hbm>>) target_semaphore(%run_scoped3A : memref<!tpu.dma_semaphore, #tpu.memory_space<semaphore_mem>>)
      %dma_wait3A = arith.constant 0 : i32
      %dma_wait3A_19 = tpu.memref_slice %arg6[%arg0, %mul3A_4, %dma_wait3A] : memref<2x5120x128xf32, #tpu.memory_space<hbm>> -> memref<1x320x128xf32, #tpu.memory_space<hbm>>
      %dma_wait3A_20 = tpu.memref_squeeze %dma_wait3A_19 : memref<1x320x128xf32, #tpu.memory_space<hbm>> -> memref<320x128xf32, #tpu.memory_space<hbm>>
      %dma_wait3A_21 = arith.constant 0 : i32
      %dma_wait3A_22 = tpu.memref_slice %arg8[%mul3A_4, %dma_wait3A_21] : memref<5120x128xf32, #tpu.memory_space<vmem_shared>> -> memref<320x128xf32, #tpu.memory_space<vmem_shared>>
      tpu.wait_dma2 semaphore(%run_scoped3A : memref<!tpu.dma_semaphore, #tpu.memory_space<semaphore_mem>>) src(%dma_wait3A_22 : memref<320x128xf32, #tpu.memory_space<vmem_shared>>) dst(%dma_wait3A_20 : memref<320x128xf32, #tpu.memory_space<hbm>>)
      tpu.yield
    }) : () -> ()
    "tpu.region"() ({
      %run_scoped3A = tpu.sem_alloc : memref<!tpu.dma_semaphore, #tpu.memory_space<semaphore_mem>>
      %dma_start3A_14 = arith.constant 0 : i32
      %dma_start3A_15 = tpu.memref_slice %arg7[%arg0, %mul3A_4, %dma_start3A_14] : memref<2x5120x128xf32, #tpu.memory_space<hbm>> -> memref<1x320x128xf32, #tpu.memory_space<hbm>>
      %dma_start3A_16 = tpu.memref_squeeze %dma_start3A_15 : memref<1x320x128xf32, #tpu.memory_space<hbm>> -> memref<320x128xf32, #tpu.memory_space<hbm>>
      %dma_start3A_17 = arith.constant 0 : i32
      %dma_start3A_18 = tpu.memref_slice %arg9[%mul3A_4, %dma_start3A_17] : memref<5120x128xf32, #tpu.memory_space<vmem_shared>> -> memref<320x128xf32, #tpu.memory_space<vmem_shared>>
      tpu.enqueue_dma source(%dma_start3A_18 : memref<320x128xf32, #tpu.memory_space<vmem_shared>>) target(%dma_start3A_16 : memref<320x128xf32, #tpu.memory_space<hbm>>) target_semaphore(%run_scoped3A : memref<!tpu.dma_semaphore, #tpu.memory_space<semaphore_mem>>)
      %dma_wait3A = arith.constant 0 : i32
      %dma_wait3A_19 = tpu.memref_slice %arg7[%arg0, %mul3A_4, %dma_wait3A] : memref<2x5120x128xf32, #tpu.memory_space<hbm>> -> memref<1x320x128xf32, #tpu.memory_space<hbm>>
      %dma_wait3A_20 = tpu.memref_squeeze %dma_wait3A_19 : memref<1x320x128xf32, #tpu.memory_space<hbm>> -> memref<320x128xf32, #tpu.memory_space<hbm>>
      %dma_wait3A_21 = arith.constant 0 : i32
      %dma_wait3A_22 = tpu.memref_slice %arg9[%mul3A_4, %dma_wait3A_21] : memref<5120x128xf32, #tpu.memory_space<vmem_shared>> -> memref<320x128xf32, #tpu.memory_space<vmem_shared>>
      tpu.wait_dma2 semaphore(%run_scoped3A : memref<!tpu.dma_semaphore, #tpu.memory_space<semaphore_mem>>) src(%dma_wait3A_22 : memref<320x128xf32, #tpu.memory_space<vmem_shared>>) dst(%dma_wait3A_20 : memref<320x128xf32, #tpu.memory_space<hbm>>)
      tpu.yield
    }) : () -> ()
    return
  }
}

#map = affine_map<(d0, d1) -> (0, 0)>
#map1 = affine_map<(d0, d1) -> (0, 0, 0)>
module attributes {stable_mosaic.version = 14 : i64} {
  func.func @_seg_body(%arg0: i32, %arg1: i32, %arg2: memref<65536x128xf32, #tpu.memory_space<hbm>>, %arg3: memref<512x128xi32, #tpu.memory_space<hbm>>, %arg4: memref<320x128xf32, #tpu.memory_space<hbm>>, %arg5: memref<64x128xf32, #tpu.memory_space<hbm>>, %arg6: memref<2x5120x128xf32, #tpu.memory_space<hbm>>, %arg7: memref<2x5120x128xf32, #tpu.memory_space<hbm>>, %arg8: memref<5120x128xf32, #tpu.memory_space<vmem_shared>>, %arg9: memref<5120x128xf32, #tpu.memory_space<vmem_shared>>, %arg10: memref<128x128xf32, #tpu.memory_space<vmem>>, %arg11: memref<128x128xf32, #tpu.memory_space<vmem>>, %arg12: memref<8x128xi32, #tpu.memory_space<vmem>>, %arg13: memref<64x128xf32, #tpu.memory_space<vmem>>, %arg14: memref<!tpu.dma_semaphore, #tpu.memory_space<semaphore_mem>>, %arg15: memref<!tpu.dma_semaphore, #tpu.memory_space<semaphore_mem>>) attributes {dimension_semantics = [#tpu.dimension_semantics<core_parallel>, #tpu.dimension_semantics<subcore_parallel>], iteration_bounds = array<i64: 2, 16>, scalar_prefetch = 0 : i64, scratch_operands = 8 : i64, tpu.core_type = #tpu.core_type<sc_vector_subcore>, window_params = [{transform_indices = #map}, {transform_indices = #map}, {transform_indices = #map}, {transform_indices = #map}, {transform_indices = #map1}, {transform_indices = #map1}]} {
    %mul3A = arith.constant 16 : i32
    %mul3A_0 = arith.muli %arg0, %mul3A : i32
    %add3A = arith.addi %mul3A_0, %arg1 : i32
    %mul3A_1 = arith.constant 2048 : i32
    %mul3A_2 = arith.muli %add3A, %mul3A_1 : i32
    %mul3A_3 = arith.constant 320 : i32
    %mul3A_4 = arith.muli %arg1, %mul3A_3 : i32
    "tpu.region"() ({
      %run_scoped3A = tpu.sem_alloc : memref<!tpu.dma_semaphore, #tpu.memory_space<semaphore_mem>>
      %dma_start3A_14 = arith.constant 0 : i32
      %dma_start3A_15 = tpu.memref_slice %arg8[%mul3A_4, %dma_start3A_14] : memref<5120x128xf32, #tpu.memory_space<vmem_shared>> -> memref<320x128xf32, #tpu.memory_space<vmem_shared>>
      tpu.enqueue_dma source(%arg4 : memref<320x128xf32, #tpu.memory_space<hbm>>) target(%dma_start3A_15 : memref<320x128xf32, #tpu.memory_space<vmem_shared>>) target_semaphore(%run_scoped3A : memref<!tpu.dma_semaphore, #tpu.memory_space<semaphore_mem>>)
      %dma_wait3A = arith.constant 0 : i32
      %dma_wait3A_16 = tpu.memref_slice %arg8[%mul3A_4, %dma_wait3A] : memref<5120x128xf32, #tpu.memory_space<vmem_shared>> -> memref<320x128xf32, #tpu.memory_space<vmem_shared>>
      tpu.wait_dma2 semaphore(%run_scoped3A : memref<!tpu.dma_semaphore, #tpu.memory_space<semaphore_mem>>) src(%arg4 : memref<320x128xf32, #tpu.memory_space<hbm>>) dst(%dma_wait3A_16 : memref<320x128xf32, #tpu.memory_space<vmem_shared>>)
      tpu.yield
    }) : () -> ()
    "tpu.region"() ({
      %run_scoped3A = tpu.sem_alloc : memref<!tpu.dma_semaphore, #tpu.memory_space<semaphore_mem>>
      %dma_start3A_14 = arith.constant 0 : i32
      %dma_start3A_15 = tpu.memref_slice %arg9[%mul3A_4, %dma_start3A_14] : memref<5120x128xf32, #tpu.memory_space<vmem_shared>> -> memref<320x128xf32, #tpu.memory_space<vmem_shared>>
      tpu.enqueue_dma source(%arg4 : memref<320x128xf32, #tpu.memory_space<hbm>>) target(%dma_start3A_15 : memref<320x128xf32, #tpu.memory_space<vmem_shared>>) target_semaphore(%run_scoped3A : memref<!tpu.dma_semaphore, #tpu.memory_space<semaphore_mem>>)
      %dma_wait3A = arith.constant 0 : i32
      %dma_wait3A_16 = tpu.memref_slice %arg9[%mul3A_4, %dma_wait3A] : memref<5120x128xf32, #tpu.memory_space<vmem_shared>> -> memref<320x128xf32, #tpu.memory_space<vmem_shared>>
      tpu.wait_dma2 semaphore(%run_scoped3A : memref<!tpu.dma_semaphore, #tpu.memory_space<semaphore_mem>>) src(%arg4 : memref<320x128xf32, #tpu.memory_space<hbm>>) dst(%dma_wait3A_16 : memref<320x128xf32, #tpu.memory_space<vmem_shared>>)
      tpu.yield
    }) : () -> ()
    "tpu.region"() ({
      %run_scoped3A = tpu.sem_alloc : memref<!tpu.dma_semaphore, #tpu.memory_space<semaphore_mem>>
      tpu.enqueue_dma source(%arg5 : memref<64x128xf32, #tpu.memory_space<hbm>>) target(%arg13 : memref<64x128xf32, #tpu.memory_space<vmem>>) target_semaphore(%run_scoped3A : memref<!tpu.dma_semaphore, #tpu.memory_space<semaphore_mem>>)
      tpu.wait_dma2 semaphore(%run_scoped3A : memref<!tpu.dma_semaphore, #tpu.memory_space<semaphore_mem>>) src(%arg5 : memref<64x128xf32, #tpu.memory_space<hbm>>) dst(%arg13 : memref<64x128xf32, #tpu.memory_space<vmem>>)
      tpu.yield
    }) : () -> ()
    %barrier3A = arith.constant 0 : index
    tpu.barrier barrier_id(%barrier3A)
    %multiple_of3A = tpu.assume_multiple %mul3A_2, 8 : i32
    %dma_start3A = arith.constant 0 : i32
    %dma_start3A_5 = tpu.memref_slice %arg2[%multiple_of3A, %dma_start3A] : memref<65536x128xf32, #tpu.memory_space<hbm>> -> memref<128x128xf32, #tpu.memory_space<hbm>>
    %dma_start3A_6 = arith.constant 0 : i32
    %dma_start3A_7 = tpu.memref_slice %arg2[%multiple_of3A, %dma_start3A_6] : memref<65536x128xf32, #tpu.memory_space<hbm>> -> memref<128x128xf32, #tpu.memory_space<hbm>>
    tpu.enqueue_dma source(%dma_start3A_7 : memref<128x128xf32, #tpu.memory_space<hbm>>) target(%arg10 : memref<128x128xf32, #tpu.memory_space<vmem>>) target_semaphore(%arg14 : memref<!tpu.dma_semaphore, #tpu.memory_space<semaphore_mem>>)
    %scan3A = arith.constant 0 : i32
    %scan3A_8 = arith.constant 0 : i32
    %scan3A_9 = arith.constant 8 : i32
    %scan3A_10 = arith.addi %scan3A_8, %scan3A_9 : i32
    %scan3A_11 = arith.constant 1 : i32
    scf.for %scan3A_14 = %scan3A_8 to %scan3A_10 step %scan3A_11  : i32 {
      %mul3A_15 = arith.constant 256 : i32
      %mul3A_16 = arith.muli %scan3A_14, %mul3A_15 : i32
      %add3A_17 = arith.addi %mul3A_2, %mul3A_16 : i32
      %multiple_of3A_18 = tpu.assume_multiple %add3A_17, 8 : i32
      %rem3A = arith.constant 4 : i32
      %rem3A_19 = arith.remsi %scan3A_14, %rem3A : i32
      %eq3A = arith.constant 0 : i32
      %eq3A_20 = arith.cmpi eq, %rem3A_19, %eq3A : i32
      %convert_element_type3A = arith.extui %eq3A_20 : i1 to i32
      %cond3A = arith.constant 0 : i32
      %cond3A_21 = arith.cmpi ne, %convert_element_type3A, %cond3A : i32
      scf.if %cond3A_21 {
        %jit3A = arith.constant 128 : i32
        %div3A = arith.divsi %mul3A_2, %jit3A : i32
        %sign3A = arith.constant 0 : i32
        %sign3A_45 = arith.cmpi sgt, %mul3A_2, %sign3A : i32
        %sign3A_46 = arith.extui %sign3A_45 : i1 to i32
        %sign3A_47 = arith.constant 0 : i32
        %sign3A_48 = arith.cmpi slt, %mul3A_2, %sign3A_47 : i32
        %sign3A_49 = arith.extui %sign3A_48 : i1 to i32
        %sign3A_50 = arith.subi %sign3A_46, %sign3A_49 : i32
        %sign3A_51 = arith.constant 0 : i32
        %sign3A_52 = arith.cmpi sgt, %jit3A, %sign3A_51 : i32
        %sign3A_53 = arith.extui %sign3A_52 : i1 to i32
        %sign3A_54 = arith.constant 0 : i32
        %sign3A_55 = arith.cmpi slt, %jit3A, %sign3A_54 : i32
        %sign3A_56 = arith.extui %sign3A_55 : i1 to i32
        %sign3A_57 = arith.subi %sign3A_53, %sign3A_56 : i32
        %ne3A = arith.cmpi ne, %sign3A_50, %sign3A_57 : i32
        %rem3A_58 = arith.remsi %mul3A_2, %jit3A : i32
        %ne3A_59 = arith.constant 0 : i32
        %ne3A_60 = arith.cmpi ne, %rem3A_58, %ne3A_59 : i32
        %and3A = arith.andi %ne3A, %ne3A_60 : i1
        %sub3A = arith.constant 1 : i32
        %sub3A_61 = arith.subi %div3A, %sub3A : i32
        %select_n3A = arith.select %and3A, %sub3A_61, %div3A : i32
        %jit3A_62 = arith.constant 4 : i32
        %div3A_63 = arith.divsi %scan3A_14, %jit3A_62 : i32
        %sign3A_64 = arith.constant 0 : i32
        %sign3A_65 = arith.cmpi sgt, %scan3A_14, %sign3A_64 : i32
        %sign3A_66 = arith.extui %sign3A_65 : i1 to i32
        %sign3A_67 = arith.constant 0 : i32
        %sign3A_68 = arith.cmpi slt, %scan3A_14, %sign3A_67 : i32
        %sign3A_69 = arith.extui %sign3A_68 : i1 to i32
        %sign3A_70 = arith.subi %sign3A_66, %sign3A_69 : i32
        %sign3A_71 = arith.constant 0 : i32
        %sign3A_72 = arith.cmpi sgt, %jit3A_62, %sign3A_71 : i32
        %sign3A_73 = arith.extui %sign3A_72 : i1 to i32
        %sign3A_74 = arith.constant 0 : i32
        %sign3A_75 = arith.cmpi slt, %jit3A_62, %sign3A_74 : i32
        %sign3A_76 = arith.extui %sign3A_75 : i1 to i32
        %sign3A_77 = arith.subi %sign3A_73, %sign3A_76 : i32
        %ne3A_78 = arith.cmpi ne, %sign3A_70, %sign3A_77 : i32
        %rem3A_79 = arith.remsi %scan3A_14, %jit3A_62 : i32
        %ne3A_80 = arith.constant 0 : i32
        %ne3A_81 = arith.cmpi ne, %rem3A_79, %ne3A_80 : i32
        %and3A_82 = arith.andi %ne3A_78, %ne3A_81 : i1
        %sub3A_83 = arith.constant 1 : i32
        %sub3A_84 = arith.subi %div3A_63, %sub3A_83 : i32
        %select_n3A_85 = arith.select %and3A_82, %sub3A_84, %div3A_63 : i32
        %mul3A_86 = arith.constant 8 : i32
        %mul3A_87 = arith.muli %select_n3A_85, %mul3A_86 : i32
        %add3A_88 = arith.addi %select_n3A, %mul3A_87 : i32
        %multiple_of3A_89 = tpu.assume_multiple %add3A_88, 8 : i32
        "tpu.region"() ({
          %run_scoped3A = tpu.sem_alloc : memref<!tpu.dma_semaphore, #tpu.memory_space<semaphore_mem>>
          %dma_start3A_90 = arith.constant 0 : i32
          %dma_start3A_91 = tpu.memref_slice %arg3[%multiple_of3A_89, %dma_start3A_90] : memref<512x128xi32, #tpu.memory_space<hbm>> -> memref<8x128xi32, #tpu.memory_space<hbm>>
          %dma_start3A_92 = arith.constant 0 : i32
          %dma_start3A_93 = tpu.memref_slice %arg3[%multiple_of3A_89, %dma_start3A_92] : memref<512x128xi32, #tpu.memory_space<hbm>> -> memref<8x128xi32, #tpu.memory_space<hbm>>
          tpu.enqueue_dma source(%dma_start3A_93 : memref<8x128xi32, #tpu.memory_space<hbm>>) target(%arg12 : memref<8x128xi32, #tpu.memory_space<vmem>>) target_semaphore(%run_scoped3A : memref<!tpu.dma_semaphore, #tpu.memory_space<semaphore_mem>>)
          %dma_wait3A_94 = arith.constant 0 : i32
          %dma_wait3A_95 = tpu.memref_slice %arg3[%multiple_of3A_89, %dma_wait3A_94] : memref<512x128xi32, #tpu.memory_space<hbm>> -> memref<8x128xi32, #tpu.memory_space<hbm>>
          %dma_wait3A_96 = arith.constant 0 : i32
          %dma_wait3A_97 = tpu.memref_slice %arg3[%multiple_of3A_89, %dma_wait3A_96] : memref<512x128xi32, #tpu.memory_space<hbm>> -> memref<8x128xi32, #tpu.memory_space<hbm>>
          tpu.wait_dma2 semaphore(%run_scoped3A : memref<!tpu.dma_semaphore, #tpu.memory_space<semaphore_mem>>) src(%dma_wait3A_97 : memref<8x128xi32, #tpu.memory_space<hbm>>) dst(%arg12 : memref<8x128xi32, #tpu.memory_space<vmem>>)
          tpu.yield
        }) : () -> ()
      } else {
      }
      %rem3A_22 = arith.constant 4 : i32
      %rem3A_23 = arith.remsi %scan3A_14, %rem3A_22 : i32
      %mul3A_24 = arith.constant 2 : i32
      %mul3A_25 = arith.muli %rem3A_23, %mul3A_24 : i32
      %dma_wait3A = arith.constant 0 : i32
      %dma_wait3A_26 = tpu.memref_slice %arg2[%multiple_of3A_18, %dma_wait3A] : memref<65536x128xf32, #tpu.memory_space<hbm>> -> memref<128x128xf32, #tpu.memory_space<hbm>>
      %dma_wait3A_27 = arith.constant 0 : i32
      %dma_wait3A_28 = tpu.memref_slice %arg2[%multiple_of3A_18, %dma_wait3A_27] : memref<65536x128xf32, #tpu.memory_space<hbm>> -> memref<128x128xf32, #tpu.memory_space<hbm>>
      tpu.wait_dma2 semaphore(%arg14 : memref<!tpu.dma_semaphore, #tpu.memory_space<semaphore_mem>>) src(%dma_wait3A_28 : memref<128x128xf32, #tpu.memory_space<hbm>>) dst(%arg10 : memref<128x128xf32, #tpu.memory_space<vmem>>)
      %add3A_29 = arith.constant 128 : i32
      %add3A_30 = arith.addi %multiple_of3A_18, %add3A_29 : i32
      %dma_start3A_31 = arith.constant 0 : i32
      %dma_start3A_32 = tpu.memref_slice %arg2[%add3A_30, %dma_start3A_31] : memref<65536x128xf32, #tpu.memory_space<hbm>> -> memref<128x128xf32, #tpu.memory_space<hbm>>
      %dma_start3A_33 = arith.constant 0 : i32
      %dma_start3A_34 = tpu.memref_slice %arg2[%add3A_30, %dma_start3A_33] : memref<65536x128xf32, #tpu.memory_space<hbm>> -> memref<128x128xf32, #tpu.memory_space<hbm>>
      tpu.enqueue_dma source(%dma_start3A_34 : memref<128x128xf32, #tpu.memory_space<hbm>>) target(%arg11 : memref<128x128xf32, #tpu.memory_space<vmem>>) target_semaphore(%arg15 : memref<!tpu.dma_semaphore, #tpu.memory_space<semaphore_mem>>)
      "tpu.region"() ({
        %run_scoped3A = tpu.sem_alloc : memref<!tpu.dma_semaphore, #tpu.memory_space<semaphore_mem>>
        %dma_start3A_45 = arith.constant 0 : i32
        %dma_start3A_46 = tpu.memref_slice %arg12[%mul3A_25, %dma_start3A_45] : memref<8x128xi32, #tpu.memory_space<vmem>> -> memref<1x128xi32, #tpu.memory_space<vmem>>
        %dma_start3A_47 = tpu.memref_squeeze %dma_start3A_46 : memref<1x128xi32, #tpu.memory_space<vmem>> -> memref<128xi32, #tpu.memory_space<vmem>>
        %dma_start3A_48 = arith.constant 0 : i32
        %dma_start3A_49 = arith.constant 0 : i32
        %dma_start3A_50 = tpu.memref_slice %arg8[%dma_start3A_48, %dma_start3A_49] : memref<5120x128xf32, #tpu.memory_space<vmem_shared>> -> memref<5120x128xf32, #tpu.memory_space<vmem_shared>>
        tpu.enqueue_indirect_dma source(%arg10 : memref<128x128xf32, #tpu.memory_space<vmem>>) target(%dma_start3A_50 : memref<5120x128xf32, #tpu.memory_space<vmem_shared>>) offsets(%dma_start3A_47 : memref<128xi32, #tpu.memory_space<vmem>>) semaphore(%run_scoped3A : memref<!tpu.dma_semaphore, #tpu.memory_space<semaphore_mem>>) {add = true}
        %dma_wait3A_51 = arith.constant 0 : i32
        %dma_wait3A_52 = tpu.memref_slice %arg12[%mul3A_25, %dma_wait3A_51] : memref<8x128xi32, #tpu.memory_space<vmem>> -> memref<1x128xi32, #tpu.memory_space<vmem>>
        %dma_wait3A_53 = tpu.memref_squeeze %dma_wait3A_52 : memref<1x128xi32, #tpu.memory_space<vmem>> -> memref<128xi32, #tpu.memory_space<vmem>>
        %dma_wait3A_54 = arith.constant 0 : i32
        %dma_wait3A_55 = arith.constant 0 : i32
        %dma_wait3A_56 = tpu.memref_slice %arg8[%dma_wait3A_54, %dma_wait3A_55] : memref<5120x128xf32, #tpu.memory_space<vmem_shared>> -> memref<5120x128xf32, #tpu.memory_space<vmem_shared>>
        tpu.wait_indirect_dma semaphore(%run_scoped3A : memref<!tpu.dma_semaphore, #tpu.memory_space<semaphore_mem>>) src(%arg10 : memref<128x128xf32, #tpu.memory_space<vmem>>) dst(%dma_wait3A_56 : memref<5120x128xf32, #tpu.memory_space<vmem_shared>>)
        tpu.yield
      }) : () -> ()
      "tpu.region"() ({
        %run_scoped3A = tpu.sem_alloc : memref<!tpu.dma_semaphore, #tpu.memory_space<semaphore_mem>>
        %dma_start3A_45 = arith.constant 0 : i32
        %dma_start3A_46 = tpu.memref_slice %arg12[%mul3A_25, %dma_start3A_45] : memref<8x128xi32, #tpu.memory_space<vmem>> -> memref<1x64xi32, #tpu.memory_space<vmem>>
        %dma_start3A_47 = tpu.memref_squeeze %dma_start3A_46 : memref<1x64xi32, #tpu.memory_space<vmem>> -> memref<64xi32, #tpu.memory_space<vmem>>
        %dma_start3A_48 = arith.constant 0 : i32
        %dma_start3A_49 = arith.constant 0 : i32
        %dma_start3A_50 = tpu.memref_slice %arg9[%dma_start3A_48, %dma_start3A_49] : memref<5120x128xf32, #tpu.memory_space<vmem_shared>> -> memref<5120x128xf32, #tpu.memory_space<vmem_shared>>
        tpu.enqueue_indirect_dma source(%arg13 : memref<64x128xf32, #tpu.memory_space<vmem>>) target(%dma_start3A_50 : memref<5120x128xf32, #tpu.memory_space<vmem_shared>>) offsets(%dma_start3A_47 : memref<64xi32, #tpu.memory_space<vmem>>) semaphore(%run_scoped3A : memref<!tpu.dma_semaphore, #tpu.memory_space<semaphore_mem>>) {add = true}
        %dma_wait3A_51 = arith.constant 0 : i32
        %dma_wait3A_52 = tpu.memref_slice %arg12[%mul3A_25, %dma_wait3A_51] : memref<8x128xi32, #tpu.memory_space<vmem>> -> memref<1x64xi32, #tpu.memory_space<vmem>>
        %dma_wait3A_53 = tpu.memref_squeeze %dma_wait3A_52 : memref<1x64xi32, #tpu.memory_space<vmem>> -> memref<64xi32, #tpu.memory_space<vmem>>
        %dma_wait3A_54 = arith.constant 0 : i32
        %dma_wait3A_55 = arith.constant 0 : i32
        %dma_wait3A_56 = tpu.memref_slice %arg9[%dma_wait3A_54, %dma_wait3A_55] : memref<5120x128xf32, #tpu.memory_space<vmem_shared>> -> memref<5120x128xf32, #tpu.memory_space<vmem_shared>>
        tpu.wait_indirect_dma semaphore(%run_scoped3A : memref<!tpu.dma_semaphore, #tpu.memory_space<semaphore_mem>>) src(%arg13 : memref<64x128xf32, #tpu.memory_space<vmem>>) dst(%dma_wait3A_56 : memref<5120x128xf32, #tpu.memory_space<vmem_shared>>)
        tpu.yield
      }) : () -> ()
      "tpu.region"() ({
        %run_scoped3A = tpu.sem_alloc : memref<!tpu.dma_semaphore, #tpu.memory_space<semaphore_mem>>
        %dma_start3A_45 = arith.constant 64 : i32
        %dma_start3A_46 = tpu.memref_slice %arg12[%mul3A_25, %dma_start3A_45] : memref<8x128xi32, #tpu.memory_space<vmem>> -> memref<1x64xi32, #tpu.memory_space<vmem>>
        %dma_start3A_47 = tpu.memref_squeeze %dma_start3A_46 : memref<1x64xi32, #tpu.memory_space<vmem>> -> memref<64xi32, #tpu.memory_space<vmem>>
        %dma_start3A_48 = arith.constant 0 : i32
        %dma_start3A_49 = arith.constant 0 : i32
        %dma_start3A_50 = tpu.memref_slice %arg9[%dma_start3A_48, %dma_start3A_49] : memref<5120x128xf32, #tpu.memory_space<vmem_shared>> -> memref<5120x128xf32, #tpu.memory_space<vmem_shared>>
        tpu.enqueue_indirect_dma source(%arg13 : memref<64x128xf32, #tpu.memory_space<vmem>>) target(%dma_start3A_50 : memref<5120x128xf32, #tpu.memory_space<vmem_shared>>) offsets(%dma_start3A_47 : memref<64xi32, #tpu.memory_space<vmem>>) semaphore(%run_scoped3A : memref<!tpu.dma_semaphore, #tpu.memory_space<semaphore_mem>>) {add = true}
        %dma_wait3A_51 = arith.constant 64 : i32
        %dma_wait3A_52 = tpu.memref_slice %arg12[%mul3A_25, %dma_wait3A_51] : memref<8x128xi32, #tpu.memory_space<vmem>> -> memref<1x64xi32, #tpu.memory_space<vmem>>
        %dma_wait3A_53 = tpu.memref_squeeze %dma_wait3A_52 : memref<1x64xi32, #tpu.memory_space<vmem>> -> memref<64xi32, #tpu.memory_space<vmem>>
        %dma_wait3A_54 = arith.constant 0 : i32
        %dma_wait3A_55 = arith.constant 0 : i32
        %dma_wait3A_56 = tpu.memref_slice %arg9[%dma_wait3A_54, %dma_wait3A_55] : memref<5120x128xf32, #tpu.memory_space<vmem_shared>> -> memref<5120x128xf32, #tpu.memory_space<vmem_shared>>
        tpu.wait_indirect_dma semaphore(%run_scoped3A : memref<!tpu.dma_semaphore, #tpu.memory_space<semaphore_mem>>) src(%arg13 : memref<64x128xf32, #tpu.memory_space<vmem>>) dst(%dma_wait3A_56 : memref<5120x128xf32, #tpu.memory_space<vmem_shared>>)
        tpu.yield
      }) : () -> ()
      %dma_wait3A_35 = arith.constant 0 : i32
      %dma_wait3A_36 = tpu.memref_slice %arg2[%multiple_of3A_18, %dma_wait3A_35] : memref<65536x128xf32, #tpu.memory_space<hbm>> -> memref<128x128xf32, #tpu.memory_space<hbm>>
      %dma_wait3A_37 = arith.constant 0 : i32
      %dma_wait3A_38 = tpu.memref_slice %arg2[%multiple_of3A_18, %dma_wait3A_37] : memref<65536x128xf32, #tpu.memory_space<hbm>> -> memref<128x128xf32, #tpu.memory_space<hbm>>
      tpu.wait_dma2 semaphore(%arg15 : memref<!tpu.dma_semaphore, #tpu.memory_space<semaphore_mem>>) src(%dma_wait3A_38 : memref<128x128xf32, #tpu.memory_space<hbm>>) dst(%arg11 : memref<128x128xf32, #tpu.memory_space<vmem>>)
      %lt3A = arith.constant 7 : i32
      %lt3A_39 = arith.cmpi slt, %scan3A_14, %lt3A : i32
      %convert_element_type3A_40 = arith.extui %lt3A_39 : i1 to i32
      %cond3A_41 = arith.constant 0 : i32
      %cond3A_42 = arith.cmpi ne, %convert_element_type3A_40, %cond3A_41 : i32
      scf.if %cond3A_42 {
        %add3A_45 = arith.constant 256 : i32
        %add3A_46 = arith.addi %multiple_of3A_18, %add3A_45 : i32
        %multiple_of3A_47 = tpu.assume_multiple %add3A_46, 8 : i32
        %dma_start3A_48 = arith.constant 0 : i32
        %dma_start3A_49 = tpu.memref_slice %arg2[%multiple_of3A_47, %dma_start3A_48] : memref<65536x128xf32, #tpu.memory_space<hbm>> -> memref<128x128xf32, #tpu.memory_space<hbm>>
        %dma_start3A_50 = arith.constant 0 : i32
        %dma_start3A_51 = tpu.memref_slice %arg2[%multiple_of3A_47, %dma_start3A_50] : memref<65536x128xf32, #tpu.memory_space<hbm>> -> memref<128x128xf32, #tpu.memory_space<hbm>>
        tpu.enqueue_dma source(%dma_start3A_51 : memref<128x128xf32, #tpu.memory_space<hbm>>) target(%arg10 : memref<128x128xf32, #tpu.memory_space<vmem>>) target_semaphore(%arg14 : memref<!tpu.dma_semaphore, #tpu.memory_space<semaphore_mem>>)
      } else {
      }
      %add3A_43 = arith.constant 1 : i32
      %add3A_44 = arith.addi %mul3A_25, %add3A_43 : i32
      "tpu.region"() ({
        %run_scoped3A = tpu.sem_alloc : memref<!tpu.dma_semaphore, #tpu.memory_space<semaphore_mem>>
        %dma_start3A_45 = arith.constant 0 : i32
        %dma_start3A_46 = tpu.memref_slice %arg12[%add3A_44, %dma_start3A_45] : memref<8x128xi32, #tpu.memory_space<vmem>> -> memref<1x128xi32, #tpu.memory_space<vmem>>
        %dma_start3A_47 = tpu.memref_squeeze %dma_start3A_46 : memref<1x128xi32, #tpu.memory_space<vmem>> -> memref<128xi32, #tpu.memory_space<vmem>>
        %dma_start3A_48 = arith.constant 0 : i32
        %dma_start3A_49 = arith.constant 0 : i32
        %dma_start3A_50 = tpu.memref_slice %arg8[%dma_start3A_48, %dma_start3A_49] : memref<5120x128xf32, #tpu.memory_space<vmem_shared>> -> memref<5120x128xf32, #tpu.memory_space<vmem_shared>>
        tpu.enqueue_indirect_dma source(%arg11 : memref<128x128xf32, #tpu.memory_space<vmem>>) target(%dma_start3A_50 : memref<5120x128xf32, #tpu.memory_space<vmem_shared>>) offsets(%dma_start3A_47 : memref<128xi32, #tpu.memory_space<vmem>>) semaphore(%run_scoped3A : memref<!tpu.dma_semaphore, #tpu.memory_space<semaphore_mem>>) {add = true}
        %dma_wait3A_51 = arith.constant 0 : i32
        %dma_wait3A_52 = tpu.memref_slice %arg12[%add3A_44, %dma_wait3A_51] : memref<8x128xi32, #tpu.memory_space<vmem>> -> memref<1x128xi32, #tpu.memory_space<vmem>>
        %dma_wait3A_53 = tpu.memref_squeeze %dma_wait3A_52 : memref<1x128xi32, #tpu.memory_space<vmem>> -> memref<128xi32, #tpu.memory_space<vmem>>
        %dma_wait3A_54 = arith.constant 0 : i32
        %dma_wait3A_55 = arith.constant 0 : i32
        %dma_wait3A_56 = tpu.memref_slice %arg8[%dma_wait3A_54, %dma_wait3A_55] : memref<5120x128xf32, #tpu.memory_space<vmem_shared>> -> memref<5120x128xf32, #tpu.memory_space<vmem_shared>>
        tpu.wait_indirect_dma semaphore(%run_scoped3A : memref<!tpu.dma_semaphore, #tpu.memory_space<semaphore_mem>>) src(%arg11 : memref<128x128xf32, #tpu.memory_space<vmem>>) dst(%dma_wait3A_56 : memref<5120x128xf32, #tpu.memory_space<vmem_shared>>)
        tpu.yield
      }) : () -> ()
      "tpu.region"() ({
        %run_scoped3A = tpu.sem_alloc : memref<!tpu.dma_semaphore, #tpu.memory_space<semaphore_mem>>
        %dma_start3A_45 = arith.constant 0 : i32
        %dma_start3A_46 = tpu.memref_slice %arg12[%add3A_44, %dma_start3A_45] : memref<8x128xi32, #tpu.memory_space<vmem>> -> memref<1x64xi32, #tpu.memory_space<vmem>>
        %dma_start3A_47 = tpu.memref_squeeze %dma_start3A_46 : memref<1x64xi32, #tpu.memory_space<vmem>> -> memref<64xi32, #tpu.memory_space<vmem>>
        %dma_start3A_48 = arith.constant 0 : i32
        %dma_start3A_49 = arith.constant 0 : i32
        %dma_start3A_50 = tpu.memref_slice %arg9[%dma_start3A_48, %dma_start3A_49] : memref<5120x128xf32, #tpu.memory_space<vmem_shared>> -> memref<5120x128xf32, #tpu.memory_space<vmem_shared>>
        tpu.enqueue_indirect_dma source(%arg13 : memref<64x128xf32, #tpu.memory_space<vmem>>) target(%dma_start3A_50 : memref<5120x128xf32, #tpu.memory_space<vmem_shared>>) offsets(%dma_start3A_47 : memref<64xi32, #tpu.memory_space<vmem>>) semaphore(%run_scoped3A : memref<!tpu.dma_semaphore, #tpu.memory_space<semaphore_mem>>) {add = true}
        %dma_wait3A_51 = arith.constant 0 : i32
        %dma_wait3A_52 = tpu.memref_slice %arg12[%add3A_44, %dma_wait3A_51] : memref<8x128xi32, #tpu.memory_space<vmem>> -> memref<1x64xi32, #tpu.memory_space<vmem>>
        %dma_wait3A_53 = tpu.memref_squeeze %dma_wait3A_52 : memref<1x64xi32, #tpu.memory_space<vmem>> -> memref<64xi32, #tpu.memory_space<vmem>>
        %dma_wait3A_54 = arith.constant 0 : i32
        %dma_wait3A_55 = arith.constant 0 : i32
        %dma_wait3A_56 = tpu.memref_slice %arg9[%dma_wait3A_54, %dma_wait3A_55] : memref<5120x128xf32, #tpu.memory_space<vmem_shared>> -> memref<5120x128xf32, #tpu.memory_space<vmem_shared>>
        tpu.wait_indirect_dma semaphore(%run_scoped3A : memref<!tpu.dma_semaphore, #tpu.memory_space<semaphore_mem>>) src(%arg13 : memref<64x128xf32, #tpu.memory_space<vmem>>) dst(%dma_wait3A_56 : memref<5120x128xf32, #tpu.memory_space<vmem_shared>>)
        tpu.yield
      }) : () -> ()
      "tpu.region"() ({
        %run_scoped3A = tpu.sem_alloc : memref<!tpu.dma_semaphore, #tpu.memory_space<semaphore_mem>>
        %dma_start3A_45 = arith.constant 64 : i32
        %dma_start3A_46 = tpu.memref_slice %arg12[%add3A_44, %dma_start3A_45] : memref<8x128xi32, #tpu.memory_space<vmem>> -> memref<1x64xi32, #tpu.memory_space<vmem>>
        %dma_start3A_47 = tpu.memref_squeeze %dma_start3A_46 : memref<1x64xi32, #tpu.memory_space<vmem>> -> memref<64xi32, #tpu.memory_space<vmem>>
        %dma_start3A_48 = arith.constant 0 : i32
        %dma_start3A_49 = arith.constant 0 : i32
        %dma_start3A_50 = tpu.memref_slice %arg9[%dma_start3A_48, %dma_start3A_49] : memref<5120x128xf32, #tpu.memory_space<vmem_shared>> -> memref<5120x128xf32, #tpu.memory_space<vmem_shared>>
        tpu.enqueue_indirect_dma source(%arg13 : memref<64x128xf32, #tpu.memory_space<vmem>>) target(%dma_start3A_50 : memref<5120x128xf32, #tpu.memory_space<vmem_shared>>) offsets(%dma_start3A_47 : memref<64xi32, #tpu.memory_space<vmem>>) semaphore(%run_scoped3A : memref<!tpu.dma_semaphore, #tpu.memory_space<semaphore_mem>>) {add = true}
        %dma_wait3A_51 = arith.constant 64 : i32
        %dma_wait3A_52 = tpu.memref_slice %arg12[%add3A_44, %dma_wait3A_51] : memref<8x128xi32, #tpu.memory_space<vmem>> -> memref<1x64xi32, #tpu.memory_space<vmem>>
        %dma_wait3A_53 = tpu.memref_squeeze %dma_wait3A_52 : memref<1x64xi32, #tpu.memory_space<vmem>> -> memref<64xi32, #tpu.memory_space<vmem>>
        %dma_wait3A_54 = arith.constant 0 : i32
        %dma_wait3A_55 = arith.constant 0 : i32
        %dma_wait3A_56 = tpu.memref_slice %arg9[%dma_wait3A_54, %dma_wait3A_55] : memref<5120x128xf32, #tpu.memory_space<vmem_shared>> -> memref<5120x128xf32, #tpu.memory_space<vmem_shared>>
        tpu.wait_indirect_dma semaphore(%run_scoped3A : memref<!tpu.dma_semaphore, #tpu.memory_space<semaphore_mem>>) src(%arg13 : memref<64x128xf32, #tpu.memory_space<vmem>>) dst(%dma_wait3A_56 : memref<5120x128xf32, #tpu.memory_space<vmem_shared>>)
        tpu.yield
      }) : () -> ()
    }
    %scan3A_12 = arith.constant 8 : i32
    %barrier3A_13 = arith.constant 0 : index
    tpu.barrier barrier_id(%barrier3A_13)
    "tpu.region"() ({
      %run_scoped3A = tpu.sem_alloc : memref<!tpu.dma_semaphore, #tpu.memory_space<semaphore_mem>>
      %dma_start3A_14 = arith.constant 0 : i32
      %dma_start3A_15 = tpu.memref_slice %arg6[%arg0, %mul3A_4, %dma_start3A_14] : memref<2x5120x128xf32, #tpu.memory_space<hbm>> -> memref<1x320x128xf32, #tpu.memory_space<hbm>>
      %dma_start3A_16 = tpu.memref_squeeze %dma_start3A_15 : memref<1x320x128xf32, #tpu.memory_space<hbm>> -> memref<320x128xf32, #tpu.memory_space<hbm>>
      %dma_start3A_17 = arith.constant 0 : i32
      %dma_start3A_18 = tpu.memref_slice %arg8[%mul3A_4, %dma_start3A_17] : memref<5120x128xf32, #tpu.memory_space<vmem_shared>> -> memref<320x128xf32, #tpu.memory_space<vmem_shared>>
      tpu.enqueue_dma source(%dma_start3A_18 : memref<320x128xf32, #tpu.memory_space<vmem_shared>>) target(%dma_start3A_16 : memref<320x128xf32, #tpu.memory_space<hbm>>) target_semaphore(%run_scoped3A : memref<!tpu.dma_semaphore, #tpu.memory_space<semaphore_mem>>)
      %dma_wait3A = arith.constant 0 : i32
      %dma_wait3A_19 = tpu.memref_slice %arg6[%arg0, %mul3A_4, %dma_wait3A] : memref<2x5120x128xf32, #tpu.memory_space<hbm>> -> memref<1x320x128xf32, #tpu.memory_space<hbm>>
      %dma_wait3A_20 = tpu.memref_squeeze %dma_wait3A_19 : memref<1x320x128xf32, #tpu.memory_space<hbm>> -> memref<320x128xf32, #tpu.memory_space<hbm>>
      %dma_wait3A_21 = arith.constant 0 : i32
      %dma_wait3A_22 = tpu.memref_slice %arg8[%mul3A_4, %dma_wait3A_21] : memref<5120x128xf32, #tpu.memory_space<vmem_shared>> -> memref<320x128xf32, #tpu.memory_space<vmem_shared>>
      tpu.wait_dma2 semaphore(%run_scoped3A : memref<!tpu.dma_semaphore, #tpu.memory_space<semaphore_mem>>) src(%dma_wait3A_22 : memref<320x128xf32, #tpu.memory_space<vmem_shared>>) dst(%dma_wait3A_20 : memref<320x128xf32, #tpu.memory_space<hbm>>)
      tpu.yield
    }) : () -> ()
    "tpu.region"() ({
      %run_scoped3A = tpu.sem_alloc : memref<!tpu.dma_semaphore, #tpu.memory_space<semaphore_mem>>
      %dma_start3A_14 = arith.constant 0 : i32
      %dma_start3A_15 = tpu.memref_slice %arg7[%arg0, %mul3A_4, %dma_start3A_14] : memref<2x5120x128xf32, #tpu.memory_space<hbm>> -> memref<1x320x128xf32, #tpu.memory_space<hbm>>
      %dma_start3A_16 = tpu.memref_squeeze %dma_start3A_15 : memref<1x320x128xf32, #tpu.memory_space<hbm>> -> memref<320x128xf32, #tpu.memory_space<hbm>>
      %dma_start3A_17 = arith.constant 0 : i32
      %dma_start3A_18 = tpu.memref_slice %arg9[%mul3A_4, %dma_start3A_17] : memref<5120x128xf32, #tpu.memory_space<vmem_shared>> -> memref<320x128xf32, #tpu.memory_space<vmem_shared>>
      tpu.enqueue_dma source(%dma_start3A_18 : memref<320x128xf32, #tpu.memory_space<vmem_shared>>) target(%dma_start3A_16 : memref<320x128xf32, #tpu.memory_space<hbm>>) target_semaphore(%run_scoped3A : memref<!tpu.dma_semaphore, #tpu.memory_space<semaphore_mem>>)
      %dma_wait3A = arith.constant 0 : i32
      %dma_wait3A_19 = tpu.memref_slice %arg7[%arg0, %mul3A_4, %dma_wait3A] : memref<2x5120x128xf32, #tpu.memory_space<hbm>> -> memref<1x320x128xf32, #tpu.memory_space<hbm>>
      %dma_wait3A_20 = tpu.memref_squeeze %dma_wait3A_19 : memref<1x320x128xf32, #tpu.memory_space<hbm>> -> memref<320x128xf32, #tpu.memory_space<hbm>>
      %dma_wait3A_21 = arith.constant 0 : i32
      %dma_wait3A_22 = tpu.memref_slice %arg9[%mul3A_4, %dma_wait3A_21] : memref<5120x128xf32, #tpu.memory_space<vmem_shared>> -> memref<320x128xf32, #tpu.memory_space<vmem_shared>>
      tpu.wait_dma2 semaphore(%run_scoped3A : memref<!tpu.dma_semaphore, #tpu.memory_space<semaphore_mem>>) src(%dma_wait3A_22 : memref<320x128xf32, #tpu.memory_space<vmem_shared>>) dst(%dma_wait3A_20 : memref<320x128xf32, #tpu.memory_space<hbm>>)
      tpu.yield
    }) : () -> ()
    return
  }
}

#map = affine_map<(d0, d1) -> (0, 0)>
#map1 = affine_map<(d0, d1) -> (0, 0, 0)>
module attributes {stable_mosaic.version = 14 : i64} {
  func.func @_seg_body(%arg0: i32, %arg1: i32, %arg2: memref<65536x128xf32, #tpu.memory_space<hbm>>, %arg3: memref<512x128xi32, #tpu.memory_space<hbm>>, %arg4: memref<320x128xf32, #tpu.memory_space<hbm>>, %arg5: memref<64x128xf32, #tpu.memory_space<hbm>>, %arg6: memref<2x5120x128xf32, #tpu.memory_space<hbm>>, %arg7: memref<2x5120x128xf32, #tpu.memory_space<hbm>>, %arg8: memref<5120x128xf32, #tpu.memory_space<vmem_shared>>, %arg9: memref<5120x128xf32, #tpu.memory_space<vmem_shared>>, %arg10: memref<128x128xf32, #tpu.memory_space<vmem>>, %arg11: memref<128x128xf32, #tpu.memory_space<vmem>>, %arg12: memref<8x128xi32, #tpu.memory_space<vmem>>, %arg13: memref<64x128xf32, #tpu.memory_space<vmem>>, %arg14: memref<!tpu.dma_semaphore, #tpu.memory_space<semaphore_mem>>, %arg15: memref<!tpu.dma_semaphore, #tpu.memory_space<semaphore_mem>>) attributes {dimension_semantics = [#tpu.dimension_semantics<core_parallel>, #tpu.dimension_semantics<subcore_parallel>], iteration_bounds = array<i64: 2, 16>, scalar_prefetch = 0 : i64, scratch_operands = 8 : i64, tpu.core_type = #tpu.core_type<sc_vector_subcore>, window_params = [{transform_indices = #map}, {transform_indices = #map}, {transform_indices = #map}, {transform_indices = #map}, {transform_indices = #map1}, {transform_indices = #map1}]} {
    %mul3A = arith.constant 16 : i32
    %mul3A_0 = arith.muli %arg0, %mul3A : i32
    %add3A = arith.addi %mul3A_0, %arg1 : i32
    %mul3A_1 = arith.constant 2048 : i32
    %mul3A_2 = arith.muli %add3A, %mul3A_1 : i32
    %mul3A_3 = arith.constant 320 : i32
    %mul3A_4 = arith.muli %arg1, %mul3A_3 : i32
    "tpu.region"() ({
      %run_scoped3A = tpu.sem_alloc : memref<!tpu.dma_semaphore, #tpu.memory_space<semaphore_mem>>
      %dma_start3A_14 = arith.constant 0 : i32
      %dma_start3A_15 = tpu.memref_slice %arg8[%mul3A_4, %dma_start3A_14] : memref<5120x128xf32, #tpu.memory_space<vmem_shared>> -> memref<320x128xf32, #tpu.memory_space<vmem_shared>>
      tpu.enqueue_dma source(%arg4 : memref<320x128xf32, #tpu.memory_space<hbm>>) target(%dma_start3A_15 : memref<320x128xf32, #tpu.memory_space<vmem_shared>>) target_semaphore(%run_scoped3A : memref<!tpu.dma_semaphore, #tpu.memory_space<semaphore_mem>>)
      %dma_wait3A = arith.constant 0 : i32
      %dma_wait3A_16 = tpu.memref_slice %arg8[%mul3A_4, %dma_wait3A] : memref<5120x128xf32, #tpu.memory_space<vmem_shared>> -> memref<320x128xf32, #tpu.memory_space<vmem_shared>>
      tpu.wait_dma2 semaphore(%run_scoped3A : memref<!tpu.dma_semaphore, #tpu.memory_space<semaphore_mem>>) src(%arg4 : memref<320x128xf32, #tpu.memory_space<hbm>>) dst(%dma_wait3A_16 : memref<320x128xf32, #tpu.memory_space<vmem_shared>>)
      tpu.yield
    }) : () -> ()
    "tpu.region"() ({
      %run_scoped3A = tpu.sem_alloc : memref<!tpu.dma_semaphore, #tpu.memory_space<semaphore_mem>>
      %dma_start3A_14 = arith.constant 0 : i32
      %dma_start3A_15 = tpu.memref_slice %arg9[%mul3A_4, %dma_start3A_14] : memref<5120x128xf32, #tpu.memory_space<vmem_shared>> -> memref<320x128xf32, #tpu.memory_space<vmem_shared>>
      tpu.enqueue_dma source(%arg4 : memref<320x128xf32, #tpu.memory_space<hbm>>) target(%dma_start3A_15 : memref<320x128xf32, #tpu.memory_space<vmem_shared>>) target_semaphore(%run_scoped3A : memref<!tpu.dma_semaphore, #tpu.memory_space<semaphore_mem>>)
      %dma_wait3A = arith.constant 0 : i32
      %dma_wait3A_16 = tpu.memref_slice %arg9[%mul3A_4, %dma_wait3A] : memref<5120x128xf32, #tpu.memory_space<vmem_shared>> -> memref<320x128xf32, #tpu.memory_space<vmem_shared>>
      tpu.wait_dma2 semaphore(%run_scoped3A : memref<!tpu.dma_semaphore, #tpu.memory_space<semaphore_mem>>) src(%arg4 : memref<320x128xf32, #tpu.memory_space<hbm>>) dst(%dma_wait3A_16 : memref<320x128xf32, #tpu.memory_space<vmem_shared>>)
      tpu.yield
    }) : () -> ()
    "tpu.region"() ({
      %run_scoped3A = tpu.sem_alloc : memref<!tpu.dma_semaphore, #tpu.memory_space<semaphore_mem>>
      tpu.enqueue_dma source(%arg5 : memref<64x128xf32, #tpu.memory_space<hbm>>) target(%arg13 : memref<64x128xf32, #tpu.memory_space<vmem>>) target_semaphore(%run_scoped3A : memref<!tpu.dma_semaphore, #tpu.memory_space<semaphore_mem>>)
      tpu.wait_dma2 semaphore(%run_scoped3A : memref<!tpu.dma_semaphore, #tpu.memory_space<semaphore_mem>>) src(%arg5 : memref<64x128xf32, #tpu.memory_space<hbm>>) dst(%arg13 : memref<64x128xf32, #tpu.memory_space<vmem>>)
      tpu.yield
    }) : () -> ()
    %barrier3A = arith.constant 0 : index
    tpu.barrier barrier_id(%barrier3A)
    %multiple_of3A = tpu.assume_multiple %mul3A_2, 8 : i32
    %dma_start3A = arith.constant 0 : i32
    %dma_start3A_5 = tpu.memref_slice %arg2[%multiple_of3A, %dma_start3A] : memref<65536x128xf32, #tpu.memory_space<hbm>> -> memref<128x128xf32, #tpu.memory_space<hbm>>
    %dma_start3A_6 = arith.constant 0 : i32
    %dma_start3A_7 = tpu.memref_slice %arg2[%multiple_of3A, %dma_start3A_6] : memref<65536x128xf32, #tpu.memory_space<hbm>> -> memref<128x128xf32, #tpu.memory_space<hbm>>
    tpu.enqueue_dma source(%dma_start3A_7 : memref<128x128xf32, #tpu.memory_space<hbm>>) target(%arg10 : memref<128x128xf32, #tpu.memory_space<vmem>>) target_semaphore(%arg14 : memref<!tpu.dma_semaphore, #tpu.memory_space<semaphore_mem>>)
    %scan3A = arith.constant 0 : i32
    %scan3A_8 = arith.constant 0 : i32
    %scan3A_9 = arith.constant 8 : i32
    %scan3A_10 = arith.addi %scan3A_8, %scan3A_9 : i32
    %scan3A_11 = arith.constant 1 : i32
    scf.for %scan3A_14 = %scan3A_8 to %scan3A_10 step %scan3A_11  : i32 {
      %mul3A_15 = arith.constant 256 : i32
      %mul3A_16 = arith.muli %scan3A_14, %mul3A_15 : i32
      %add3A_17 = arith.addi %mul3A_2, %mul3A_16 : i32
      %multiple_of3A_18 = tpu.assume_multiple %add3A_17, 8 : i32
      %rem3A = arith.constant 4 : i32
      %rem3A_19 = arith.remsi %scan3A_14, %rem3A : i32
      %eq3A = arith.constant 0 : i32
      %eq3A_20 = arith.cmpi eq, %rem3A_19, %eq3A : i32
      %convert_element_type3A = arith.extui %eq3A_20 : i1 to i32
      %cond3A = arith.constant 0 : i32
      %cond3A_21 = arith.cmpi ne, %convert_element_type3A, %cond3A : i32
      scf.if %cond3A_21 {
        %jit3A = arith.constant 128 : i32
        %div3A = arith.divsi %mul3A_2, %jit3A : i32
        %sign3A = arith.constant 0 : i32
        %sign3A_45 = arith.cmpi sgt, %mul3A_2, %sign3A : i32
        %sign3A_46 = arith.extui %sign3A_45 : i1 to i32
        %sign3A_47 = arith.constant 0 : i32
        %sign3A_48 = arith.cmpi slt, %mul3A_2, %sign3A_47 : i32
        %sign3A_49 = arith.extui %sign3A_48 : i1 to i32
        %sign3A_50 = arith.subi %sign3A_46, %sign3A_49 : i32
        %sign3A_51 = arith.constant 0 : i32
        %sign3A_52 = arith.cmpi sgt, %jit3A, %sign3A_51 : i32
        %sign3A_53 = arith.extui %sign3A_52 : i1 to i32
        %sign3A_54 = arith.constant 0 : i32
        %sign3A_55 = arith.cmpi slt, %jit3A, %sign3A_54 : i32
        %sign3A_56 = arith.extui %sign3A_55 : i1 to i32
        %sign3A_57 = arith.subi %sign3A_53, %sign3A_56 : i32
        %ne3A = arith.cmpi ne, %sign3A_50, %sign3A_57 : i32
        %rem3A_58 = arith.remsi %mul3A_2, %jit3A : i32
        %ne3A_59 = arith.constant 0 : i32
        %ne3A_60 = arith.cmpi ne, %rem3A_58, %ne3A_59 : i32
        %and3A = arith.andi %ne3A, %ne3A_60 : i1
        %sub3A = arith.constant 1 : i32
        %sub3A_61 = arith.subi %div3A, %sub3A : i32
        %select_n3A = arith.select %and3A, %sub3A_61, %div3A : i32
        %jit3A_62 = arith.constant 4 : i32
        %div3A_63 = arith.divsi %scan3A_14, %jit3A_62 : i32
        %sign3A_64 = arith.constant 0 : i32
        %sign3A_65 = arith.cmpi sgt, %scan3A_14, %sign3A_64 : i32
        %sign3A_66 = arith.extui %sign3A_65 : i1 to i32
        %sign3A_67 = arith.constant 0 : i32
        %sign3A_68 = arith.cmpi slt, %scan3A_14, %sign3A_67 : i32
        %sign3A_69 = arith.extui %sign3A_68 : i1 to i32
        %sign3A_70 = arith.subi %sign3A_66, %sign3A_69 : i32
        %sign3A_71 = arith.constant 0 : i32
        %sign3A_72 = arith.cmpi sgt, %jit3A_62, %sign3A_71 : i32
        %sign3A_73 = arith.extui %sign3A_72 : i1 to i32
        %sign3A_74 = arith.constant 0 : i32
        %sign3A_75 = arith.cmpi slt, %jit3A_62, %sign3A_74 : i32
        %sign3A_76 = arith.extui %sign3A_75 : i1 to i32
        %sign3A_77 = arith.subi %sign3A_73, %sign3A_76 : i32
        %ne3A_78 = arith.cmpi ne, %sign3A_70, %sign3A_77 : i32
        %rem3A_79 = arith.remsi %scan3A_14, %jit3A_62 : i32
        %ne3A_80 = arith.constant 0 : i32
        %ne3A_81 = arith.cmpi ne, %rem3A_79, %ne3A_80 : i32
        %and3A_82 = arith.andi %ne3A_78, %ne3A_81 : i1
        %sub3A_83 = arith.constant 1 : i32
        %sub3A_84 = arith.subi %div3A_63, %sub3A_83 : i32
        %select_n3A_85 = arith.select %and3A_82, %sub3A_84, %div3A_63 : i32
        %mul3A_86 = arith.constant 8 : i32
        %mul3A_87 = arith.muli %select_n3A_85, %mul3A_86 : i32
        %add3A_88 = arith.addi %select_n3A, %mul3A_87 : i32
        %multiple_of3A_89 = tpu.assume_multiple %add3A_88, 8 : i32
        "tpu.region"() ({
          %run_scoped3A = tpu.sem_alloc : memref<!tpu.dma_semaphore, #tpu.memory_space<semaphore_mem>>
          %dma_start3A_90 = arith.constant 0 : i32
          %dma_start3A_91 = tpu.memref_slice %arg3[%multiple_of3A_89, %dma_start3A_90] : memref<512x128xi32, #tpu.memory_space<hbm>> -> memref<8x128xi32, #tpu.memory_space<hbm>>
          %dma_start3A_92 = arith.constant 0 : i32
          %dma_start3A_93 = tpu.memref_slice %arg3[%multiple_of3A_89, %dma_start3A_92] : memref<512x128xi32, #tpu.memory_space<hbm>> -> memref<8x128xi32, #tpu.memory_space<hbm>>
          tpu.enqueue_dma source(%dma_start3A_93 : memref<8x128xi32, #tpu.memory_space<hbm>>) target(%arg12 : memref<8x128xi32, #tpu.memory_space<vmem>>) target_semaphore(%run_scoped3A : memref<!tpu.dma_semaphore, #tpu.memory_space<semaphore_mem>>)
          %dma_wait3A_94 = arith.constant 0 : i32
          %dma_wait3A_95 = tpu.memref_slice %arg3[%multiple_of3A_89, %dma_wait3A_94] : memref<512x128xi32, #tpu.memory_space<hbm>> -> memref<8x128xi32, #tpu.memory_space<hbm>>
          %dma_wait3A_96 = arith.constant 0 : i32
          %dma_wait3A_97 = tpu.memref_slice %arg3[%multiple_of3A_89, %dma_wait3A_96] : memref<512x128xi32, #tpu.memory_space<hbm>> -> memref<8x128xi32, #tpu.memory_space<hbm>>
          tpu.wait_dma2 semaphore(%run_scoped3A : memref<!tpu.dma_semaphore, #tpu.memory_space<semaphore_mem>>) src(%dma_wait3A_97 : memref<8x128xi32, #tpu.memory_space<hbm>>) dst(%arg12 : memref<8x128xi32, #tpu.memory_space<vmem>>)
          tpu.yield
        }) : () -> ()
      } else {
      }
      %rem3A_22 = arith.constant 4 : i32
      %rem3A_23 = arith.remsi %scan3A_14, %rem3A_22 : i32
      %mul3A_24 = arith.constant 2 : i32
      %mul3A_25 = arith.muli %rem3A_23, %mul3A_24 : i32
      %dma_wait3A = arith.constant 0 : i32
      %dma_wait3A_26 = tpu.memref_slice %arg2[%multiple_of3A_18, %dma_wait3A] : memref<65536x128xf32, #tpu.memory_space<hbm>> -> memref<128x128xf32, #tpu.memory_space<hbm>>
      %dma_wait3A_27 = arith.constant 0 : i32
      %dma_wait3A_28 = tpu.memref_slice %arg2[%multiple_of3A_18, %dma_wait3A_27] : memref<65536x128xf32, #tpu.memory_space<hbm>> -> memref<128x128xf32, #tpu.memory_space<hbm>>
      tpu.wait_dma2 semaphore(%arg14 : memref<!tpu.dma_semaphore, #tpu.memory_space<semaphore_mem>>) src(%dma_wait3A_28 : memref<128x128xf32, #tpu.memory_space<hbm>>) dst(%arg10 : memref<128x128xf32, #tpu.memory_space<vmem>>)
      %add3A_29 = arith.constant 128 : i32
      %add3A_30 = arith.addi %multiple_of3A_18, %add3A_29 : i32
      %dma_start3A_31 = arith.constant 0 : i32
      %dma_start3A_32 = tpu.memref_slice %arg2[%add3A_30, %dma_start3A_31] : memref<65536x128xf32, #tpu.memory_space<hbm>> -> memref<128x128xf32, #tpu.memory_space<hbm>>
      %dma_start3A_33 = arith.constant 0 : i32
      %dma_start3A_34 = tpu.memref_slice %arg2[%add3A_30, %dma_start3A_33] : memref<65536x128xf32, #tpu.memory_space<hbm>> -> memref<128x128xf32, #tpu.memory_space<hbm>>
      tpu.enqueue_dma source(%dma_start3A_34 : memref<128x128xf32, #tpu.memory_space<hbm>>) target(%arg11 : memref<128x128xf32, #tpu.memory_space<vmem>>) target_semaphore(%arg15 : memref<!tpu.dma_semaphore, #tpu.memory_space<semaphore_mem>>)
      "tpu.region"() ({
        %run_scoped3A = tpu.sem_alloc : memref<!tpu.dma_semaphore, #tpu.memory_space<semaphore_mem>>
        %dma_start3A_45 = arith.constant 0 : i32
        %dma_start3A_46 = tpu.memref_slice %arg12[%mul3A_25, %dma_start3A_45] : memref<8x128xi32, #tpu.memory_space<vmem>> -> memref<1x128xi32, #tpu.memory_space<vmem>>
        %dma_start3A_47 = tpu.memref_squeeze %dma_start3A_46 : memref<1x128xi32, #tpu.memory_space<vmem>> -> memref<128xi32, #tpu.memory_space<vmem>>
        %dma_start3A_48 = arith.constant 0 : i32
        %dma_start3A_49 = arith.constant 0 : i32
        %dma_start3A_50 = tpu.memref_slice %arg8[%dma_start3A_48, %dma_start3A_49] : memref<5120x128xf32, #tpu.memory_space<vmem_shared>> -> memref<5120x128xf32, #tpu.memory_space<vmem_shared>>
        tpu.enqueue_indirect_dma source(%arg10 : memref<128x128xf32, #tpu.memory_space<vmem>>) target(%dma_start3A_50 : memref<5120x128xf32, #tpu.memory_space<vmem_shared>>) offsets(%dma_start3A_47 : memref<128xi32, #tpu.memory_space<vmem>>) semaphore(%run_scoped3A : memref<!tpu.dma_semaphore, #tpu.memory_space<semaphore_mem>>) {add = true}
        %dma_wait3A_51 = arith.constant 0 : i32
        %dma_wait3A_52 = tpu.memref_slice %arg12[%mul3A_25, %dma_wait3A_51] : memref<8x128xi32, #tpu.memory_space<vmem>> -> memref<1x128xi32, #tpu.memory_space<vmem>>
        %dma_wait3A_53 = tpu.memref_squeeze %dma_wait3A_52 : memref<1x128xi32, #tpu.memory_space<vmem>> -> memref<128xi32, #tpu.memory_space<vmem>>
        %dma_wait3A_54 = arith.constant 0 : i32
        %dma_wait3A_55 = arith.constant 0 : i32
        %dma_wait3A_56 = tpu.memref_slice %arg8[%dma_wait3A_54, %dma_wait3A_55] : memref<5120x128xf32, #tpu.memory_space<vmem_shared>> -> memref<5120x128xf32, #tpu.memory_space<vmem_shared>>
        tpu.wait_indirect_dma semaphore(%run_scoped3A : memref<!tpu.dma_semaphore, #tpu.memory_space<semaphore_mem>>) src(%arg10 : memref<128x128xf32, #tpu.memory_space<vmem>>) dst(%dma_wait3A_56 : memref<5120x128xf32, #tpu.memory_space<vmem_shared>>)
        tpu.yield
      }) : () -> ()
      "tpu.region"() ({
        %run_scoped3A = tpu.sem_alloc : memref<!tpu.dma_semaphore, #tpu.memory_space<semaphore_mem>>
        %dma_start3A_45 = arith.constant 0 : i32
        %dma_start3A_46 = tpu.memref_slice %arg12[%mul3A_25, %dma_start3A_45] : memref<8x128xi32, #tpu.memory_space<vmem>> -> memref<1x64xi32, #tpu.memory_space<vmem>>
        %dma_start3A_47 = tpu.memref_squeeze %dma_start3A_46 : memref<1x64xi32, #tpu.memory_space<vmem>> -> memref<64xi32, #tpu.memory_space<vmem>>
        %dma_start3A_48 = arith.constant 0 : i32
        %dma_start3A_49 = arith.constant 0 : i32
        %dma_start3A_50 = tpu.memref_slice %arg9[%dma_start3A_48, %dma_start3A_49] : memref<5120x128xf32, #tpu.memory_space<vmem_shared>> -> memref<5120x128xf32, #tpu.memory_space<vmem_shared>>
        tpu.enqueue_indirect_dma source(%arg13 : memref<64x128xf32, #tpu.memory_space<vmem>>) target(%dma_start3A_50 : memref<5120x128xf32, #tpu.memory_space<vmem_shared>>) offsets(%dma_start3A_47 : memref<64xi32, #tpu.memory_space<vmem>>) semaphore(%run_scoped3A : memref<!tpu.dma_semaphore, #tpu.memory_space<semaphore_mem>>) {add = true}
        %dma_wait3A_51 = arith.constant 0 : i32
        %dma_wait3A_52 = tpu.memref_slice %arg12[%mul3A_25, %dma_wait3A_51] : memref<8x128xi32, #tpu.memory_space<vmem>> -> memref<1x64xi32, #tpu.memory_space<vmem>>
        %dma_wait3A_53 = tpu.memref_squeeze %dma_wait3A_52 : memref<1x64xi32, #tpu.memory_space<vmem>> -> memref<64xi32, #tpu.memory_space<vmem>>
        %dma_wait3A_54 = arith.constant 0 : i32
        %dma_wait3A_55 = arith.constant 0 : i32
        %dma_wait3A_56 = tpu.memref_slice %arg9[%dma_wait3A_54, %dma_wait3A_55] : memref<5120x128xf32, #tpu.memory_space<vmem_shared>> -> memref<5120x128xf32, #tpu.memory_space<vmem_shared>>
        tpu.wait_indirect_dma semaphore(%run_scoped3A : memref<!tpu.dma_semaphore, #tpu.memory_space<semaphore_mem>>) src(%arg13 : memref<64x128xf32, #tpu.memory_space<vmem>>) dst(%dma_wait3A_56 : memref<5120x128xf32, #tpu.memory_space<vmem_shared>>)
        tpu.yield
      }) : () -> ()
      "tpu.region"() ({
        %run_scoped3A = tpu.sem_alloc : memref<!tpu.dma_semaphore, #tpu.memory_space<semaphore_mem>>
        %dma_start3A_45 = arith.constant 64 : i32
        %dma_start3A_46 = tpu.memref_slice %arg12[%mul3A_25, %dma_start3A_45] : memref<8x128xi32, #tpu.memory_space<vmem>> -> memref<1x64xi32, #tpu.memory_space<vmem>>
        %dma_start3A_47 = tpu.memref_squeeze %dma_start3A_46 : memref<1x64xi32, #tpu.memory_space<vmem>> -> memref<64xi32, #tpu.memory_space<vmem>>
        %dma_start3A_48 = arith.constant 0 : i32
        %dma_start3A_49 = arith.constant 0 : i32
        %dma_start3A_50 = tpu.memref_slice %arg9[%dma_start3A_48, %dma_start3A_49] : memref<5120x128xf32, #tpu.memory_space<vmem_shared>> -> memref<5120x128xf32, #tpu.memory_space<vmem_shared>>
        tpu.enqueue_indirect_dma source(%arg13 : memref<64x128xf32, #tpu.memory_space<vmem>>) target(%dma_start3A_50 : memref<5120x128xf32, #tpu.memory_space<vmem_shared>>) offsets(%dma_start3A_47 : memref<64xi32, #tpu.memory_space<vmem>>) semaphore(%run_scoped3A : memref<!tpu.dma_semaphore, #tpu.memory_space<semaphore_mem>>) {add = true}
        %dma_wait3A_51 = arith.constant 64 : i32
        %dma_wait3A_52 = tpu.memref_slice %arg12[%mul3A_25, %dma_wait3A_51] : memref<8x128xi32, #tpu.memory_space<vmem>> -> memref<1x64xi32, #tpu.memory_space<vmem>>
        %dma_wait3A_53 = tpu.memref_squeeze %dma_wait3A_52 : memref<1x64xi32, #tpu.memory_space<vmem>> -> memref<64xi32, #tpu.memory_space<vmem>>
        %dma_wait3A_54 = arith.constant 0 : i32
        %dma_wait3A_55 = arith.constant 0 : i32
        %dma_wait3A_56 = tpu.memref_slice %arg9[%dma_wait3A_54, %dma_wait3A_55] : memref<5120x128xf32, #tpu.memory_space<vmem_shared>> -> memref<5120x128xf32, #tpu.memory_space<vmem_shared>>
        tpu.wait_indirect_dma semaphore(%run_scoped3A : memref<!tpu.dma_semaphore, #tpu.memory_space<semaphore_mem>>) src(%arg13 : memref<64x128xf32, #tpu.memory_space<vmem>>) dst(%dma_wait3A_56 : memref<5120x128xf32, #tpu.memory_space<vmem_shared>>)
        tpu.yield
      }) : () -> ()
      %dma_wait3A_35 = arith.constant 0 : i32
      %dma_wait3A_36 = tpu.memref_slice %arg2[%multiple_of3A_18, %dma_wait3A_35] : memref<65536x128xf32, #tpu.memory_space<hbm>> -> memref<128x128xf32, #tpu.memory_space<hbm>>
      %dma_wait3A_37 = arith.constant 0 : i32
      %dma_wait3A_38 = tpu.memref_slice %arg2[%multiple_of3A_18, %dma_wait3A_37] : memref<65536x128xf32, #tpu.memory_space<hbm>> -> memref<128x128xf32, #tpu.memory_space<hbm>>
      tpu.wait_dma2 semaphore(%arg15 : memref<!tpu.dma_semaphore, #tpu.memory_space<semaphore_mem>>) src(%dma_wait3A_38 : memref<128x128xf32, #tpu.memory_space<hbm>>) dst(%arg11 : memref<128x128xf32, #tpu.memory_space<vmem>>)
      %lt3A = arith.constant 7 : i32
      %lt3A_39 = arith.cmpi slt, %scan3A_14, %lt3A : i32
      %convert_element_type3A_40 = arith.extui %lt3A_39 : i1 to i32
      %cond3A_41 = arith.constant 0 : i32
      %cond3A_42 = arith.cmpi ne, %convert_element_type3A_40, %cond3A_41 : i32
      scf.if %cond3A_42 {
        %add3A_45 = arith.constant 256 : i32
        %add3A_46 = arith.addi %multiple_of3A_18, %add3A_45 : i32
        %multiple_of3A_47 = tpu.assume_multiple %add3A_46, 8 : i32
        %dma_start3A_48 = arith.constant 0 : i32
        %dma_start3A_49 = tpu.memref_slice %arg2[%multiple_of3A_47, %dma_start3A_48] : memref<65536x128xf32, #tpu.memory_space<hbm>> -> memref<128x128xf32, #tpu.memory_space<hbm>>
        %dma_start3A_50 = arith.constant 0 : i32
        %dma_start3A_51 = tpu.memref_slice %arg2[%multiple_of3A_47, %dma_start3A_50] : memref<65536x128xf32, #tpu.memory_space<hbm>> -> memref<128x128xf32, #tpu.memory_space<hbm>>
        tpu.enqueue_dma source(%dma_start3A_51 : memref<128x128xf32, #tpu.memory_space<hbm>>) target(%arg10 : memref<128x128xf32, #tpu.memory_space<vmem>>) target_semaphore(%arg14 : memref<!tpu.dma_semaphore, #tpu.memory_space<semaphore_mem>>)
      } else {
      }
      %add3A_43 = arith.constant 1 : i32
      %add3A_44 = arith.addi %mul3A_25, %add3A_43 : i32
      "tpu.region"() ({
        %run_scoped3A = tpu.sem_alloc : memref<!tpu.dma_semaphore, #tpu.memory_space<semaphore_mem>>
        %dma_start3A_45 = arith.constant 0 : i32
        %dma_start3A_46 = tpu.memref_slice %arg12[%add3A_44, %dma_start3A_45] : memref<8x128xi32, #tpu.memory_space<vmem>> -> memref<1x128xi32, #tpu.memory_space<vmem>>
        %dma_start3A_47 = tpu.memref_squeeze %dma_start3A_46 : memref<1x128xi32, #tpu.memory_space<vmem>> -> memref<128xi32, #tpu.memory_space<vmem>>
        %dma_start3A_48 = arith.constant 0 : i32
        %dma_start3A_49 = arith.constant 0 : i32
        %dma_start3A_50 = tpu.memref_slice %arg8[%dma_start3A_48, %dma_start3A_49] : memref<5120x128xf32, #tpu.memory_space<vmem_shared>> -> memref<5120x128xf32, #tpu.memory_space<vmem_shared>>
        tpu.enqueue_indirect_dma source(%arg11 : memref<128x128xf32, #tpu.memory_space<vmem>>) target(%dma_start3A_50 : memref<5120x128xf32, #tpu.memory_space<vmem_shared>>) offsets(%dma_start3A_47 : memref<128xi32, #tpu.memory_space<vmem>>) semaphore(%run_scoped3A : memref<!tpu.dma_semaphore, #tpu.memory_space<semaphore_mem>>) {add = true}
        %dma_wait3A_51 = arith.constant 0 : i32
        %dma_wait3A_52 = tpu.memref_slice %arg12[%add3A_44, %dma_wait3A_51] : memref<8x128xi32, #tpu.memory_space<vmem>> -> memref<1x128xi32, #tpu.memory_space<vmem>>
        %dma_wait3A_53 = tpu.memref_squeeze %dma_wait3A_52 : memref<1x128xi32, #tpu.memory_space<vmem>> -> memref<128xi32, #tpu.memory_space<vmem>>
        %dma_wait3A_54 = arith.constant 0 : i32
        %dma_wait3A_55 = arith.constant 0 : i32
        %dma_wait3A_56 = tpu.memref_slice %arg8[%dma_wait3A_54, %dma_wait3A_55] : memref<5120x128xf32, #tpu.memory_space<vmem_shared>> -> memref<5120x128xf32, #tpu.memory_space<vmem_shared>>
        tpu.wait_indirect_dma semaphore(%run_scoped3A : memref<!tpu.dma_semaphore, #tpu.memory_space<semaphore_mem>>) src(%arg11 : memref<128x128xf32, #tpu.memory_space<vmem>>) dst(%dma_wait3A_56 : memref<5120x128xf32, #tpu.memory_space<vmem_shared>>)
        tpu.yield
      }) : () -> ()
      "tpu.region"() ({
        %run_scoped3A = tpu.sem_alloc : memref<!tpu.dma_semaphore, #tpu.memory_space<semaphore_mem>>
        %dma_start3A_45 = arith.constant 0 : i32
        %dma_start3A_46 = tpu.memref_slice %arg12[%add3A_44, %dma_start3A_45] : memref<8x128xi32, #tpu.memory_space<vmem>> -> memref<1x64xi32, #tpu.memory_space<vmem>>
        %dma_start3A_47 = tpu.memref_squeeze %dma_start3A_46 : memref<1x64xi32, #tpu.memory_space<vmem>> -> memref<64xi32, #tpu.memory_space<vmem>>
        %dma_start3A_48 = arith.constant 0 : i32
        %dma_start3A_49 = arith.constant 0 : i32
        %dma_start3A_50 = tpu.memref_slice %arg9[%dma_start3A_48, %dma_start3A_49] : memref<5120x128xf32, #tpu.memory_space<vmem_shared>> -> memref<5120x128xf32, #tpu.memory_space<vmem_shared>>
        tpu.enqueue_indirect_dma source(%arg13 : memref<64x128xf32, #tpu.memory_space<vmem>>) target(%dma_start3A_50 : memref<5120x128xf32, #tpu.memory_space<vmem_shared>>) offsets(%dma_start3A_47 : memref<64xi32, #tpu.memory_space<vmem>>) semaphore(%run_scoped3A : memref<!tpu.dma_semaphore, #tpu.memory_space<semaphore_mem>>) {add = true}
        %dma_wait3A_51 = arith.constant 0 : i32
        %dma_wait3A_52 = tpu.memref_slice %arg12[%add3A_44, %dma_wait3A_51] : memref<8x128xi32, #tpu.memory_space<vmem>> -> memref<1x64xi32, #tpu.memory_space<vmem>>
        %dma_wait3A_53 = tpu.memref_squeeze %dma_wait3A_52 : memref<1x64xi32, #tpu.memory_space<vmem>> -> memref<64xi32, #tpu.memory_space<vmem>>
        %dma_wait3A_54 = arith.constant 0 : i32
        %dma_wait3A_55 = arith.constant 0 : i32
        %dma_wait3A_56 = tpu.memref_slice %arg9[%dma_wait3A_54, %dma_wait3A_55] : memref<5120x128xf32, #tpu.memory_space<vmem_shared>> -> memref<5120x128xf32, #tpu.memory_space<vmem_shared>>
        tpu.wait_indirect_dma semaphore(%run_scoped3A : memref<!tpu.dma_semaphore, #tpu.memory_space<semaphore_mem>>) src(%arg13 : memref<64x128xf32, #tpu.memory_space<vmem>>) dst(%dma_wait3A_56 : memref<5120x128xf32, #tpu.memory_space<vmem_shared>>)
        tpu.yield
      }) : () -> ()
      "tpu.region"() ({
        %run_scoped3A = tpu.sem_alloc : memref<!tpu.dma_semaphore, #tpu.memory_space<semaphore_mem>>
        %dma_start3A_45 = arith.constant 64 : i32
        %dma_start3A_46 = tpu.memref_slice %arg12[%add3A_44, %dma_start3A_45] : memref<8x128xi32, #tpu.memory_space<vmem>> -> memref<1x64xi32, #tpu.memory_space<vmem>>
        %dma_start3A_47 = tpu.memref_squeeze %dma_start3A_46 : memref<1x64xi32, #tpu.memory_space<vmem>> -> memref<64xi32, #tpu.memory_space<vmem>>
        %dma_start3A_48 = arith.constant 0 : i32
        %dma_start3A_49 = arith.constant 0 : i32
        %dma_start3A_50 = tpu.memref_slice %arg9[%dma_start3A_48, %dma_start3A_49] : memref<5120x128xf32, #tpu.memory_space<vmem_shared>> -> memref<5120x128xf32, #tpu.memory_space<vmem_shared>>
        tpu.enqueue_indirect_dma source(%arg13 : memref<64x128xf32, #tpu.memory_space<vmem>>) target(%dma_start3A_50 : memref<5120x128xf32, #tpu.memory_space<vmem_shared>>) offsets(%dma_start3A_47 : memref<64xi32, #tpu.memory_space<vmem>>) semaphore(%run_scoped3A : memref<!tpu.dma_semaphore, #tpu.memory_space<semaphore_mem>>) {add = true}
        %dma_wait3A_51 = arith.constant 64 : i32
        %dma_wait3A_52 = tpu.memref_slice %arg12[%add3A_44, %dma_wait3A_51] : memref<8x128xi32, #tpu.memory_space<vmem>> -> memref<1x64xi32, #tpu.memory_space<vmem>>
        %dma_wait3A_53 = tpu.memref_squeeze %dma_wait3A_52 : memref<1x64xi32, #tpu.memory_space<vmem>> -> memref<64xi32, #tpu.memory_space<vmem>>
        %dma_wait3A_54 = arith.constant 0 : i32
        %dma_wait3A_55 = arith.constant 0 : i32
        %dma_wait3A_56 = tpu.memref_slice %arg9[%dma_wait3A_54, %dma_wait3A_55] : memref<5120x128xf32, #tpu.memory_space<vmem_shared>> -> memref<5120x128xf32, #tpu.memory_space<vmem_shared>>
        tpu.wait_indirect_dma semaphore(%run_scoped3A : memref<!tpu.dma_semaphore, #tpu.memory_space<semaphore_mem>>) src(%arg13 : memref<64x128xf32, #tpu.memory_space<vmem>>) dst(%dma_wait3A_56 : memref<5120x128xf32, #tpu.memory_space<vmem_shared>>)
        tpu.yield
      }) : () -> ()
    }
    %scan3A_12 = arith.constant 8 : i32
    %barrier3A_13 = arith.constant 0 : index
    tpu.barrier barrier_id(%barrier3A_13)
    "tpu.region"() ({
      %run_scoped3A = tpu.sem_alloc : memref<!tpu.dma_semaphore, #tpu.memory_space<semaphore_mem>>
      %dma_start3A_14 = arith.constant 0 : i32
      %dma_start3A_15 = tpu.memref_slice %arg6[%arg0, %mul3A_4, %dma_start3A_14] : memref<2x5120x128xf32, #tpu.memory_space<hbm>> -> memref<1x320x128xf32, #tpu.memory_space<hbm>>
      %dma_start3A_16 = tpu.memref_squeeze %dma_start3A_15 : memref<1x320x128xf32, #tpu.memory_space<hbm>> -> memref<320x128xf32, #tpu.memory_space<hbm>>
      %dma_start3A_17 = arith.constant 0 : i32
      %dma_start3A_18 = tpu.memref_slice %arg8[%mul3A_4, %dma_start3A_17] : memref<5120x128xf32, #tpu.memory_space<vmem_shared>> -> memref<320x128xf32, #tpu.memory_space<vmem_shared>>
      tpu.enqueue_dma source(%dma_start3A_18 : memref<320x128xf32, #tpu.memory_space<vmem_shared>>) target(%dma_start3A_16 : memref<320x128xf32, #tpu.memory_space<hbm>>) target_semaphore(%run_scoped3A : memref<!tpu.dma_semaphore, #tpu.memory_space<semaphore_mem>>)
      %dma_wait3A = arith.constant 0 : i32
      %dma_wait3A_19 = tpu.memref_slice %arg6[%arg0, %mul3A_4, %dma_wait3A] : memref<2x5120x128xf32, #tpu.memory_space<hbm>> -> memref<1x320x128xf32, #tpu.memory_space<hbm>>
      %dma_wait3A_20 = tpu.memref_squeeze %dma_wait3A_19 : memref<1x320x128xf32, #tpu.memory_space<hbm>> -> memref<320x128xf32, #tpu.memory_space<hbm>>
      %dma_wait3A_21 = arith.constant 0 : i32
      %dma_wait3A_22 = tpu.memref_slice %arg8[%mul3A_4, %dma_wait3A_21] : memref<5120x128xf32, #tpu.memory_space<vmem_shared>> -> memref<320x128xf32, #tpu.memory_space<vmem_shared>>
      tpu.wait_dma2 semaphore(%run_scoped3A : memref<!tpu.dma_semaphore, #tpu.memory_space<semaphore_mem>>) src(%dma_wait3A_22 : memref<320x128xf32, #tpu.memory_space<vmem_shared>>) dst(%dma_wait3A_20 : memref<320x128xf32, #tpu.memory_space<hbm>>)
      tpu.yield
    }) : () -> ()
    "tpu.region"() ({
      %run_scoped3A = tpu.sem_alloc : memref<!tpu.dma_semaphore, #tpu.memory_space<semaphore_mem>>
      %dma_start3A_14 = arith.constant 0 : i32
      %dma_start3A_15 = tpu.memref_slice %arg7[%arg0, %mul3A_4, %dma_start3A_14] : memref<2x5120x128xf32, #tpu.memory_space<hbm>> -> memref<1x320x128xf32, #tpu.memory_space<hbm>>
      %dma_start3A_16 = tpu.memref_squeeze %dma_start3A_15 : memref<1x320x128xf32, #tpu.memory_space<hbm>> -> memref<320x128xf32, #tpu.memory_space<hbm>>
      %dma_start3A_17 = arith.constant 0 : i32
      %dma_start3A_18 = tpu.memref_slice %arg9[%mul3A_4, %dma_start3A_17] : memref<5120x128xf32, #tpu.memory_space<vmem_shared>> -> memref<320x128xf32, #tpu.memory_space<vmem_shared>>
      tpu.enqueue_dma source(%dma_start3A_18 : memref<320x128xf32, #tpu.memory_space<vmem_shared>>) target(%dma_start3A_16 : memref<320x128xf32, #tpu.memory_space<hbm>>) target_semaphore(%run_scoped3A : memref<!tpu.dma_semaphore, #tpu.memory_space<semaphore_mem>>)
      %dma_wait3A = arith.constant 0 : i32
      %dma_wait3A_19 = tpu.memref_slice %arg7[%arg0, %mul3A_4, %dma_wait3A] : memref<2x5120x128xf32, #tpu.memory_space<hbm>> -> memref<1x320x128xf32, #tpu.memory_space<hbm>>
      %dma_wait3A_20 = tpu.memref_squeeze %dma_wait3A_19 : memref<1x320x128xf32, #tpu.memory_space<hbm>> -> memref<320x128xf32, #tpu.memory_space<hbm>>
      %dma_wait3A_21 = arith.constant 0 : i32
      %dma_wait3A_22 = tpu.memref_slice %arg9[%mul3A_4, %dma_wait3A_21] : memref<5120x128xf32, #tpu.memory_space<vmem_shared>> -> memref<320x128xf32, #tpu.memory_space<vmem_shared>>
      tpu.wait_dma2 semaphore(%run_scoped3A : memref<!tpu.dma_semaphore, #tpu.memory_space<semaphore_mem>>) src(%dma_wait3A_22 : memref<320x128xf32, #tpu.memory_space<vmem_shared>>) dst(%dma_wait3A_20 : memref<320x128xf32, #tpu.memory_space<hbm>>)
      tpu.yield
    }) : () -> ()
    return
  }
}

#map = affine_map<(d0, d1) -> (0, 0)>
#map1 = affine_map<(d0, d1) -> (0, 0, 0)>
module attributes {stable_mosaic.version = 14 : i64} {
  func.func @_seg_body(%arg0: i32, %arg1: i32, %arg2: memref<65536x128xf32, #tpu.memory_space<hbm>>, %arg3: memref<512x128xi32, #tpu.memory_space<hbm>>, %arg4: memref<320x128xf32, #tpu.memory_space<hbm>>, %arg5: memref<64x128xf32, #tpu.memory_space<hbm>>, %arg6: memref<2x5120x128xf32, #tpu.memory_space<hbm>>, %arg7: memref<2x5120x128xf32, #tpu.memory_space<hbm>>, %arg8: memref<5120x128xf32, #tpu.memory_space<vmem_shared>>, %arg9: memref<5120x128xf32, #tpu.memory_space<vmem_shared>>, %arg10: memref<128x128xf32, #tpu.memory_space<vmem>>, %arg11: memref<128x128xf32, #tpu.memory_space<vmem>>, %arg12: memref<8x128xi32, #tpu.memory_space<vmem>>, %arg13: memref<64x128xf32, #tpu.memory_space<vmem>>, %arg14: memref<!tpu.dma_semaphore, #tpu.memory_space<semaphore_mem>>, %arg15: memref<!tpu.dma_semaphore, #tpu.memory_space<semaphore_mem>>) attributes {dimension_semantics = [#tpu.dimension_semantics<core_parallel>, #tpu.dimension_semantics<subcore_parallel>], iteration_bounds = array<i64: 2, 16>, scalar_prefetch = 0 : i64, scratch_operands = 8 : i64, tpu.core_type = #tpu.core_type<sc_vector_subcore>, window_params = [{transform_indices = #map}, {transform_indices = #map}, {transform_indices = #map}, {transform_indices = #map}, {transform_indices = #map1}, {transform_indices = #map1}]} {
    %mul3A = arith.constant 16 : i32
    %mul3A_0 = arith.muli %arg0, %mul3A : i32
    %add3A = arith.addi %mul3A_0, %arg1 : i32
    %mul3A_1 = arith.constant 2048 : i32
    %mul3A_2 = arith.muli %add3A, %mul3A_1 : i32
    %mul3A_3 = arith.constant 320 : i32
    %mul3A_4 = arith.muli %arg1, %mul3A_3 : i32
    "tpu.region"() ({
      %run_scoped3A = tpu.sem_alloc : memref<!tpu.dma_semaphore, #tpu.memory_space<semaphore_mem>>
      %dma_start3A_14 = arith.constant 0 : i32
      %dma_start3A_15 = tpu.memref_slice %arg8[%mul3A_4, %dma_start3A_14] : memref<5120x128xf32, #tpu.memory_space<vmem_shared>> -> memref<320x128xf32, #tpu.memory_space<vmem_shared>>
      tpu.enqueue_dma source(%arg4 : memref<320x128xf32, #tpu.memory_space<hbm>>) target(%dma_start3A_15 : memref<320x128xf32, #tpu.memory_space<vmem_shared>>) target_semaphore(%run_scoped3A : memref<!tpu.dma_semaphore, #tpu.memory_space<semaphore_mem>>)
      %dma_wait3A = arith.constant 0 : i32
      %dma_wait3A_16 = tpu.memref_slice %arg8[%mul3A_4, %dma_wait3A] : memref<5120x128xf32, #tpu.memory_space<vmem_shared>> -> memref<320x128xf32, #tpu.memory_space<vmem_shared>>
      tpu.wait_dma2 semaphore(%run_scoped3A : memref<!tpu.dma_semaphore, #tpu.memory_space<semaphore_mem>>) src(%arg4 : memref<320x128xf32, #tpu.memory_space<hbm>>) dst(%dma_wait3A_16 : memref<320x128xf32, #tpu.memory_space<vmem_shared>>)
      tpu.yield
    }) : () -> ()
    "tpu.region"() ({
      %run_scoped3A = tpu.sem_alloc : memref<!tpu.dma_semaphore, #tpu.memory_space<semaphore_mem>>
      %dma_start3A_14 = arith.constant 0 : i32
      %dma_start3A_15 = tpu.memref_slice %arg9[%mul3A_4, %dma_start3A_14] : memref<5120x128xf32, #tpu.memory_space<vmem_shared>> -> memref<320x128xf32, #tpu.memory_space<vmem_shared>>
      tpu.enqueue_dma source(%arg4 : memref<320x128xf32, #tpu.memory_space<hbm>>) target(%dma_start3A_15 : memref<320x128xf32, #tpu.memory_space<vmem_shared>>) target_semaphore(%run_scoped3A : memref<!tpu.dma_semaphore, #tpu.memory_space<semaphore_mem>>)
      %dma_wait3A = arith.constant 0 : i32
      %dma_wait3A_16 = tpu.memref_slice %arg9[%mul3A_4, %dma_wait3A] : memref<5120x128xf32, #tpu.memory_space<vmem_shared>> -> memref<320x128xf32, #tpu.memory_space<vmem_shared>>
      tpu.wait_dma2 semaphore(%run_scoped3A : memref<!tpu.dma_semaphore, #tpu.memory_space<semaphore_mem>>) src(%arg4 : memref<320x128xf32, #tpu.memory_space<hbm>>) dst(%dma_wait3A_16 : memref<320x128xf32, #tpu.memory_space<vmem_shared>>)
      tpu.yield
    }) : () -> ()
    "tpu.region"() ({
      %run_scoped3A = tpu.sem_alloc : memref<!tpu.dma_semaphore, #tpu.memory_space<semaphore_mem>>
      tpu.enqueue_dma source(%arg5 : memref<64x128xf32, #tpu.memory_space<hbm>>) target(%arg13 : memref<64x128xf32, #tpu.memory_space<vmem>>) target_semaphore(%run_scoped3A : memref<!tpu.dma_semaphore, #tpu.memory_space<semaphore_mem>>)
      tpu.wait_dma2 semaphore(%run_scoped3A : memref<!tpu.dma_semaphore, #tpu.memory_space<semaphore_mem>>) src(%arg5 : memref<64x128xf32, #tpu.memory_space<hbm>>) dst(%arg13 : memref<64x128xf32, #tpu.memory_space<vmem>>)
      tpu.yield
    }) : () -> ()
    %barrier3A = arith.constant 0 : index
    tpu.barrier barrier_id(%barrier3A)
    %multiple_of3A = tpu.assume_multiple %mul3A_2, 8 : i32
    %dma_start3A = arith.constant 0 : i32
    %dma_start3A_5 = tpu.memref_slice %arg2[%multiple_of3A, %dma_start3A] : memref<65536x128xf32, #tpu.memory_space<hbm>> -> memref<128x128xf32, #tpu.memory_space<hbm>>
    %dma_start3A_6 = arith.constant 0 : i32
    %dma_start3A_7 = tpu.memref_slice %arg2[%multiple_of3A, %dma_start3A_6] : memref<65536x128xf32, #tpu.memory_space<hbm>> -> memref<128x128xf32, #tpu.memory_space<hbm>>
    tpu.enqueue_dma source(%dma_start3A_7 : memref<128x128xf32, #tpu.memory_space<hbm>>) target(%arg10 : memref<128x128xf32, #tpu.memory_space<vmem>>) target_semaphore(%arg14 : memref<!tpu.dma_semaphore, #tpu.memory_space<semaphore_mem>>)
    %scan3A = arith.constant 0 : i32
    %scan3A_8 = arith.constant 0 : i32
    %scan3A_9 = arith.constant 8 : i32
    %scan3A_10 = arith.addi %scan3A_8, %scan3A_9 : i32
    %scan3A_11 = arith.constant 1 : i32
    scf.for %scan3A_14 = %scan3A_8 to %scan3A_10 step %scan3A_11  : i32 {
      %mul3A_15 = arith.constant 256 : i32
      %mul3A_16 = arith.muli %scan3A_14, %mul3A_15 : i32
      %add3A_17 = arith.addi %mul3A_2, %mul3A_16 : i32
      %multiple_of3A_18 = tpu.assume_multiple %add3A_17, 8 : i32
      %rem3A = arith.constant 4 : i32
      %rem3A_19 = arith.remsi %scan3A_14, %rem3A : i32
      %eq3A = arith.constant 0 : i32
      %eq3A_20 = arith.cmpi eq, %rem3A_19, %eq3A : i32
      %convert_element_type3A = arith.extui %eq3A_20 : i1 to i32
      %cond3A = arith.constant 0 : i32
      %cond3A_21 = arith.cmpi ne, %convert_element_type3A, %cond3A : i32
      scf.if %cond3A_21 {
        %jit3A = arith.constant 128 : i32
        %div3A = arith.divsi %mul3A_2, %jit3A : i32
        %sign3A = arith.constant 0 : i32
        %sign3A_45 = arith.cmpi sgt, %mul3A_2, %sign3A : i32
        %sign3A_46 = arith.extui %sign3A_45 : i1 to i32
        %sign3A_47 = arith.constant 0 : i32
        %sign3A_48 = arith.cmpi slt, %mul3A_2, %sign3A_47 : i32
        %sign3A_49 = arith.extui %sign3A_48 : i1 to i32
        %sign3A_50 = arith.subi %sign3A_46, %sign3A_49 : i32
        %sign3A_51 = arith.constant 0 : i32
        %sign3A_52 = arith.cmpi sgt, %jit3A, %sign3A_51 : i32
        %sign3A_53 = arith.extui %sign3A_52 : i1 to i32
        %sign3A_54 = arith.constant 0 : i32
        %sign3A_55 = arith.cmpi slt, %jit3A, %sign3A_54 : i32
        %sign3A_56 = arith.extui %sign3A_55 : i1 to i32
        %sign3A_57 = arith.subi %sign3A_53, %sign3A_56 : i32
        %ne3A = arith.cmpi ne, %sign3A_50, %sign3A_57 : i32
        %rem3A_58 = arith.remsi %mul3A_2, %jit3A : i32
        %ne3A_59 = arith.constant 0 : i32
        %ne3A_60 = arith.cmpi ne, %rem3A_58, %ne3A_59 : i32
        %and3A = arith.andi %ne3A, %ne3A_60 : i1
        %sub3A = arith.constant 1 : i32
        %sub3A_61 = arith.subi %div3A, %sub3A : i32
        %select_n3A = arith.select %and3A, %sub3A_61, %div3A : i32
        %jit3A_62 = arith.constant 4 : i32
        %div3A_63 = arith.divsi %scan3A_14, %jit3A_62 : i32
        %sign3A_64 = arith.constant 0 : i32
        %sign3A_65 = arith.cmpi sgt, %scan3A_14, %sign3A_64 : i32
        %sign3A_66 = arith.extui %sign3A_65 : i1 to i32
        %sign3A_67 = arith.constant 0 : i32
        %sign3A_68 = arith.cmpi slt, %scan3A_14, %sign3A_67 : i32
        %sign3A_69 = arith.extui %sign3A_68 : i1 to i32
        %sign3A_70 = arith.subi %sign3A_66, %sign3A_69 : i32
        %sign3A_71 = arith.constant 0 : i32
        %sign3A_72 = arith.cmpi sgt, %jit3A_62, %sign3A_71 : i32
        %sign3A_73 = arith.extui %sign3A_72 : i1 to i32
        %sign3A_74 = arith.constant 0 : i32
        %sign3A_75 = arith.cmpi slt, %jit3A_62, %sign3A_74 : i32
        %sign3A_76 = arith.extui %sign3A_75 : i1 to i32
        %sign3A_77 = arith.subi %sign3A_73, %sign3A_76 : i32
        %ne3A_78 = arith.cmpi ne, %sign3A_70, %sign3A_77 : i32
        %rem3A_79 = arith.remsi %scan3A_14, %jit3A_62 : i32
        %ne3A_80 = arith.constant 0 : i32
        %ne3A_81 = arith.cmpi ne, %rem3A_79, %ne3A_80 : i32
        %and3A_82 = arith.andi %ne3A_78, %ne3A_81 : i1
        %sub3A_83 = arith.constant 1 : i32
        %sub3A_84 = arith.subi %div3A_63, %sub3A_83 : i32
        %select_n3A_85 = arith.select %and3A_82, %sub3A_84, %div3A_63 : i32
        %mul3A_86 = arith.constant 8 : i32
        %mul3A_87 = arith.muli %select_n3A_85, %mul3A_86 : i32
        %add3A_88 = arith.addi %select_n3A, %mul3A_87 : i32
        %multiple_of3A_89 = tpu.assume_multiple %add3A_88, 8 : i32
        "tpu.region"() ({
          %run_scoped3A = tpu.sem_alloc : memref<!tpu.dma_semaphore, #tpu.memory_space<semaphore_mem>>
          %dma_start3A_90 = arith.constant 0 : i32
          %dma_start3A_91 = tpu.memref_slice %arg3[%multiple_of3A_89, %dma_start3A_90] : memref<512x128xi32, #tpu.memory_space<hbm>> -> memref<8x128xi32, #tpu.memory_space<hbm>>
          %dma_start3A_92 = arith.constant 0 : i32
          %dma_start3A_93 = tpu.memref_slice %arg3[%multiple_of3A_89, %dma_start3A_92] : memref<512x128xi32, #tpu.memory_space<hbm>> -> memref<8x128xi32, #tpu.memory_space<hbm>>
          tpu.enqueue_dma source(%dma_start3A_93 : memref<8x128xi32, #tpu.memory_space<hbm>>) target(%arg12 : memref<8x128xi32, #tpu.memory_space<vmem>>) target_semaphore(%run_scoped3A : memref<!tpu.dma_semaphore, #tpu.memory_space<semaphore_mem>>)
          %dma_wait3A_94 = arith.constant 0 : i32
          %dma_wait3A_95 = tpu.memref_slice %arg3[%multiple_of3A_89, %dma_wait3A_94] : memref<512x128xi32, #tpu.memory_space<hbm>> -> memref<8x128xi32, #tpu.memory_space<hbm>>
          %dma_wait3A_96 = arith.constant 0 : i32
          %dma_wait3A_97 = tpu.memref_slice %arg3[%multiple_of3A_89, %dma_wait3A_96] : memref<512x128xi32, #tpu.memory_space<hbm>> -> memref<8x128xi32, #tpu.memory_space<hbm>>
          tpu.wait_dma2 semaphore(%run_scoped3A : memref<!tpu.dma_semaphore, #tpu.memory_space<semaphore_mem>>) src(%dma_wait3A_97 : memref<8x128xi32, #tpu.memory_space<hbm>>) dst(%arg12 : memref<8x128xi32, #tpu.memory_space<vmem>>)
          tpu.yield
        }) : () -> ()
      } else {
      }
      %rem3A_22 = arith.constant 4 : i32
      %rem3A_23 = arith.remsi %scan3A_14, %rem3A_22 : i32
      %mul3A_24 = arith.constant 2 : i32
      %mul3A_25 = arith.muli %rem3A_23, %mul3A_24 : i32
      %dma_wait3A = arith.constant 0 : i32
      %dma_wait3A_26 = tpu.memref_slice %arg2[%multiple_of3A_18, %dma_wait3A] : memref<65536x128xf32, #tpu.memory_space<hbm>> -> memref<128x128xf32, #tpu.memory_space<hbm>>
      %dma_wait3A_27 = arith.constant 0 : i32
      %dma_wait3A_28 = tpu.memref_slice %arg2[%multiple_of3A_18, %dma_wait3A_27] : memref<65536x128xf32, #tpu.memory_space<hbm>> -> memref<128x128xf32, #tpu.memory_space<hbm>>
      tpu.wait_dma2 semaphore(%arg14 : memref<!tpu.dma_semaphore, #tpu.memory_space<semaphore_mem>>) src(%dma_wait3A_28 : memref<128x128xf32, #tpu.memory_space<hbm>>) dst(%arg10 : memref<128x128xf32, #tpu.memory_space<vmem>>)
      %add3A_29 = arith.constant 128 : i32
      %add3A_30 = arith.addi %multiple_of3A_18, %add3A_29 : i32
      %dma_start3A_31 = arith.constant 0 : i32
      %dma_start3A_32 = tpu.memref_slice %arg2[%add3A_30, %dma_start3A_31] : memref<65536x128xf32, #tpu.memory_space<hbm>> -> memref<128x128xf32, #tpu.memory_space<hbm>>
      %dma_start3A_33 = arith.constant 0 : i32
      %dma_start3A_34 = tpu.memref_slice %arg2[%add3A_30, %dma_start3A_33] : memref<65536x128xf32, #tpu.memory_space<hbm>> -> memref<128x128xf32, #tpu.memory_space<hbm>>
      tpu.enqueue_dma source(%dma_start3A_34 : memref<128x128xf32, #tpu.memory_space<hbm>>) target(%arg11 : memref<128x128xf32, #tpu.memory_space<vmem>>) target_semaphore(%arg15 : memref<!tpu.dma_semaphore, #tpu.memory_space<semaphore_mem>>)
      "tpu.region"() ({
        %run_scoped3A = tpu.sem_alloc : memref<!tpu.dma_semaphore, #tpu.memory_space<semaphore_mem>>
        %dma_start3A_45 = arith.constant 0 : i32
        %dma_start3A_46 = tpu.memref_slice %arg12[%mul3A_25, %dma_start3A_45] : memref<8x128xi32, #tpu.memory_space<vmem>> -> memref<1x128xi32, #tpu.memory_space<vmem>>
        %dma_start3A_47 = tpu.memref_squeeze %dma_start3A_46 : memref<1x128xi32, #tpu.memory_space<vmem>> -> memref<128xi32, #tpu.memory_space<vmem>>
        %dma_start3A_48 = arith.constant 0 : i32
        %dma_start3A_49 = arith.constant 0 : i32
        %dma_start3A_50 = tpu.memref_slice %arg8[%dma_start3A_48, %dma_start3A_49] : memref<5120x128xf32, #tpu.memory_space<vmem_shared>> -> memref<5120x128xf32, #tpu.memory_space<vmem_shared>>
        tpu.enqueue_indirect_dma source(%arg10 : memref<128x128xf32, #tpu.memory_space<vmem>>) target(%dma_start3A_50 : memref<5120x128xf32, #tpu.memory_space<vmem_shared>>) offsets(%dma_start3A_47 : memref<128xi32, #tpu.memory_space<vmem>>) semaphore(%run_scoped3A : memref<!tpu.dma_semaphore, #tpu.memory_space<semaphore_mem>>) {add = true}
        %dma_wait3A_51 = arith.constant 0 : i32
        %dma_wait3A_52 = tpu.memref_slice %arg12[%mul3A_25, %dma_wait3A_51] : memref<8x128xi32, #tpu.memory_space<vmem>> -> memref<1x128xi32, #tpu.memory_space<vmem>>
        %dma_wait3A_53 = tpu.memref_squeeze %dma_wait3A_52 : memref<1x128xi32, #tpu.memory_space<vmem>> -> memref<128xi32, #tpu.memory_space<vmem>>
        %dma_wait3A_54 = arith.constant 0 : i32
        %dma_wait3A_55 = arith.constant 0 : i32
        %dma_wait3A_56 = tpu.memref_slice %arg8[%dma_wait3A_54, %dma_wait3A_55] : memref<5120x128xf32, #tpu.memory_space<vmem_shared>> -> memref<5120x128xf32, #tpu.memory_space<vmem_shared>>
        tpu.wait_indirect_dma semaphore(%run_scoped3A : memref<!tpu.dma_semaphore, #tpu.memory_space<semaphore_mem>>) src(%arg10 : memref<128x128xf32, #tpu.memory_space<vmem>>) dst(%dma_wait3A_56 : memref<5120x128xf32, #tpu.memory_space<vmem_shared>>)
        tpu.yield
      }) : () -> ()
      "tpu.region"() ({
        %run_scoped3A = tpu.sem_alloc : memref<!tpu.dma_semaphore, #tpu.memory_space<semaphore_mem>>
        %dma_start3A_45 = arith.constant 0 : i32
        %dma_start3A_46 = tpu.memref_slice %arg12[%mul3A_25, %dma_start3A_45] : memref<8x128xi32, #tpu.memory_space<vmem>> -> memref<1x64xi32, #tpu.memory_space<vmem>>
        %dma_start3A_47 = tpu.memref_squeeze %dma_start3A_46 : memref<1x64xi32, #tpu.memory_space<vmem>> -> memref<64xi32, #tpu.memory_space<vmem>>
        %dma_start3A_48 = arith.constant 0 : i32
        %dma_start3A_49 = arith.constant 0 : i32
        %dma_start3A_50 = tpu.memref_slice %arg9[%dma_start3A_48, %dma_start3A_49] : memref<5120x128xf32, #tpu.memory_space<vmem_shared>> -> memref<5120x128xf32, #tpu.memory_space<vmem_shared>>
        tpu.enqueue_indirect_dma source(%arg13 : memref<64x128xf32, #tpu.memory_space<vmem>>) target(%dma_start3A_50 : memref<5120x128xf32, #tpu.memory_space<vmem_shared>>) offsets(%dma_start3A_47 : memref<64xi32, #tpu.memory_space<vmem>>) semaphore(%run_scoped3A : memref<!tpu.dma_semaphore, #tpu.memory_space<semaphore_mem>>) {add = true}
        %dma_wait3A_51 = arith.constant 0 : i32
        %dma_wait3A_52 = tpu.memref_slice %arg12[%mul3A_25, %dma_wait3A_51] : memref<8x128xi32, #tpu.memory_space<vmem>> -> memref<1x64xi32, #tpu.memory_space<vmem>>
        %dma_wait3A_53 = tpu.memref_squeeze %dma_wait3A_52 : memref<1x64xi32, #tpu.memory_space<vmem>> -> memref<64xi32, #tpu.memory_space<vmem>>
        %dma_wait3A_54 = arith.constant 0 : i32
        %dma_wait3A_55 = arith.constant 0 : i32
        %dma_wait3A_56 = tpu.memref_slice %arg9[%dma_wait3A_54, %dma_wait3A_55] : memref<5120x128xf32, #tpu.memory_space<vmem_shared>> -> memref<5120x128xf32, #tpu.memory_space<vmem_shared>>
        tpu.wait_indirect_dma semaphore(%run_scoped3A : memref<!tpu.dma_semaphore, #tpu.memory_space<semaphore_mem>>) src(%arg13 : memref<64x128xf32, #tpu.memory_space<vmem>>) dst(%dma_wait3A_56 : memref<5120x128xf32, #tpu.memory_space<vmem_shared>>)
        tpu.yield
      }) : () -> ()
      "tpu.region"() ({
        %run_scoped3A = tpu.sem_alloc : memref<!tpu.dma_semaphore, #tpu.memory_space<semaphore_mem>>
        %dma_start3A_45 = arith.constant 64 : i32
        %dma_start3A_46 = tpu.memref_slice %arg12[%mul3A_25, %dma_start3A_45] : memref<8x128xi32, #tpu.memory_space<vmem>> -> memref<1x64xi32, #tpu.memory_space<vmem>>
        %dma_start3A_47 = tpu.memref_squeeze %dma_start3A_46 : memref<1x64xi32, #tpu.memory_space<vmem>> -> memref<64xi32, #tpu.memory_space<vmem>>
        %dma_start3A_48 = arith.constant 0 : i32
        %dma_start3A_49 = arith.constant 0 : i32
        %dma_start3A_50 = tpu.memref_slice %arg9[%dma_start3A_48, %dma_start3A_49] : memref<5120x128xf32, #tpu.memory_space<vmem_shared>> -> memref<5120x128xf32, #tpu.memory_space<vmem_shared>>
        tpu.enqueue_indirect_dma source(%arg13 : memref<64x128xf32, #tpu.memory_space<vmem>>) target(%dma_start3A_50 : memref<5120x128xf32, #tpu.memory_space<vmem_shared>>) offsets(%dma_start3A_47 : memref<64xi32, #tpu.memory_space<vmem>>) semaphore(%run_scoped3A : memref<!tpu.dma_semaphore, #tpu.memory_space<semaphore_mem>>) {add = true}
        %dma_wait3A_51 = arith.constant 64 : i32
        %dma_wait3A_52 = tpu.memref_slice %arg12[%mul3A_25, %dma_wait3A_51] : memref<8x128xi32, #tpu.memory_space<vmem>> -> memref<1x64xi32, #tpu.memory_space<vmem>>
        %dma_wait3A_53 = tpu.memref_squeeze %dma_wait3A_52 : memref<1x64xi32, #tpu.memory_space<vmem>> -> memref<64xi32, #tpu.memory_space<vmem>>
        %dma_wait3A_54 = arith.constant 0 : i32
        %dma_wait3A_55 = arith.constant 0 : i32
        %dma_wait3A_56 = tpu.memref_slice %arg9[%dma_wait3A_54, %dma_wait3A_55] : memref<5120x128xf32, #tpu.memory_space<vmem_shared>> -> memref<5120x128xf32, #tpu.memory_space<vmem_shared>>
        tpu.wait_indirect_dma semaphore(%run_scoped3A : memref<!tpu.dma_semaphore, #tpu.memory_space<semaphore_mem>>) src(%arg13 : memref<64x128xf32, #tpu.memory_space<vmem>>) dst(%dma_wait3A_56 : memref<5120x128xf32, #tpu.memory_space<vmem_shared>>)
        tpu.yield
      }) : () -> ()
      %dma_wait3A_35 = arith.constant 0 : i32
      %dma_wait3A_36 = tpu.memref_slice %arg2[%multiple_of3A_18, %dma_wait3A_35] : memref<65536x128xf32, #tpu.memory_space<hbm>> -> memref<128x128xf32, #tpu.memory_space<hbm>>
      %dma_wait3A_37 = arith.constant 0 : i32
      %dma_wait3A_38 = tpu.memref_slice %arg2[%multiple_of3A_18, %dma_wait3A_37] : memref<65536x128xf32, #tpu.memory_space<hbm>> -> memref<128x128xf32, #tpu.memory_space<hbm>>
      tpu.wait_dma2 semaphore(%arg15 : memref<!tpu.dma_semaphore, #tpu.memory_space<semaphore_mem>>) src(%dma_wait3A_38 : memref<128x128xf32, #tpu.memory_space<hbm>>) dst(%arg11 : memref<128x128xf32, #tpu.memory_space<vmem>>)
      %lt3A = arith.constant 7 : i32
      %lt3A_39 = arith.cmpi slt, %scan3A_14, %lt3A : i32
      %convert_element_type3A_40 = arith.extui %lt3A_39 : i1 to i32
      %cond3A_41 = arith.constant 0 : i32
      %cond3A_42 = arith.cmpi ne, %convert_element_type3A_40, %cond3A_41 : i32
      scf.if %cond3A_42 {
        %add3A_45 = arith.constant 256 : i32
        %add3A_46 = arith.addi %multiple_of3A_18, %add3A_45 : i32
        %multiple_of3A_47 = tpu.assume_multiple %add3A_46, 8 : i32
        %dma_start3A_48 = arith.constant 0 : i32
        %dma_start3A_49 = tpu.memref_slice %arg2[%multiple_of3A_47, %dma_start3A_48] : memref<65536x128xf32, #tpu.memory_space<hbm>> -> memref<128x128xf32, #tpu.memory_space<hbm>>
        %dma_start3A_50 = arith.constant 0 : i32
        %dma_start3A_51 = tpu.memref_slice %arg2[%multiple_of3A_47, %dma_start3A_50] : memref<65536x128xf32, #tpu.memory_space<hbm>> -> memref<128x128xf32, #tpu.memory_space<hbm>>
        tpu.enqueue_dma source(%dma_start3A_51 : memref<128x128xf32, #tpu.memory_space<hbm>>) target(%arg10 : memref<128x128xf32, #tpu.memory_space<vmem>>) target_semaphore(%arg14 : memref<!tpu.dma_semaphore, #tpu.memory_space<semaphore_mem>>)
      } else {
      }
      %add3A_43 = arith.constant 1 : i32
      %add3A_44 = arith.addi %mul3A_25, %add3A_43 : i32
      "tpu.region"() ({
        %run_scoped3A = tpu.sem_alloc : memref<!tpu.dma_semaphore, #tpu.memory_space<semaphore_mem>>
        %dma_start3A_45 = arith.constant 0 : i32
        %dma_start3A_46 = tpu.memref_slice %arg12[%add3A_44, %dma_start3A_45] : memref<8x128xi32, #tpu.memory_space<vmem>> -> memref<1x128xi32, #tpu.memory_space<vmem>>
        %dma_start3A_47 = tpu.memref_squeeze %dma_start3A_46 : memref<1x128xi32, #tpu.memory_space<vmem>> -> memref<128xi32, #tpu.memory_space<vmem>>
        %dma_start3A_48 = arith.constant 0 : i32
        %dma_start3A_49 = arith.constant 0 : i32
        %dma_start3A_50 = tpu.memref_slice %arg8[%dma_start3A_48, %dma_start3A_49] : memref<5120x128xf32, #tpu.memory_space<vmem_shared>> -> memref<5120x128xf32, #tpu.memory_space<vmem_shared>>
        tpu.enqueue_indirect_dma source(%arg11 : memref<128x128xf32, #tpu.memory_space<vmem>>) target(%dma_start3A_50 : memref<5120x128xf32, #tpu.memory_space<vmem_shared>>) offsets(%dma_start3A_47 : memref<128xi32, #tpu.memory_space<vmem>>) semaphore(%run_scoped3A : memref<!tpu.dma_semaphore, #tpu.memory_space<semaphore_mem>>) {add = true}
        %dma_wait3A_51 = arith.constant 0 : i32
        %dma_wait3A_52 = tpu.memref_slice %arg12[%add3A_44, %dma_wait3A_51] : memref<8x128xi32, #tpu.memory_space<vmem>> -> memref<1x128xi32, #tpu.memory_space<vmem>>
        %dma_wait3A_53 = tpu.memref_squeeze %dma_wait3A_52 : memref<1x128xi32, #tpu.memory_space<vmem>> -> memref<128xi32, #tpu.memory_space<vmem>>
        %dma_wait3A_54 = arith.constant 0 : i32
        %dma_wait3A_55 = arith.constant 0 : i32
        %dma_wait3A_56 = tpu.memref_slice %arg8[%dma_wait3A_54, %dma_wait3A_55] : memref<5120x128xf32, #tpu.memory_space<vmem_shared>> -> memref<5120x128xf32, #tpu.memory_space<vmem_shared>>
        tpu.wait_indirect_dma semaphore(%run_scoped3A : memref<!tpu.dma_semaphore, #tpu.memory_space<semaphore_mem>>) src(%arg11 : memref<128x128xf32, #tpu.memory_space<vmem>>) dst(%dma_wait3A_56 : memref<5120x128xf32, #tpu.memory_space<vmem_shared>>)
        tpu.yield
      }) : () -> ()
      "tpu.region"() ({
        %run_scoped3A = tpu.sem_alloc : memref<!tpu.dma_semaphore, #tpu.memory_space<semaphore_mem>>
        %dma_start3A_45 = arith.constant 0 : i32
        %dma_start3A_46 = tpu.memref_slice %arg12[%add3A_44, %dma_start3A_45] : memref<8x128xi32, #tpu.memory_space<vmem>> -> memref<1x64xi32, #tpu.memory_space<vmem>>
        %dma_start3A_47 = tpu.memref_squeeze %dma_start3A_46 : memref<1x64xi32, #tpu.memory_space<vmem>> -> memref<64xi32, #tpu.memory_space<vmem>>
        %dma_start3A_48 = arith.constant 0 : i32
        %dma_start3A_49 = arith.constant 0 : i32
        %dma_start3A_50 = tpu.memref_slice %arg9[%dma_start3A_48, %dma_start3A_49] : memref<5120x128xf32, #tpu.memory_space<vmem_shared>> -> memref<5120x128xf32, #tpu.memory_space<vmem_shared>>
        tpu.enqueue_indirect_dma source(%arg13 : memref<64x128xf32, #tpu.memory_space<vmem>>) target(%dma_start3A_50 : memref<5120x128xf32, #tpu.memory_space<vmem_shared>>) offsets(%dma_start3A_47 : memref<64xi32, #tpu.memory_space<vmem>>) semaphore(%run_scoped3A : memref<!tpu.dma_semaphore, #tpu.memory_space<semaphore_mem>>) {add = true}
        %dma_wait3A_51 = arith.constant 0 : i32
        %dma_wait3A_52 = tpu.memref_slice %arg12[%add3A_44, %dma_wait3A_51] : memref<8x128xi32, #tpu.memory_space<vmem>> -> memref<1x64xi32, #tpu.memory_space<vmem>>
        %dma_wait3A_53 = tpu.memref_squeeze %dma_wait3A_52 : memref<1x64xi32, #tpu.memory_space<vmem>> -> memref<64xi32, #tpu.memory_space<vmem>>
        %dma_wait3A_54 = arith.constant 0 : i32
        %dma_wait3A_55 = arith.constant 0 : i32
        %dma_wait3A_56 = tpu.memref_slice %arg9[%dma_wait3A_54, %dma_wait3A_55] : memref<5120x128xf32, #tpu.memory_space<vmem_shared>> -> memref<5120x128xf32, #tpu.memory_space<vmem_shared>>
        tpu.wait_indirect_dma semaphore(%run_scoped3A : memref<!tpu.dma_semaphore, #tpu.memory_space<semaphore_mem>>) src(%arg13 : memref<64x128xf32, #tpu.memory_space<vmem>>) dst(%dma_wait3A_56 : memref<5120x128xf32, #tpu.memory_space<vmem_shared>>)
        tpu.yield
      }) : () -> ()
      "tpu.region"() ({
        %run_scoped3A = tpu.sem_alloc : memref<!tpu.dma_semaphore, #tpu.memory_space<semaphore_mem>>
        %dma_start3A_45 = arith.constant 64 : i32
        %dma_start3A_46 = tpu.memref_slice %arg12[%add3A_44, %dma_start3A_45] : memref<8x128xi32, #tpu.memory_space<vmem>> -> memref<1x64xi32, #tpu.memory_space<vmem>>
        %dma_start3A_47 = tpu.memref_squeeze %dma_start3A_46 : memref<1x64xi32, #tpu.memory_space<vmem>> -> memref<64xi32, #tpu.memory_space<vmem>>
        %dma_start3A_48 = arith.constant 0 : i32
        %dma_start3A_49 = arith.constant 0 : i32
        %dma_start3A_50 = tpu.memref_slice %arg9[%dma_start3A_48, %dma_start3A_49] : memref<5120x128xf32, #tpu.memory_space<vmem_shared>> -> memref<5120x128xf32, #tpu.memory_space<vmem_shared>>
        tpu.enqueue_indirect_dma source(%arg13 : memref<64x128xf32, #tpu.memory_space<vmem>>) target(%dma_start3A_50 : memref<5120x128xf32, #tpu.memory_space<vmem_shared>>) offsets(%dma_start3A_47 : memref<64xi32, #tpu.memory_space<vmem>>) semaphore(%run_scoped3A : memref<!tpu.dma_semaphore, #tpu.memory_space<semaphore_mem>>) {add = true}
        %dma_wait3A_51 = arith.constant 64 : i32
        %dma_wait3A_52 = tpu.memref_slice %arg12[%add3A_44, %dma_wait3A_51] : memref<8x128xi32, #tpu.memory_space<vmem>> -> memref<1x64xi32, #tpu.memory_space<vmem>>
        %dma_wait3A_53 = tpu.memref_squeeze %dma_wait3A_52 : memref<1x64xi32, #tpu.memory_space<vmem>> -> memref<64xi32, #tpu.memory_space<vmem>>
        %dma_wait3A_54 = arith.constant 0 : i32
        %dma_wait3A_55 = arith.constant 0 : i32
        %dma_wait3A_56 = tpu.memref_slice %arg9[%dma_wait3A_54, %dma_wait3A_55] : memref<5120x128xf32, #tpu.memory_space<vmem_shared>> -> memref<5120x128xf32, #tpu.memory_space<vmem_shared>>
        tpu.wait_indirect_dma semaphore(%run_scoped3A : memref<!tpu.dma_semaphore, #tpu.memory_space<semaphore_mem>>) src(%arg13 : memref<64x128xf32, #tpu.memory_space<vmem>>) dst(%dma_wait3A_56 : memref<5120x128xf32, #tpu.memory_space<vmem_shared>>)
        tpu.yield
      }) : () -> ()
    }
    %scan3A_12 = arith.constant 8 : i32
    %barrier3A_13 = arith.constant 0 : index
    tpu.barrier barrier_id(%barrier3A_13)
    "tpu.region"() ({
      %run_scoped3A = tpu.sem_alloc : memref<!tpu.dma_semaphore, #tpu.memory_space<semaphore_mem>>
      %dma_start3A_14 = arith.constant 0 : i32
      %dma_start3A_15 = tpu.memref_slice %arg6[%arg0, %mul3A_4, %dma_start3A_14] : memref<2x5120x128xf32, #tpu.memory_space<hbm>> -> memref<1x320x128xf32, #tpu.memory_space<hbm>>
      %dma_start3A_16 = tpu.memref_squeeze %dma_start3A_15 : memref<1x320x128xf32, #tpu.memory_space<hbm>> -> memref<320x128xf32, #tpu.memory_space<hbm>>
      %dma_start3A_17 = arith.constant 0 : i32
      %dma_start3A_18 = tpu.memref_slice %arg8[%mul3A_4, %dma_start3A_17] : memref<5120x128xf32, #tpu.memory_space<vmem_shared>> -> memref<320x128xf32, #tpu.memory_space<vmem_shared>>
      tpu.enqueue_dma source(%dma_start3A_18 : memref<320x128xf32, #tpu.memory_space<vmem_shared>>) target(%dma_start3A_16 : memref<320x128xf32, #tpu.memory_space<hbm>>) target_semaphore(%run_scoped3A : memref<!tpu.dma_semaphore, #tpu.memory_space<semaphore_mem>>)
      %dma_wait3A = arith.constant 0 : i32
      %dma_wait3A_19 = tpu.memref_slice %arg6[%arg0, %mul3A_4, %dma_wait3A] : memref<2x5120x128xf32, #tpu.memory_space<hbm>> -> memref<1x320x128xf32, #tpu.memory_space<hbm>>
      %dma_wait3A_20 = tpu.memref_squeeze %dma_wait3A_19 : memref<1x320x128xf32, #tpu.memory_space<hbm>> -> memref<320x128xf32, #tpu.memory_space<hbm>>
      %dma_wait3A_21 = arith.constant 0 : i32
      %dma_wait3A_22 = tpu.memref_slice %arg8[%mul3A_4, %dma_wait3A_21] : memref<5120x128xf32, #tpu.memory_space<vmem_shared>> -> memref<320x128xf32, #tpu.memory_space<vmem_shared>>
      tpu.wait_dma2 semaphore(%run_scoped3A : memref<!tpu.dma_semaphore, #tpu.memory_space<semaphore_mem>>) src(%dma_wait3A_22 : memref<320x128xf32, #tpu.memory_space<vmem_shared>>) dst(%dma_wait3A_20 : memref<320x128xf32, #tpu.memory_space<hbm>>)
      tpu.yield
    }) : () -> ()
    "tpu.region"() ({
      %run_scoped3A = tpu.sem_alloc : memref<!tpu.dma_semaphore, #tpu.memory_space<semaphore_mem>>
      %dma_start3A_14 = arith.constant 0 : i32
      %dma_start3A_15 = tpu.memref_slice %arg7[%arg0, %mul3A_4, %dma_start3A_14] : memref<2x5120x128xf32, #tpu.memory_space<hbm>> -> memref<1x320x128xf32, #tpu.memory_space<hbm>>
      %dma_start3A_16 = tpu.memref_squeeze %dma_start3A_15 : memref<1x320x128xf32, #tpu.memory_space<hbm>> -> memref<320x128xf32, #tpu.memory_space<hbm>>
      %dma_start3A_17 = arith.constant 0 : i32
      %dma_start3A_18 = tpu.memref_slice %arg9[%mul3A_4, %dma_start3A_17] : memref<5120x128xf32, #tpu.memory_space<vmem_shared>> -> memref<320x128xf32, #tpu.memory_space<vmem_shared>>
      tpu.enqueue_dma source(%dma_start3A_18 : memref<320x128xf32, #tpu.memory_space<vmem_shared>>) target(%dma_start3A_16 : memref<320x128xf32, #tpu.memory_space<hbm>>) target_semaphore(%run_scoped3A : memref<!tpu.dma_semaphore, #tpu.memory_space<semaphore_mem>>)
      %dma_wait3A = arith.constant 0 : i32
      %dma_wait3A_19 = tpu.memref_slice %arg7[%arg0, %mul3A_4, %dma_wait3A] : memref<2x5120x128xf32, #tpu.memory_space<hbm>> -> memref<1x320x128xf32, #tpu.memory_space<hbm>>
      %dma_wait3A_20 = tpu.memref_squeeze %dma_wait3A_19 : memref<1x320x128xf32, #tpu.memory_space<hbm>> -> memref<320x128xf32, #tpu.memory_space<hbm>>
      %dma_wait3A_21 = arith.constant 0 : i32
      %dma_wait3A_22 = tpu.memref_slice %arg9[%mul3A_4, %dma_wait3A_21] : memref<5120x128xf32, #tpu.memory_space<vmem_shared>> -> memref<320x128xf32, #tpu.memory_space<vmem_shared>>
      tpu.wait_dma2 semaphore(%run_scoped3A : memref<!tpu.dma_semaphore, #tpu.memory_space<semaphore_mem>>) src(%dma_wait3A_22 : memref<320x128xf32, #tpu.memory_space<vmem_shared>>) dst(%dma_wait3A_20 : memref<320x128xf32, #tpu.memory_space<hbm>>)
      tpu.yield
    }) : () -> ()
    return
  }
}

module attributes {stable_mosaic.version = 14 : i64} {
  func.func @_dense_body(%arg0: i32, %arg1: memref<2048x128xf32, #tpu.memory_space<vmem>>, %arg2: memref<128x128xf32, #tpu.memory_space<vmem>>, %arg3: memref<1x128xf32, #tpu.memory_space<vmem>>, %arg4: memref<128x128xf32, #tpu.memory_space<vmem>>, %arg5: memref<1x128xf32, #tpu.memory_space<vmem>>, %arg6: memref<2048x128xf32, #tpu.memory_space<vmem>>) attributes {dimension_semantics = [#tpu.dimension_semantics<arbitrary>], iteration_bounds = array<i64: 32>, scalar_prefetch = 0 : i64, scratch_operands = 0 : i64, tpu.core_type = #tpu.core_type<tc>, window_params = [{transform_indices = @transform_0, window_bounds = array<i64: 2048, 128>}, {pipeline_mode = #tpu.pipeline_mode<synchronous>, transform_indices = @transform_1, window_bounds = array<i64: 128, 128>}, {pipeline_mode = #tpu.pipeline_mode<synchronous>, transform_indices = @transform_2, window_bounds = array<i64: 1, 128>}, {pipeline_mode = #tpu.pipeline_mode<synchronous>, transform_indices = @transform_3, window_bounds = array<i64: 128, 128>}, {pipeline_mode = #tpu.pipeline_mode<synchronous>, transform_indices = @transform_4, window_bounds = array<i64: 1, 128>}, {transform_indices = @transform_5, window_bounds = array<i64: 2048, 128>}]} {
    %get3A = arith.constant 0 : index
    %get3A_0 = arith.constant 0 : index
    %get3A_1 = vector.load %arg1[%get3A, %get3A_0] : memref<2048x128xf32, #tpu.memory_space<vmem>>, vector<2048x128xf32>
    %convert_element_type3A = arith.truncf %get3A_1 : vector<2048x128xf32> to vector<2048x128xbf16>
    %get3A_2 = arith.constant 0 : index
    %get3A_3 = arith.constant 0 : index
    %get3A_4 = vector.load %arg2[%get3A_2, %get3A_3] : memref<128x128xf32, #tpu.memory_space<vmem>>, vector<128x128xf32>
    %convert_element_type3A_5 = arith.truncf %get3A_4 : vector<128x128xf32> to vector<128x128xbf16>
    %dot_general3A = arith.constant dense<0.000000e+00> : vector<2048x128xf32>
    %dot_general3A_6 = tpu.matmul %convert_element_type3A, %convert_element_type3A_5, %dot_general3A {dimension_numbers = #tpu.dot_dimension_numbers<[1], [0], [0], [1], [0, 0, 1, 1], [], []>, transpose_lhs_hint = false} : vector<2048x128xbf16>, vector<128x128xbf16>, vector<2048x128xf32> -> vector<2048x128xf32>
    %get3A_7 = arith.constant 0 : index
    %get3A_8 = arith.constant 0 : index
    %get3A_9 = vector.load %arg3[%get3A_7, %get3A_8] : memref<1x128xf32, #tpu.memory_space<vmem>>, vector<1x128xf32>
    %add3A = vector.broadcast %get3A_9 : vector<1x128xf32> to vector<2048x128xf32>
    %add3A_10 = arith.addf %dot_general3A_6, %add3A : vector<2048x128xf32>
    %gt3A = arith.constant 0.000000e+00 : f32
    %gt3A_11 = vector.broadcast %gt3A : f32 to vector<2048x128xf32>
    %gt3A_12 = arith.cmpf ogt, %add3A_10, %gt3A_11 : vector<2048x128xf32>
    %min3A = arith.constant 0.000000e+00 : f32
    %min3A_13 = vector.broadcast %min3A : f32 to vector<2048x128xf32>
    %min3A_14 = arith.minimumf %add3A_10, %min3A_13 : vector<2048x128xf32>
    %exp3A = math.exp %min3A_14 : vector<2048x128xf32>
    %sub3A = arith.constant 1.000000e+00 : f32
    %sub3A_15 = vector.broadcast %sub3A : f32 to vector<2048x128xf32>
    %sub3A_16 = arith.subf %exp3A, %sub3A_15 : vector<2048x128xf32>
    %select_n3A = arith.select %gt3A_12, %add3A_10, %sub3A_16 : vector<2048x128xi1>, vector<2048x128xf32>
    %get3A_17 = arith.constant 0 : index
    %get3A_18 = arith.constant 0 : index
    %get3A_19 = vector.load %arg4[%get3A_17, %get3A_18] : memref<128x128xf32, #tpu.memory_space<vmem>>, vector<128x128xf32>
    %convert_element_type3A_20 = arith.truncf %get3A_19 : vector<128x128xf32> to vector<128x128xbf16>
    %convert_element_type3A_21 = arith.truncf %select_n3A : vector<2048x128xf32> to vector<2048x128xbf16>
    %dot_general3A_22 = arith.constant dense<0.000000e+00> : vector<2048x128xf32>
    %dot_general3A_23 = tpu.matmul %convert_element_type3A_21, %convert_element_type3A_20, %dot_general3A_22 {dimension_numbers = #tpu.dot_dimension_numbers<[1], [0], [0], [1], [0, 0, 1, 1], [], []>, transpose_lhs_hint = false} : vector<2048x128xbf16>, vector<128x128xbf16>, vector<2048x128xf32> -> vector<2048x128xf32>
    %get3A_24 = arith.constant 0 : index
    %get3A_25 = arith.constant 0 : index
    %get3A_26 = vector.load %arg5[%get3A_24, %get3A_25] : memref<1x128xf32, #tpu.memory_space<vmem>>, vector<1x128xf32>
    %add3A_27 = vector.broadcast %get3A_26 : vector<1x128xf32> to vector<2048x128xf32>
    %add3A_28 = arith.addf %dot_general3A_23, %add3A_27 : vector<2048x128xf32>
    %gt3A_29 = arith.constant 0.000000e+00 : f32
    %gt3A_30 = vector.broadcast %gt3A_29 : f32 to vector<2048x128xf32>
    %gt3A_31 = arith.cmpf ogt, %add3A_28, %gt3A_30 : vector<2048x128xf32>
    %min3A_32 = arith.constant 0.000000e+00 : f32
    %min3A_33 = vector.broadcast %min3A_32 : f32 to vector<2048x128xf32>
    %min3A_34 = arith.minimumf %add3A_28, %min3A_33 : vector<2048x128xf32>
    %exp3A_35 = math.exp %min3A_34 : vector<2048x128xf32>
    %sub3A_36 = arith.constant 1.000000e+00 : f32
    %sub3A_37 = vector.broadcast %sub3A_36 : f32 to vector<2048x128xf32>
    %sub3A_38 = arith.subf %exp3A_35, %sub3A_37 : vector<2048x128xf32>
    %select_n3A_39 = arith.select %gt3A_31, %add3A_28, %sub3A_38 : vector<2048x128xi1>, vector<2048x128xf32>
    %swap3A = arith.constant 0 : index
    %swap3A_40 = arith.constant 0 : index
    %swap3A_41 = vector.load %arg6[%swap3A, %swap3A_40] : memref<2048x128xf32, #tpu.memory_space<vmem>>, vector<2048x128xf32>
    tpu.vector_store %arg6[%swap3A, %swap3A_40], %select_n3A_39 {strides = array<i32>} : memref<2048x128xf32, #tpu.memory_space<vmem>>, vector<2048x128xf32>,
    return
  }
  func.func @transform_0(%arg0: i32) -> (i32, i32) {
    %add3A = arith.constant 32 : i32
    %add3A_0 = arith.addi %add3A, %arg0 : i32
    %min3A = arith.constant 156 : i32
    %min3A_1 = arith.minsi %add3A_0, %min3A : i32
    %c0_i32 = arith.constant 0 : i32
    %c0_i32_2 = arith.constant 0 : i32
    return %min3A_1, %c0_i32 : i32, i32
  }
  func.func @transform_1(%arg0: i32) -> (i32, i32) {
    %c0_i32 = arith.constant 0 : i32
    %c0_i32_0 = arith.constant 0 : i32
    %c0_i32_1 = arith.constant 0 : i32
    return %c0_i32, %c0_i32_0 : i32, i32
  }
  func.func @transform_2(%arg0: i32) -> (i32, i32) {
    %c0_i32 = arith.constant 0 : i32
    %c0_i32_0 = arith.constant 0 : i32
    %c0_i32_1 = arith.constant 0 : i32
    return %c0_i32, %c0_i32_0 : i32, i32
  }
  func.func @transform_3(%arg0: i32) -> (i32, i32) {
    %c0_i32 = arith.constant 0 : i32
    %c0_i32_0 = arith.constant 0 : i32
    %c0_i32_1 = arith.constant 0 : i32
    return %c0_i32, %c0_i32_0 : i32, i32
  }
  func.func @transform_4(%arg0: i32) -> (i32, i32) {
    %c0_i32 = arith.constant 0 : i32
    %c0_i32_0 = arith.constant 0 : i32
    %c0_i32_1 = arith.constant 0 : i32
    return %c0_i32, %c0_i32_0 : i32, i32
  }
  func.func @transform_5(%arg0: i32) -> (i32, i32) {
    %c0_i32 = arith.constant 0 : i32
    %c0_i32_0 = arith.constant 0 : i32
    return %arg0, %c0_i32 : i32, i32
  }
}

module attributes {stable_mosaic.version = 14 : i64} {
  func.func @_dense_body(%arg0: i32, %arg1: memref<2048x128xf32, #tpu.memory_space<vmem>>, %arg2: memref<128x128xf32, #tpu.memory_space<vmem>>, %arg3: memref<1x128xf32, #tpu.memory_space<vmem>>, %arg4: memref<128x128xf32, #tpu.memory_space<vmem>>, %arg5: memref<1x128xf32, #tpu.memory_space<vmem>>, %arg6: memref<2048x128xf32, #tpu.memory_space<vmem>>) attributes {dimension_semantics = [#tpu.dimension_semantics<arbitrary>], iteration_bounds = array<i64: 32>, scalar_prefetch = 0 : i64, scratch_operands = 0 : i64, tpu.core_type = #tpu.core_type<tc>, window_params = [{transform_indices = @transform_0, window_bounds = array<i64: 2048, 128>}, {pipeline_mode = #tpu.pipeline_mode<synchronous>, transform_indices = @transform_1, window_bounds = array<i64: 128, 128>}, {pipeline_mode = #tpu.pipeline_mode<synchronous>, transform_indices = @transform_2, window_bounds = array<i64: 1, 128>}, {pipeline_mode = #tpu.pipeline_mode<synchronous>, transform_indices = @transform_3, window_bounds = array<i64: 128, 128>}, {pipeline_mode = #tpu.pipeline_mode<synchronous>, transform_indices = @transform_4, window_bounds = array<i64: 1, 128>}, {transform_indices = @transform_5, window_bounds = array<i64: 2048, 128>}]} {
    %get3A = arith.constant 0 : index
    %get3A_0 = arith.constant 0 : index
    %get3A_1 = vector.load %arg1[%get3A, %get3A_0] : memref<2048x128xf32, #tpu.memory_space<vmem>>, vector<2048x128xf32>
    %convert_element_type3A = arith.truncf %get3A_1 : vector<2048x128xf32> to vector<2048x128xbf16>
    %get3A_2 = arith.constant 0 : index
    %get3A_3 = arith.constant 0 : index
    %get3A_4 = vector.load %arg2[%get3A_2, %get3A_3] : memref<128x128xf32, #tpu.memory_space<vmem>>, vector<128x128xf32>
    %convert_element_type3A_5 = arith.truncf %get3A_4 : vector<128x128xf32> to vector<128x128xbf16>
    %dot_general3A = arith.constant dense<0.000000e+00> : vector<2048x128xf32>
    %dot_general3A_6 = tpu.matmul %convert_element_type3A, %convert_element_type3A_5, %dot_general3A {dimension_numbers = #tpu.dot_dimension_numbers<[1], [0], [0], [1], [0, 0, 1, 1], [], []>, transpose_lhs_hint = false} : vector<2048x128xbf16>, vector<128x128xbf16>, vector<2048x128xf32> -> vector<2048x128xf32>
    %get3A_7 = arith.constant 0 : index
    %get3A_8 = arith.constant 0 : index
    %get3A_9 = vector.load %arg3[%get3A_7, %get3A_8] : memref<1x128xf32, #tpu.memory_space<vmem>>, vector<1x128xf32>
    %add3A = vector.broadcast %get3A_9 : vector<1x128xf32> to vector<2048x128xf32>
    %add3A_10 = arith.addf %dot_general3A_6, %add3A : vector<2048x128xf32>
    %gt3A = arith.constant 0.000000e+00 : f32
    %gt3A_11 = vector.broadcast %gt3A : f32 to vector<2048x128xf32>
    %gt3A_12 = arith.cmpf ogt, %add3A_10, %gt3A_11 : vector<2048x128xf32>
    %min3A = arith.constant 0.000000e+00 : f32
    %min3A_13 = vector.broadcast %min3A : f32 to vector<2048x128xf32>
    %min3A_14 = arith.minimumf %add3A_10, %min3A_13 : vector<2048x128xf32>
    %exp3A = math.exp %min3A_14 : vector<2048x128xf32>
    %sub3A = arith.constant 1.000000e+00 : f32
    %sub3A_15 = vector.broadcast %sub3A : f32 to vector<2048x128xf32>
    %sub3A_16 = arith.subf %exp3A, %sub3A_15 : vector<2048x128xf32>
    %select_n3A = arith.select %gt3A_12, %add3A_10, %sub3A_16 : vector<2048x128xi1>, vector<2048x128xf32>
    %get3A_17 = arith.constant 0 : index
    %get3A_18 = arith.constant 0 : index
    %get3A_19 = vector.load %arg4[%get3A_17, %get3A_18] : memref<128x128xf32, #tpu.memory_space<vmem>>, vector<128x128xf32>
    %convert_element_type3A_20 = arith.truncf %get3A_19 : vector<128x128xf32> to vector<128x128xbf16>
    %convert_element_type3A_21 = arith.truncf %select_n3A : vector<2048x128xf32> to vector<2048x128xbf16>
    %dot_general3A_22 = arith.constant dense<0.000000e+00> : vector<2048x128xf32>
    %dot_general3A_23 = tpu.matmul %convert_element_type3A_21, %convert_element_type3A_20, %dot_general3A_22 {dimension_numbers = #tpu.dot_dimension_numbers<[1], [0], [0], [1], [0, 0, 1, 1], [], []>, transpose_lhs_hint = false} : vector<2048x128xbf16>, vector<128x128xbf16>, vector<2048x128xf32> -> vector<2048x128xf32>
    %get3A_24 = arith.constant 0 : index
    %get3A_25 = arith.constant 0 : index
    %get3A_26 = vector.load %arg5[%get3A_24, %get3A_25] : memref<1x128xf32, #tpu.memory_space<vmem>>, vector<1x128xf32>
    %add3A_27 = vector.broadcast %get3A_26 : vector<1x128xf32> to vector<2048x128xf32>
    %add3A_28 = arith.addf %dot_general3A_23, %add3A_27 : vector<2048x128xf32>
    %gt3A_29 = arith.constant 0.000000e+00 : f32
    %gt3A_30 = vector.broadcast %gt3A_29 : f32 to vector<2048x128xf32>
    %gt3A_31 = arith.cmpf ogt, %add3A_28, %gt3A_30 : vector<2048x128xf32>
    %min3A_32 = arith.constant 0.000000e+00 : f32
    %min3A_33 = vector.broadcast %min3A_32 : f32 to vector<2048x128xf32>
    %min3A_34 = arith.minimumf %add3A_28, %min3A_33 : vector<2048x128xf32>
    %exp3A_35 = math.exp %min3A_34 : vector<2048x128xf32>
    %sub3A_36 = arith.constant 1.000000e+00 : f32
    %sub3A_37 = vector.broadcast %sub3A_36 : f32 to vector<2048x128xf32>
    %sub3A_38 = arith.subf %exp3A_35, %sub3A_37 : vector<2048x128xf32>
    %select_n3A_39 = arith.select %gt3A_31, %add3A_28, %sub3A_38 : vector<2048x128xi1>, vector<2048x128xf32>
    %swap3A = arith.constant 0 : index
    %swap3A_40 = arith.constant 0 : index
    %swap3A_41 = vector.load %arg6[%swap3A, %swap3A_40] : memref<2048x128xf32, #tpu.memory_space<vmem>>, vector<2048x128xf32>
    tpu.vector_store %arg6[%swap3A, %swap3A_40], %select_n3A_39 {strides = array<i32>} : memref<2048x128xf32, #tpu.memory_space<vmem>>, vector<2048x128xf32>,
    return
  }
  func.func @transform_0(%arg0: i32) -> (i32, i32) {
    %add3A = arith.constant 96 : i32
    %add3A_0 = arith.addi %add3A, %arg0 : i32
    %min3A = arith.constant 156 : i32
    %min3A_1 = arith.minsi %add3A_0, %min3A : i32
    %c0_i32 = arith.constant 0 : i32
    %c0_i32_2 = arith.constant 0 : i32
    return %min3A_1, %c0_i32 : i32, i32
  }
  func.func @transform_1(%arg0: i32) -> (i32, i32) {
    %c0_i32 = arith.constant 0 : i32
    %c0_i32_0 = arith.constant 0 : i32
    %c0_i32_1 = arith.constant 0 : i32
    return %c0_i32, %c0_i32_0 : i32, i32
  }
  func.func @transform_2(%arg0: i32) -> (i32, i32) {
    %c0_i32 = arith.constant 0 : i32
    %c0_i32_0 = arith.constant 0 : i32
    %c0_i32_1 = arith.constant 0 : i32
    return %c0_i32, %c0_i32_0 : i32, i32
  }
  func.func @transform_3(%arg0: i32) -> (i32, i32) {
    %c0_i32 = arith.constant 0 : i32
    %c0_i32_0 = arith.constant 0 : i32
    %c0_i32_1 = arith.constant 0 : i32
    return %c0_i32, %c0_i32_0 : i32, i32
  }
  func.func @transform_4(%arg0: i32) -> (i32, i32) {
    %c0_i32 = arith.constant 0 : i32
    %c0_i32_0 = arith.constant 0 : i32
    %c0_i32_1 = arith.constant 0 : i32
    return %c0_i32, %c0_i32_0 : i32, i32
  }
  func.func @transform_5(%arg0: i32) -> (i32, i32) {
    %c0_i32 = arith.constant 0 : i32
    %c0_i32_0 = arith.constant 0 : i32
    return %arg0, %c0_i32 : i32, i32
  }
}

module attributes {stable_mosaic.version = 14 : i64} {
  func.func @_dense_body(%arg0: i32, %arg1: memref<2048x128xf32, #tpu.memory_space<vmem>>, %arg2: memref<128x128xf32, #tpu.memory_space<vmem>>, %arg3: memref<1x128xf32, #tpu.memory_space<vmem>>, %arg4: memref<128x128xf32, #tpu.memory_space<vmem>>, %arg5: memref<1x128xf32, #tpu.memory_space<vmem>>, %arg6: memref<2048x128xf32, #tpu.memory_space<vmem>>) attributes {dimension_semantics = [#tpu.dimension_semantics<arbitrary>], iteration_bounds = array<i64: 32>, scalar_prefetch = 0 : i64, scratch_operands = 0 : i64, tpu.core_type = #tpu.core_type<tc>, window_params = [{transform_indices = @transform_0, window_bounds = array<i64: 2048, 128>}, {pipeline_mode = #tpu.pipeline_mode<synchronous>, transform_indices = @transform_1, window_bounds = array<i64: 128, 128>}, {pipeline_mode = #tpu.pipeline_mode<synchronous>, transform_indices = @transform_2, window_bounds = array<i64: 1, 128>}, {pipeline_mode = #tpu.pipeline_mode<synchronous>, transform_indices = @transform_3, window_bounds = array<i64: 128, 128>}, {pipeline_mode = #tpu.pipeline_mode<synchronous>, transform_indices = @transform_4, window_bounds = array<i64: 1, 128>}, {transform_indices = @transform_5, window_bounds = array<i64: 2048, 128>}]} {
    %get3A = arith.constant 0 : index
    %get3A_0 = arith.constant 0 : index
    %get3A_1 = vector.load %arg1[%get3A, %get3A_0] : memref<2048x128xf32, #tpu.memory_space<vmem>>, vector<2048x128xf32>
    %convert_element_type3A = arith.truncf %get3A_1 : vector<2048x128xf32> to vector<2048x128xbf16>
    %get3A_2 = arith.constant 0 : index
    %get3A_3 = arith.constant 0 : index
    %get3A_4 = vector.load %arg2[%get3A_2, %get3A_3] : memref<128x128xf32, #tpu.memory_space<vmem>>, vector<128x128xf32>
    %convert_element_type3A_5 = arith.truncf %get3A_4 : vector<128x128xf32> to vector<128x128xbf16>
    %dot_general3A = arith.constant dense<0.000000e+00> : vector<2048x128xf32>
    %dot_general3A_6 = tpu.matmul %convert_element_type3A, %convert_element_type3A_5, %dot_general3A {dimension_numbers = #tpu.dot_dimension_numbers<[1], [0], [0], [1], [0, 0, 1, 1], [], []>, transpose_lhs_hint = false} : vector<2048x128xbf16>, vector<128x128xbf16>, vector<2048x128xf32> -> vector<2048x128xf32>
    %get3A_7 = arith.constant 0 : index
    %get3A_8 = arith.constant 0 : index
    %get3A_9 = vector.load %arg3[%get3A_7, %get3A_8] : memref<1x128xf32, #tpu.memory_space<vmem>>, vector<1x128xf32>
    %add3A = vector.broadcast %get3A_9 : vector<1x128xf32> to vector<2048x128xf32>
    %add3A_10 = arith.addf %dot_general3A_6, %add3A : vector<2048x128xf32>
    %gt3A = arith.constant 0.000000e+00 : f32
    %gt3A_11 = vector.broadcast %gt3A : f32 to vector<2048x128xf32>
    %gt3A_12 = arith.cmpf ogt, %add3A_10, %gt3A_11 : vector<2048x128xf32>
    %min3A = arith.constant 0.000000e+00 : f32
    %min3A_13 = vector.broadcast %min3A : f32 to vector<2048x128xf32>
    %min3A_14 = arith.minimumf %add3A_10, %min3A_13 : vector<2048x128xf32>
    %exp3A = math.exp %min3A_14 : vector<2048x128xf32>
    %sub3A = arith.constant 1.000000e+00 : f32
    %sub3A_15 = vector.broadcast %sub3A : f32 to vector<2048x128xf32>
    %sub3A_16 = arith.subf %exp3A, %sub3A_15 : vector<2048x128xf32>
    %select_n3A = arith.select %gt3A_12, %add3A_10, %sub3A_16 : vector<2048x128xi1>, vector<2048x128xf32>
    %get3A_17 = arith.constant 0 : index
    %get3A_18 = arith.constant 0 : index
    %get3A_19 = vector.load %arg4[%get3A_17, %get3A_18] : memref<128x128xf32, #tpu.memory_space<vmem>>, vector<128x128xf32>
    %convert_element_type3A_20 = arith.truncf %get3A_19 : vector<128x128xf32> to vector<128x128xbf16>
    %convert_element_type3A_21 = arith.truncf %select_n3A : vector<2048x128xf32> to vector<2048x128xbf16>
    %dot_general3A_22 = arith.constant dense<0.000000e+00> : vector<2048x128xf32>
    %dot_general3A_23 = tpu.matmul %convert_element_type3A_21, %convert_element_type3A_20, %dot_general3A_22 {dimension_numbers = #tpu.dot_dimension_numbers<[1], [0], [0], [1], [0, 0, 1, 1], [], []>, transpose_lhs_hint = false} : vector<2048x128xbf16>, vector<128x128xbf16>, vector<2048x128xf32> -> vector<2048x128xf32>
    %get3A_24 = arith.constant 0 : index
    %get3A_25 = arith.constant 0 : index
    %get3A_26 = vector.load %arg5[%get3A_24, %get3A_25] : memref<1x128xf32, #tpu.memory_space<vmem>>, vector<1x128xf32>
    %add3A_27 = vector.broadcast %get3A_26 : vector<1x128xf32> to vector<2048x128xf32>
    %add3A_28 = arith.addf %dot_general3A_23, %add3A_27 : vector<2048x128xf32>
    %gt3A_29 = arith.constant 0.000000e+00 : f32
    %gt3A_30 = vector.broadcast %gt3A_29 : f32 to vector<2048x128xf32>
    %gt3A_31 = arith.cmpf ogt, %add3A_28, %gt3A_30 : vector<2048x128xf32>
    %min3A_32 = arith.constant 0.000000e+00 : f32
    %min3A_33 = vector.broadcast %min3A_32 : f32 to vector<2048x128xf32>
    %min3A_34 = arith.minimumf %add3A_28, %min3A_33 : vector<2048x128xf32>
    %exp3A_35 = math.exp %min3A_34 : vector<2048x128xf32>
    %sub3A_36 = arith.constant 1.000000e+00 : f32
    %sub3A_37 = vector.broadcast %sub3A_36 : f32 to vector<2048x128xf32>
    %sub3A_38 = arith.subf %exp3A_35, %sub3A_37 : vector<2048x128xf32>
    %select_n3A_39 = arith.select %gt3A_31, %add3A_28, %sub3A_38 : vector<2048x128xi1>, vector<2048x128xf32>
    %swap3A = arith.constant 0 : index
    %swap3A_40 = arith.constant 0 : index
    %swap3A_41 = vector.load %arg6[%swap3A, %swap3A_40] : memref<2048x128xf32, #tpu.memory_space<vmem>>, vector<2048x128xf32>
    tpu.vector_store %arg6[%swap3A, %swap3A_40], %select_n3A_39 {strides = array<i32>} : memref<2048x128xf32, #tpu.memory_space<vmem>>, vector<2048x128xf32>,
    return
  }
  func.func @transform_0(%arg0: i32) -> (i32, i32) {
    %add3A = arith.constant 64 : i32
    %add3A_0 = arith.addi %add3A, %arg0 : i32
    %min3A = arith.constant 156 : i32
    %min3A_1 = arith.minsi %add3A_0, %min3A : i32
    %c0_i32 = arith.constant 0 : i32
    %c0_i32_2 = arith.constant 0 : i32
    return %min3A_1, %c0_i32 : i32, i32
  }
  func.func @transform_1(%arg0: i32) -> (i32, i32) {
    %c0_i32 = arith.constant 0 : i32
    %c0_i32_0 = arith.constant 0 : i32
    %c0_i32_1 = arith.constant 0 : i32
    return %c0_i32, %c0_i32_0 : i32, i32
  }
  func.func @transform_2(%arg0: i32) -> (i32, i32) {
    %c0_i32 = arith.constant 0 : i32
    %c0_i32_0 = arith.constant 0 : i32
    %c0_i32_1 = arith.constant 0 : i32
    return %c0_i32, %c0_i32_0 : i32, i32
  }
  func.func @transform_3(%arg0: i32) -> (i32, i32) {
    %c0_i32 = arith.constant 0 : i32
    %c0_i32_0 = arith.constant 0 : i32
    %c0_i32_1 = arith.constant 0 : i32
    return %c0_i32, %c0_i32_0 : i32, i32
  }
  func.func @transform_4(%arg0: i32) -> (i32, i32) {
    %c0_i32 = arith.constant 0 : i32
    %c0_i32_0 = arith.constant 0 : i32
    %c0_i32_1 = arith.constant 0 : i32
    return %c0_i32, %c0_i32_0 : i32, i32
  }
  func.func @transform_5(%arg0: i32) -> (i32, i32) {
    %c0_i32 = arith.constant 0 : i32
    %c0_i32_0 = arith.constant 0 : i32
    return %arg0, %c0_i32 : i32, i32
  }
}

module attributes {stable_mosaic.version = 14 : i64} {
  func.func @_dense_body(%arg0: i32, %arg1: memref<2048x128xf32, #tpu.memory_space<vmem>>, %arg2: memref<128x128xf32, #tpu.memory_space<vmem>>, %arg3: memref<1x128xf32, #tpu.memory_space<vmem>>, %arg4: memref<128x128xf32, #tpu.memory_space<vmem>>, %arg5: memref<1x128xf32, #tpu.memory_space<vmem>>, %arg6: memref<2048x128xf32, #tpu.memory_space<vmem>>) attributes {dimension_semantics = [#tpu.dimension_semantics<arbitrary>], iteration_bounds = array<i64: 32>, scalar_prefetch = 0 : i64, scratch_operands = 0 : i64, tpu.core_type = #tpu.core_type<tc>, window_params = [{transform_indices = @transform_0, window_bounds = array<i64: 2048, 128>}, {pipeline_mode = #tpu.pipeline_mode<synchronous>, transform_indices = @transform_1, window_bounds = array<i64: 128, 128>}, {pipeline_mode = #tpu.pipeline_mode<synchronous>, transform_indices = @transform_2, window_bounds = array<i64: 1, 128>}, {pipeline_mode = #tpu.pipeline_mode<synchronous>, transform_indices = @transform_3, window_bounds = array<i64: 128, 128>}, {pipeline_mode = #tpu.pipeline_mode<synchronous>, transform_indices = @transform_4, window_bounds = array<i64: 1, 128>}, {transform_indices = @transform_5, window_bounds = array<i64: 2048, 128>}]} {
    %get3A = arith.constant 0 : index
    %get3A_0 = arith.constant 0 : index
    %get3A_1 = vector.load %arg1[%get3A, %get3A_0] : memref<2048x128xf32, #tpu.memory_space<vmem>>, vector<2048x128xf32>
    %convert_element_type3A = arith.truncf %get3A_1 : vector<2048x128xf32> to vector<2048x128xbf16>
    %get3A_2 = arith.constant 0 : index
    %get3A_3 = arith.constant 0 : index
    %get3A_4 = vector.load %arg2[%get3A_2, %get3A_3] : memref<128x128xf32, #tpu.memory_space<vmem>>, vector<128x128xf32>
    %convert_element_type3A_5 = arith.truncf %get3A_4 : vector<128x128xf32> to vector<128x128xbf16>
    %dot_general3A = arith.constant dense<0.000000e+00> : vector<2048x128xf32>
    %dot_general3A_6 = tpu.matmul %convert_element_type3A, %convert_element_type3A_5, %dot_general3A {dimension_numbers = #tpu.dot_dimension_numbers<[1], [0], [0], [1], [0, 0, 1, 1], [], []>, transpose_lhs_hint = false} : vector<2048x128xbf16>, vector<128x128xbf16>, vector<2048x128xf32> -> vector<2048x128xf32>
    %get3A_7 = arith.constant 0 : index
    %get3A_8 = arith.constant 0 : index
    %get3A_9 = vector.load %arg3[%get3A_7, %get3A_8] : memref<1x128xf32, #tpu.memory_space<vmem>>, vector<1x128xf32>
    %add3A = vector.broadcast %get3A_9 : vector<1x128xf32> to vector<2048x128xf32>
    %add3A_10 = arith.addf %dot_general3A_6, %add3A : vector<2048x128xf32>
    %gt3A = arith.constant 0.000000e+00 : f32
    %gt3A_11 = vector.broadcast %gt3A : f32 to vector<2048x128xf32>
    %gt3A_12 = arith.cmpf ogt, %add3A_10, %gt3A_11 : vector<2048x128xf32>
    %min3A = arith.constant 0.000000e+00 : f32
    %min3A_13 = vector.broadcast %min3A : f32 to vector<2048x128xf32>
    %min3A_14 = arith.minimumf %add3A_10, %min3A_13 : vector<2048x128xf32>
    %exp3A = math.exp %min3A_14 : vector<2048x128xf32>
    %sub3A = arith.constant 1.000000e+00 : f32
    %sub3A_15 = vector.broadcast %sub3A : f32 to vector<2048x128xf32>
    %sub3A_16 = arith.subf %exp3A, %sub3A_15 : vector<2048x128xf32>
    %select_n3A = arith.select %gt3A_12, %add3A_10, %sub3A_16 : vector<2048x128xi1>, vector<2048x128xf32>
    %get3A_17 = arith.constant 0 : index
    %get3A_18 = arith.constant 0 : index
    %get3A_19 = vector.load %arg4[%get3A_17, %get3A_18] : memref<128x128xf32, #tpu.memory_space<vmem>>, vector<128x128xf32>
    %convert_element_type3A_20 = arith.truncf %get3A_19 : vector<128x128xf32> to vector<128x128xbf16>
    %convert_element_type3A_21 = arith.truncf %select_n3A : vector<2048x128xf32> to vector<2048x128xbf16>
    %dot_general3A_22 = arith.constant dense<0.000000e+00> : vector<2048x128xf32>
    %dot_general3A_23 = tpu.matmul %convert_element_type3A_21, %convert_element_type3A_20, %dot_general3A_22 {dimension_numbers = #tpu.dot_dimension_numbers<[1], [0], [0], [1], [0, 0, 1, 1], [], []>, transpose_lhs_hint = false} : vector<2048x128xbf16>, vector<128x128xbf16>, vector<2048x128xf32> -> vector<2048x128xf32>
    %get3A_24 = arith.constant 0 : index
    %get3A_25 = arith.constant 0 : index
    %get3A_26 = vector.load %arg5[%get3A_24, %get3A_25] : memref<1x128xf32, #tpu.memory_space<vmem>>, vector<1x128xf32>
    %add3A_27 = vector.broadcast %get3A_26 : vector<1x128xf32> to vector<2048x128xf32>
    %add3A_28 = arith.addf %dot_general3A_23, %add3A_27 : vector<2048x128xf32>
    %gt3A_29 = arith.constant 0.000000e+00 : f32
    %gt3A_30 = vector.broadcast %gt3A_29 : f32 to vector<2048x128xf32>
    %gt3A_31 = arith.cmpf ogt, %add3A_28, %gt3A_30 : vector<2048x128xf32>
    %min3A_32 = arith.constant 0.000000e+00 : f32
    %min3A_33 = vector.broadcast %min3A_32 : f32 to vector<2048x128xf32>
    %min3A_34 = arith.minimumf %add3A_28, %min3A_33 : vector<2048x128xf32>
    %exp3A_35 = math.exp %min3A_34 : vector<2048x128xf32>
    %sub3A_36 = arith.constant 1.000000e+00 : f32
    %sub3A_37 = vector.broadcast %sub3A_36 : f32 to vector<2048x128xf32>
    %sub3A_38 = arith.subf %exp3A_35, %sub3A_37 : vector<2048x128xf32>
    %select_n3A_39 = arith.select %gt3A_31, %add3A_28, %sub3A_38 : vector<2048x128xi1>, vector<2048x128xf32>
    %swap3A = arith.constant 0 : index
    %swap3A_40 = arith.constant 0 : index
    %swap3A_41 = vector.load %arg6[%swap3A, %swap3A_40] : memref<2048x128xf32, #tpu.memory_space<vmem>>, vector<2048x128xf32>
    tpu.vector_store %arg6[%swap3A, %swap3A_40], %select_n3A_39 {strides = array<i32>} : memref<2048x128xf32, #tpu.memory_space<vmem>>, vector<2048x128xf32>,
    return
  }
  func.func @transform_0(%arg0: i32) -> (i32, i32) {
    %add3A = arith.constant 128 : i32
    %add3A_0 = arith.addi %add3A, %arg0 : i32
    %min3A = arith.constant 156 : i32
    %min3A_1 = arith.minsi %add3A_0, %min3A : i32
    %c0_i32 = arith.constant 0 : i32
    %c0_i32_2 = arith.constant 0 : i32
    return %min3A_1, %c0_i32 : i32, i32
  }
  func.func @transform_1(%arg0: i32) -> (i32, i32) {
    %c0_i32 = arith.constant 0 : i32
    %c0_i32_0 = arith.constant 0 : i32
    %c0_i32_1 = arith.constant 0 : i32
    return %c0_i32, %c0_i32_0 : i32, i32
  }
  func.func @transform_2(%arg0: i32) -> (i32, i32) {
    %c0_i32 = arith.constant 0 : i32
    %c0_i32_0 = arith.constant 0 : i32
    %c0_i32_1 = arith.constant 0 : i32
    return %c0_i32, %c0_i32_0 : i32, i32
  }
  func.func @transform_3(%arg0: i32) -> (i32, i32) {
    %c0_i32 = arith.constant 0 : i32
    %c0_i32_0 = arith.constant 0 : i32
    %c0_i32_1 = arith.constant 0 : i32
    return %c0_i32, %c0_i32_0 : i32, i32
  }
  func.func @transform_4(%arg0: i32) -> (i32, i32) {
    %c0_i32 = arith.constant 0 : i32
    %c0_i32_0 = arith.constant 0 : i32
    %c0_i32_1 = arith.constant 0 : i32
    return %c0_i32, %c0_i32_0 : i32, i32
  }
  func.func @transform_5(%arg0: i32) -> (i32, i32) {
    %c0_i32 = arith.constant 0 : i32
    %c0_i32_0 = arith.constant 0 : i32
    return %arg0, %c0_i32 : i32, i32
  }
}

module attributes {stable_mosaic.version = 14 : i64} {
  func.func @_dense_body(%arg0: i32, %arg1: memref<2048x128xf32, #tpu.memory_space<vmem>>, %arg2: memref<128x128xf32, #tpu.memory_space<vmem>>, %arg3: memref<1x128xf32, #tpu.memory_space<vmem>>, %arg4: memref<128x128xf32, #tpu.memory_space<vmem>>, %arg5: memref<1x128xf32, #tpu.memory_space<vmem>>, %arg6: memref<2048x128xf32, #tpu.memory_space<vmem>>) attributes {dimension_semantics = [#tpu.dimension_semantics<arbitrary>], iteration_bounds = array<i64: 32>, scalar_prefetch = 0 : i64, scratch_operands = 0 : i64, tpu.core_type = #tpu.core_type<tc>, window_params = [{transform_indices = @transform_0, window_bounds = array<i64: 2048, 128>}, {pipeline_mode = #tpu.pipeline_mode<synchronous>, transform_indices = @transform_1, window_bounds = array<i64: 128, 128>}, {pipeline_mode = #tpu.pipeline_mode<synchronous>, transform_indices = @transform_2, window_bounds = array<i64: 1, 128>}, {pipeline_mode = #tpu.pipeline_mode<synchronous>, transform_indices = @transform_3, window_bounds = array<i64: 128, 128>}, {pipeline_mode = #tpu.pipeline_mode<synchronous>, transform_indices = @transform_4, window_bounds = array<i64: 1, 128>}, {transform_indices = @transform_5, window_bounds = array<i64: 2048, 128>}]} {
    %get3A = arith.constant 0 : index
    %get3A_0 = arith.constant 0 : index
    %get3A_1 = vector.load %arg1[%get3A, %get3A_0] : memref<2048x128xf32, #tpu.memory_space<vmem>>, vector<2048x128xf32>
    %convert_element_type3A = arith.truncf %get3A_1 : vector<2048x128xf32> to vector<2048x128xbf16>
    %get3A_2 = arith.constant 0 : index
    %get3A_3 = arith.constant 0 : index
    %get3A_4 = vector.load %arg2[%get3A_2, %get3A_3] : memref<128x128xf32, #tpu.memory_space<vmem>>, vector<128x128xf32>
    %convert_element_type3A_5 = arith.truncf %get3A_4 : vector<128x128xf32> to vector<128x128xbf16>
    %dot_general3A = arith.constant dense<0.000000e+00> : vector<2048x128xf32>
    %dot_general3A_6 = tpu.matmul %convert_element_type3A, %convert_element_type3A_5, %dot_general3A {dimension_numbers = #tpu.dot_dimension_numbers<[1], [0], [0], [1], [0, 0, 1, 1], [], []>, transpose_lhs_hint = false} : vector<2048x128xbf16>, vector<128x128xbf16>, vector<2048x128xf32> -> vector<2048x128xf32>
    %get3A_7 = arith.constant 0 : index
    %get3A_8 = arith.constant 0 : index
    %get3A_9 = vector.load %arg3[%get3A_7, %get3A_8] : memref<1x128xf32, #tpu.memory_space<vmem>>, vector<1x128xf32>
    %add3A = vector.broadcast %get3A_9 : vector<1x128xf32> to vector<2048x128xf32>
    %add3A_10 = arith.addf %dot_general3A_6, %add3A : vector<2048x128xf32>
    %gt3A = arith.constant 0.000000e+00 : f32
    %gt3A_11 = vector.broadcast %gt3A : f32 to vector<2048x128xf32>
    %gt3A_12 = arith.cmpf ogt, %add3A_10, %gt3A_11 : vector<2048x128xf32>
    %min3A = arith.constant 0.000000e+00 : f32
    %min3A_13 = vector.broadcast %min3A : f32 to vector<2048x128xf32>
    %min3A_14 = arith.minimumf %add3A_10, %min3A_13 : vector<2048x128xf32>
    %exp3A = math.exp %min3A_14 : vector<2048x128xf32>
    %sub3A = arith.constant 1.000000e+00 : f32
    %sub3A_15 = vector.broadcast %sub3A : f32 to vector<2048x128xf32>
    %sub3A_16 = arith.subf %exp3A, %sub3A_15 : vector<2048x128xf32>
    %select_n3A = arith.select %gt3A_12, %add3A_10, %sub3A_16 : vector<2048x128xi1>, vector<2048x128xf32>
    %get3A_17 = arith.constant 0 : index
    %get3A_18 = arith.constant 0 : index
    %get3A_19 = vector.load %arg4[%get3A_17, %get3A_18] : memref<128x128xf32, #tpu.memory_space<vmem>>, vector<128x128xf32>
    %convert_element_type3A_20 = arith.truncf %get3A_19 : vector<128x128xf32> to vector<128x128xbf16>
    %convert_element_type3A_21 = arith.truncf %select_n3A : vector<2048x128xf32> to vector<2048x128xbf16>
    %dot_general3A_22 = arith.constant dense<0.000000e+00> : vector<2048x128xf32>
    %dot_general3A_23 = tpu.matmul %convert_element_type3A_21, %convert_element_type3A_20, %dot_general3A_22 {dimension_numbers = #tpu.dot_dimension_numbers<[1], [0], [0], [1], [0, 0, 1, 1], [], []>, transpose_lhs_hint = false} : vector<2048x128xbf16>, vector<128x128xbf16>, vector<2048x128xf32> -> vector<2048x128xf32>
    %get3A_24 = arith.constant 0 : index
    %get3A_25 = arith.constant 0 : index
    %get3A_26 = vector.load %arg5[%get3A_24, %get3A_25] : memref<1x128xf32, #tpu.memory_space<vmem>>, vector<1x128xf32>
    %add3A_27 = vector.broadcast %get3A_26 : vector<1x128xf32> to vector<2048x128xf32>
    %add3A_28 = arith.addf %dot_general3A_23, %add3A_27 : vector<2048x128xf32>
    %gt3A_29 = arith.constant 0.000000e+00 : f32
    %gt3A_30 = vector.broadcast %gt3A_29 : f32 to vector<2048x128xf32>
    %gt3A_31 = arith.cmpf ogt, %add3A_28, %gt3A_30 : vector<2048x128xf32>
    %min3A_32 = arith.constant 0.000000e+00 : f32
    %min3A_33 = vector.broadcast %min3A_32 : f32 to vector<2048x128xf32>
    %min3A_34 = arith.minimumf %add3A_28, %min3A_33 : vector<2048x128xf32>
    %exp3A_35 = math.exp %min3A_34 : vector<2048x128xf32>
    %sub3A_36 = arith.constant 1.000000e+00 : f32
    %sub3A_37 = vector.broadcast %sub3A_36 : f32 to vector<2048x128xf32>
    %sub3A_38 = arith.subf %exp3A_35, %sub3A_37 : vector<2048x128xf32>
    %select_n3A_39 = arith.select %gt3A_31, %add3A_28, %sub3A_38 : vector<2048x128xi1>, vector<2048x128xf32>
    %swap3A = arith.constant 0 : index
    %swap3A_40 = arith.constant 0 : index
    %swap3A_41 = vector.load %arg6[%swap3A, %swap3A_40] : memref<2048x128xf32, #tpu.memory_space<vmem>>, vector<2048x128xf32>
    tpu.vector_store %arg6[%swap3A, %swap3A_40], %select_n3A_39 {strides = array<i32>} : memref<2048x128xf32, #tpu.memory_space<vmem>>, vector<2048x128xf32>,
    return
  }
  func.func @transform_0(%arg0: i32) -> (i32, i32) {
    %add3A = arith.constant 0 : i32
    %add3A_0 = arith.addi %add3A, %arg0 : i32
    %min3A = arith.constant 156 : i32
    %min3A_1 = arith.minsi %add3A_0, %min3A : i32
    %c0_i32 = arith.constant 0 : i32
    %c0_i32_2 = arith.constant 0 : i32
    return %min3A_1, %c0_i32 : i32, i32
  }
  func.func @transform_1(%arg0: i32) -> (i32, i32) {
    %c0_i32 = arith.constant 0 : i32
    %c0_i32_0 = arith.constant 0 : i32
    %c0_i32_1 = arith.constant 0 : i32
    return %c0_i32, %c0_i32_0 : i32, i32
  }
  func.func @transform_2(%arg0: i32) -> (i32, i32) {
    %c0_i32 = arith.constant 0 : i32
    %c0_i32_0 = arith.constant 0 : i32
    %c0_i32_1 = arith.constant 0 : i32
    return %c0_i32, %c0_i32_0 : i32, i32
  }
  func.func @transform_3(%arg0: i32) -> (i32, i32) {
    %c0_i32 = arith.constant 0 : i32
    %c0_i32_0 = arith.constant 0 : i32
    %c0_i32_1 = arith.constant 0 : i32
    return %c0_i32, %c0_i32_0 : i32, i32
  }
  func.func @transform_4(%arg0: i32) -> (i32, i32) {
    %c0_i32 = arith.constant 0 : i32
    %c0_i32_0 = arith.constant 0 : i32
    %c0_i32_1 = arith.constant 0 : i32
    return %c0_i32, %c0_i32_0 : i32, i32
  }
  func.func @transform_5(%arg0: i32) -> (i32, i32) {
    %c0_i32 = arith.constant 0 : i32
    %c0_i32_0 = arith.constant 0 : i32
    return %arg0, %c0_i32 : i32, i32
  }
}

module attributes {stable_mosaic.version = 14 : i64} {
  func.func @_head_body(%arg0: i32, %arg1: memref<2x512x128xf32, #tpu.memory_space<vmem>>, %arg2: memref<2x512x128xf32, #tpu.memory_space<vmem>>, %arg3: memref<2x512x128xf32, #tpu.memory_space<vmem>>, %arg4: memref<2x512x128xf32, #tpu.memory_space<vmem>>, %arg5: memref<2x512x128xf32, #tpu.memory_space<vmem>>, %arg6: memref<2x512x128xf32, #tpu.memory_space<vmem>>, %arg7: memref<2x512x128xf32, #tpu.memory_space<vmem>>, %arg8: memref<2x512x128xf32, #tpu.memory_space<vmem>>, %arg9: memref<2x512x128xf32, #tpu.memory_space<vmem>>, %arg10: memref<2x512x128xf32, #tpu.memory_space<vmem>>, %arg11: memref<128x128xf32, #tpu.memory_space<vmem>>, %arg12: memref<1x128xf32, #tpu.memory_space<vmem>>, %arg13: memref<128x128xf32, #tpu.memory_space<vmem>>, %arg14: memref<1x128xf32, #tpu.memory_space<vmem>>, %arg15: memref<128x256xf32, #tpu.memory_space<vmem>>, %arg16: memref<1x256xf32, #tpu.memory_space<vmem>>, %arg17: memref<256x128xf32, #tpu.memory_space<vmem>>, %arg18: memref<1x128xf32, #tpu.memory_space<vmem>>, %arg19: memref<512x128xf32, #tpu.memory_space<vmem>>) attributes {dimension_semantics = [#tpu.dimension_semantics<arbitrary>], iteration_bounds = array<i64: 10>, scalar_prefetch = 0 : i64, scratch_operands = 0 : i64, tpu.core_type = #tpu.core_type<tc>, window_params = [{transform_indices = @transform_0, window_bounds = array<i64: 2, 512, 128>}, {transform_indices = @transform_1, window_bounds = array<i64: 2, 512, 128>}, {transform_indices = @transform_2, window_bounds = array<i64: 2, 512, 128>}, {transform_indices = @transform_3, window_bounds = array<i64: 2, 512, 128>}, {transform_indices = @transform_4, window_bounds = array<i64: 2, 512, 128>}, {transform_indices = @transform_5, window_bounds = array<i64: 2, 512, 128>}, {transform_indices = @transform_6, window_bounds = array<i64: 2, 512, 128>}, {transform_indices = @transform_7, window_bounds = array<i64: 2, 512, 128>}, {transform_indices = @transform_8, window_bounds = array<i64: 2, 512, 128>}, {transform_indices = @transform_9, window_bounds = array<i64: 2, 512, 128>}, {pipeline_mode = #tpu.pipeline_mode<synchronous>, transform_indices = @transform_10, window_bounds = array<i64: 128, 128>}, {pipeline_mode = #tpu.pipeline_mode<synchronous>, transform_indices = @transform_11, window_bounds = array<i64: 1, 128>}, {pipeline_mode = #tpu.pipeline_mode<synchronous>, transform_indices = @transform_12, window_bounds = array<i64: 128, 128>}, {pipeline_mode = #tpu.pipeline_mode<synchronous>, transform_indices = @transform_13, window_bounds = array<i64: 1, 128>}, {pipeline_mode = #tpu.pipeline_mode<synchronous>, transform_indices = @transform_14, window_bounds = array<i64: 128, 256>}, {pipeline_mode = #tpu.pipeline_mode<synchronous>, transform_indices = @transform_15, window_bounds = array<i64: 1, 256>}, {pipeline_mode = #tpu.pipeline_mode<synchronous>, transform_indices = @transform_16, window_bounds = array<i64: 256, 128>}, {pipeline_mode = #tpu.pipeline_mode<synchronous>, transform_indices = @transform_17, window_bounds = array<i64: 1, 128>}, {transform_indices = @transform_18, window_bounds = array<i64: 512, 128>}]} {
    %get3A = arith.constant 0 : index
    %get3A_0 = arith.constant 0 : index
    %get3A_1 = arith.constant 0 : index
    %get3A_2 = vector.load %arg1[%get3A, %get3A_0, %get3A_1] : memref<2x512x128xf32, #tpu.memory_space<vmem>>, vector<1x512x128xf32>
    %get3A_3 = vector.shape_cast %get3A_2 : vector<1x512x128xf32> to vector<512x128xf32>
    %get3A_4 = arith.constant 1 : index
    %get3A_5 = arith.constant 0 : index
    %get3A_6 = arith.constant 0 : index
    %get3A_7 = vector.load %arg1[%get3A_4, %get3A_5, %get3A_6] : memref<2x512x128xf32, #tpu.memory_space<vmem>>, vector<1x512x128xf32>
    %get3A_8 = vector.shape_cast %get3A_7 : vector<1x512x128xf32> to vector<512x128xf32>
    %add3A = arith.addf %get3A_3, %get3A_8 : vector<512x128xf32>
    %get3A_9 = arith.constant 0 : index
    %get3A_10 = arith.constant 0 : index
    %get3A_11 = arith.constant 0 : index
    %get3A_12 = vector.load %arg6[%get3A_9, %get3A_10, %get3A_11] : memref<2x512x128xf32, #tpu.memory_space<vmem>>, vector<1x512x128xf32>
    %get3A_13 = vector.shape_cast %get3A_12 : vector<1x512x128xf32> to vector<512x128xf32>
    %get3A_14 = arith.constant 1 : index
    %get3A_15 = arith.constant 0 : index
    %get3A_16 = arith.constant 0 : index
    %get3A_17 = vector.load %arg6[%get3A_14, %get3A_15, %get3A_16] : memref<2x512x128xf32, #tpu.memory_space<vmem>>, vector<1x512x128xf32>
    %get3A_18 = vector.shape_cast %get3A_17 : vector<1x512x128xf32> to vector<512x128xf32>
    %add3A_19 = arith.addf %get3A_13, %get3A_18 : vector<512x128xf32>
    %get3A_20 = arith.constant 0 : index
    %get3A_21 = arith.constant 0 : index
    %get3A_22 = arith.constant 0 : index
    %get3A_23 = vector.load %arg2[%get3A_20, %get3A_21, %get3A_22] : memref<2x512x128xf32, #tpu.memory_space<vmem>>, vector<1x512x128xf32>
    %get3A_24 = vector.shape_cast %get3A_23 : vector<1x512x128xf32> to vector<512x128xf32>
    %add3A_25 = arith.addf %add3A, %get3A_24 : vector<512x128xf32>
    %get3A_26 = arith.constant 1 : index
    %get3A_27 = arith.constant 0 : index
    %get3A_28 = arith.constant 0 : index
    %get3A_29 = vector.load %arg2[%get3A_26, %get3A_27, %get3A_28] : memref<2x512x128xf32, #tpu.memory_space<vmem>>, vector<1x512x128xf32>
    %get3A_30 = vector.shape_cast %get3A_29 : vector<1x512x128xf32> to vector<512x128xf32>
    %add3A_31 = arith.addf %add3A_25, %get3A_30 : vector<512x128xf32>
    %get3A_32 = arith.constant 0 : index
    %get3A_33 = arith.constant 0 : index
    %get3A_34 = arith.constant 0 : index
    %get3A_35 = vector.load %arg7[%get3A_32, %get3A_33, %get3A_34] : memref<2x512x128xf32, #tpu.memory_space<vmem>>, vector<1x512x128xf32>
    %get3A_36 = vector.shape_cast %get3A_35 : vector<1x512x128xf32> to vector<512x128xf32>
    %add3A_37 = arith.addf %add3A_19, %get3A_36 : vector<512x128xf32>
    %get3A_38 = arith.constant 1 : index
    %get3A_39 = arith.constant 0 : index
    %get3A_40 = arith.constant 0 : index
    %get3A_41 = vector.load %arg7[%get3A_38, %get3A_39, %get3A_40] : memref<2x512x128xf32, #tpu.memory_space<vmem>>, vector<1x512x128xf32>
    %get3A_42 = vector.shape_cast %get3A_41 : vector<1x512x128xf32> to vector<512x128xf32>
    %add3A_43 = arith.addf %add3A_37, %get3A_42 : vector<512x128xf32>
    %get3A_44 = arith.constant 0 : index
    %get3A_45 = arith.constant 0 : index
    %get3A_46 = arith.constant 0 : index
    %get3A_47 = vector.load %arg3[%get3A_44, %get3A_45, %get3A_46] : memref<2x512x128xf32, #tpu.memory_space<vmem>>, vector<1x512x128xf32>
    %get3A_48 = vector.shape_cast %get3A_47 : vector<1x512x128xf32> to vector<512x128xf32>
    %add3A_49 = arith.addf %add3A_31, %get3A_48 : vector<512x128xf32>
    %get3A_50 = arith.constant 1 : index
    %get3A_51 = arith.constant 0 : index
    %get3A_52 = arith.constant 0 : index
    %get3A_53 = vector.load %arg3[%get3A_50, %get3A_51, %get3A_52] : memref<2x512x128xf32, #tpu.memory_space<vmem>>, vector<1x512x128xf32>
    %get3A_54 = vector.shape_cast %get3A_53 : vector<1x512x128xf32> to vector<512x128xf32>
    %add3A_55 = arith.addf %add3A_49, %get3A_54 : vector<512x128xf32>
    %get3A_56 = arith.constant 0 : index
    %get3A_57 = arith.constant 0 : index
    %get3A_58 = arith.constant 0 : index
    %get3A_59 = vector.load %arg8[%get3A_56, %get3A_57, %get3A_58] : memref<2x512x128xf32, #tpu.memory_space<vmem>>, vector<1x512x128xf32>
    %get3A_60 = vector.shape_cast %get3A_59 : vector<1x512x128xf32> to vector<512x128xf32>
    %add3A_61 = arith.addf %add3A_43, %get3A_60 : vector<512x128xf32>
    %get3A_62 = arith.constant 1 : index
    %get3A_63 = arith.constant 0 : index
    %get3A_64 = arith.constant 0 : index
    %get3A_65 = vector.load %arg8[%get3A_62, %get3A_63, %get3A_64] : memref<2x512x128xf32, #tpu.memory_space<vmem>>, vector<1x512x128xf32>
    %get3A_66 = vector.shape_cast %get3A_65 : vector<1x512x128xf32> to vector<512x128xf32>
    %add3A_67 = arith.addf %add3A_61, %get3A_66 : vector<512x128xf32>
    %get3A_68 = arith.constant 0 : index
    %get3A_69 = arith.constant 0 : index
    %get3A_70 = arith.constant 0 : index
    %get3A_71 = vector.load %arg4[%get3A_68, %get3A_69, %get3A_70] : memref<2x512x128xf32, #tpu.memory_space<vmem>>, vector<1x512x128xf32>
    %get3A_72 = vector.shape_cast %get3A_71 : vector<1x512x128xf32> to vector<512x128xf32>
    %add3A_73 = arith.addf %add3A_55, %get3A_72 : vector<512x128xf32>
    %get3A_74 = arith.constant 1 : index
    %get3A_75 = arith.constant 0 : index
    %get3A_76 = arith.constant 0 : index
    %get3A_77 = vector.load %arg4[%get3A_74, %get3A_75, %get3A_76] : memref<2x512x128xf32, #tpu.memory_space<vmem>>, vector<1x512x128xf32>
    %get3A_78 = vector.shape_cast %get3A_77 : vector<1x512x128xf32> to vector<512x128xf32>
    %add3A_79 = arith.addf %add3A_73, %get3A_78 : vector<512x128xf32>
    %get3A_80 = arith.constant 0 : index
    %get3A_81 = arith.constant 0 : index
    %get3A_82 = arith.constant 0 : index
    %get3A_83 = vector.load %arg9[%get3A_80, %get3A_81, %get3A_82] : memref<2x512x128xf32, #tpu.memory_space<vmem>>, vector<1x512x128xf32>
    %get3A_84 = vector.shape_cast %get3A_83 : vector<1x512x128xf32> to vector<512x128xf32>
    %add3A_85 = arith.addf %add3A_67, %get3A_84 : vector<512x128xf32>
    %get3A_86 = arith.constant 1 : index
    %get3A_87 = arith.constant 0 : index
    %get3A_88 = arith.constant 0 : index
    %get3A_89 = vector.load %arg9[%get3A_86, %get3A_87, %get3A_88] : memref<2x512x128xf32, #tpu.memory_space<vmem>>, vector<1x512x128xf32>
    %get3A_90 = vector.shape_cast %get3A_89 : vector<1x512x128xf32> to vector<512x128xf32>
    %add3A_91 = arith.addf %add3A_85, %get3A_90 : vector<512x128xf32>
    %get3A_92 = arith.constant 0 : index
    %get3A_93 = arith.constant 0 : index
    %get3A_94 = arith.constant 0 : index
    %get3A_95 = vector.load %arg5[%get3A_92, %get3A_93, %get3A_94] : memref<2x512x128xf32, #tpu.memory_space<vmem>>, vector<1x512x128xf32>
    %get3A_96 = vector.shape_cast %get3A_95 : vector<1x512x128xf32> to vector<512x128xf32>
    %add3A_97 = arith.addf %add3A_79, %get3A_96 : vector<512x128xf32>
    %get3A_98 = arith.constant 1 : index
    %get3A_99 = arith.constant 0 : index
    %get3A_100 = arith.constant 0 : index
    %get3A_101 = vector.load %arg5[%get3A_98, %get3A_99, %get3A_100] : memref<2x512x128xf32, #tpu.memory_space<vmem>>, vector<1x512x128xf32>
    %get3A_102 = vector.shape_cast %get3A_101 : vector<1x512x128xf32> to vector<512x128xf32>
    %add3A_103 = arith.addf %add3A_97, %get3A_102 : vector<512x128xf32>
    %get3A_104 = arith.constant 0 : index
    %get3A_105 = arith.constant 0 : index
    %get3A_106 = arith.constant 0 : index
    %get3A_107 = vector.load %arg10[%get3A_104, %get3A_105, %get3A_106] : memref<2x512x128xf32, #tpu.memory_space<vmem>>, vector<1x512x128xf32>
    %get3A_108 = vector.shape_cast %get3A_107 : vector<1x512x128xf32> to vector<512x128xf32>
    %add3A_109 = arith.addf %add3A_91, %get3A_108 : vector<512x128xf32>
    %get3A_110 = arith.constant 1 : index
    %get3A_111 = arith.constant 0 : index
    %get3A_112 = arith.constant 0 : index
    %get3A_113 = vector.load %arg10[%get3A_110, %get3A_111, %get3A_112] : memref<2x512x128xf32, #tpu.memory_space<vmem>>, vector<1x512x128xf32>
    %get3A_114 = vector.shape_cast %get3A_113 : vector<1x512x128xf32> to vector<512x128xf32>
    %add3A_115 = arith.addf %add3A_109, %get3A_114 : vector<512x128xf32>
    %max3A = arith.constant 1.000000e+00 : f32
    %max3A_116 = vector.broadcast %max3A : f32 to vector<512x128xf32>
    %max3A_117 = arith.maximumf %add3A_115, %max3A_116 : vector<512x128xf32>
    %div3A = arith.divf %add3A_103, %max3A_117 : vector<512x128xf32>
    %get3A_118 = arith.constant 0 : index
    %get3A_119 = arith.constant 0 : index
    %get3A_120 = vector.load %arg11[%get3A_118, %get3A_119] : memref<128x128xf32, #tpu.memory_space<vmem>>, vector<128x128xf32>
    %dot_general3A = arith.constant dense<0.000000e+00> : vector<512x128xf32>
    %dot_general3A_121 = tpu.matmul %div3A, %get3A_120, %dot_general3A {dimension_numbers = #tpu.dot_dimension_numbers<[1], [0], [0], [1], [0, 0, 1, 1], [], []>, transpose_lhs_hint = false} : vector<512x128xf32>, vector<128x128xf32>, vector<512x128xf32> -> vector<512x128xf32>
    %get3A_122 = arith.constant 0 : index
    %get3A_123 = arith.constant 0 : index
    %get3A_124 = vector.load %arg12[%get3A_122, %get3A_123] : memref<1x128xf32, #tpu.memory_space<vmem>>, vector<1x128xf32>
    %add3A_125 = vector.broadcast %get3A_124 : vector<1x128xf32> to vector<512x128xf32>
    %add3A_126 = arith.addf %dot_general3A_121, %add3A_125 : vector<512x128xf32>
    %gt3A = arith.constant 0.000000e+00 : f32
    %gt3A_127 = vector.broadcast %gt3A : f32 to vector<512x128xf32>
    %gt3A_128 = arith.cmpf ogt, %add3A_126, %gt3A_127 : vector<512x128xf32>
    %min3A = arith.constant 0.000000e+00 : f32
    %min3A_129 = vector.broadcast %min3A : f32 to vector<512x128xf32>
    %min3A_130 = arith.minimumf %add3A_126, %min3A_129 : vector<512x128xf32>
    %exp3A = math.exp %min3A_130 : vector<512x128xf32>
    %sub3A = arith.constant 1.000000e+00 : f32
    %sub3A_131 = vector.broadcast %sub3A : f32 to vector<512x128xf32>
    %sub3A_132 = arith.subf %exp3A, %sub3A_131 : vector<512x128xf32>
    %select_n3A = arith.select %gt3A_128, %add3A_126, %sub3A_132 : vector<512x128xi1>, vector<512x128xf32>
    %get3A_133 = arith.constant 0 : index
    %get3A_134 = arith.constant 0 : index
    %get3A_135 = vector.load %arg13[%get3A_133, %get3A_134] : memref<128x128xf32, #tpu.memory_space<vmem>>, vector<128x128xf32>
    %dot_general3A_136 = arith.constant dense<0.000000e+00> : vector<512x128xf32>
    %dot_general3A_137 = tpu.matmul %select_n3A, %get3A_135, %dot_general3A_136 {dimension_numbers = #tpu.dot_dimension_numbers<[1], [0], [0], [1], [0, 0, 1, 1], [], []>, transpose_lhs_hint = false} : vector<512x128xf32>, vector<128x128xf32>, vector<512x128xf32> -> vector<512x128xf32>
    %get3A_138 = arith.constant 0 : index
    %get3A_139 = arith.constant 0 : index
    %get3A_140 = vector.load %arg14[%get3A_138, %get3A_139] : memref<1x128xf32, #tpu.memory_space<vmem>>, vector<1x128xf32>
    %add3A_141 = vector.broadcast %get3A_140 : vector<1x128xf32> to vector<512x128xf32>
    %add3A_142 = arith.addf %dot_general3A_137, %add3A_141 : vector<512x128xf32>
    %gt3A_143 = arith.constant 0.000000e+00 : f32
    %gt3A_144 = vector.broadcast %gt3A_143 : f32 to vector<512x128xf32>
    %gt3A_145 = arith.cmpf ogt, %add3A_142, %gt3A_144 : vector<512x128xf32>
    %min3A_146 = arith.constant 0.000000e+00 : f32
    %min3A_147 = vector.broadcast %min3A_146 : f32 to vector<512x128xf32>
    %min3A_148 = arith.minimumf %add3A_142, %min3A_147 : vector<512x128xf32>
    %exp3A_149 = math.exp %min3A_148 : vector<512x128xf32>
    %sub3A_150 = arith.constant 1.000000e+00 : f32
    %sub3A_151 = vector.broadcast %sub3A_150 : f32 to vector<512x128xf32>
    %sub3A_152 = arith.subf %exp3A_149, %sub3A_151 : vector<512x128xf32>
    %select_n3A_153 = arith.select %gt3A_145, %add3A_142, %sub3A_152 : vector<512x128xi1>, vector<512x128xf32>
    %get3A_154 = arith.constant 0 : index
    %get3A_155 = arith.constant 0 : index
    %get3A_156 = vector.load %arg15[%get3A_154, %get3A_155] : memref<128x256xf32, #tpu.memory_space<vmem>>, vector<128x256xf32>
    %dot_general3A_157 = arith.constant dense<0.000000e+00> : vector<512x256xf32>
    %dot_general3A_158 = tpu.matmul %select_n3A_153, %get3A_156, %dot_general3A_157 {dimension_numbers = #tpu.dot_dimension_numbers<[1], [0], [0], [1], [0, 0, 1, 1], [], []>, transpose_lhs_hint = false} : vector<512x128xf32>, vector<128x256xf32>, vector<512x256xf32> -> vector<512x256xf32>
    %get3A_159 = arith.constant 0 : index
    %get3A_160 = arith.constant 0 : index
    %get3A_161 = vector.load %arg16[%get3A_159, %get3A_160] : memref<1x256xf32, #tpu.memory_space<vmem>>, vector<1x256xf32>
    %add3A_162 = vector.broadcast %get3A_161 : vector<1x256xf32> to vector<512x256xf32>
    %add3A_163 = arith.addf %dot_general3A_158, %add3A_162 : vector<512x256xf32>
    %max3A_164 = arith.constant 0.000000e+00 : f32
    %max3A_165 = vector.broadcast %max3A_164 : f32 to vector<512x256xf32>
    %max3A_166 = arith.maximumf %add3A_163, %max3A_165 : vector<512x256xf32>
    %get3A_167 = arith.constant 0 : index
    %get3A_168 = arith.constant 0 : index
    %get3A_169 = vector.load %arg17[%get3A_167, %get3A_168] : memref<256x128xf32, #tpu.memory_space<vmem>>, vector<256x128xf32>
    %dot_general3A_170 = arith.constant dense<0.000000e+00> : vector<512x128xf32>
    %dot_general3A_171 = tpu.matmul %max3A_166, %get3A_169, %dot_general3A_170 {dimension_numbers = #tpu.dot_dimension_numbers<[1], [0], [0], [1], [0, 0, 1, 1], [], []>, transpose_lhs_hint = false} : vector<512x256xf32>, vector<256x128xf32>, vector<512x128xf32> -> vector<512x128xf32>
    %get3A_172 = arith.constant 0 : index
    %get3A_173 = arith.constant 0 : index
    %get3A_174 = vector.load %arg18[%get3A_172, %get3A_173] : memref<1x128xf32, #tpu.memory_space<vmem>>, vector<1x128xf32>
    %add3A_175 = vector.broadcast %get3A_174 : vector<1x128xf32> to vector<512x128xf32>
    %add3A_176 = arith.addf %dot_general3A_171, %add3A_175 : vector<512x128xf32>
    %swap3A = arith.constant 0 : index
    %swap3A_177 = arith.constant 0 : index
    %swap3A_178 = vector.load %arg19[%swap3A, %swap3A_177] : memref<512x128xf32, #tpu.memory_space<vmem>>, vector<512x128xf32>
    tpu.vector_store %arg19[%swap3A, %swap3A_177], %add3A_176 {strides = array<i32>} : memref<512x128xf32, #tpu.memory_space<vmem>>, vector<512x128xf32>,
    return
  }
  func.func @transform_0(%arg0: i32) -> (i32, i32, i32) {
    %c0_i32 = arith.constant 0 : i32
    %c0_i32_0 = arith.constant 0 : i32
    %c0_i32_1 = arith.constant 0 : i32
    return %c0_i32, %arg0, %c0_i32_0 : i32, i32, i32
  }
  func.func @transform_1(%arg0: i32) -> (i32, i32, i32) {
    %c0_i32 = arith.constant 0 : i32
    %c0_i32_0 = arith.constant 0 : i32
    %c0_i32_1 = arith.constant 0 : i32
    return %c0_i32, %arg0, %c0_i32_0 : i32, i32, i32
  }
  func.func @transform_2(%arg0: i32) -> (i32, i32, i32) {
    %c0_i32 = arith.constant 0 : i32
    %c0_i32_0 = arith.constant 0 : i32
    %c0_i32_1 = arith.constant 0 : i32
    return %c0_i32, %arg0, %c0_i32_0 : i32, i32, i32
  }
  func.func @transform_3(%arg0: i32) -> (i32, i32, i32) {
    %c0_i32 = arith.constant 0 : i32
    %c0_i32_0 = arith.constant 0 : i32
    %c0_i32_1 = arith.constant 0 : i32
    return %c0_i32, %arg0, %c0_i32_0 : i32, i32, i32
  }
  func.func @transform_4(%arg0: i32) -> (i32, i32, i32) {
    %c0_i32 = arith.constant 0 : i32
    %c0_i32_0 = arith.constant 0 : i32
    %c0_i32_1 = arith.constant 0 : i32
    return %c0_i32, %arg0, %c0_i32_0 : i32, i32, i32
  }
  func.func @transform_5(%arg0: i32) -> (i32, i32, i32) {
    %c0_i32 = arith.constant 0 : i32
    %c0_i32_0 = arith.constant 0 : i32
    %c0_i32_1 = arith.constant 0 : i32
    return %c0_i32, %arg0, %c0_i32_0 : i32, i32, i32
  }
  func.func @transform_6(%arg0: i32) -> (i32, i32, i32) {
    %c0_i32 = arith.constant 0 : i32
    %c0_i32_0 = arith.constant 0 : i32
    %c0_i32_1 = arith.constant 0 : i32
    return %c0_i32, %arg0, %c0_i32_0 : i32, i32, i32
  }
  func.func @transform_7(%arg0: i32) -> (i32, i32, i32) {
    %c0_i32 = arith.constant 0 : i32
    %c0_i32_0 = arith.constant 0 : i32
    %c0_i32_1 = arith.constant 0 : i32
    return %c0_i32, %arg0, %c0_i32_0 : i32, i32, i32
  }
  func.func @transform_8(%arg0: i32) -> (i32, i32, i32) {
    %c0_i32 = arith.constant 0 : i32
    %c0_i32_0 = arith.constant 0 : i32
    %c0_i32_1 = arith.constant 0 : i32
    return %c0_i32, %arg0, %c0_i32_0 : i32, i32, i32
  }
  func.func @transform_9(%arg0: i32) -> (i32, i32, i32) {
    %c0_i32 = arith.constant 0 : i32
    %c0_i32_0 = arith.constant 0 : i32
    %c0_i32_1 = arith.constant 0 : i32
    return %c0_i32, %arg0, %c0_i32_0 : i32, i32, i32
  }
  func.func @transform_10(%arg0: i32) -> (i32, i32) {
    %c0_i32 = arith.constant 0 : i32
    %c0_i32_0 = arith.constant 0 : i32
    %c0_i32_1 = arith.constant 0 : i32
    return %c0_i32, %c0_i32_0 : i32, i32
  }
  func.func @transform_11(%arg0: i32) -> (i32, i32) {
    %c0_i32 = arith.constant 0 : i32
    %c0_i32_0 = arith.constant 0 : i32
    %c0_i32_1 = arith.constant 0 : i32
    return %c0_i32, %c0_i32_0 : i32, i32
  }
  func.func @transform_12(%arg0: i32) -> (i32, i32) {
    %c0_i32 = arith.constant 0 : i32
    %c0_i32_0 = arith.constant 0 : i32
    %c0_i32_1 = arith.constant 0 : i32
    return %c0_i32, %c0_i32_0 : i32, i32
  }
  func.func @transform_13(%arg0: i32) -> (i32, i32) {
    %c0_i32 = arith.constant 0 : i32
    %c0_i32_0 = arith.constant 0 : i32
    %c0_i32_1 = arith.constant 0 : i32
    return %c0_i32, %c0_i32_0 : i32, i32
  }
  func.func @transform_14(%arg0: i32) -> (i32, i32) {
    %c0_i32 = arith.constant 0 : i32
    %c0_i32_0 = arith.constant 0 : i32
    %c0_i32_1 = arith.constant 0 : i32
    return %c0_i32, %c0_i32_0 : i32, i32
  }
  func.func @transform_15(%arg0: i32) -> (i32, i32) {
    %c0_i32 = arith.constant 0 : i32
    %c0_i32_0 = arith.constant 0 : i32
    %c0_i32_1 = arith.constant 0 : i32
    return %c0_i32, %c0_i32_0 : i32, i32
  }
  func.func @transform_16(%arg0: i32) -> (i32, i32) {
    %c0_i32 = arith.constant 0 : i32
    %c0_i32_0 = arith.constant 0 : i32
    %c0_i32_1 = arith.constant 0 : i32
    return %c0_i32, %c0_i32_0 : i32, i32
  }
  func.func @transform_17(%arg0: i32) -> (i32, i32) {
    %c0_i32 = arith.constant 0 : i32
    %c0_i32_0 = arith.constant 0 : i32
    %c0_i32_1 = arith.constant 0 : i32
    return %c0_i32, %c0_i32_0 : i32, i32
  }
  func.func @transform_18(%arg0: i32) -> (i32, i32) {
    %c0_i32 = arith.constant 0 : i32
    %c0_i32_0 = arith.constant 0 : i32
    return %arg0, %c0_i32 : i32, i32
  }
}

</mosaic_0001>

<sc_bundles>
// kernel: kernel.13.cloned.1.call-start
scs
__scs_entry_jumppad:
0x0: {  	(pc) =	sbr.rel $0x88, $3  }
0x1: {  	(tag) =	ssettag $0x0;
	lr =	simm.s32 $0x1  }
0x2: {  	[smem:$0x3F93] =	sst lr;
	_ =	strace $0xD0000000  }
0x3: {  	_ = 	snop  }
0x4: {  	_ = 	snop  }
0x5: {  	_ = 	snop  }
0x6: {  	_ = 	snop  }
0x7: {  	_ = 	snop  }
__scs_overlays_trampoline_lowered:
0x8: {  	[smem:$0x3FA2] =	sst s0  }
0x9: {  	[smem:$0x3FA3] =	sst s1  }
0xa: {  	[smem:$0x3FA4] =	sst s2  }
0xb: {  	[smem:$0x3FA5] =	sst s3  }
0xc: {  	[smem:$0x3FA6] =	sst s4  }
0xd: {  	[smem:$0x3FA7] =	sst s5  }
0xe: {  	[smem:$0x3FA8] =	sst s6  }
0xf: {  	[smem:$0x3FA9] =	sst s7  }
0x10: {  	[smem:$0x3FAA] =	sst s8  }
0x11: {  	[smem:$0x3FAB] =	sst s9;
	s0 =	simm.s32 @!p0 $0x0  }
0x12: {  	s1 =	sld [smem:$0x3F91];
	s0 =	simm.s32 @p0 $0x1  }
0x13: {  	[smem:$0x3FAC] =	sst s0;
	s0 =	simm.s32 @!p1 $0x0  }
0x14: {  	s2 =	sld [smem:$0x3F90];
	s0 =	simm.s32 @p1 $0x1  }
0x15: {  	[smem:$0x3FAD] =	sst s0;
	s0 =	simm.s32 @!p2 $0x0  }
0x16: {  	s3 =	sld [smem:$0x3FDB];
	s0 =	simm.s32 @p2 $0x1  }
0x17: {  	s4 =	simm.s32 $0x1BF5;
	[smem:$0x3FAF] =	sst s0  }
0x18: {  	s0 =	sld [smem:$0x3F92];
	_ =	swait.ge [sflag:s4], $0x0  }
0x19: {  	s7 =	sld [smem:$0x3F93]  }
0x1a: {  	s8 =	sadd.s32 $0xFFFFE003, lr  }
0x1b: {  	s9 =	sadd.s32 $0xFFFFFEF7, lr;
	s5 =	simm.s32 $0xFFFFFFFF;
	p2 =	slt.u32 s8, $0xFFFFF086  }
0x1c: {  	p1 =	slt.u32 s9, $0xF7A;
	s5 =	simm.s32 @!p2 $0x0  }
0x1d: {  	s5 =	simm.s32 @p1 $0x1;
	p0 =	seq.s32 s7, s2  }
0x1e: {  	s7 =	smul.u32 @!p0 $0xF7A, s2;
	p2 =	seq.s32 @!p0 s5, $0x0  }
0x1f: {  	s9 =	smul.u32 $0xF7A, s1;
	s8 =	simm.s32 @!p0 $0x1BF5;
	p2 =	por !p2, p0  }
0x20: {  	[sflag:s8] =	ssyncset.s32 @!p0 $0xFFFFF086;
	s6 =	sadd.s32 @!p0 s3, s7;
	s7 =	simm.s32 @!p0 $0x108  }
0x21: {  	s3 =	sadd.s32 s3, s9;
	s6 =	sadd.s32 @!p0 $0x88, s6;
	s7 =	simm.s32 @p2 $0x1082  }
0x22: {  	[simem:s7], [sflag:s8] =	dma.local @!p0 [hbm:s6], $0xF7A  }
0x23: {  	s9 =	sor.u32 $0xD0000000, s2;
	s6 =	simm.s32 $0x108;
	_ =	swait.ge @!p0 [sflag:s8], $0x0  }
0x24: {  	s3 =	sadd.s32 $0x88, s3;
	s6 =	simm.s32 @!p1 $0x1082;
	[sflag:s4] =	ssyncset.s32 $0xFFFFF086  }
0x25: {  	[simem:s6], [sflag:s4] =	dma.local [hbm:s3], $0xF7A  }
0x26: {  	[smem:$0x3F93] =	sst s1;
	(tag) =	ssettag s2;
	_ =	strace s9  }
0x27: {  	s1 =	sld [smem:$0x3FA3]  }
0x28: {  	s2 =	sld [smem:$0x3FA4]  }
0x29: {  	s4 =	sld [smem:$0x3FA6]  }
0x2a: {  	p0 =	seq.s32 s5, $0x0;
	s5 =	sld [smem:$0x3FA7]  }
0x2b: {  	s6 =	sld [smem:$0x3FA8]  }
0x2c: {  	s7 =	sld [smem:$0x3FA9]  }
0x2d: {  	s3 =	simm.s32 $0x108;
	s8 =	sld [smem:$0x3FAA]  }
0x2e: {  	s3 =	simm.s32 @!p0 $0x1082;
	s9 =	sld [smem:$0x3FAB]  }
0x2f: {  	lr =	sadd.s32 s0, s3;
	s0 =	sld [smem:$0x3FA2]  }
0x30: {  	s3 =	sld [smem:$0x3FA5]  }
0x31: {  	[smem:$0x3FAE] =	sst s10  }
0x32: {  	s10 =	sld [smem:$0x3FAC];
	_ =	sdelay $0x3  }
0x33: {  	p0 =	seq.s32 s10, $0x1;
	s10 =	sld [smem:$0x3FAE];
	_ =	sdelay $0x3  }
0x34: {  	[smem:$0x3FAE] =	sst s10  }
0x35: {  	s10 =	sld [smem:$0x3FAD];
	_ =	sdelay $0x3  }
0x36: {  	p1 =	seq.s32 s10, $0x1;
	s10 =	sld [smem:$0x3FAE];
	_ =	sdelay $0x3  }
0x37: {  	[smem:$0x3FAE] =	sst s10  }
0x38: {  	s10 =	sld [smem:$0x3FAF]  }
0x39: {  	_ = 	snop;
	(pc) =	sbr.ind lr, $3  }
0x3a: {  	_ = 	snop  }
0x3b: {  	_ = 	snop  }
0x3c: {  	p2 =	seq.s32 s10, $0x1;
	s10 =	sld [smem:$0x3FAE]  }
0x3d: {  	_ =	shalt  }
0x3e: {  	_ =	shalt  }
0x3f: {  	_ =	shalt  }
0x40: {  	_ =	shalt  }
0x41: {  	_ =	shalt  }
0x42: {  	_ =	shalt  }
0x43: {  	_ =	shalt  }
0x44: {  	_ =	shalt  }
0x45: {  	_ =	shalt  }
0x46: {  	_ =	shalt  }
0x47: {  	_ =	shalt  }
0x48: {  	_ =	shalt  }
0x49: {  	_ =	shalt  }
0x4a: {  	_ =	shalt  }
0x4b: {  	_ =	shalt  }
0x4c: {  	_ =	shalt  }
0x4d: {  	_ =	shalt  }
0x4e: {  	_ =	shalt  }
0x4f: {  	_ =	shalt  }
0x50: {  	_ =	shalt  }
0x51: {  	_ =	shalt  }
0x52: {  	_ =	shalt  }
0x53: {  	_ =	shalt  }
0x54: {  	_ =	shalt  }
0x55: {  	_ =	shalt  }
0x56: {  	_ =	shalt  }
0x57: {  	_ =	shalt  }
0x58: {  	_ =	shalt  }
0x59: {  	_ =	shalt  }
0x5a: {  	_ =	shalt  }
0x5b: {  	_ =	shalt  }
0x5c: {  	_ =	shalt  }
0x5d: {  	_ =	shalt  }
0x5e: {  	_ =	shalt  }
0x5f: {  	_ =	shalt  }
0x60: {  	_ =	shalt  }
0x61: {  	_ =	shalt  }
0x62: {  	_ =	shalt  }
0x63: {  	_ =	shalt  }
0x64: {  	_ =	shalt  }
0x65: {  	_ =	shalt  }
0x66: {  	_ =	shalt  }
0x67: {  	_ =	shalt  }
0x68: {  	_ =	shalt  }
0x69: {  	_ =	shalt  }
0x6a: {  	_ =	shalt  }
0x6b: {  	_ =	shalt  }
0x6c: {  	_ =	shalt  }
0x6d: {  	_ =	shalt  }
0x6e: {  	_ =	shalt  }
0x6f: {  	_ =	shalt  }
0x70: {  	_ =	shalt  }
0x71: {  	_ =	shalt  }
0x72: {  	_ =	shalt  }
0x73: {  	_ =	shalt  }
0x74: {  	_ =	shalt  }
0x75: {  	_ =	shalt  }
0x76: {  	_ =	shalt  }
0x77: {  	_ =	shalt  }
0x78: {  	_ =	shalt  }
0x79: {  	_ =	shalt  }
0x7a: {  	_ =	shalt  }
0x7b: {  	_ =	shalt  }
0x7c: {  	_ =	shalt  }
0x7d: {  	_ =	shalt  }
0x7e: {  	_ =	shalt  }
0x7f: {  	_ =	shalt  }
0x80: {  	_ =	shalt  }
0x81: {  	_ =	shalt  }
0x82: {  	_ =	shalt  }
0x83: {  	_ =	shalt  }
0x84: {  	_ =	shalt  }
0x85: {  	_ =	shalt  }
0x86: {  	_ =	shalt  }
0x87: {  	_ =	shalt  }
.Lfunc_end0:
.L_simem_size_0:
called_computation_lowered:
.L_overlay_start_0:
0x88: {  	s2 =	sld [smem:$0x3FD9]  }
0x89: {  	s3 =	sld [smem:$0x3FFE];
	_ =	sdelay $0x1  }
0x8a: {  	s1 =	srdreg.scid  }
0x8b: {  	s0 =	sand.u32 $0x1, s1  }
0x8c: {  	s17 =	sshll.u32 s0, $0xA;
	s2 =	sadd.s32 s3, s2  }
0x8d: {  	s2 =	sadd.s32 s2, s17  }
0x8e: {  	[smem:$0x3FBA] =	sst s2  }
0x8f: {  	_ = 	snop  }
0x90: {  	s18 =	sld [smem:$0x3FD0];
	(tm) =	ssettm $0x1  }
0x91: {  	s19 =	sld [smem:$0x3FFB];
	_ =	sdelay $0x3  }
0x92: {  	_ =	strace s19  }
0x93: {  	s2 =	sld [smem:$0x3FFC];
	_ =	sdelay $0x3  }
0x94: {  	_ =	strace s2  }
0x95: {  	s2 =	sld [smem:$0x3FFD];
	_ =	sdelay $0x3  }
0x96: {  	_ =	strace s2  }
0x97: {  	_ =	strace $0x8FFFFFFF  }
0x98: {  	s20 =	sld [smem:$0x3FDB];
	_ =	sdelay $0x1  }
0x99: {  	s4 =	simm.s32 $_scs_section_size  }
0x9a: {  	s5 =	simm.s32 $_size__tile_overlayer_lowered;
	s6 =	simm.s32 $_tile_overlayer_lowered  }
0x9b: {  	s7 =	simm.s32 $0x1BFF;
	s21 =	sshll.u32 s6, $0x1;
	s4 =	sadd.s32 s4, s20  }
0x9c: {  	s22 =	simm.s32 $0x0;
	s5 =	sshll.u32 s5, $0x1;
	s6 =	sadd.s32 s21, s4  }
0x9d: {  	[timem:s22], [sflag:s7] =	dma.local [hbm:s6], s5  }
0x9e: {  	_ =	swait.ge [sflag:s7], s5  }
0x9f: {  	s5 =	ssub.s32 $0x0, s5;
	[sflag:s7] =	ssyncset.done $0x0  }
0xa0: {  	[sflag:s7] =	ssyncadd.s32 s5;
	_ =	sdelay $0x1  }
0xa1: {  	s23 =	simm.s32 $0x1B8B  }
0xa2: {  	_ =	swait.ge [sflag:s23], $0x1  }
0xa3: {  	[sflag:s23] =	ssyncset.done $0x0  }
0xa4: {  	[sflag:s23] =	ssyncadd.s32 $0xFFFFFFFF  }
0xa5: {  	s5 =	sld [smem:$0x0]  }
0xa6: {  	s6 =	sand.u32 $0xFFFFFFFE, s1  }
0xa7: {  	p0 =	sne.s32 s1, s6  }
0xa8: {  	s6 =	sshll.u32 @p0 s6, $0xE  }
0xa9: {  	s6 =	sadd.s32 @p0 $0x11B8D, s6;
	s7 =	sshll.u32 @p0 s5, $0x11  }
0xaa: {  	s6 =	sor.u32 @p0 s7, s6  }
0xab: {  	[sflag:s6] =	ssyncadd.remote.s32 @p0 $0x1;
	_ =	sdelay $0x1  }
0xac: {  	s6 =	simm.s32 @p0 $0x1B8D  }
0xad: {  	_ =	swait.eq @p0 [sflag:s6], $0x1  }
0xae: {  	[sflag:s6] =	ssyncadd.s32 @p0 $0xFFFFFFFF  }
0xaf: {  	s7 =	sshll.u32 @!p0 s1, $0xE  }
0xb0: {  	s7 =	sor.u32 @!p0 $0x4000, s7;
	s6 =	simm.s32 @!p0 $0x1B8D  }
0xb1: {  	s5 =	sshll.u32 @!p0 s5, $0x11;
	s7 =	sadd.s32 @!p0 $0x11B8D, s7;
	_ =	swait.eq @!p0 [sflag:s6], $0x1  }
0xb2: {  	s5 =	sor.u32 @!p0 s5, s7;
	[sflag:s6] =	ssyncadd.s32 @!p0 $0xFFFFFFFF  }
0xb3: {  	s25 =	simm.s32 $0x1B8E;
	s24 =	sld [smem:$0x3FFE];
	[sflag:s5] =	ssyncadd.remote.s32 @!p0 $0x1  }
0xb4: {  	s26 =	simm.s32 $execute0_lowered;
	[smem:$0x3FD2] =	sst s25  }
0xb5: {  	s6 =	sshll.u32 s26, $0x1;
	_ =	strace $0x80000052;
	[dreg:$0x1] =	wrdreg $0xFFFFFFFF  }
0xb6: {  	s28 =	simm.s32 $_size_execute0_lowered;
	s4 =	sadd.s32 s4, s6;
	[dreg:$0x0] =	wrdreg $0x0  }
0xb7: {  	s6 =	sshll.u32 s28, $0x1;
	[dreg:$0x2] =	wrdreg s4  }
0xb8: {  	[dreg:$0x3] =	wrdreg s6  }
0xb9: {  	[dreg:$0x4] =	wrdreg $0xC0  }
0xba: {  	_ =	task [dreg:s22], $0x5FFFF  }
0xbb: {  	[dreg:$0x1] =	wrdreg $0xFFFFFFFF  }
0xbc: {  	[dreg:$0x0] =	wrdreg $0x60  }
0xbd: {  	[dreg:$0x2] =	wrdreg s24  }
0xbe: {  	[dreg:$0x3] =	wrdreg s18  }
0xbf: {  	[dreg:$0x4] =	wrdreg $0x0  }
0xc0: {  	[dreg:$0x5] =	wrdreg $0xA0000  }
0xc1: {  	[dreg:$0x6] =	wrdreg $0x9  }
0xc2: {  	_ =	task.clear_ibuf [dreg:s22], $0x7FFFF;
	_ =	strace $0x90000052  }
0xc3: {  	s29 =	simm.s32 $0x9;
	_ =	strace $0x80000054  }
0xc4: {  	_ =	swait.ge [sflag:s29], $0x1  }
0xc5: {  	[sflag:s29] =	ssyncadd.s32 $0xFFFFFFFF  }
0xc6: {  	_ =	strace $0x90000054  }
0xc7: {  	_ =	sfence  }
0xc8: {  	s30 =	sld [smem:$0x0];
	_ =	sdelay $0x2  }
0xc9: {  	s31 =	sshll.u32 s1, $0xD;
	s1 =	sshrl.u32 s1, $0x2  }
0xca: {  	s4 =	sand.u32 $0x4000, s31;
	s1 =	sadd.s32 s1, s30  }
0xcb: {  	s0 =	sor.u32 s4, s0;
	s1 =	sshll.u32 s1, $0x11  }
0xcc: {  	s0 =	sor.u32 s1, s0  }
0xcd: {  	s0 =	sadd.s32 $0x8F2B, s0  }
0xce: {  	[sflag:s0] =	ssyncadd.remote.s32 $0x1  }
0xcf: {  	_ =	sfence.sel $0xFFFF  }
0xd0: {  	[dreg:$0x0] =	wrdreg $0xFFFFFFFF;
	(pc) =	sbr.abs _section_cstart, $3  }
0xd1: {  	[dreg:$0x1] =	wrdreg $0xFFFFFFFF  }
0xd2: {  	_ =	task.clear_ibuf [dreg:s22], $0x2FFFF;
	_ =	strace $0x9FFFFFFF  }
0xd3: {  	(tm) =	ssettm $0x7FFFFFFF  }
tec
execute0_lowered:
.L_overlay_start_1:
0x0: {  	(tag) =	ssettag $0x1  }
0x1: {  	s0 =	rddreg [dreg:$0x0]  }
0x2: {  	s1 =	rddreg [dreg:$0x1]  }
0x3: {  	s2 =	rddreg [dreg:$0x2];
	s4 =	srdreg.scid  }
0x4: {  	s16 =	stileid.u32;
	s3 =	rddreg [dreg:$0x3]  }
0x5: {  	s18 =	simm.s32 $0x1C400;
	s28 =	simm.s32 $0x1C380;
	s30 =	simm.s32 $0x0  }
0x6: {  	s10 =	sand.u32 $0x1, s4;
	s8 =	smul.u32 $0xA000, s16;
	s11 =	sadd.s32 $0x54DC00, s0  }
0x7: {  	s4 =	simm.s32 $0x0;
	s19 =	sadd.s32 $0x10D800, s0;
	s22 =	sshll.u32 s16, $0xB  }
0x8: {  	s23 =	sshll.u32 s16, $0x6;
	s29 =	sshll.u32 s16, $0xF;
	s16 =	simm.s32 $0x3  }
0x9: {  	s5 =	smul.u32 $0xA0000, s10;
	[smem:$0x7FF] =	sst s4;
	s9 =	ssub.s32 $0x2, s10  }
0xa: {  	s21 =	sshll.u32 s10, $0xF;
	s14 =	sshll.u32 s10, $0x13;
	_ =	strace $0x80000053  }
0xb: {  	[dreg:$0x5] =	wrdreg s19;
	s20 =	sshrl.u32 s9, $0x1;
	s13 =	sor.u32 s22, s21  }
0xc: {  	s15 =	sadd.s32 s8, s2;
	s17 =	sadd.s32 s8, s3;
	s26 =	sadd.s32 s14, s11  }
0xd: {  	s19 =	simm.s32 $0x14000;
	s21 =	simm.s32 $0x18000;
	s22 =	simm.s32 $0x80  }
0xe: {  	s6 =	sadd.s32 s8, s5;
	s5 =	sadd.s32 $0x10C400, s0;
	s12 =	ssub.s32 s9, s20  }
0xf: {  	s24 =	sshll.u32 s13, $0x4;
	s31 =	sshrl.u32 s13, $0x3;
	s15 =	sshrl.u32 s15, $0x3  }
0x10: {  	s17 =	sshrl.u32 s17, $0x3;
	s20 =	simm.s32 $0x1;
	s7 =	sshrl.u32 s6, $0x3  }
0x11: {  	s8 =	sadd.s32 s11, s24;
	s11 =	smax.u32 s12, $0x1;
	s14 =	sadd.s32 s31, s1  }
0x12: {  	s0 =	sadd.s32 s7, s0;
	s7 =	sor.u32 $0x1C03, s23;
	s12 =	sadd.s32 $0x7800, s8  }
0x13: {  	s24 =	simm.s32 $0x2;
	s25 =	sadd.s32 $0x64DC00, s0;
	s0 =	sadd.s32 $0x675C00, s0  }
0x14: {  	s23 =	simm.s32 $0x40;
	[dreg:$0x7] =	wrdreg s0;
	s0 =	sadd.s32 s29, s26  }
0x15: {  	[dreg:$0x6] =	wrdreg s25;
	s25 =	simm.s32 $0x1C300;
	s13 =	sadd.s32 $0x1000, s0  }
.LBB2_1:
0x16: {  	[spmem:s15], [sflag:s7] =	dma.local [hbm:s5], $0x1400  }
0x17: {  	_ =	swait.ge [sflag:s16], $0x1400  }
0x18: {  	[sflag:s16] =	ssyncset.done $0x0  }
0x19: {  	[sflag:s16] =	ssyncadd.s32 $0xFFFFEC00  }
0x1a: {  	[spmem:s17], [sflag:s7] =	dma.local [hbm:s5], $0x1400  }
0x1b: {  	_ =	swait.ge [sflag:s16], $0x1400  }
0x1c: {  	[sflag:s16] =	ssyncset.done $0x0  }
0x1d: {  	s0 =	rddreg [dreg:$0x5];
	[sflag:s16] =	ssyncadd.s32 $0xFFFFEC00  }
0x1e: {  	[tilespmem:s18], [sflag:$0x3] =	stream.linear.gather [hbm4b:s0+s4], $0x2000, $0x38;
	[tilespmem:$0x1E400] =	vst v63  }
0x1f: {  	_ =	swait.ge [sflag:s16], $0x2000  }
0x20: {  	[sflag:s16] =	ssyncset.done $0x0  }
0x21: {  	s10 =	sand.u32 $0x3, s4;
	[sflag:s16] =	ssyncadd.s32 $0xFFFFE000  }
0x22: {  	p0 =	sne.s32 s10, $0x0;
	[bflag:$0x0] =	sbarrier.arrive $0xFFFF  }
0x23: {  	[tilespmem:s19], [sflag:$0x1] =	stream.linear.gather [hbm4b:s8+s4], $0x4000, $0x38;
	[tilespmem:$0x1E400] =	vst v63  }
0x24: {  	s1 =	simm.s32 @!p0 $0x0;
	s26 =	simm.s32 @!p0 $0x1C000;
	s29 =	simm.s32 @!p0 $0x3  }
0x25: {  	[tilespmem:s26], [sflag:$0x3] =	stream.linear.gather @!p0 [hbm4b:s14+s1], $0x400, $0x38;
	[tilespmem:$0x1E400] =	vst v63  }
0x26: {  	_ =	swait.ge @!p0 [sflag:s29], $0x400  }
0x27: {  	[sflag:s29] =	ssyncset.done @!p0 $0x0  }
0x28: {  	[sflag:s29] =	ssyncadd.s32 @!p0 $0xFFFFFC00  }
0x29: {  	_ =	swait.ge [sflag:s20], $0x4000  }
0x2a: {  	[sflag:s20] =	ssyncset.done $0x0  }
0x2b: {  	s0 =	sshll.u32 s10, $0x8;
	s26 =	sadd.s32 $0xFFFFF800, s13;
	[sflag:s20] =	ssyncadd.s32 $0xFFFFC000  }
0x2c: {  	[tilespmem:s21], [sflag:$0x2] =	stream.linear.gather [hbm4b:s26+s4], $0x4000, $0x38;
	[tilespmem:$0x1E400] =	vst v63  }
0x2d: {  	s29 =	sor.u32 $0x1C000, s0  }
0x2e: {  	[spmem:s2] =	stream.indirect.scatter.add.f32 [tilespmem:s19], [sflag:$0x3], $0x80, s29, s22, $0xb8;
	[tilespmem:$0x1E400] =	vst v63  }
0x2f: {  	_ =	swait.ge [sflag:s16], $0x4000  }
0x30: {  	[sflag:s16] =	ssyncset.done $0x0  }
0x31: {  	[sflag:s16] =	ssyncadd.s32 $0xFFFFC000  }
0x32: {  	[spmem:s3] =	stream.indirect.scatter.add.f32 [tilespmem:s18], [sflag:$0x3], $0x80, s29, s23, $0xb8;
	[tilespmem:$0x1E400] =	vst v63  }
0x33: {  	_ =	swait.ge [sflag:s16], $0x2000  }
0x34: {  	[sflag:s16] =	ssyncset.done $0x0  }
0x35: {  	s6 =	sor.u32 $0x1C040, s0;
	[sflag:s16] =	ssyncadd.s32 $0xFFFFE000  }
0x36: {  	[spmem:s3] =	stream.indirect.scatter.add.f32 [tilespmem:s18], [sflag:$0x3], $0x80, s6, s23, $0xb8;
	[tilespmem:$0x1E400] =	vst v63  }
0x37: {  	_ =	swait.ge [sflag:s16], $0x2000  }
0x38: {  	[sflag:s16] =	ssyncset.done $0x0  }
0x39: {  	[sflag:s16] =	ssyncadd.s32 $0xFFFFE000  }
0x3a: {  	_ =	swait.ge [sflag:s24], $0x4000  }
0x3b: {  	[sflag:s24] =	ssyncset.done $0x0  }
0x3c: {  	[sflag:s24] =	ssyncadd.s32 $0xFFFFC000  }
0x3d: {  	[tilespmem:s19], [sflag:$0x1] =	stream.linear.gather [hbm4b:s13+s4], $0x4000, $0x38;
	[tilespmem:$0x1E400] =	vst v63  }
0x3e: {  	s9 =	sor.u32 $0x1C080, s0  }
0x3f: {  	[spmem:s2] =	stream.indirect.scatter.add.f32 [tilespmem:s21], [sflag:$0x3], $0x80, s9, s22, $0xb8;
	[tilespmem:$0x1E400] =	vst v63  }
0x40: {  	_ =	swait.ge [sflag:s16], $0x4000  }
0x41: {  	[sflag:s16] =	ssyncset.done $0x0  }
0x42: {  	[sflag:s16] =	ssyncadd.s32 $0xFFFFC000  }
0x43: {  	[spmem:s3] =	stream.indirect.scatter.add.f32 [tilespmem:s18], [sflag:$0x3], $0x80, s9, s23, $0xb8;
	[tilespmem:$0x1E400] =	vst v63  }
0x44: {  	s10 =	simm.s32 $0x1;
	s1 =	sadd.s32 $0x1000, s13;
	_ =	swait.ge [sflag:s16], $0x2000  }
0x45: {  	s0 =	sor.u32 $0x1C0C0, s0;
	s29 =	sand.u32 $0x3, s10;
	[sflag:s16] =	ssyncset.done $0x0  }
0x46: {  	s26 =	simm.s32 $0x2;
	p1 =	sne.s32 s29, $0x0;
	[sflag:s16] =	ssyncadd.s32 $0xFFFFE000  }
0x47: {  	[spmem:s3] =	stream.indirect.scatter.add.f32 [tilespmem:s18], [sflag:$0x3], $0x80, s0, s23, $0xb8;
	[tilespmem:$0x1E400] =	vst v63  }
0x48: {  	s31 =	sshll.u32 s29, $0x8;
	s0 =	sadd.s32 $0x20, s14;
	_ =	swait.ge [sflag:s16], $0x2000  }
.LBB2_2:
0x49: {  	s6 =	simm.s32 @!p1 $0x0  }
0x4a: {  	s9 =	simm.s32 @!p1 $0x1C000;
	[sflag:s16] =	ssyncset.done $0x0;
	s29 =	smov.u32 s26  }
0x4b: {  	s26 =	sadd.s32 $0x1, s26;
	s10 =	simm.s32 @!p1 $0x3;
	[sflag:s16] =	ssyncadd.s32 $0xFFFFE000  }
0x4c: {  	[tilespmem:s9], [sflag:$0x3] =	stream.linear.gather @!p1 [hbm4b:s0+s6], $0x400, $0x38;
	[tilespmem:$0x1E400] =	vst v63  }
0x4d: {  	p0 =	sne.s32 s26, $0x7;
	_ =	swait.ge @!p1 [sflag:s10], $0x400  }
0x4e: {  	[sflag:s10] =	ssyncset.done @!p1 $0x0  }
0x4f: {  	[sflag:s10] =	ssyncadd.s32 @!p1 $0xFFFFFC00  }
0x50: {  	_ =	swait.ge [sflag:s20], $0x4000  }
0x51: {  	[sflag:s20] =	ssyncset.done $0x0  }
0x52: {  	s6 =	sadd.s32 $0xFFFFF800, s1;
	[sflag:s20] =	ssyncadd.s32 $0xFFFFC000  }
0x53: {  	[tilespmem:s21], [sflag:$0x2] =	stream.linear.gather [hbm4b:s6+s4], $0x4000, $0x38;
	[tilespmem:$0x1E400] =	vst v63  }
0x54: {  	s6 =	sor.u32 $0x1C000, s31  }
0x55: {  	[spmem:s2] =	stream.indirect.scatter.add.f32 [tilespmem:s19], [sflag:$0x3], $0x80, s6, s22, $0xb8;
	[tilespmem:$0x1E400] =	vst v63  }
0x56: {  	_ =	swait.ge [sflag:s16], $0x4000  }
0x57: {  	[sflag:s16] =	ssyncset.done $0x0  }
0x58: {  	[sflag:s16] =	ssyncadd.s32 $0xFFFFC000  }
0x59: {  	[spmem:s3] =	stream.indirect.scatter.add.f32 [tilespmem:s18], [sflag:$0x3], $0x80, s6, s23, $0xb8;
	[tilespmem:$0x1E400] =	vst v63  }
0x5a: {  	_ =	swait.ge [sflag:s16], $0x2000  }
0x5b: {  	[sflag:s16] =	ssyncset.done $0x0  }
0x5c: {  	s6 =	sor.u32 $0x1C040, s31;
	[sflag:s16] =	ssyncadd.s32 $0xFFFFE000  }
0x5d: {  	[spmem:s3] =	stream.indirect.scatter.add.f32 [tilespmem:s18], [sflag:$0x3], $0x80, s6, s23, $0xb8;
	[tilespmem:$0x1E400] =	vst v63  }
0x5e: {  	_ =	swait.ge [sflag:s16], $0x2000  }
0x5f: {  	[sflag:s16] =	ssyncset.done $0x0  }
0x60: {  	[sflag:s16] =	ssyncadd.s32 $0xFFFFE000  }
0x61: {  	_ =	swait.ge [sflag:s24], $0x4000  }
0x62: {  	[sflag:s24] =	ssyncset.done $0x0  }
0x63: {  	[sflag:s24] =	ssyncadd.s32 $0xFFFFC000  }
0x64: {  	[tilespmem:s19], [sflag:$0x1] =	stream.linear.gather [hbm4b:s1+s4], $0x4000, $0x38;
	[tilespmem:$0x1E400] =	vst v63  }
0x65: {  	s6 =	sor.u32 $0x1C080, s31  }
0x66: {  	[spmem:s2] =	stream.indirect.scatter.add.f32 [tilespmem:s21], [sflag:$0x3], $0x80, s6, s22, $0xb8;
	[tilespmem:$0x1E400] =	vst v63  }
0x67: {  	_ =	swait.ge [sflag:s16], $0x4000  }
0x68: {  	[sflag:s16] =	ssyncset.done $0x0  }
0x69: {  	[sflag:s16] =	ssyncadd.s32 $0xFFFFC000  }
0x6a: {  	[spmem:s3] =	stream.indirect.scatter.add.f32 [tilespmem:s18], [sflag:$0x3], $0x80, s6, s23, $0xb8;
	[tilespmem:$0x1E400] =	vst v63  }
.Ltmp0:
0x6b: {  	_ =	swait.ge [sflag:s16], $0x2000;
	(pc) =	sbr.rel @p0 .LBB2_2-.Ltmp0, $4  }
0x6c: {  	s0 =	sadd.s32 $0x20, s0;
	s1 =	sadd.s32 $0x1000, s1;
	[sflag:s16] =	ssyncset.done $0x0  }
0x6d: {  	s9 =	sor.u32 $0x1C0C0, s31;
	s6 =	sand.u32 $0x3, s29;
	[sflag:s16] =	ssyncadd.s32 $0xFFFFE000  }
0x6e: {  	[spmem:s3] =	stream.indirect.scatter.add.f32 [tilespmem:s18], [sflag:$0x3], $0x80, s9, s23, $0xb8;
	[tilespmem:$0x1E400] =	vst v63  }
0x6f: {  	p1 =	sne.s32 s6, $0x0;
	s31 =	sshll.u32 s6, $0x8;
	_ =	swait.ge [sflag:s16], $0x2000  }
0x70: {  	[sflag:s16] =	ssyncset.done $0x0  }
0x71: {  	s6 =	simm.s32 @!p1 $0x0;
	s9 =	simm.s32 @!p1 $0x1C000;
	[sflag:s16] =	ssyncadd.s32 $0xFFFFE000  }
0x72: {  	[tilespmem:s9], [sflag:$0x3] =	stream.linear.gather @!p1 [hbm4b:s0+s6], $0x400, $0x38;
	[tilespmem:$0x1E400] =	vst v63  }
0x73: {  	s0 =	simm.s32 @!p1 $0x3  }
0x74: {  	_ =	swait.ge @!p1 [sflag:s0], $0x400  }
0x75: {  	[sflag:s0] =	ssyncset.done @!p1 $0x0  }
0x76: {  	[sflag:s0] =	ssyncadd.s32 @!p1 $0xFFFFFC00  }
0x77: {  	_ =	swait.ge [sflag:s20], $0x4000  }
0x78: {  	[sflag:s20] =	ssyncset.done $0x0  }
0x79: {  	s10 =	sadd.s32 $0xFFFFF800, s1;
	[sflag:s20] =	ssyncadd.s32 $0xFFFFC000  }
0x7a: {  	[tilespmem:s21], [sflag:$0x2] =	stream.linear.gather [hbm4b:s10+s4], $0x4000, $0x38;
	[tilespmem:$0x1E400] =	vst v63  }
0x7b: {  	s26 =	sor.u32 $0x1C000, s31  }
0x7c: {  	[spmem:s2] =	stream.indirect.scatter.add.f32 [tilespmem:s19], [sflag:$0x3], $0x80, s26, s22, $0xb8;
	[tilespmem:$0x1E400] =	vst v63  }
0x7d: {  	_ =	swait.ge [sflag:s16], $0x4000  }
0x7e: {  	[sflag:s16] =	ssyncset.done $0x0  }
0x7f: {  	[sflag:s16] =	ssyncadd.s32 $0xFFFFC000  }
0x80: {  	[spmem:s3] =	stream.indirect.scatter.add.f32 [tilespmem:s18], [sflag:$0x3], $0x80, s26, s23, $0xb8;
	[tilespmem:$0x1E400] =	vst v63  }
0x81: {  	_ =	swait.ge [sflag:s16], $0x2000  }
0x82: {  	[sflag:s16] =	ssyncset.done $0x0  }
0x83: {  	s29 =	sor.u32 $0x1C040, s31;
	[sflag:s16] =	ssyncadd.s32 $0xFFFFE000  }
0x84: {  	[spmem:s3] =	stream.indirect.scatter.add.f32 [tilespmem:s18], [sflag:$0x3], $0x80, s29, s23, $0xb8;
	[tilespmem:$0x1E400] =	vst v63  }
0x85: {  	_ =	swait.ge [sflag:s16], $0x2000  }
0x86: {  	[sflag:s16] =	ssyncset.done $0x0  }
0x87: {  	[sflag:s16] =	ssyncadd.s32 $0xFFFFE000  }
0x88: {  	_ =	swait.ge [sflag:s24], $0x4000  }
0x89: {  	[sflag:s24] =	ssyncset.done $0x0  }
0x8a: {  	[sflag:s24] =	ssyncadd.s32 $0xFFFFC000  }
0x8b: {  	[tilespmem:s19], [sflag:$0x1] =	stream.linear.gather [hbm4b:s1+s4], $0x4000, $0x38;
	[tilespmem:$0x1E400] =	vst v63  }
0x8c: {  	s6 =	sor.u32 $0x1C080, s31  }
0x8d: {  	[spmem:s2] =	stream.indirect.scatter.add.f32 [tilespmem:s21], [sflag:$0x3], $0x80, s6, s22, $0xb8;
	[tilespmem:$0x1E400] =	vst v63  }
0x8e: {  	_ =	swait.ge [sflag:s16], $0x4000  }
0x8f: {  	[sflag:s16] =	ssyncset.done $0x0  }
0x90: {  	[sflag:s16] =	ssyncadd.s32 $0xFFFFC000  }
0x91: {  	[spmem:s3] =	stream.indirect.scatter.add.f32 [tilespmem:s18], [sflag:$0x3], $0x80, s6, s23, $0xb8;
	[tilespmem:$0x1E400] =	vst v63  }
0x92: {  	_ =	swait.ge [sflag:s16], $0x2000  }
0x93: {  	[sflag:s16] =	ssyncset.done $0x0  }
0x94: {  	s9 =	sor.u32 $0x1C0C0, s31;
	[sflag:s16] =	ssyncadd.s32 $0xFFFFE000  }
0x95: {  	[spmem:s3] =	stream.indirect.scatter.add.f32 [tilespmem:s18], [sflag:$0x3], $0x80, s9, s23, $0xb8;
	[tilespmem:$0x1E400] =	vst v63  }
0x96: {  	_ =	swait.ge [sflag:s16], $0x2000  }
0x97: {  	[sflag:s16] =	ssyncset.done $0x0  }
0x98: {  	[sflag:s16] =	ssyncadd.s32 $0xFFFFE000  }
0x99: {  	_ =	swait.ge [sflag:s20], $0x4000  }
0x9a: {  	[sflag:s20] =	ssyncset.done $0x0  }
0x9b: {  	[sflag:s20] =	ssyncadd.s32 $0xFFFFC000  }
0x9c: {  	[tilespmem:s21], [sflag:$0x2] =	stream.linear.gather [hbm4b:s12+s4], $0x4000, $0x38;
	[tilespmem:$0x1E400] =	vst v63  }
0x9d: {  	_ = 	snop  }
0x9e: {  	[spmem:s2] =	stream.indirect.scatter.add.f32 [tilespmem:s19], [sflag:$0x3], $0x80, s25, s22, $0xb8;
	[tilespmem:$0x1E400] =	vst v63  }
0x9f: {  	_ =	swait.ge [sflag:s16], $0x4000  }
0xa0: {  	[sflag:s16] =	ssyncset.done $0x0  }
0xa1: {  	[sflag:s16] =	ssyncadd.s32 $0xFFFFC000  }
0xa2: {  	[spmem:s3] =	stream.indirect.scatter.add.f32 [tilespmem:s18], [sflag:$0x3], $0x80, s25, s23, $0xb8;
	[tilespmem:$0x1E400] =	vst v63  }
0xa3: {  	_ =	swait.ge [sflag:s16], $0x2000  }
0xa4: {  	[sflag:s16] =	ssyncset.done $0x0  }
0xa5: {  	s10 =	simm.s32 $0x1C340;
	[sflag:s16] =	ssyncadd.s32 $0xFFFFE000  }
0xa6: {  	[spmem:s3] =	stream.indirect.scatter.add.f32 [tilespmem:s18], [sflag:$0x3], $0x80, s10, s23, $0xb8;
	[tilespmem:$0x1E400] =	vst v63  }
0xa7: {  	_ =	swait.ge [sflag:s16], $0x2000  }
0xa8: {  	[sflag:s16] =	ssyncset.done $0x0  }
0xa9: {  	[sflag:s16] =	ssyncadd.s32 $0xFFFFE000  }
0xaa: {  	_ =	swait.ge [sflag:s24], $0x4000  }
0xab: {  	[sflag:s24] =	ssyncset.done $0x0  }
0xac: {  	[sflag:s24] =	ssyncadd.s32 $0xFFFFC000  }
0xad: {  	[spmem:s2] =	stream.indirect.scatter.add.f32 [tilespmem:s21], [sflag:$0x3], $0x80, s28, s22, $0xb8;
	[tilespmem:$0x1E400] =	vst v63  }
0xae: {  	_ =	swait.ge [sflag:s16], $0x4000  }
0xaf: {  	[sflag:s16] =	ssyncset.done $0x0  }
0xb0: {  	[sflag:s16] =	ssyncadd.s32 $0xFFFFC000  }
0xb1: {  	[spmem:s3] =	stream.indirect.scatter.add.f32 [tilespmem:s18], [sflag:$0x3], $0x80, s28, s23, $0xb8;
	[tilespmem:$0x1E400] =	vst v63  }
0xb2: {  	_ =	swait.ge [sflag:s16], $0x2000  }
0xb3: {  	[sflag:s16] =	ssyncset.done $0x0  }
0xb4: {  	s26 =	simm.s32 $0x1C3C0;
	[sflag:s16] =	ssyncadd.s32 $0xFFFFE000  }
0xb5: {  	[spmem:s3] =	stream.indirect.scatter.add.f32 [tilespmem:s18], [sflag:$0x3], $0x80, s26, s23, $0xb8;
	[tilespmem:$0x1E400] =	vst v63  }
0xb6: {  	_ =	swait.ge [sflag:s16], $0x2000  }
0xb7: {  	[sflag:s16] =	ssyncset.done $0x0  }
0xb8: {  	[sflag:s16] =	ssyncadd.s32 $0xFFFFE000  }
0xb9: {  	[bflag:$0x0] =	sbarrier.arrive $0xFFFF  }
0xba: {  	s29 =	rddreg [dreg:$0x6]  }
0xbb: {  	[hbm:s29], [sflag:s7] =	dma.local [spmem:s15], $0x1400  }
0xbc: {  	s30 =	sadd.s32 $0x1, s30;
	_ =	swait.ge [sflag:s16], $0x1400  }
0xbd: {  	p0 =	sne.s32 s30, s11;
	[sflag:s16] =	ssyncset.done $0x0  }
.Ltmp1:
0xbe: {  	s31 =	rddreg [dreg:$0x7];
	[sflag:s16] =	ssyncadd.s32 $0xFFFFEC00;
	(pc) =	sbr.rel @p0 .LBB2_1-.Ltmp1, $4  }
0xbf: {  	[hbm:s31], [sflag:s7] =	dma.local [spmem:s17], $0x1400  }
0xc0: {  	_ =	swait.ge [sflag:s16], $0x1400  }
0xc1: {  	[sflag:s16] =	ssyncset.done $0x0  }
0xc2: {  	[sflag:s16] =	ssyncadd.s32 $0xFFFFEC00  }
0xc3: {  	_ =	sfence.sel $0x180000  }
0xc4: {  	[bflag:$0x0] =	sbarrier.arrive $0xFFFF  }
0xc5: {  	_ =	strace $0x90000053  }
0xc6: {  	s0 =	stileid.u32;
	[bflag:$0x2] =	sbarrier.arrive $0xFFFF  }
0xc7: {  	p0 =	sne.s32 s0, $0x0;
	s0 =	rddreg [dreg:$0x4]  }
0xc8: {  	s0 =	sadd.s32 @!p0 $0x100000, s0  }
0xc9: {  	[sflag:s0] =	ssyncadd.tile.s32 @!p0 $0x1;
	_ =	shalt  }
.Lfunc_end2:
_tile_overlayer_lowered:
.L_overlay_start_2:
0xca: {  	(tag) =	ssettag $0x2  }
0xcb: {  	s0 =	rddreg [dreg:$0x0];
	s2 =	stileid.u32  }
0xcc: {  	s1 =	rddreg [dreg:$0x1];
	p0 =	sne.s32 s2, $0x0  }
0xcd: {  	s3 =	rddreg [dreg:$0x2];
	[bflag:$0x3] =	sbarrier.arrive $0xFFFF;
	s2 =	simm.s32 @!p0 $0x1C03  }
0xce: {  	[timem:s3], [sflag:s2] =	dma.local @!p0 [hbm:s0], s1  }
0xcf: {  	s0 =	simm.s32 @!p0 $0x3  }
0xd0: {  	_ =	swait.ge @!p0 [sflag:s0], s1  }
0xd1: {  	s1 =	ssub.s32 @!p0 $0x0, s1;
	[sflag:s0] =	ssyncset.done @!p0 $0x0  }
0xd2: {  	[sflag:s0] =	ssyncadd.s32 @!p0 s1  }
0xd3: {  	[bflag:$0x3] =	sbarrier.arrive $0xFFFF  }
0xd4: {  	_ =	shalt  }

// kernel: kernel.16.cloned.1.call-start
scs
__scs_entry_jumppad:
0x0: {  	(pc) =	sbr.rel $0x88, $3  }
0x1: {  	(tag) =	ssettag $0x0;
	lr =	simm.s32 $0x1  }
0x2: {  	[smem:$0x3F93] =	sst lr;
	_ =	strace $0xD0000000  }
0x3: {  	_ = 	snop  }
0x4: {  	_ = 	snop  }
0x5: {  	_ = 	snop  }
0x6: {  	_ = 	snop  }
0x7: {  	_ = 	snop  }
__scs_overlays_trampoline_lowered:
0x8: {  	[smem:$0x3FA2] =	sst s0  }
0x9: {  	[smem:$0x3FA3] =	sst s1  }
0xa: {  	[smem:$0x3FA4] =	sst s2  }
0xb: {  	[smem:$0x3FA5] =	sst s3  }
0xc: {  	[smem:$0x3FA6] =	sst s4  }
0xd: {  	[smem:$0x3FA7] =	sst s5  }
0xe: {  	[smem:$0x3FA8] =	sst s6  }
0xf: {  	[smem:$0x3FA9] =	sst s7  }
0x10: {  	[smem:$0x3FAA] =	sst s8  }
0x11: {  	[smem:$0x3FAB] =	sst s9;
	s0 =	simm.s32 @!p0 $0x0  }
0x12: {  	s1 =	sld [smem:$0x3F91];
	s0 =	simm.s32 @p0 $0x1  }
0x13: {  	[smem:$0x3FAC] =	sst s0;
	s0 =	simm.s32 @!p1 $0x0  }
0x14: {  	s2 =	sld [smem:$0x3F90];
	s0 =	simm.s32 @p1 $0x1  }
0x15: {  	[smem:$0x3FAD] =	sst s0;
	s0 =	simm.s32 @!p2 $0x0  }
0x16: {  	s3 =	sld [smem:$0x3FDB];
	s0 =	simm.s32 @p2 $0x1  }
0x17: {  	s4 =	simm.s32 $0x1BF5;
	[smem:$0x3FAF] =	sst s0  }
0x18: {  	s0 =	sld [smem:$0x3F92];
	_ =	swait.ge [sflag:s4], $0x0  }
0x19: {  	s7 =	sld [smem:$0x3F93]  }
0x1a: {  	s8 =	sadd.s32 $0xFFFFE003, lr  }
0x1b: {  	s9 =	sadd.s32 $0xFFFFFEF7, lr;
	s5 =	simm.s32 $0xFFFFFFFF;
	p2 =	slt.u32 s8, $0xFFFFF086  }
0x1c: {  	p1 =	slt.u32 s9, $0xF7A;
	s5 =	simm.s32 @!p2 $0x0  }
0x1d: {  	s5 =	simm.s32 @p1 $0x1;
	p0 =	seq.s32 s7, s2  }
0x1e: {  	s7 =	smul.u32 @!p0 $0xF7A, s2;
	p2 =	seq.s32 @!p0 s5, $0x0  }
0x1f: {  	s9 =	smul.u32 $0xF7A, s1;
	s8 =	simm.s32 @!p0 $0x1BF5;
	p2 =	por !p2, p0  }
0x20: {  	[sflag:s8] =	ssyncset.s32 @!p0 $0xFFFFF086;
	s6 =	sadd.s32 @!p0 s3, s7;
	s7 =	simm.s32 @!p0 $0x108  }
0x21: {  	s3 =	sadd.s32 s3, s9;
	s6 =	sadd.s32 @!p0 $0x88, s6;
	s7 =	simm.s32 @p2 $0x1082  }
0x22: {  	[simem:s7], [sflag:s8] =	dma.local @!p0 [hbm:s6], $0xF7A  }
0x23: {  	s9 =	sor.u32 $0xD0000000, s2;
	s6 =	simm.s32 $0x108;
	_ =	swait.ge @!p0 [sflag:s8], $0x0  }
0x24: {  	s3 =	sadd.s32 $0x88, s3;
	s6 =	simm.s32 @!p1 $0x1082;
	[sflag:s4] =	ssyncset.s32 $0xFFFFF086  }
0x25: {  	[simem:s6], [sflag:s4] =	dma.local [hbm:s3], $0xF7A  }
0x26: {  	[smem:$0x3F93] =	sst s1;
	(tag) =	ssettag s2;
	_ =	strace s9  }
0x27: {  	s1 =	sld [smem:$0x3FA3]  }
0x28: {  	s2 =	sld [smem:$0x3FA4]  }
0x29: {  	s4 =	sld [smem:$0x3FA6]  }
0x2a: {  	p0 =	seq.s32 s5, $0x0;
	s5 =	sld [smem:$0x3FA7]  }
0x2b: {  	s6 =	sld [smem:$0x3FA8]  }
0x2c: {  	s7 =	sld [smem:$0x3FA9]  }
0x2d: {  	s3 =	simm.s32 $0x108;
	s8 =	sld [smem:$0x3FAA]  }
0x2e: {  	s3 =	simm.s32 @!p0 $0x1082;
	s9 =	sld [smem:$0x3FAB]  }
0x2f: {  	lr =	sadd.s32 s0, s3;
	s0 =	sld [smem:$0x3FA2]  }
0x30: {  	s3 =	sld [smem:$0x3FA5]  }
0x31: {  	[smem:$0x3FAE] =	sst s10  }
0x32: {  	s10 =	sld [smem:$0x3FAC];
	_ =	sdelay $0x3  }
0x33: {  	p0 =	seq.s32 s10, $0x1;
	s10 =	sld [smem:$0x3FAE];
	_ =	sdelay $0x3  }
0x34: {  	[smem:$0x3FAE] =	sst s10  }
0x35: {  	s10 =	sld [smem:$0x3FAD];
	_ =	sdelay $0x3  }
0x36: {  	p1 =	seq.s32 s10, $0x1;
	s10 =	sld [smem:$0x3FAE];
	_ =	sdelay $0x3  }
0x37: {  	[smem:$0x3FAE] =	sst s10  }
0x38: {  	s10 =	sld [smem:$0x3FAF]  }
0x39: {  	_ = 	snop;
	(pc) =	sbr.ind lr, $3  }
0x3a: {  	_ = 	snop  }
0x3b: {  	_ = 	snop  }
0x3c: {  	p2 =	seq.s32 s10, $0x1;
	s10 =	sld [smem:$0x3FAE]  }
0x3d: {  	_ =	shalt  }
0x3e: {  	_ =	shalt  }
0x3f: {  	_ =	shalt  }
0x40: {  	_ =	shalt  }
0x41: {  	_ =	shalt  }
0x42: {  	_ =	shalt  }
0x43: {  	_ =	shalt  }
0x44: {  	_ =	shalt  }
0x45: {  	_ =	shalt  }
0x46: {  	_ =	shalt  }
0x47: {  	_ =	shalt  }
0x48: {  	_ =	shalt  }
0x49: {  	_ =	shalt  }
0x4a: {  	_ =	shalt  }
0x4b: {  	_ =	shalt  }
0x4c: {  	_ =	shalt  }
0x4d: {  	_ =	shalt  }
0x4e: {  	_ =	shalt  }
0x4f: {  	_ =	shalt  }
0x50: {  	_ =	shalt  }
0x51: {  	_ =	shalt  }
0x52: {  	_ =	shalt  }
0x53: {  	_ =	shalt  }
0x54: {  	_ =	shalt  }
0x55: {  	_ =	shalt  }
0x56: {  	_ =	shalt  }
0x57: {  	_ =	shalt  }
0x58: {  	_ =	shalt  }
0x59: {  	_ =	shalt  }
0x5a: {  	_ =	shalt  }
0x5b: {  	_ =	shalt  }
0x5c: {  	_ =	shalt  }
0x5d: {  	_ =	shalt  }
0x5e: {  	_ =	shalt  }
0x5f: {  	_ =	shalt  }
0x60: {  	_ =	shalt  }
0x61: {  	_ =	shalt  }
0x62: {  	_ =	shalt  }
0x63: {  	_ =	shalt  }
0x64: {  	_ =	shalt  }
0x65: {  	_ =	shalt  }
0x66: {  	_ =	shalt  }
0x67: {  	_ =	shalt  }
0x68: {  	_ =	shalt  }
0x69: {  	_ =	shalt  }
0x6a: {  	_ =	shalt  }
0x6b: {  	_ =	shalt  }
0x6c: {  	_ =	shalt  }
0x6d: {  	_ =	shalt  }
0x6e: {  	_ =	shalt  }
0x6f: {  	_ =	shalt  }
0x70: {  	_ =	shalt  }
0x71: {  	_ =	shalt  }
0x72: {  	_ =	shalt  }
0x73: {  	_ =	shalt  }
0x74: {  	_ =	shalt  }
0x75: {  	_ =	shalt  }
0x76: {  	_ =	shalt  }
0x77: {  	_ =	shalt  }
0x78: {  	_ =	shalt  }
0x79: {  	_ =	shalt  }
0x7a: {  	_ =	shalt  }
0x7b: {  	_ =	shalt  }
0x7c: {  	_ =	shalt  }
0x7d: {  	_ =	shalt  }
0x7e: {  	_ =	shalt  }
0x7f: {  	_ =	shalt  }
0x80: {  	_ =	shalt  }
0x81: {  	_ =	shalt  }
0x82: {  	_ =	shalt  }
0x83: {  	_ =	shalt  }
0x84: {  	_ =	shalt  }
0x85: {  	_ =	shalt  }
0x86: {  	_ =	shalt  }
0x87: {  	_ =	shalt  }
.Lfunc_end0:
.L_simem_size_0:
called_computation.1_lowered:
.L_overlay_start_0:
0x88: {  	s2 =	sld [smem:$0x3FD9]  }
0x89: {  	s3 =	sld [smem:$0x3FFE];
	_ =	sdelay $0x1  }
0x8a: {  	s1 =	srdreg.scid  }
0x8b: {  	s0 =	sand.u32 $0x1, s1  }
0x8c: {  	s16 =	sshll.u32 s0, $0xA;
	s2 =	sadd.s32 s3, s2  }
0x8d: {  	s2 =	sadd.s32 s2, s16  }
0x8e: {  	[smem:$0x3FBA] =	sst s2  }
0x8f: {  	_ = 	snop  }
0x90: {  	(tm) =	ssettm $0x1  }
0x91: {  	s17 =	sld [smem:$0x3FFB];
	_ =	sdelay $0x3  }
0x92: {  	_ =	strace s17  }
0x93: {  	s2 =	sld [smem:$0x3FFC];
	_ =	sdelay $0x3  }
0x94: {  	_ =	strace s2  }
0x95: {  	s2 =	sld [smem:$0x3FFD];
	_ =	sdelay $0x3  }
0x96: {  	_ =	strace s2  }
0x97: {  	_ =	strace $0x8FFFFFFF  }
0x98: {  	s18 =	sld [smem:$0x3FDB];
	_ =	sdelay $0x1  }
0x99: {  	s19 =	simm.s32 $_scs_section_size  }
0x9a: {  	s4 =	simm.s32 $_size__tile_overlayer_lowered;
	s5 =	simm.s32 $_tile_overlayer_lowered  }
0x9b: {  	s22 =	simm.s32 $0x1BFF;
	s21 =	sshll.u32 s5, $0x1;
	s2 =	sadd.s32 s19, s18  }
0x9c: {  	s6 =	simm.s32 $0x0;
	s20 =	sshll.u32 s4, $0x1;
	s4 =	sadd.s32 s21, s2  }
0x9d: {  	[timem:s6], [sflag:s22] =	dma.local [hbm:s4], s20  }
0x9e: {  	_ =	swait.ge [sflag:s22], s20  }
0x9f: {  	s3 =	ssub.s32 $0x0, s20;
	[sflag:s22] =	ssyncset.done $0x0  }
0xa0: {  	[sflag:s22] =	ssyncadd.s32 s3;
	_ =	sdelay $0x1  }
0xa1: {  	s23 =	simm.s32 $0x1B8B  }
0xa2: {  	_ =	swait.ge [sflag:s23], $0x1  }
0xa3: {  	[sflag:s23] =	ssyncset.done $0x0  }
0xa4: {  	s25 =	simm.s32 $0x1B8E;
	s24 =	sld [smem:$0x3FFE];
	[sflag:s23] =	ssyncadd.s32 $0xFFFFFFFF  }
0xa5: {  	s26 =	simm.s32 $execute0_lowered;
	[smem:$0x3FD2] =	sst s25  }
0xa6: {  	s4 =	sshll.u32 s26, $0x1;
	_ =	strace $0x80000046;
	[dreg:$0x1] =	wrdreg $0xFFFFFFFF  }
0xa7: {  	s28 =	simm.s32 $_size_execute0_lowered;
	s2 =	sadd.s32 s2, s4;
	[dreg:$0x0] =	wrdreg $0x0  }
0xa8: {  	s4 =	sshll.u32 s28, $0x1;
	[dreg:$0x2] =	wrdreg s2  }
0xa9: {  	[dreg:$0x3] =	wrdreg s4  }
0xaa: {  	[dreg:$0x4] =	wrdreg $0xC0  }
0xab: {  	_ =	task [dreg:s6], $0x5FFFF  }
0xac: {  	[dreg:$0x1] =	wrdreg $0xFFFFFFFF  }
0xad: {  	[dreg:$0x0] =	wrdreg $0x60  }
0xae: {  	[dreg:$0x2] =	wrdreg s24  }
0xaf: {  	[dreg:$0x3] =	wrdreg $0x0  }
0xb0: {  	[dreg:$0x4] =	wrdreg $0xA0000  }
0xb1: {  	[dreg:$0x5] =	wrdreg $0xA  }
0xb2: {  	_ =	task.clear_ibuf [dreg:s6], $0x6FFFF;
	_ =	strace $0x90000046  }
0xb3: {  	s29 =	simm.s32 $0xA;
	_ =	strace $0x80000048  }
0xb4: {  	_ =	swait.ge [sflag:s29], $0x1  }
0xb5: {  	[sflag:s29] =	ssyncadd.s32 $0xFFFFFFFF  }
0xb6: {  	_ =	strace $0x90000048  }
0xb7: {  	_ =	sfence  }
0xb8: {  	s30 =	sld [smem:$0x0];
	_ =	sdelay $0x2  }
0xb9: {  	s31 =	sshll.u32 s1, $0xD;
	s1 =	sshrl.u32 s1, $0x2  }
0xba: {  	s3 =	sand.u32 $0x4000, s31;
	s1 =	sadd.s32 s1, s30  }
0xbb: {  	s0 =	sor.u32 s3, s0;
	s1 =	sshll.u32 s1, $0x11  }
0xbc: {  	s0 =	sor.u32 s1, s0  }
0xbd: {  	s0 =	sadd.s32 $0x8F2B, s0  }
0xbe: {  	[sflag:s0] =	ssyncadd.remote.s32 $0x1  }
0xbf: {  	_ =	sfence.sel $0xFFFF  }
0xc0: {  	[dreg:$0x0] =	wrdreg $0xFFFFFFFF;
	(pc) =	sbr.abs _section_cstart, $3  }
0xc1: {  	[dreg:$0x1] =	wrdreg $0xFFFFFFFF  }
0xc2: {  	_ =	task.clear_ibuf [dreg:s6], $0x2FFFF;
	_ =	strace $0x9FFFFFFF  }
0xc3: {  	(tm) =	ssettm $0x7FFFFFFF  }
tec
execute0_lowered:
.L_overlay_start_1:
0x0: {  	(tag) =	ssettag $0x1  }
0x1: {  	s0 =	rddreg [dreg:$0x0]  }
0x2: {  	s2 =	rddreg [dreg:$0x1];
	s1 =	srdreg.scid  }
0x3: {  	s3 =	rddreg [dreg:$0x2];
	s13 =	stileid.u32;
	s4 =	simm.s32 $0x0  }
0x4: {  	s16 =	simm.s32 $0x3;
	s18 =	simm.s32 $0x1C400;
	s19 =	simm.s32 $0x14000  }
0x5: {  	s20 =	simm.s32 $0x1;
	s21 =	simm.s32 $0x18000;
	s22 =	simm.s32 $0x80  }
0x6: {  	s28 =	simm.s32 $0x1C380;
	s30 =	simm.s32 $0x0;
	s1 =	sand.u32 $0x1, s1  }
0x7: {  	s6 =	sshll.u32 s13, $0xB;
	s9 =	smul.u32 $0xA000, s13;
	[smem:$0x7FF] =	sst s4  }
0x8: {  	s10 =	sadd.s32 $0xC400, s0;
	s24 =	sadd.s32 $0x10D800, s0;
	s25 =	sshll.u32 s13, $0x6  }
0x9: {  	s29 =	sshll.u32 s13, $0xF;
	s5 =	sshll.u32 s1, $0xF;
	s23 =	smul.u32 $0xA0000, s1  }
0xa: {  	_ =	strace $0x80000047;
	s11 =	ssub.s32 $0x2, s1;
	[dreg:$0x4] =	wrdreg s24  }
0xb: {  	s1 =	sshll.u32 s1, $0x13;
	s24 =	simm.s32 $0x2;
	s8 =	sor.u32 s6, s5  }
0xc: {  	s12 =	sshrl.u32 s11, $0x1;
	s15 =	sadd.s32 s9, s2;
	s17 =	sadd.s32 s9, s3  }
0xd: {  	s1 =	sadd.s32 s1, s10;
	s5 =	sshrl.u32 s8, $0x3;
	s7 =	sadd.s32 s9, s23  }
0xe: {  	s11 =	ssub.s32 s11, s12;
	s8 =	sshll.u32 s8, $0x4;
	s31 =	sadd.s32 s29, s1  }
0xf: {  	s15 =	sshrl.u32 s15, $0x3;
	s17 =	sshrl.u32 s17, $0x3;
	s23 =	simm.s32 $0x40  }
0x10: {  	s14 =	sadd.s32 s5, s0;
	s5 =	sadd.s32 $0x10C400, s0;
	s7 =	sshrl.u32 s7, $0x3  }
0x11: {  	s8 =	sadd.s32 s10, s8;
	s11 =	smax.u32 s11, $0x1;
	s0 =	sadd.s32 s7, s0  }
0x12: {  	s13 =	sadd.s32 $0x1000, s31;
	s7 =	sor.u32 $0x1C03, s25;
	s26 =	sadd.s32 $0x10DC00, s0  }
0x13: {  	s12 =	sadd.s32 $0x7800, s8;
	s0 =	sadd.s32 $0x135C00, s0;
	[dreg:$0x5] =	wrdreg s26  }
0x14: {  	s14 =	sadd.s32 $0x4400, s14;
	s25 =	simm.s32 $0x1C300;
	[dreg:$0x6] =	wrdreg s0  }
.LBB2_1:
0x15: {  	[spmem:s15], [sflag:s7] =	dma.local [hbm:s5], $0x1400  }
0x16: {  	_ =	swait.ge [sflag:s16], $0x1400  }
0x17: {  	[sflag:s16] =	ssyncset.done $0x0  }
0x18: {  	[sflag:s16] =	ssyncadd.s32 $0xFFFFEC00  }
0x19: {  	[spmem:s17], [sflag:s7] =	dma.local [hbm:s5], $0x1400  }
0x1a: {  	_ =	swait.ge [sflag:s16], $0x1400  }
0x1b: {  	[sflag:s16] =	ssyncset.done $0x0  }
0x1c: {  	s0 =	rddreg [dreg:$0x4];
	[sflag:s16] =	ssyncadd.s32 $0xFFFFEC00  }
0x1d: {  	[tilespmem:s18], [sflag:$0x3] =	stream.linear.gather [hbm4b:s0+s4], $0x2000, $0x38;
	[tilespmem:$0x1E400] =	vst v63  }
0x1e: {  	_ =	swait.ge [sflag:s16], $0x2000  }
0x1f: {  	[sflag:s16] =	ssyncset.done $0x0  }
0x20: {  	s10 =	sand.u32 $0x3, s4;
	[sflag:s16] =	ssyncadd.s32 $0xFFFFE000  }
0x21: {  	p0 =	sne.s32 s10, $0x0;
	[bflag:$0x0] =	sbarrier.arrive $0xFFFF  }
0x22: {  	[tilespmem:s19], [sflag:$0x1] =	stream.linear.gather [hbm4b:s8+s4], $0x4000, $0x38;
	[tilespmem:$0x1E400] =	vst v63  }
0x23: {  	s1 =	simm.s32 @!p0 $0x0;
	s26 =	simm.s32 @!p0 $0x1C000;
	s29 =	simm.s32 @!p0 $0x3  }
0x24: {  	[tilespmem:s26], [sflag:$0x3] =	stream.linear.gather @!p0 [hbm4b:s14+s1], $0x400, $0x38;
	[tilespmem:$0x1E400] =	vst v63  }
0x25: {  	_ =	swait.ge @!p0 [sflag:s29], $0x400  }
0x26: {  	[sflag:s29] =	ssyncset.done @!p0 $0x0  }
0x27: {  	[sflag:s29] =	ssyncadd.s32 @!p0 $0xFFFFFC00  }
0x28: {  	_ =	swait.ge [sflag:s20], $0x4000  }
0x29: {  	[sflag:s20] =	ssyncset.done $0x0  }
0x2a: {  	s0 =	sshll.u32 s10, $0x8;
	s26 =	sadd.s32 $0xFFFFF800, s13;
	[sflag:s20] =	ssyncadd.s32 $0xFFFFC000  }
0x2b: {  	[tilespmem:s21], [sflag:$0x2] =	stream.linear.gather [hbm4b:s26+s4], $0x4000, $0x38;
	[tilespmem:$0x1E400] =	vst v63  }
0x2c: {  	s29 =	sor.u32 $0x1C000, s0  }
0x2d: {  	[spmem:s2] =	stream.indirect.scatter.add.f32 [tilespmem:s19], [sflag:$0x3], $0x80, s29, s22, $0xb8;
	[tilespmem:$0x1E400] =	vst v63  }
0x2e: {  	_ =	swait.ge [sflag:s16], $0x4000  }
0x2f: {  	[sflag:s16] =	ssyncset.done $0x0  }
0x30: {  	[sflag:s16] =	ssyncadd.s32 $0xFFFFC000  }
0x31: {  	[spmem:s3] =	stream.indirect.scatter.add.f32 [tilespmem:s18], [sflag:$0x3], $0x80, s29, s23, $0xb8;
	[tilespmem:$0x1E400] =	vst v63  }
0x32: {  	_ =	swait.ge [sflag:s16], $0x2000  }
0x33: {  	[sflag:s16] =	ssyncset.done $0x0  }
0x34: {  	s6 =	sor.u32 $0x1C040, s0;
	[sflag:s16] =	ssyncadd.s32 $0xFFFFE000  }
0x35: {  	[spmem:s3] =	stream.indirect.scatter.add.f32 [tilespmem:s18], [sflag:$0x3], $0x80, s6, s23, $0xb8;
	[tilespmem:$0x1E400] =	vst v63  }
0x36: {  	_ =	swait.ge [sflag:s16], $0x2000  }
0x37: {  	[sflag:s16] =	ssyncset.done $0x0  }
0x38: {  	[sflag:s16] =	ssyncadd.s32 $0xFFFFE000  }
0x39: {  	_ =	swait.ge [sflag:s24], $0x4000  }
0x3a: {  	[sflag:s24] =	ssyncset.done $0x0  }
0x3b: {  	[sflag:s24] =	ssyncadd.s32 $0xFFFFC000  }
0x3c: {  	[tilespmem:s19], [sflag:$0x1] =	stream.linear.gather [hbm4b:s13+s4], $0x4000, $0x38;
	[tilespmem:$0x1E400] =	vst v63  }
0x3d: {  	s9 =	sor.u32 $0x1C080, s0  }
0x3e: {  	[spmem:s2] =	stream.indirect.scatter.add.f32 [tilespmem:s21], [sflag:$0x3], $0x80, s9, s22, $0xb8;
	[tilespmem:$0x1E400] =	vst v63  }
0x3f: {  	_ =	swait.ge [sflag:s16], $0x4000  }
0x40: {  	[sflag:s16] =	ssyncset.done $0x0  }
0x41: {  	[sflag:s16] =	ssyncadd.s32 $0xFFFFC000  }
0x42: {  	[spmem:s3] =	stream.indirect.scatter.add.f32 [tilespmem:s18], [sflag:$0x3], $0x80, s9, s23, $0xb8;
	[tilespmem:$0x1E400] =	vst v63  }
0x43: {  	s10 =	simm.s32 $0x1;
	s1 =	sadd.s32 $0x20, s14;
	_ =	swait.ge [sflag:s16], $0x2000  }
0x44: {  	s0 =	sor.u32 $0x1C0C0, s0;
	s29 =	sand.u32 $0x3, s10;
	[sflag:s16] =	ssyncset.done $0x0  }
0x45: {  	s26 =	simm.s32 $0x2;
	p1 =	sne.s32 s29, $0x0;
	[sflag:s16] =	ssyncadd.s32 $0xFFFFE000  }
0x46: {  	[spmem:s3] =	stream.indirect.scatter.add.f32 [tilespmem:s18], [sflag:$0x3], $0x80, s0, s23, $0xb8;
	[tilespmem:$0x1E400] =	vst v63  }
0x47: {  	s31 =	sshll.u32 s29, $0x8;
	s0 =	sadd.s32 $0x1000, s13;
	_ =	swait.ge [sflag:s16], $0x2000  }
.LBB2_2:
0x48: {  	s6 =	simm.s32 @!p1 $0x0  }
0x49: {  	s9 =	simm.s32 @!p1 $0x1C000;
	[sflag:s16] =	ssyncset.done $0x0;
	s29 =	smov.u32 s26  }
0x4a: {  	s26 =	sadd.s32 $0x1, s26;
	s10 =	simm.s32 @!p1 $0x3;
	[sflag:s16] =	ssyncadd.s32 $0xFFFFE000  }
0x4b: {  	[tilespmem:s9], [sflag:$0x3] =	stream.linear.gather @!p1 [hbm4b:s1+s6], $0x400, $0x38;
	[tilespmem:$0x1E400] =	vst v63  }
0x4c: {  	p0 =	sne.s32 s26, $0x7;
	_ =	swait.ge @!p1 [sflag:s10], $0x400  }
0x4d: {  	[sflag:s10] =	ssyncset.done @!p1 $0x0  }
0x4e: {  	[sflag:s10] =	ssyncadd.s32 @!p1 $0xFFFFFC00  }
0x4f: {  	_ =	swait.ge [sflag:s20], $0x4000  }
0x50: {  	[sflag:s20] =	ssyncset.done $0x0  }
0x51: {  	s6 =	sadd.s32 $0xFFFFF800, s0;
	[sflag:s20] =	ssyncadd.s32 $0xFFFFC000  }
0x52: {  	[tilespmem:s21], [sflag:$0x2] =	stream.linear.gather [hbm4b:s6+s4], $0x4000, $0x38;
	[tilespmem:$0x1E400] =	vst v63  }
0x53: {  	s6 =	sor.u32 $0x1C000, s31  }
0x54: {  	[spmem:s2] =	stream.indirect.scatter.add.f32 [tilespmem:s19], [sflag:$0x3], $0x80, s6, s22, $0xb8;
	[tilespmem:$0x1E400] =	vst v63  }
0x55: {  	_ =	swait.ge [sflag:s16], $0x4000  }
0x56: {  	[sflag:s16] =	ssyncset.done $0x0  }
0x57: {  	[sflag:s16] =	ssyncadd.s32 $0xFFFFC000  }
0x58: {  	[spmem:s3] =	stream.indirect.scatter.add.f32 [tilespmem:s18], [sflag:$0x3], $0x80, s6, s23, $0xb8;
	[tilespmem:$0x1E400] =	vst v63  }
0x59: {  	_ =	swait.ge [sflag:s16], $0x2000  }
0x5a: {  	[sflag:s16] =	ssyncset.done $0x0  }
0x5b: {  	s6 =	sor.u32 $0x1C040, s31;
	[sflag:s16] =	ssyncadd.s32 $0xFFFFE000  }
0x5c: {  	[spmem:s3] =	stream.indirect.scatter.add.f32 [tilespmem:s18], [sflag:$0x3], $0x80, s6, s23, $0xb8;
	[tilespmem:$0x1E400] =	vst v63  }
0x5d: {  	_ =	swait.ge [sflag:s16], $0x2000  }
0x5e: {  	[sflag:s16] =	ssyncset.done $0x0  }
0x5f: {  	[sflag:s16] =	ssyncadd.s32 $0xFFFFE000  }
0x60: {  	_ =	swait.ge [sflag:s24], $0x4000  }
0x61: {  	[sflag:s24] =	ssyncset.done $0x0  }
0x62: {  	[sflag:s24] =	ssyncadd.s32 $0xFFFFC000  }
0x63: {  	[tilespmem:s19], [sflag:$0x1] =	stream.linear.gather [hbm4b:s0+s4], $0x4000, $0x38;
	[tilespmem:$0x1E400] =	vst v63  }
0x64: {  	s6 =	sor.u32 $0x1C080, s31  }
0x65: {  	[spmem:s2] =	stream.indirect.scatter.add.f32 [tilespmem:s21], [sflag:$0x3], $0x80, s6, s22, $0xb8;
	[tilespmem:$0x1E400] =	vst v63  }
0x66: {  	_ =	swait.ge [sflag:s16], $0x4000  }
0x67: {  	[sflag:s16] =	ssyncset.done $0x0  }
0x68: {  	[sflag:s16] =	ssyncadd.s32 $0xFFFFC000  }
0x69: {  	[spmem:s3] =	stream.indirect.scatter.add.f32 [tilespmem:s18], [sflag:$0x3], $0x80, s6, s23, $0xb8;
	[tilespmem:$0x1E400] =	vst v63  }
.Ltmp0:
0x6a: {  	_ =	swait.ge [sflag:s16], $0x2000;
	(pc) =	sbr.rel @p0 .LBB2_2-.Ltmp0, $4  }
0x6b: {  	s1 =	sadd.s32 $0x20, s1;
	s0 =	sadd.s32 $0x1000, s0;
	[sflag:s16] =	ssyncset.done $0x0  }
0x6c: {  	s9 =	sor.u32 $0x1C0C0, s31;
	s6 =	sand.u32 $0x3, s29;
	[sflag:s16] =	ssyncadd.s32 $0xFFFFE000  }
0x6d: {  	[spmem:s3] =	stream.indirect.scatter.add.f32 [tilespmem:s18], [sflag:$0x3], $0x80, s9, s23, $0xb8;
	[tilespmem:$0x1E400] =	vst v63  }
0x6e: {  	p1 =	sne.s32 s6, $0x0;
	s31 =	sshll.u32 s6, $0x8;
	_ =	swait.ge [sflag:s16], $0x2000  }
0x6f: {  	[sflag:s16] =	ssyncset.done $0x0  }
0x70: {  	s6 =	simm.s32 @!p1 $0x0;
	s9 =	simm.s32 @!p1 $0x1C000;
	[sflag:s16] =	ssyncadd.s32 $0xFFFFE000  }
0x71: {  	[tilespmem:s9], [sflag:$0x3] =	stream.linear.gather @!p1 [hbm4b:s1+s6], $0x400, $0x38;
	[tilespmem:$0x1E400] =	vst v63  }
0x72: {  	s1 =	simm.s32 @!p1 $0x3  }
0x73: {  	_ =	swait.ge @!p1 [sflag:s1], $0x400  }
0x74: {  	[sflag:s1] =	ssyncset.done @!p1 $0x0  }
0x75: {  	[sflag:s1] =	ssyncadd.s32 @!p1 $0xFFFFFC00  }
0x76: {  	_ =	swait.ge [sflag:s20], $0x4000  }
0x77: {  	[sflag:s20] =	ssyncset.done $0x0  }
0x78: {  	s10 =	sadd.s32 $0xFFFFF800, s0;
	[sflag:s20] =	ssyncadd.s32 $0xFFFFC000  }
0x79: {  	[tilespmem:s21], [sflag:$0x2] =	stream.linear.gather [hbm4b:s10+s4], $0x4000, $0x38;
	[tilespmem:$0x1E400] =	vst v63  }
0x7a: {  	s26 =	sor.u32 $0x1C000, s31  }
0x7b: {  	[spmem:s2] =	stream.indirect.scatter.add.f32 [tilespmem:s19], [sflag:$0x3], $0x80, s26, s22, $0xb8;
	[tilespmem:$0x1E400] =	vst v63  }
0x7c: {  	_ =	swait.ge [sflag:s16], $0x4000  }
0x7d: {  	[sflag:s16] =	ssyncset.done $0x0  }
0x7e: {  	[sflag:s16] =	ssyncadd.s32 $0xFFFFC000  }
0x7f: {  	[spmem:s3] =	stream.indirect.scatter.add.f32 [tilespmem:s18], [sflag:$0x3], $0x80, s26, s23, $0xb8;
	[tilespmem:$0x1E400] =	vst v63  }
0x80: {  	_ =	swait.ge [sflag:s16], $0x2000  }
0x81: {  	[sflag:s16] =	ssyncset.done $0x0  }
0x82: {  	s29 =	sor.u32 $0x1C040, s31;
	[sflag:s16] =	ssyncadd.s32 $0xFFFFE000  }
0x83: {  	[spmem:s3] =	stream.indirect.scatter.add.f32 [tilespmem:s18], [sflag:$0x3], $0x80, s29, s23, $0xb8;
	[tilespmem:$0x1E400] =	vst v63  }
0x84: {  	_ =	swait.ge [sflag:s16], $0x2000  }
0x85: {  	[sflag:s16] =	ssyncset.done $0x0  }
0x86: {  	[sflag:s16] =	ssyncadd.s32 $0xFFFFE000  }
0x87: {  	_ =	swait.ge [sflag:s24], $0x4000  }
0x88: {  	[sflag:s24] =	ssyncset.done $0x0  }
0x89: {  	[sflag:s24] =	ssyncadd.s32 $0xFFFFC000  }
0x8a: {  	[tilespmem:s19], [sflag:$0x1] =	stream.linear.gather [hbm4b:s0+s4], $0x4000, $0x38;
	[tilespmem:$0x1E400] =	vst v63  }
0x8b: {  	s6 =	sor.u32 $0x1C080, s31  }
0x8c: {  	[spmem:s2] =	stream.indirect.scatter.add.f32 [tilespmem:s21], [sflag:$0x3], $0x80, s6, s22, $0xb8;
	[tilespmem:$0x1E400] =	vst v63  }
0x8d: {  	_ =	swait.ge [sflag:s16], $0x4000  }
0x8e: {  	[sflag:s16] =	ssyncset.done $0x0  }
0x8f: {  	[sflag:s16] =	ssyncadd.s32 $0xFFFFC000  }
0x90: {  	[spmem:s3] =	stream.indirect.scatter.add.f32 [tilespmem:s18], [sflag:$0x3], $0x80, s6, s23, $0xb8;
	[tilespmem:$0x1E400] =	vst v63  }
0x91: {  	_ =	swait.ge [sflag:s16], $0x2000  }
0x92: {  	[sflag:s16] =	ssyncset.done $0x0  }
0x93: {  	s9 =	sor.u32 $0x1C0C0, s31;
	[sflag:s16] =	ssyncadd.s32 $0xFFFFE000  }
0x94: {  	[spmem:s3] =	stream.indirect.scatter.add.f32 [tilespmem:s18], [sflag:$0x3], $0x80, s9, s23, $0xb8;
	[tilespmem:$0x1E400] =	vst v63  }
0x95: {  	_ =	swait.ge [sflag:s16], $0x2000  }
0x96: {  	[sflag:s16] =	ssyncset.done $0x0  }
0x97: {  	[sflag:s16] =	ssyncadd.s32 $0xFFFFE000  }
0x98: {  	_ =	swait.ge [sflag:s20], $0x4000  }
0x99: {  	[sflag:s20] =	ssyncset.done $0x0  }
0x9a: {  	[sflag:s20] =	ssyncadd.s32 $0xFFFFC000  }
0x9b: {  	[tilespmem:s21], [sflag:$0x2] =	stream.linear.gather [hbm4b:s12+s4], $0x4000, $0x38;
	[tilespmem:$0x1E400] =	vst v63  }
0x9c: {  	_ = 	snop  }
0x9d: {  	[spmem:s2] =	stream.indirect.scatter.add.f32 [tilespmem:s19], [sflag:$0x3], $0x80, s25, s22, $0xb8;
	[tilespmem:$0x1E400] =	vst v63  }
0x9e: {  	_ =	swait.ge [sflag:s16], $0x4000  }
0x9f: {  	[sflag:s16] =	ssyncset.done $0x0  }
0xa0: {  	[sflag:s16] =	ssyncadd.s32 $0xFFFFC000  }
0xa1: {  	[spmem:s3] =	stream.indirect.scatter.add.f32 [tilespmem:s18], [sflag:$0x3], $0x80, s25, s23, $0xb8;
	[tilespmem:$0x1E400] =	vst v63  }
0xa2: {  	_ =	swait.ge [sflag:s16], $0x2000  }
0xa3: {  	[sflag:s16] =	ssyncset.done $0x0  }
0xa4: {  	s10 =	simm.s32 $0x1C340;
	[sflag:s16] =	ssyncadd.s32 $0xFFFFE000  }
0xa5: {  	[spmem:s3] =	stream.indirect.scatter.add.f32 [tilespmem:s18], [sflag:$0x3], $0x80, s10, s23, $0xb8;
	[tilespmem:$0x1E400] =	vst v63  }
0xa6: {  	_ =	swait.ge [sflag:s16], $0x2000  }
0xa7: {  	[sflag:s16] =	ssyncset.done $0x0  }
0xa8: {  	[sflag:s16] =	ssyncadd.s32 $0xFFFFE000  }
0xa9: {  	_ =	swait.ge [sflag:s24], $0x4000  }
0xaa: {  	[sflag:s24] =	ssyncset.done $0x0  }
0xab: {  	[sflag:s24] =	ssyncadd.s32 $0xFFFFC000  }
0xac: {  	[spmem:s2] =	stream.indirect.scatter.add.f32 [tilespmem:s21], [sflag:$0x3], $0x80, s28, s22, $0xb8;
	[tilespmem:$0x1E400] =	vst v63  }
0xad: {  	_ =	swait.ge [sflag:s16], $0x4000  }
0xae: {  	[sflag:s16] =	ssyncset.done $0x0  }
0xaf: {  	[sflag:s16] =	ssyncadd.s32 $0xFFFFC000  }
0xb0: {  	[spmem:s3] =	stream.indirect.scatter.add.f32 [tilespmem:s18], [sflag:$0x3], $0x80, s28, s23, $0xb8;
	[tilespmem:$0x1E400] =	vst v63  }
0xb1: {  	_ =	swait.ge [sflag:s16], $0x2000  }
0xb2: {  	[sflag:s16] =	ssyncset.done $0x0  }
0xb3: {  	s26 =	simm.s32 $0x1C3C0;
	[sflag:s16] =	ssyncadd.s32 $0xFFFFE000  }
0xb4: {  	[spmem:s3] =	stream.indirect.scatter.add.f32 [tilespmem:s18], [sflag:$0x3], $0x80, s26, s23, $0xb8;
	[tilespmem:$0x1E400] =	vst v63  }
0xb5: {  	_ =	swait.ge [sflag:s16], $0x2000  }
0xb6: {  	[sflag:s16] =	ssyncset.done $0x0  }
0xb7: {  	[sflag:s16] =	ssyncadd.s32 $0xFFFFE000  }
0xb8: {  	[bflag:$0x0] =	sbarrier.arrive $0xFFFF  }
0xb9: {  	s29 =	rddreg [dreg:$0x5]  }
0xba: {  	[hbm:s29], [sflag:s7] =	dma.local [spmem:s15], $0x1400  }
0xbb: {  	s30 =	sadd.s32 $0x1, s30;
	_ =	swait.ge [sflag:s16], $0x1400  }
0xbc: {  	p0 =	sne.s32 s30, s11;
	[sflag:s16] =	ssyncset.done $0x0  }
.Ltmp1:
0xbd: {  	s31 =	rddreg [dreg:$0x6];
	[sflag:s16] =	ssyncadd.s32 $0xFFFFEC00;
	(pc) =	sbr.rel @p0 .LBB2_1-.Ltmp1, $4  }
0xbe: {  	[hbm:s31], [sflag:s7] =	dma.local [spmem:s17], $0x1400  }
0xbf: {  	_ =	swait.ge [sflag:s16], $0x1400  }
0xc0: {  	[sflag:s16] =	ssyncset.done $0x0  }
0xc1: {  	[sflag:s16] =	ssyncadd.s32 $0xFFFFEC00  }
0xc2: {  	_ =	sfence.sel $0x180000  }
0xc3: {  	[bflag:$0x0] =	sbarrier.arrive $0xFFFF  }
0xc4: {  	_ =	strace $0x90000047  }
0xc5: {  	s0 =	stileid.u32;
	[bflag:$0x2] =	sbarrier.arrive $0xFFFF  }
0xc6: {  	p0 =	sne.s32 s0, $0x0;
	s0 =	rddreg [dreg:$0x3]  }
0xc7: {  	s0 =	sadd.s32 @!p0 $0x100000, s0  }
0xc8: {  	[sflag:s0] =	ssyncadd.tile.s32 @!p0 $0x1;
	_ =	shalt  }
.Lfunc_end2:
_tile_overlayer_lowered:
.L_overlay_start_2:
0xc9: {  	(tag) =	ssettag $0x2  }
0xca: {  	s0 =	rddreg [dreg:$0x0];
	s2 =	stileid.u32  }
0xcb: {  	s1 =	rddreg [dreg:$0x1];
	p0 =	sne.s32 s2, $0x0  }
0xcc: {  	s3 =	rddreg [dreg:$0x2];
	[bflag:$0x3] =	sbarrier.arrive $0xFFFF;
	s2 =	simm.s32 @!p0 $0x1C03  }
0xcd: {  	[timem:s3], [sflag:s2] =	dma.local @!p0 [hbm:s0], s1  }
0xce: {  	s0 =	simm.s32 @!p0 $0x3  }
0xcf: {  	_ =	swait.ge @!p0 [sflag:s0], s1  }
0xd0: {  	s1 =	ssub.s32 @!p0 $0x0, s1;
	[sflag:s0] =	ssyncset.done @!p0 $0x0  }
0xd1: {  	[sflag:s0] =	ssyncadd.s32 @!p0 s1  }
0xd2: {  	[bflag:$0x3] =	sbarrier.arrive $0xFFFF  }
0xd3: {  	_ =	shalt  }

// kernel: kernel.19.cloned.1.call-start
scs
__scs_entry_jumppad:
0x0: {  	(pc) =	sbr.rel $0x88, $3  }
0x1: {  	(tag) =	ssettag $0x0;
	lr =	simm.s32 $0x1  }
0x2: {  	[smem:$0x3F93] =	sst lr;
	_ =	strace $0xD0000000  }
0x3: {  	_ = 	snop  }
0x4: {  	_ = 	snop  }
0x5: {  	_ = 	snop  }
0x6: {  	_ = 	snop  }
0x7: {  	_ = 	snop  }
__scs_overlays_trampoline_lowered:
0x8: {  	[smem:$0x3FA2] =	sst s0  }
0x9: {  	[smem:$0x3FA3] =	sst s1  }
0xa: {  	[smem:$0x3FA4] =	sst s2  }
0xb: {  	[smem:$0x3FA5] =	sst s3  }
0xc: {  	[smem:$0x3FA6] =	sst s4  }
0xd: {  	[smem:$0x3FA7] =	sst s5  }
0xe: {  	[smem:$0x3FA8] =	sst s6  }
0xf: {  	[smem:$0x3FA9] =	sst s7  }
0x10: {  	[smem:$0x3FAA] =	sst s8  }
0x11: {  	[smem:$0x3FAB] =	sst s9;
	s0 =	simm.s32 @!p0 $0x0  }
0x12: {  	s1 =	sld [smem:$0x3F91];
	s0 =	simm.s32 @p0 $0x1  }
0x13: {  	[smem:$0x3FAC] =	sst s0;
	s0 =	simm.s32 @!p1 $0x0  }
0x14: {  	s2 =	sld [smem:$0x3F90];
	s0 =	simm.s32 @p1 $0x1  }
0x15: {  	[smem:$0x3FAD] =	sst s0;
	s0 =	simm.s32 @!p2 $0x0  }
0x16: {  	s3 =	sld [smem:$0x3FDB];
	s0 =	simm.s32 @p2 $0x1  }
0x17: {  	s4 =	simm.s32 $0x1BF5;
	[smem:$0x3FAF] =	sst s0  }
0x18: {  	s0 =	sld [smem:$0x3F92];
	_ =	swait.ge [sflag:s4], $0x0  }
0x19: {  	s7 =	sld [smem:$0x3F93]  }
0x1a: {  	s8 =	sadd.s32 $0xFFFFE003, lr  }
0x1b: {  	s9 =	sadd.s32 $0xFFFFFEF7, lr;
	s5 =	simm.s32 $0xFFFFFFFF;
	p2 =	slt.u32 s8, $0xFFFFF086  }
0x1c: {  	p1 =	slt.u32 s9, $0xF7A;
	s5 =	simm.s32 @!p2 $0x0  }
0x1d: {  	s5 =	simm.s32 @p1 $0x1;
	p0 =	seq.s32 s7, s2  }
0x1e: {  	s7 =	smul.u32 @!p0 $0xF7A, s2;
	p2 =	seq.s32 @!p0 s5, $0x0  }
0x1f: {  	s9 =	smul.u32 $0xF7A, s1;
	s8 =	simm.s32 @!p0 $0x1BF5;
	p2 =	por !p2, p0  }
0x20: {  	[sflag:s8] =	ssyncset.s32 @!p0 $0xFFFFF086;
	s6 =	sadd.s32 @!p0 s3, s7;
	s7 =	simm.s32 @!p0 $0x108  }
0x21: {  	s3 =	sadd.s32 s3, s9;
	s6 =	sadd.s32 @!p0 $0x88, s6;
	s7 =	simm.s32 @p2 $0x1082  }
0x22: {  	[simem:s7], [sflag:s8] =	dma.local @!p0 [hbm:s6], $0xF7A  }
0x23: {  	s9 =	sor.u32 $0xD0000000, s2;
	s6 =	simm.s32 $0x108;
	_ =	swait.ge @!p0 [sflag:s8], $0x0  }
0x24: {  	s3 =	sadd.s32 $0x88, s3;
	s6 =	simm.s32 @!p1 $0x1082;
	[sflag:s4] =	ssyncset.s32 $0xFFFFF086  }
0x25: {  	[simem:s6], [sflag:s4] =	dma.local [hbm:s3], $0xF7A  }
0x26: {  	[smem:$0x3F93] =	sst s1;
	(tag) =	ssettag s2;
	_ =	strace s9  }
0x27: {  	s1 =	sld [smem:$0x3FA3]  }
0x28: {  	s2 =	sld [smem:$0x3FA4]  }
0x29: {  	s4 =	sld [smem:$0x3FA6]  }
0x2a: {  	p0 =	seq.s32 s5, $0x0;
	s5 =	sld [smem:$0x3FA7]  }
0x2b: {  	s6 =	sld [smem:$0x3FA8]  }
0x2c: {  	s7 =	sld [smem:$0x3FA9]  }
0x2d: {  	s3 =	simm.s32 $0x108;
	s8 =	sld [smem:$0x3FAA]  }
0x2e: {  	s3 =	simm.s32 @!p0 $0x1082;
	s9 =	sld [smem:$0x3FAB]  }
0x2f: {  	lr =	sadd.s32 s0, s3;
	s0 =	sld [smem:$0x3FA2]  }
0x30: {  	s3 =	sld [smem:$0x3FA5]  }
0x31: {  	[smem:$0x3FAE] =	sst s10  }
0x32: {  	s10 =	sld [smem:$0x3FAC];
	_ =	sdelay $0x3  }
0x33: {  	p0 =	seq.s32 s10, $0x1;
	s10 =	sld [smem:$0x3FAE];
	_ =	sdelay $0x3  }
0x34: {  	[smem:$0x3FAE] =	sst s10  }
0x35: {  	s10 =	sld [smem:$0x3FAD];
	_ =	sdelay $0x3  }
0x36: {  	p1 =	seq.s32 s10, $0x1;
	s10 =	sld [smem:$0x3FAE];
	_ =	sdelay $0x3  }
0x37: {  	[smem:$0x3FAE] =	sst s10  }
0x38: {  	s10 =	sld [smem:$0x3FAF]  }
0x39: {  	_ = 	snop;
	(pc) =	sbr.ind lr, $3  }
0x3a: {  	_ = 	snop  }
0x3b: {  	_ = 	snop  }
0x3c: {  	p2 =	seq.s32 s10, $0x1;
	s10 =	sld [smem:$0x3FAE]  }
0x3d: {  	_ =	shalt  }
0x3e: {  	_ =	shalt  }
0x3f: {  	_ =	shalt  }
0x40: {  	_ =	shalt  }
0x41: {  	_ =	shalt  }
0x42: {  	_ =	shalt  }
0x43: {  	_ =	shalt  }
0x44: {  	_ =	shalt  }
0x45: {  	_ =	shalt  }
0x46: {  	_ =	shalt  }
0x47: {  	_ =	shalt  }
0x48: {  	_ =	shalt  }
0x49: {  	_ =	shalt  }
0x4a: {  	_ =	shalt  }
0x4b: {  	_ =	shalt  }
0x4c: {  	_ =	shalt  }
0x4d: {  	_ =	shalt  }
0x4e: {  	_ =	shalt  }
0x4f: {  	_ =	shalt  }
0x50: {  	_ =	shalt  }
0x51: {  	_ =	shalt  }
0x52: {  	_ =	shalt  }
0x53: {  	_ =	shalt  }
0x54: {  	_ =	shalt  }
0x55: {  	_ =	shalt  }
0x56: {  	_ =	shalt  }
0x57: {  	_ =	shalt  }
0x58: {  	_ =	shalt  }
0x59: {  	_ =	shalt  }
0x5a: {  	_ =	shalt  }
0x5b: {  	_ =	shalt  }
0x5c: {  	_ =	shalt  }
0x5d: {  	_ =	shalt  }
0x5e: {  	_ =	shalt  }
0x5f: {  	_ =	shalt  }
0x60: {  	_ =	shalt  }
0x61: {  	_ =	shalt  }
0x62: {  	_ =	shalt  }
0x63: {  	_ =	shalt  }
0x64: {  	_ =	shalt  }
0x65: {  	_ =	shalt  }
0x66: {  	_ =	shalt  }
0x67: {  	_ =	shalt  }
0x68: {  	_ =	shalt  }
0x69: {  	_ =	shalt  }
0x6a: {  	_ =	shalt  }
0x6b: {  	_ =	shalt  }
0x6c: {  	_ =	shalt  }
0x6d: {  	_ =	shalt  }
0x6e: {  	_ =	shalt  }
0x6f: {  	_ =	shalt  }
0x70: {  	_ =	shalt  }
0x71: {  	_ =	shalt  }
0x72: {  	_ =	shalt  }
0x73: {  	_ =	shalt  }
0x74: {  	_ =	shalt  }
0x75: {  	_ =	shalt  }
0x76: {  	_ =	shalt  }
0x77: {  	_ =	shalt  }
0x78: {  	_ =	shalt  }
0x79: {  	_ =	shalt  }
0x7a: {  	_ =	shalt  }
0x7b: {  	_ =	shalt  }
0x7c: {  	_ =	shalt  }
0x7d: {  	_ =	shalt  }
0x7e: {  	_ =	shalt  }
0x7f: {  	_ =	shalt  }
0x80: {  	_ =	shalt  }
0x81: {  	_ =	shalt  }
0x82: {  	_ =	shalt  }
0x83: {  	_ =	shalt  }
0x84: {  	_ =	shalt  }
0x85: {  	_ =	shalt  }
0x86: {  	_ =	shalt  }
0x87: {  	_ =	shalt  }
.Lfunc_end0:
.L_simem_size_0:
called_computation.2_lowered:
.L_overlay_start_0:
0x88: {  	s2 =	sld [smem:$0x3FD9]  }
0x89: {  	s3 =	sld [smem:$0x3FFE];
	_ =	sdelay $0x1  }
0x8a: {  	s1 =	srdreg.scid  }
0x8b: {  	s0 =	sand.u32 $0x1, s1  }
0x8c: {  	s17 =	sshll.u32 s0, $0xA;
	s2 =	sadd.s32 s3, s2  }
0x8d: {  	s2 =	sadd.s32 s2, s17  }
0x8e: {  	[smem:$0x3FBA] =	sst s2  }
0x8f: {  	_ = 	snop  }
0x90: {  	(tm) =	ssettm $0x1  }
0x91: {  	s18 =	sld [smem:$0x3FFB];
	_ =	sdelay $0x3  }
0x92: {  	_ =	strace s18  }
0x93: {  	s2 =	sld [smem:$0x3FFC];
	_ =	sdelay $0x3  }
0x94: {  	_ =	strace s2  }
0x95: {  	s2 =	sld [smem:$0x3FFD];
	_ =	sdelay $0x3  }
0x96: {  	_ =	strace s2  }
0x97: {  	_ =	strace $0x8FFFFFFF  }
0x98: {  	s19 =	sld [smem:$0x3FDB];
	_ =	sdelay $0x1  }
0x99: {  	s20 =	simm.s32 $_scs_section_size  }
0x9a: {  	s4 =	simm.s32 $_size__tile_overlayer_lowered;
	s5 =	simm.s32 $_tile_overlayer_lowered  }
0x9b: {  	s6 =	simm.s32 $0x1BFF;
	s21 =	sshll.u32 s5, $0x1;
	s3 =	sadd.s32 s20, s19  }
0x9c: {  	s22 =	simm.s32 $0x0;
	s4 =	sshll.u32 s4, $0x1;
	s5 =	sadd.s32 s21, s3  }
0x9d: {  	[timem:s22], [sflag:s6] =	dma.local [hbm:s5], s4  }
0x9e: {  	_ =	swait.ge [sflag:s6], s4  }
0x9f: {  	s4 =	ssub.s32 $0x0, s4;
	[sflag:s6] =	ssyncset.done $0x0  }
0xa0: {  	[sflag:s6] =	ssyncadd.s32 s4;
	_ =	sdelay $0x1  }
0xa1: {  	s23 =	simm.s32 $0x1B8B  }
0xa2: {  	_ =	swait.ge [sflag:s23], $0x1  }
0xa3: {  	[sflag:s23] =	ssyncset.done $0x0  }
0xa4: {  	[sflag:s23] =	ssyncadd.s32 $0xFFFFFFFF  }
0xa5: {  	s4 =	sld [smem:$0x0]  }
0xa6: {  	s5 =	sand.u32 $0xFFFFFFFE, s1  }
0xa7: {  	p0 =	sne.s32 s1, s5  }
0xa8: {  	s5 =	sshll.u32 @p0 s5, $0xE  }
0xa9: {  	s5 =	sadd.s32 @p0 $0x11B8D, s5;
	s6 =	sshll.u32 @p0 s4, $0x11  }
0xaa: {  	s5 =	sor.u32 @p0 s6, s5  }
0xab: {  	[sflag:s5] =	ssyncadd.remote.s32 @p0 $0x1;
	_ =	sdelay $0x1  }
0xac: {  	s5 =	simm.s32 @p0 $0x1B8D  }
0xad: {  	_ =	swait.eq @p0 [sflag:s5], $0x1  }
0xae: {  	[sflag:s5] =	ssyncadd.s32 @p0 $0xFFFFFFFF  }
0xaf: {  	s6 =	sshll.u32 @!p0 s1, $0xE  }
0xb0: {  	s6 =	sor.u32 @!p0 $0x4000, s6;
	s5 =	simm.s32 @!p0 $0x1B8D  }
0xb1: {  	s4 =	sshll.u32 @!p0 s4, $0x11;
	s6 =	sadd.s32 @!p0 $0x11B8D, s6;
	_ =	swait.eq @!p0 [sflag:s5], $0x1  }
0xb2: {  	s4 =	sor.u32 @!p0 s4, s6;
	[sflag:s5] =	ssyncadd.s32 @!p0 $0xFFFFFFFF  }
0xb3: {  	s25 =	simm.s32 $0x1B8E;
	s24 =	sld [smem:$0x3FFE];
	[sflag:s4] =	ssyncadd.remote.s32 @!p0 $0x1  }
0xb4: {  	s26 =	simm.s32 $execute0_lowered;
	[smem:$0x3FD2] =	sst s25  }
0xb5: {  	s5 =	sshll.u32 s26, $0x1;
	_ =	strace $0x80000049;
	[dreg:$0x1] =	wrdreg $0xFFFFFFFF  }
0xb6: {  	s28 =	simm.s32 $_size_execute0_lowered;
	s3 =	sadd.s32 s3, s5;
	[dreg:$0x0] =	wrdreg $0x0  }
0xb7: {  	s5 =	sshll.u32 s28, $0x1;
	[dreg:$0x2] =	wrdreg s3  }
0xb8: {  	[dreg:$0x3] =	wrdreg s5  }
0xb9: {  	[dreg:$0x4] =	wrdreg $0xC0  }
0xba: {  	_ =	task [dreg:s22], $0x5FFFF  }
0xbb: {  	[dreg:$0x1] =	wrdreg $0xFFFFFFFF  }
0xbc: {  	[dreg:$0x0] =	wrdreg $0x60  }
0xbd: {  	[dreg:$0x2] =	wrdreg s24  }
0xbe: {  	[dreg:$0x3] =	wrdreg $0x0  }
0xbf: {  	[dreg:$0x4] =	wrdreg $0xA0000  }
0xc0: {  	[dreg:$0x5] =	wrdreg $0xB  }
0xc1: {  	_ =	task.clear_ibuf [dreg:s22], $0x6FFFF;
	_ =	strace $0x90000049  }
0xc2: {  	s29 =	simm.s32 $0xB;
	_ =	strace $0x8000004B  }
0xc3: {  	_ =	swait.ge [sflag:s29], $0x1  }
0xc4: {  	[sflag:s29] =	ssyncadd.s32 $0xFFFFFFFF  }
0xc5: {  	_ =	strace $0x9000004B  }
0xc6: {  	_ =	sfence  }
0xc7: {  	s30 =	sld [smem:$0x0];
	_ =	sdelay $0x2  }
0xc8: {  	s31 =	sshll.u32 s1, $0xD;
	s1 =	sshrl.u32 s1, $0x2  }
0xc9: {  	s4 =	sand.u32 $0x4000, s31;
	s1 =	sadd.s32 s1, s30  }
0xca: {  	s0 =	sor.u32 s4, s0;
	s1 =	sshll.u32 s1, $0x11  }
0xcb: {  	s0 =	sor.u32 s1, s0  }
0xcc: {  	s0 =	sadd.s32 $0x8F2B, s0  }
0xcd: {  	[sflag:s0] =	ssyncadd.remote.s32 $0x1  }
0xce: {  	_ =	sfence.sel $0xFFFF  }
0xcf: {  	[dreg:$0x0] =	wrdreg $0xFFFFFFFF;
	(pc) =	sbr.abs _section_cstart, $3  }
0xd0: {  	[dreg:$0x1] =	wrdreg $0xFFFFFFFF  }
0xd1: {  	_ =	task.clear_ibuf [dreg:s22], $0x2FFFF;
	_ =	strace $0x9FFFFFFF  }
0xd2: {  	(tm) =	ssettm $0x7FFFFFFF  }
0xd3: {  	_ =	shalt  }
tec
execute0_lowered:
.L_overlay_start_1:
0x0: {  	(tag) =	ssettag $0x1  }
0x1: {  	s0 =	rddreg [dreg:$0x0]  }
0x2: {  	s2 =	rddreg [dreg:$0x1];
	s1 =	srdreg.scid  }
0x3: {  	s3 =	rddreg [dreg:$0x2];
	s13 =	stileid.u32;
	s4 =	simm.s32 $0x0  }
0x4: {  	s16 =	simm.s32 $0x3;
	s18 =	simm.s32 $0x1C400;
	s19 =	simm.s32 $0x14000  }
0x5: {  	s20 =	simm.s32 $0x1;
	s21 =	simm.s32 $0x18000;
	s22 =	simm.s32 $0x80  }
0x6: {  	s28 =	simm.s32 $0x1C380;
	s30 =	simm.s32 $0x0;
	s1 =	sand.u32 $0x1, s1  }
0x7: {  	s6 =	sshll.u32 s13, $0xB;
	s9 =	smul.u32 $0xA000, s13;
	[smem:$0x7FF] =	sst s4  }
0x8: {  	s10 =	sadd.s32 $0x15DC00, s0;
	s24 =	sadd.s32 $0x10D800, s0;
	s25 =	sshll.u32 s13, $0x6  }
0x9: {  	s29 =	sshll.u32 s13, $0xF;
	s5 =	sshll.u32 s1, $0xF;
	s23 =	smul.u32 $0xA0000, s1  }
0xa: {  	_ =	strace $0x8000004A;
	s11 =	ssub.s32 $0x2, s1;
	[dreg:$0x4] =	wrdreg s24  }
0xb: {  	s1 =	sshll.u32 s1, $0x13;
	s24 =	simm.s32 $0x2;
	s8 =	sor.u32 s6, s5  }
0xc: {  	s12 =	sshrl.u32 s11, $0x1;
	s15 =	sadd.s32 s9, s2;
	s17 =	sadd.s32 s9, s3  }
0xd: {  	s1 =	sadd.s32 s1, s10;
	s5 =	sshrl.u32 s8, $0x3;
	s7 =	sadd.s32 s9, s23  }
0xe: {  	s11 =	ssub.s32 s11, s12;
	s8 =	sshll.u32 s8, $0x4;
	s31 =	sadd.s32 s29, s1  }
0xf: {  	s15 =	sshrl.u32 s15, $0x3;
	s17 =	sshrl.u32 s17, $0x3;
	s23 =	simm.s32 $0x40  }
0x10: {  	s14 =	sadd.s32 s5, s0;
	s5 =	sadd.s32 $0x10C400, s0;
	s7 =	sshrl.u32 s7, $0x3  }
0x11: {  	s8 =	sadd.s32 s10, s8;
	s11 =	smax.u32 s11, $0x1;
	s0 =	sadd.s32 s7, s0  }
0x12: {  	s13 =	sadd.s32 $0x1000, s31;
	s7 =	sor.u32 $0x1C03, s25;
	s26 =	sadd.s32 $0x25DC00, s0  }
0x13: {  	s12 =	sadd.s32 $0x7800, s8;
	s0 =	sadd.s32 $0x285C00, s0;
	[dreg:$0x5] =	wrdreg s26  }
0x14: {  	s14 =	sadd.s32 $0x6400, s14;
	s25 =	simm.s32 $0x1C300;
	[dreg:$0x6] =	wrdreg s0  }
.LBB2_1:
0x15: {  	[spmem:s15], [sflag:s7] =	dma.local [hbm:s5], $0x1400  }
0x16: {  	_ =	swait.ge [sflag:s16], $0x1400  }
0x17: {  	[sflag:s16] =	ssyncset.done $0x0  }
0x18: {  	[sflag:s16] =	ssyncadd.s32 $0xFFFFEC00  }
0x19: {  	[spmem:s17], [sflag:s7] =	dma.local [hbm:s5], $0x1400  }
0x1a: {  	_ =	swait.ge [sflag:s16], $0x1400  }
0x1b: {  	[sflag:s16] =	ssyncset.done $0x0  }
0x1c: {  	s0 =	rddreg [dreg:$0x4];
	[sflag:s16] =	ssyncadd.s32 $0xFFFFEC00  }
0x1d: {  	[tilespmem:s18], [sflag:$0x3] =	stream.linear.gather [hbm4b:s0+s4], $0x2000, $0x38;
	[tilespmem:$0x1E400] =	vst v63  }
0x1e: {  	_ =	swait.ge [sflag:s16], $0x2000  }
0x1f: {  	[sflag:s16] =	ssyncset.done $0x0  }
0x20: {  	s10 =	sand.u32 $0x3, s4;
	[sflag:s16] =	ssyncadd.s32 $0xFFFFE000  }
0x21: {  	p0 =	sne.s32 s10, $0x0;
	[bflag:$0x0] =	sbarrier.arrive $0xFFFF  }
0x22: {  	[tilespmem:s19], [sflag:$0x1] =	stream.linear.gather [hbm4b:s8+s4], $0x4000, $0x38;
	[tilespmem:$0x1E400] =	vst v63  }
0x23: {  	s1 =	simm.s32 @!p0 $0x0;
	s26 =	simm.s32 @!p0 $0x1C000;
	s29 =	simm.s32 @!p0 $0x3  }
0x24: {  	[tilespmem:s26], [sflag:$0x3] =	stream.linear.gather @!p0 [hbm4b:s14+s1], $0x400, $0x38;
	[tilespmem:$0x1E400] =	vst v63  }
0x25: {  	_ =	swait.ge @!p0 [sflag:s29], $0x400  }
0x26: {  	[sflag:s29] =	ssyncset.done @!p0 $0x0  }
0x27: {  	[sflag:s29] =	ssyncadd.s32 @!p0 $0xFFFFFC00  }
0x28: {  	_ =	swait.ge [sflag:s20], $0x4000  }
0x29: {  	[sflag:s20] =	ssyncset.done $0x0  }
0x2a: {  	s0 =	sshll.u32 s10, $0x8;
	s26 =	sadd.s32 $0xFFFFF800, s13;
	[sflag:s20] =	ssyncadd.s32 $0xFFFFC000  }
0x2b: {  	[tilespmem:s21], [sflag:$0x2] =	stream.linear.gather [hbm4b:s26+s4], $0x4000, $0x38;
	[tilespmem:$0x1E400] =	vst v63  }
0x2c: {  	s29 =	sor.u32 $0x1C000, s0  }
0x2d: {  	[spmem:s2] =	stream.indirect.scatter.add.f32 [tilespmem:s19], [sflag:$0x3], $0x80, s29, s22, $0xb8;
	[tilespmem:$0x1E400] =	vst v63  }
0x2e: {  	_ =	swait.ge [sflag:s16], $0x4000  }
0x2f: {  	[sflag:s16] =	ssyncset.done $0x0  }
0x30: {  	[sflag:s16] =	ssyncadd.s32 $0xFFFFC000  }
0x31: {  	[spmem:s3] =	stream.indirect.scatter.add.f32 [tilespmem:s18], [sflag:$0x3], $0x80, s29, s23, $0xb8;
	[tilespmem:$0x1E400] =	vst v63  }
0x32: {  	_ =	swait.ge [sflag:s16], $0x2000  }
0x33: {  	[sflag:s16] =	ssyncset.done $0x0  }
0x34: {  	s6 =	sor.u32 $0x1C040, s0;
	[sflag:s16] =	ssyncadd.s32 $0xFFFFE000  }
0x35: {  	[spmem:s3] =	stream.indirect.scatter.add.f32 [tilespmem:s18], [sflag:$0x3], $0x80, s6, s23, $0xb8;
	[tilespmem:$0x1E400] =	vst v63  }
0x36: {  	_ =	swait.ge [sflag:s16], $0x2000  }
0x37: {  	[sflag:s16] =	ssyncset.done $0x0  }
0x38: {  	[sflag:s16] =	ssyncadd.s32 $0xFFFFE000  }
0x39: {  	_ =	swait.ge [sflag:s24], $0x4000  }
0x3a: {  	[sflag:s24] =	ssyncset.done $0x0  }
0x3b: {  	[sflag:s24] =	ssyncadd.s32 $0xFFFFC000  }
0x3c: {  	[tilespmem:s19], [sflag:$0x1] =	stream.linear.gather [hbm4b:s13+s4], $0x4000, $0x38;
	[tilespmem:$0x1E400] =	vst v63  }
0x3d: {  	s9 =	sor.u32 $0x1C080, s0  }
0x3e: {  	[spmem:s2] =	stream.indirect.scatter.add.f32 [tilespmem:s21], [sflag:$0x3], $0x80, s9, s22, $0xb8;
	[tilespmem:$0x1E400] =	vst v63  }
0x3f: {  	_ =	swait.ge [sflag:s16], $0x4000  }
0x40: {  	[sflag:s16] =	ssyncset.done $0x0  }
0x41: {  	[sflag:s16] =	ssyncadd.s32 $0xFFFFC000  }
0x42: {  	[spmem:s3] =	stream.indirect.scatter.add.f32 [tilespmem:s18], [sflag:$0x3], $0x80, s9, s23, $0xb8;
	[tilespmem:$0x1E400] =	vst v63  }
0x43: {  	s10 =	simm.s32 $0x1;
	s1 =	sadd.s32 $0x20, s14;
	_ =	swait.ge [sflag:s16], $0x2000  }
0x44: {  	s0 =	sor.u32 $0x1C0C0, s0;
	s29 =	sand.u32 $0x3, s10;
	[sflag:s16] =	ssyncset.done $0x0  }
0x45: {  	s26 =	simm.s32 $0x2;
	p1 =	sne.s32 s29, $0x0;
	[sflag:s16] =	ssyncadd.s32 $0xFFFFE000  }
0x46: {  	[spmem:s3] =	stream.indirect.scatter.add.f32 [tilespmem:s18], [sflag:$0x3], $0x80, s0, s23, $0xb8;
	[tilespmem:$0x1E400] =	vst v63  }
0x47: {  	s31 =	sshll.u32 s29, $0x8;
	s0 =	sadd.s32 $0x1000, s13;
	_ =	swait.ge [sflag:s16], $0x2000  }
.LBB2_2:
0x48: {  	s6 =	simm.s32 @!p1 $0x0  }
0x49: {  	s9 =	simm.s32 @!p1 $0x1C000;
	[sflag:s16] =	ssyncset.done $0x0;
	s29 =	smov.u32 s26  }
0x4a: {  	s26 =	sadd.s32 $0x1, s26;
	s10 =	simm.s32 @!p1 $0x3;
	[sflag:s16] =	ssyncadd.s32 $0xFFFFE000  }
0x4b: {  	[tilespmem:s9], [sflag:$0x3] =	stream.linear.gather @!p1 [hbm4b:s1+s6], $0x400, $0x38;
	[tilespmem:$0x1E400] =	vst v63  }
0x4c: {  	p0 =	sne.s32 s26, $0x7;
	_ =	swait.ge @!p1 [sflag:s10], $0x400  }
0x4d: {  	[sflag:s10] =	ssyncset.done @!p1 $0x0  }
0x4e: {  	[sflag:s10] =	ssyncadd.s32 @!p1 $0xFFFFFC00  }
0x4f: {  	_ =	swait.ge [sflag:s20], $0x4000  }
0x50: {  	[sflag:s20] =	ssyncset.done $0x0  }
0x51: {  	s6 =	sadd.s32 $0xFFFFF800, s0;
	[sflag:s20] =	ssyncadd.s32 $0xFFFFC000  }
0x52: {  	[tilespmem:s21], [sflag:$0x2] =	stream.linear.gather [hbm4b:s6+s4], $0x4000, $0x38;
	[tilespmem:$0x1E400] =	vst v63  }
0x53: {  	s6 =	sor.u32 $0x1C000, s31  }
0x54: {  	[spmem:s2] =	stream.indirect.scatter.add.f32 [tilespmem:s19], [sflag:$0x3], $0x80, s6, s22, $0xb8;
	[tilespmem:$0x1E400] =	vst v63  }
0x55: {  	_ =	swait.ge [sflag:s16], $0x4000  }
0x56: {  	[sflag:s16] =	ssyncset.done $0x0  }
0x57: {  	[sflag:s16] =	ssyncadd.s32 $0xFFFFC000  }
0x58: {  	[spmem:s3] =	stream.indirect.scatter.add.f32 [tilespmem:s18], [sflag:$0x3], $0x80, s6, s23, $0xb8;
	[tilespmem:$0x1E400] =	vst v63  }
0x59: {  	_ =	swait.ge [sflag:s16], $0x2000  }
0x5a: {  	[sflag:s16] =	ssyncset.done $0x0  }
0x5b: {  	s6 =	sor.u32 $0x1C040, s31;
	[sflag:s16] =	ssyncadd.s32 $0xFFFFE000  }
0x5c: {  	[spmem:s3] =	stream.indirect.scatter.add.f32 [tilespmem:s18], [sflag:$0x3], $0x80, s6, s23, $0xb8;
	[tilespmem:$0x1E400] =	vst v63  }
0x5d: {  	_ =	swait.ge [sflag:s16], $0x2000  }
0x5e: {  	[sflag:s16] =	ssyncset.done $0x0  }
0x5f: {  	[sflag:s16] =	ssyncadd.s32 $0xFFFFE000  }
0x60: {  	_ =	swait.ge [sflag:s24], $0x4000  }
0x61: {  	[sflag:s24] =	ssyncset.done $0x0  }
0x62: {  	[sflag:s24] =	ssyncadd.s32 $0xFFFFC000  }
0x63: {  	[tilespmem:s19], [sflag:$0x1] =	stream.linear.gather [hbm4b:s0+s4], $0x4000, $0x38;
	[tilespmem:$0x1E400] =	vst v63  }
0x64: {  	s6 =	sor.u32 $0x1C080, s31  }
0x65: {  	[spmem:s2] =	stream.indirect.scatter.add.f32 [tilespmem:s21], [sflag:$0x3], $0x80, s6, s22, $0xb8;
	[tilespmem:$0x1E400] =	vst v63  }
0x66: {  	_ =	swait.ge [sflag:s16], $0x4000  }
0x67: {  	[sflag:s16] =	ssyncset.done $0x0  }
0x68: {  	[sflag:s16] =	ssyncadd.s32 $0xFFFFC000  }
0x69: {  	[spmem:s3] =	stream.indirect.scatter.add.f32 [tilespmem:s18], [sflag:$0x3], $0x80, s6, s23, $0xb8;
	[tilespmem:$0x1E400] =	vst v63  }
.Ltmp0:
0x6a: {  	_ =	swait.ge [sflag:s16], $0x2000;
	(pc) =	sbr.rel @p0 .LBB2_2-.Ltmp0, $4  }
0x6b: {  	s1 =	sadd.s32 $0x20, s1;
	s0 =	sadd.s32 $0x1000, s0;
	[sflag:s16] =	ssyncset.done $0x0  }
0x6c: {  	s9 =	sor.u32 $0x1C0C0, s31;
	s6 =	sand.u32 $0x3, s29;
	[sflag:s16] =	ssyncadd.s32 $0xFFFFE000  }
0x6d: {  	[spmem:s3] =	stream.indirect.scatter.add.f32 [tilespmem:s18], [sflag:$0x3], $0x80, s9, s23, $0xb8;
	[tilespmem:$0x1E400] =	vst v63  }
0x6e: {  	p1 =	sne.s32 s6, $0x0;
	s31 =	sshll.u32 s6, $0x8;
	_ =	swait.ge [sflag:s16], $0x2000  }
0x6f: {  	[sflag:s16] =	ssyncset.done $0x0  }
0x70: {  	s6 =	simm.s32 @!p1 $0x0;
	s9 =	simm.s32 @!p1 $0x1C000;
	[sflag:s16] =	ssyncadd.s32 $0xFFFFE000  }
0x71: {  	[tilespmem:s9], [sflag:$0x3] =	stream.linear.gather @!p1 [hbm4b:s1+s6], $0x400, $0x38;
	[tilespmem:$0x1E400] =	vst v63  }
0x72: {  	s1 =	simm.s32 @!p1 $0x3  }
0x73: {  	_ =	swait.ge @!p1 [sflag:s1], $0x400  }
0x74: {  	[sflag:s1] =	ssyncset.done @!p1 $0x0  }
0x75: {  	[sflag:s1] =	ssyncadd.s32 @!p1 $0xFFFFFC00  }
0x76: {  	_ =	swait.ge [sflag:s20], $0x4000  }
0x77: {  	[sflag:s20] =	ssyncset.done $0x0  }
0x78: {  	s10 =	sadd.s32 $0xFFFFF800, s0;
	[sflag:s20] =	ssyncadd.s32 $0xFFFFC000  }
0x79: {  	[tilespmem:s21], [sflag:$0x2] =	stream.linear.gather [hbm4b:s10+s4], $0x4000, $0x38;
	[tilespmem:$0x1E400] =	vst v63  }
0x7a: {  	s26 =	sor.u32 $0x1C000, s31  }
0x7b: {  	[spmem:s2] =	stream.indirect.scatter.add.f32 [tilespmem:s19], [sflag:$0x3], $0x80, s26, s22, $0xb8;
	[tilespmem:$0x1E400] =	vst v63  }
0x7c: {  	_ =	swait.ge [sflag:s16], $0x4000  }
0x7d: {  	[sflag:s16] =	ssyncset.done $0x0  }
0x7e: {  	[sflag:s16] =	ssyncadd.s32 $0xFFFFC000  }
0x7f: {  	[spmem:s3] =	stream.indirect.scatter.add.f32 [tilespmem:s18], [sflag:$0x3], $0x80, s26, s23, $0xb8;
	[tilespmem:$0x1E400] =	vst v63  }
0x80: {  	_ =	swait.ge [sflag:s16], $0x2000  }
0x81: {  	[sflag:s16] =	ssyncset.done $0x0  }
0x82: {  	s29 =	sor.u32 $0x1C040, s31;
	[sflag:s16] =	ssyncadd.s32 $0xFFFFE000  }
0x83: {  	[spmem:s3] =	stream.indirect.scatter.add.f32 [tilespmem:s18], [sflag:$0x3], $0x80, s29, s23, $0xb8;
	[tilespmem:$0x1E400] =	vst v63  }
0x84: {  	_ =	swait.ge [sflag:s16], $0x2000  }
0x85: {  	[sflag:s16] =	ssyncset.done $0x0  }
0x86: {  	[sflag:s16] =	ssyncadd.s32 $0xFFFFE000  }
0x87: {  	_ =	swait.ge [sflag:s24], $0x4000  }
0x88: {  	[sflag:s24] =	ssyncset.done $0x0  }
0x89: {  	[sflag:s24] =	ssyncadd.s32 $0xFFFFC000  }
0x8a: {  	[tilespmem:s19], [sflag:$0x1] =	stream.linear.gather [hbm4b:s0+s4], $0x4000, $0x38;
	[tilespmem:$0x1E400] =	vst v63  }
0x8b: {  	s6 =	sor.u32 $0x1C080, s31  }
0x8c: {  	[spmem:s2] =	stream.indirect.scatter.add.f32 [tilespmem:s21], [sflag:$0x3], $0x80, s6, s22, $0xb8;
	[tilespmem:$0x1E400] =	vst v63  }
0x8d: {  	_ =	swait.ge [sflag:s16], $0x4000  }
0x8e: {  	[sflag:s16] =	ssyncset.done $0x0  }
0x8f: {  	[sflag:s16] =	ssyncadd.s32 $0xFFFFC000  }
0x90: {  	[spmem:s3] =	stream.indirect.scatter.add.f32 [tilespmem:s18], [sflag:$0x3], $0x80, s6, s23, $0xb8;
	[tilespmem:$0x1E400] =	vst v63  }
0x91: {  	_ =	swait.ge [sflag:s16], $0x2000  }
0x92: {  	[sflag:s16] =	ssyncset.done $0x0  }
0x93: {  	s9 =	sor.u32 $0x1C0C0, s31;
	[sflag:s16] =	ssyncadd.s32 $0xFFFFE000  }
0x94: {  	[spmem:s3] =	stream.indirect.scatter.add.f32 [tilespmem:s18], [sflag:$0x3], $0x80, s9, s23, $0xb8;
	[tilespmem:$0x1E400] =	vst v63  }
0x95: {  	_ =	swait.ge [sflag:s16], $0x2000  }
0x96: {  	[sflag:s16] =	ssyncset.done $0x0  }
0x97: {  	[sflag:s16] =	ssyncadd.s32 $0xFFFFE000  }
0x98: {  	_ =	swait.ge [sflag:s20], $0x4000  }
0x99: {  	[sflag:s20] =	ssyncset.done $0x0  }
0x9a: {  	[sflag:s20] =	ssyncadd.s32 $0xFFFFC000  }
0x9b: {  	[tilespmem:s21], [sflag:$0x2] =	stream.linear.gather [hbm4b:s12+s4], $0x4000, $0x38;
	[tilespmem:$0x1E400] =	vst v63  }
0x9c: {  	_ = 	snop  }
0x9d: {  	[spmem:s2] =	stream.indirect.scatter.add.f32 [tilespmem:s19], [sflag:$0x3], $0x80, s25, s22, $0xb8;
	[tilespmem:$0x1E400] =	vst v63  }
0x9e: {  	_ =	swait.ge [sflag:s16], $0x4000  }
0x9f: {  	[sflag:s16] =	ssyncset.done $0x0  }
0xa0: {  	[sflag:s16] =	ssyncadd.s32 $0xFFFFC000  }
0xa1: {  	[spmem:s3] =	stream.indirect.scatter.add.f32 [tilespmem:s18], [sflag:$0x3], $0x80, s25, s23, $0xb8;
	[tilespmem:$0x1E400] =	vst v63  }
0xa2: {  	_ =	swait.ge [sflag:s16], $0x2000  }
0xa3: {  	[sflag:s16] =	ssyncset.done $0x0  }
0xa4: {  	s10 =	simm.s32 $0x1C340;
	[sflag:s16] =	ssyncadd.s32 $0xFFFFE000  }
0xa5: {  	[spmem:s3] =	stream.indirect.scatter.add.f32 [tilespmem:s18], [sflag:$0x3], $0x80, s10, s23, $0xb8;
	[tilespmem:$0x1E400] =	vst v63  }
0xa6: {  	_ =	swait.ge [sflag:s16], $0x2000  }
0xa7: {  	[sflag:s16] =	ssyncset.done $0x0  }
0xa8: {  	[sflag:s16] =	ssyncadd.s32 $0xFFFFE000  }
0xa9: {  	_ =	swait.ge [sflag:s24], $0x4000  }
0xaa: {  	[sflag:s24] =	ssyncset.done $0x0  }
0xab: {  	[sflag:s24] =	ssyncadd.s32 $0xFFFFC000  }
0xac: {  	[spmem:s2] =	stream.indirect.scatter.add.f32 [tilespmem:s21], [sflag:$0x3], $0x80, s28, s22, $0xb8;
	[tilespmem:$0x1E400] =	vst v63  }
0xad: {  	_ =	swait.ge [sflag:s16], $0x4000  }
0xae: {  	[sflag:s16] =	ssyncset.done $0x0  }
0xaf: {  	[sflag:s16] =	ssyncadd.s32 $0xFFFFC000  }
0xb0: {  	[spmem:s3] =	stream.indirect.scatter.add.f32 [tilespmem:s18], [sflag:$0x3], $0x80, s28, s23, $0xb8;
	[tilespmem:$0x1E400] =	vst v63  }
0xb1: {  	_ =	swait.ge [sflag:s16], $0x2000  }
0xb2: {  	[sflag:s16] =	ssyncset.done $0x0  }
0xb3: {  	s26 =	simm.s32 $0x1C3C0;
	[sflag:s16] =	ssyncadd.s32 $0xFFFFE000  }
0xb4: {  	[spmem:s3] =	stream.indirect.scatter.add.f32 [tilespmem:s18], [sflag:$0x3], $0x80, s26, s23, $0xb8;
	[tilespmem:$0x1E400] =	vst v63  }
0xb5: {  	_ =	swait.ge [sflag:s16], $0x2000  }
0xb6: {  	[sflag:s16] =	ssyncset.done $0x0  }
0xb7: {  	[sflag:s16] =	ssyncadd.s32 $0xFFFFE000  }
0xb8: {  	[bflag:$0x0] =	sbarrier.arrive $0xFFFF  }
0xb9: {  	s29 =	rddreg [dreg:$0x5]  }
0xba: {  	[hbm:s29], [sflag:s7] =	dma.local [spmem:s15], $0x1400  }
0xbb: {  	s30 =	sadd.s32 $0x1, s30;
	_ =	swait.ge [sflag:s16], $0x1400  }
0xbc: {  	p0 =	sne.s32 s30, s11;
	[sflag:s16] =	ssyncset.done $0x0  }
.Ltmp1:
0xbd: {  	s31 =	rddreg [dreg:$0x6];
	[sflag:s16] =	ssyncadd.s32 $0xFFFFEC00;
	(pc) =	sbr.rel @p0 .LBB2_1-.Ltmp1, $4  }
0xbe: {  	[hbm:s31], [sflag:s7] =	dma.local [spmem:s17], $0x1400  }
0xbf: {  	_ =	swait.ge [sflag:s16], $0x1400  }
0xc0: {  	[sflag:s16] =	ssyncset.done $0x0  }
0xc1: {  	[sflag:s16] =	ssyncadd.s32 $0xFFFFEC00  }
0xc2: {  	_ =	sfence.sel $0x180000  }
0xc3: {  	[bflag:$0x0] =	sbarrier.arrive $0xFFFF  }
0xc4: {  	_ =	strace $0x9000004A  }
0xc5: {  	s0 =	stileid.u32;
	[bflag:$0x2] =	sbarrier.arrive $0xFFFF  }
0xc6: {  	p0 =	sne.s32 s0, $0x0;
	s0 =	rddreg [dreg:$0x3]  }
0xc7: {  	s0 =	sadd.s32 @!p0 $0x100000, s0  }
0xc8: {  	[sflag:s0] =	ssyncadd.tile.s32 @!p0 $0x1;
	_ =	shalt  }
.Lfunc_end2:
_tile_overlayer_lowered:
.L_overlay_start_2:
0xc9: {  	(tag) =	ssettag $0x2  }
0xca: {  	s0 =	rddreg [dreg:$0x0];
	s2 =	stileid.u32  }
0xcb: {  	s1 =	rddreg [dreg:$0x1];
	p0 =	sne.s32 s2, $0x0  }
0xcc: {  	s3 =	rddreg [dreg:$0x2];
	[bflag:$0x3] =	sbarrier.arrive $0xFFFF;
	s2 =	simm.s32 @!p0 $0x1C03  }
0xcd: {  	[timem:s3], [sflag:s2] =	dma.local @!p0 [hbm:s0], s1  }
0xce: {  	s0 =	simm.s32 @!p0 $0x3  }
0xcf: {  	_ =	swait.ge @!p0 [sflag:s0], s1  }
0xd0: {  	s1 =	ssub.s32 @!p0 $0x0, s1;
	[sflag:s0] =	ssyncset.done @!p0 $0x0  }
0xd1: {  	[sflag:s0] =	ssyncadd.s32 @!p0 s1  }
0xd2: {  	[bflag:$0x3] =	sbarrier.arrive $0xFFFF  }
0xd3: {  	_ =	shalt  }

// kernel: kernel.22.cloned.1.call-start
scs
__scs_entry_jumppad:
0x0: {  	(pc) =	sbr.rel $0x88, $3  }
0x1: {  	(tag) =	ssettag $0x0;
	lr =	simm.s32 $0x1  }
0x2: {  	[smem:$0x3F93] =	sst lr;
	_ =	strace $0xD0000000  }
0x3: {  	_ = 	snop  }
0x4: {  	_ = 	snop  }
0x5: {  	_ = 	snop  }
0x6: {  	_ = 	snop  }
0x7: {  	_ = 	snop  }
__scs_overlays_trampoline_lowered:
0x8: {  	[smem:$0x3FA2] =	sst s0  }
0x9: {  	[smem:$0x3FA3] =	sst s1  }
0xa: {  	[smem:$0x3FA4] =	sst s2  }
0xb: {  	[smem:$0x3FA5] =	sst s3  }
0xc: {  	[smem:$0x3FA6] =	sst s4  }
0xd: {  	[smem:$0x3FA7] =	sst s5  }
0xe: {  	[smem:$0x3FA8] =	sst s6  }
0xf: {  	[smem:$0x3FA9] =	sst s7  }
0x10: {  	[smem:$0x3FAA] =	sst s8  }
0x11: {  	[smem:$0x3FAB] =	sst s9;
	s0 =	simm.s32 @!p0 $0x0  }
0x12: {  	s1 =	sld [smem:$0x3F91];
	s0 =	simm.s32 @p0 $0x1  }
0x13: {  	[smem:$0x3FAC] =	sst s0;
	s0 =	simm.s32 @!p1 $0x0  }
0x14: {  	s2 =	sld [smem:$0x3F90];
	s0 =	simm.s32 @p1 $0x1  }
0x15: {  	[smem:$0x3FAD] =	sst s0;
	s0 =	simm.s32 @!p2 $0x0  }
0x16: {  	s3 =	sld [smem:$0x3FDB];
	s0 =	simm.s32 @p2 $0x1  }
0x17: {  	s4 =	simm.s32 $0x1BF5;
	[smem:$0x3FAF] =	sst s0  }
0x18: {  	s0 =	sld [smem:$0x3F92];
	_ =	swait.ge [sflag:s4], $0x0  }
0x19: {  	s7 =	sld [smem:$0x3F93]  }
0x1a: {  	s8 =	sadd.s32 $0xFFFFE003, lr  }
0x1b: {  	s9 =	sadd.s32 $0xFFFFFEF7, lr;
	s5 =	simm.s32 $0xFFFFFFFF;
	p2 =	slt.u32 s8, $0xFFFFF086  }
0x1c: {  	p1 =	slt.u32 s9, $0xF7A;
	s5 =	simm.s32 @!p2 $0x0  }
0x1d: {  	s5 =	simm.s32 @p1 $0x1;
	p0 =	seq.s32 s7, s2  }
0x1e: {  	s7 =	smul.u32 @!p0 $0xF7A, s2;
	p2 =	seq.s32 @!p0 s5, $0x0  }
0x1f: {  	s9 =	smul.u32 $0xF7A, s1;
	s8 =	simm.s32 @!p0 $0x1BF5;
	p2 =	por !p2, p0  }
0x20: {  	[sflag:s8] =	ssyncset.s32 @!p0 $0xFFFFF086;
	s6 =	sadd.s32 @!p0 s3, s7;
	s7 =	simm.s32 @!p0 $0x108  }
0x21: {  	s3 =	sadd.s32 s3, s9;
	s6 =	sadd.s32 @!p0 $0x88, s6;
	s7 =	simm.s32 @p2 $0x1082  }
0x22: {  	[simem:s7], [sflag:s8] =	dma.local @!p0 [hbm:s6], $0xF7A  }
0x23: {  	s9 =	sor.u32 $0xD0000000, s2;
	s6 =	simm.s32 $0x108;
	_ =	swait.ge @!p0 [sflag:s8], $0x0  }
0x24: {  	s3 =	sadd.s32 $0x88, s3;
	s6 =	simm.s32 @!p1 $0x1082;
	[sflag:s4] =	ssyncset.s32 $0xFFFFF086  }
0x25: {  	[simem:s6], [sflag:s4] =	dma.local [hbm:s3], $0xF7A  }
0x26: {  	[smem:$0x3F93] =	sst s1;
	(tag) =	ssettag s2;
	_ =	strace s9  }
0x27: {  	s1 =	sld [smem:$0x3FA3]  }
0x28: {  	s2 =	sld [smem:$0x3FA4]  }
0x29: {  	s4 =	sld [smem:$0x3FA6]  }
0x2a: {  	p0 =	seq.s32 s5, $0x0;
	s5 =	sld [smem:$0x3FA7]  }
0x2b: {  	s6 =	sld [smem:$0x3FA8]  }
0x2c: {  	s7 =	sld [smem:$0x3FA9]  }
0x2d: {  	s3 =	simm.s32 $0x108;
	s8 =	sld [smem:$0x3FAA]  }
0x2e: {  	s3 =	simm.s32 @!p0 $0x1082;
	s9 =	sld [smem:$0x3FAB]  }
0x2f: {  	lr =	sadd.s32 s0, s3;
	s0 =	sld [smem:$0x3FA2]  }
0x30: {  	s3 =	sld [smem:$0x3FA5]  }
0x31: {  	[smem:$0x3FAE] =	sst s10  }
0x32: {  	s10 =	sld [smem:$0x3FAC];
	_ =	sdelay $0x3  }
0x33: {  	p0 =	seq.s32 s10, $0x1;
	s10 =	sld [smem:$0x3FAE];
	_ =	sdelay $0x3  }
0x34: {  	[smem:$0x3FAE] =	sst s10  }
0x35: {  	s10 =	sld [smem:$0x3FAD];
	_ =	sdelay $0x3  }
0x36: {  	p1 =	seq.s32 s10, $0x1;
	s10 =	sld [smem:$0x3FAE];
	_ =	sdelay $0x3  }
0x37: {  	[smem:$0x3FAE] =	sst s10  }
0x38: {  	s10 =	sld [smem:$0x3FAF]  }
0x39: {  	_ = 	snop;
	(pc) =	sbr.ind lr, $3  }
0x3a: {  	_ = 	snop  }
0x3b: {  	_ = 	snop  }
0x3c: {  	p2 =	seq.s32 s10, $0x1;
	s10 =	sld [smem:$0x3FAE]  }
0x3d: {  	_ =	shalt  }
0x3e: {  	_ =	shalt  }
0x3f: {  	_ =	shalt  }
0x40: {  	_ =	shalt  }
0x41: {  	_ =	shalt  }
0x42: {  	_ =	shalt  }
0x43: {  	_ =	shalt  }
0x44: {  	_ =	shalt  }
0x45: {  	_ =	shalt  }
0x46: {  	_ =	shalt  }
0x47: {  	_ =	shalt  }
0x48: {  	_ =	shalt  }
0x49: {  	_ =	shalt  }
0x4a: {  	_ =	shalt  }
0x4b: {  	_ =	shalt  }
0x4c: {  	_ =	shalt  }
0x4d: {  	_ =	shalt  }
0x4e: {  	_ =	shalt  }
0x4f: {  	_ =	shalt  }
0x50: {  	_ =	shalt  }
0x51: {  	_ =	shalt  }
0x52: {  	_ =	shalt  }
0x53: {  	_ =	shalt  }
0x54: {  	_ =	shalt  }
0x55: {  	_ =	shalt  }
0x56: {  	_ =	shalt  }
0x57: {  	_ =	shalt  }
0x58: {  	_ =	shalt  }
0x59: {  	_ =	shalt  }
0x5a: {  	_ =	shalt  }
0x5b: {  	_ =	shalt  }
0x5c: {  	_ =	shalt  }
0x5d: {  	_ =	shalt  }
0x5e: {  	_ =	shalt  }
0x5f: {  	_ =	shalt  }
0x60: {  	_ =	shalt  }
0x61: {  	_ =	shalt  }
0x62: {  	_ =	shalt  }
0x63: {  	_ =	shalt  }
0x64: {  	_ =	shalt  }
0x65: {  	_ =	shalt  }
0x66: {  	_ =	shalt  }
0x67: {  	_ =	shalt  }
0x68: {  	_ =	shalt  }
0x69: {  	_ =	shalt  }
0x6a: {  	_ =	shalt  }
0x6b: {  	_ =	shalt  }
0x6c: {  	_ =	shalt  }
0x6d: {  	_ =	shalt  }
0x6e: {  	_ =	shalt  }
0x6f: {  	_ =	shalt  }
0x70: {  	_ =	shalt  }
0x71: {  	_ =	shalt  }
0x72: {  	_ =	shalt  }
0x73: {  	_ =	shalt  }
0x74: {  	_ =	shalt  }
0x75: {  	_ =	shalt  }
0x76: {  	_ =	shalt  }
0x77: {  	_ =	shalt  }
0x78: {  	_ =	shalt  }
0x79: {  	_ =	shalt  }
0x7a: {  	_ =	shalt  }
0x7b: {  	_ =	shalt  }
0x7c: {  	_ =	shalt  }
0x7d: {  	_ =	shalt  }
0x7e: {  	_ =	shalt  }
0x7f: {  	_ =	shalt  }
0x80: {  	_ =	shalt  }
0x81: {  	_ =	shalt  }
0x82: {  	_ =	shalt  }
0x83: {  	_ =	shalt  }
0x84: {  	_ =	shalt  }
0x85: {  	_ =	shalt  }
0x86: {  	_ =	shalt  }
0x87: {  	_ =	shalt  }
.Lfunc_end0:
.L_simem_size_0:
called_computation.3_lowered:
.L_overlay_start_0:
0x88: {  	s2 =	sld [smem:$0x3FD9]  }
0x89: {  	s3 =	sld [smem:$0x3FFE];
	_ =	sdelay $0x1  }
0x8a: {  	s1 =	srdreg.scid  }
0x8b: {  	s0 =	sand.u32 $0x1, s1  }
0x8c: {  	s17 =	sshll.u32 s0, $0xA;
	s2 =	sadd.s32 s3, s2  }
0x8d: {  	s2 =	sadd.s32 s2, s17  }
0x8e: {  	[smem:$0x3FBA] =	sst s2  }
0x8f: {  	_ = 	snop  }
0x90: {  	(tm) =	ssettm $0x1  }
0x91: {  	s18 =	sld [smem:$0x3FFB];
	_ =	sdelay $0x3  }
0x92: {  	_ =	strace s18  }
0x93: {  	s2 =	sld [smem:$0x3FFC];
	_ =	sdelay $0x3  }
0x94: {  	_ =	strace s2  }
0x95: {  	s2 =	sld [smem:$0x3FFD];
	_ =	sdelay $0x3  }
0x96: {  	_ =	strace s2  }
0x97: {  	_ =	strace $0x8FFFFFFF  }
0x98: {  	s19 =	sld [smem:$0x3FDB];
	_ =	sdelay $0x1  }
0x99: {  	s20 =	simm.s32 $_scs_section_size  }
0x9a: {  	s4 =	simm.s32 $_size__tile_overlayer_lowered;
	s5 =	simm.s32 $_tile_overlayer_lowered  }
0x9b: {  	s6 =	simm.s32 $0x1BFF;
	s21 =	sshll.u32 s5, $0x1;
	s3 =	sadd.s32 s20, s19  }
0x9c: {  	s22 =	simm.s32 $0x0;
	s4 =	sshll.u32 s4, $0x1;
	s5 =	sadd.s32 s21, s3  }
0x9d: {  	[timem:s22], [sflag:s6] =	dma.local [hbm:s5], s4  }
0x9e: {  	_ =	swait.ge [sflag:s6], s4  }
0x9f: {  	s4 =	ssub.s32 $0x0, s4;
	[sflag:s6] =	ssyncset.done $0x0  }
0xa0: {  	[sflag:s6] =	ssyncadd.s32 s4;
	_ =	sdelay $0x1  }
0xa1: {  	s23 =	simm.s32 $0x1B8B  }
0xa2: {  	_ =	swait.ge [sflag:s23], $0x1  }
0xa3: {  	[sflag:s23] =	ssyncset.done $0x0  }
0xa4: {  	[sflag:s23] =	ssyncadd.s32 $0xFFFFFFFF  }
0xa5: {  	s4 =	sld [smem:$0x0]  }
0xa6: {  	s5 =	sand.u32 $0xFFFFFFFE, s1  }
0xa7: {  	p0 =	sne.s32 s1, s5  }
0xa8: {  	s5 =	sshll.u32 @p0 s5, $0xE  }
0xa9: {  	s5 =	sadd.s32 @p0 $0x11B8D, s5;
	s6 =	sshll.u32 @p0 s4, $0x11  }
0xaa: {  	s5 =	sor.u32 @p0 s6, s5  }
0xab: {  	[sflag:s5] =	ssyncadd.remote.s32 @p0 $0x1;
	_ =	sdelay $0x1  }
0xac: {  	s5 =	simm.s32 @p0 $0x1B8D  }
0xad: {  	_ =	swait.eq @p0 [sflag:s5], $0x1  }
0xae: {  	[sflag:s5] =	ssyncadd.s32 @p0 $0xFFFFFFFF  }
0xaf: {  	s6 =	sshll.u32 @!p0 s1, $0xE  }
0xb0: {  	s6 =	sor.u32 @!p0 $0x4000, s6;
	s5 =	simm.s32 @!p0 $0x1B8D  }
0xb1: {  	s4 =	sshll.u32 @!p0 s4, $0x11;
	s6 =	sadd.s32 @!p0 $0x11B8D, s6;
	_ =	swait.eq @!p0 [sflag:s5], $0x1  }
0xb2: {  	s4 =	sor.u32 @!p0 s4, s6;
	[sflag:s5] =	ssyncadd.s32 @!p0 $0xFFFFFFFF  }
0xb3: {  	s25 =	simm.s32 $0x1B8E;
	s24 =	sld [smem:$0x3FFE];
	[sflag:s4] =	ssyncadd.remote.s32 @!p0 $0x1  }
0xb4: {  	s26 =	simm.s32 $execute0_lowered;
	[smem:$0x3FD2] =	sst s25  }
0xb5: {  	s5 =	sshll.u32 s26, $0x1;
	_ =	strace $0x8000004C;
	[dreg:$0x1] =	wrdreg $0xFFFFFFFF  }
0xb6: {  	s28 =	simm.s32 $_size_execute0_lowered;
	s3 =	sadd.s32 s3, s5;
	[dreg:$0x0] =	wrdreg $0x0  }
0xb7: {  	s5 =	sshll.u32 s28, $0x1;
	[dreg:$0x2] =	wrdreg s3  }
0xb8: {  	[dreg:$0x3] =	wrdreg s5  }
0xb9: {  	[dreg:$0x4] =	wrdreg $0xC0  }
0xba: {  	_ =	task [dreg:s22], $0x5FFFF  }
0xbb: {  	[dreg:$0x1] =	wrdreg $0xFFFFFFFF  }
0xbc: {  	[dreg:$0x0] =	wrdreg $0x60  }
0xbd: {  	[dreg:$0x2] =	wrdreg s24  }
0xbe: {  	[dreg:$0x3] =	wrdreg $0x0  }
0xbf: {  	[dreg:$0x4] =	wrdreg $0xA0000  }
0xc0: {  	[dreg:$0x5] =	wrdreg $0xC  }
0xc1: {  	_ =	task.clear_ibuf [dreg:s22], $0x6FFFF;
	_ =	strace $0x9000004C  }
0xc2: {  	s29 =	simm.s32 $0xC;
	_ =	strace $0x8000004E  }
0xc3: {  	_ =	swait.ge [sflag:s29], $0x1  }
0xc4: {  	[sflag:s29] =	ssyncadd.s32 $0xFFFFFFFF  }
0xc5: {  	_ =	strace $0x9000004E  }
0xc6: {  	_ =	sfence  }
0xc7: {  	s30 =	sld [smem:$0x0];
	_ =	sdelay $0x2  }
0xc8: {  	s31 =	sshll.u32 s1, $0xD;
	s1 =	sshrl.u32 s1, $0x2  }
0xc9: {  	s4 =	sand.u32 $0x4000, s31;
	s1 =	sadd.s32 s1, s30  }
0xca: {  	s0 =	sor.u32 s4, s0;
	s1 =	sshll.u32 s1, $0x11  }
0xcb: {  	s0 =	sor.u32 s1, s0  }
0xcc: {  	s0 =	sadd.s32 $0x8F2B, s0  }
0xcd: {  	[sflag:s0] =	ssyncadd.remote.s32 $0x1  }
0xce: {  	_ =	sfence.sel $0xFFFF  }
0xcf: {  	[dreg:$0x0] =	wrdreg $0xFFFFFFFF;
	(pc) =	sbr.abs _section_cstart, $3  }
0xd0: {  	[dreg:$0x1] =	wrdreg $0xFFFFFFFF  }
0xd1: {  	_ =	task.clear_ibuf [dreg:s22], $0x2FFFF;
	_ =	strace $0x9FFFFFFF  }
0xd2: {  	(tm) =	ssettm $0x7FFFFFFF  }
0xd3: {  	_ =	shalt  }
tec
execute0_lowered:
.L_overlay_start_1:
0x0: {  	(tag) =	ssettag $0x1  }
0x1: {  	s0 =	rddreg [dreg:$0x0]  }
0x2: {  	s2 =	rddreg [dreg:$0x1];
	s1 =	srdreg.scid  }
0x3: {  	s3 =	rddreg [dreg:$0x2];
	s13 =	stileid.u32;
	s4 =	simm.s32 $0x0  }
0x4: {  	s16 =	simm.s32 $0x3;
	s18 =	simm.s32 $0x1C400;
	s19 =	simm.s32 $0x14000  }
0x5: {  	s20 =	simm.s32 $0x1;
	s21 =	simm.s32 $0x18000;
	s22 =	simm.s32 $0x80  }
0x6: {  	s28 =	simm.s32 $0x1C380;
	s30 =	simm.s32 $0x0;
	s1 =	sand.u32 $0x1, s1  }
0x7: {  	s6 =	sshll.u32 s13, $0xB;
	s9 =	smul.u32 $0xA000, s13;
	[smem:$0x7FF] =	sst s4  }
0x8: {  	s10 =	sadd.s32 $0x2ADC00, s0;
	s24 =	sadd.s32 $0x10D800, s0;
	s25 =	sshll.u32 s13, $0x6  }
0x9: {  	s29 =	sshll.u32 s13, $0xF;
	s5 =	sshll.u32 s1, $0xF;
	s23 =	smul.u32 $0xA0000, s1  }
0xa: {  	_ =	strace $0x8000004D;
	s11 =	ssub.s32 $0x2, s1;
	[dreg:$0x4] =	wrdreg s24  }
0xb: {  	s1 =	sshll.u32 s1, $0x13;
	s24 =	simm.s32 $0x2;
	s8 =	sor.u32 s6, s5  }
0xc: {  	s12 =	sshrl.u32 s11, $0x1;
	s15 =	sadd.s32 s9, s2;
	s17 =	sadd.s32 s9, s3  }
0xd: {  	s1 =	sadd.s32 s1, s10;
	s5 =	sshrl.u32 s8, $0x3;
	s7 =	sadd.s32 s9, s23  }
0xe: {  	s11 =	ssub.s32 s11, s12;
	s8 =	sshll.u32 s8, $0x4;
	s31 =	sadd.s32 s29, s1  }
0xf: {  	s15 =	sshrl.u32 s15, $0x3;
	s17 =	sshrl.u32 s17, $0x3;
	s23 =	simm.s32 $0x40  }
0x10: {  	s14 =	sadd.s32 s5, s0;
	s5 =	sadd.s32 $0x10C400, s0;
	s7 =	sshrl.u32 s7, $0x3  }
0x11: {  	s8 =	sadd.s32 s10, s8;
	s11 =	smax.u32 s11, $0x1;
	s0 =	sadd.s32 s7, s0  }
0x12: {  	s13 =	sadd.s32 $0x1000, s31;
	s7 =	sor.u32 $0x1C03, s25;
	s26 =	sadd.s32 $0x3ADC00, s0  }
0x13: {  	s12 =	sadd.s32 $0x7800, s8;
	s0 =	sadd.s32 $0x3D5C00, s0;
	[dreg:$0x5] =	wrdreg s26  }
0x14: {  	s14 =	sadd.s32 $0x8400, s14;
	s25 =	simm.s32 $0x1C300;
	[dreg:$0x6] =	wrdreg s0  }
.LBB2_1:
0x15: {  	[spmem:s15], [sflag:s7] =	dma.local [hbm:s5], $0x1400  }
0x16: {  	_ =	swait.ge [sflag:s16], $0x1400  }
0x17: {  	[sflag:s16] =	ssyncset.done $0x0  }
0x18: {  	[sflag:s16] =	ssyncadd.s32 $0xFFFFEC00  }
0x19: {  	[spmem:s17], [sflag:s7] =	dma.local [hbm:s5], $0x1400  }
0x1a: {  	_ =	swait.ge [sflag:s16], $0x1400  }
0x1b: {  	[sflag:s16] =	ssyncset.done $0x0  }
0x1c: {  	s0 =	rddreg [dreg:$0x4];
	[sflag:s16] =	ssyncadd.s32 $0xFFFFEC00  }
0x1d: {  	[tilespmem:s18], [sflag:$0x3] =	stream.linear.gather [hbm4b:s0+s4], $0x2000, $0x38;
	[tilespmem:$0x1E400] =	vst v63  }
0x1e: {  	_ =	swait.ge [sflag:s16], $0x2000  }
0x1f: {  	[sflag:s16] =	ssyncset.done $0x0  }
0x20: {  	s10 =	sand.u32 $0x3, s4;
	[sflag:s16] =	ssyncadd.s32 $0xFFFFE000  }
0x21: {  	p0 =	sne.s32 s10, $0x0;
	[bflag:$0x0] =	sbarrier.arrive $0xFFFF  }
0x22: {  	[tilespmem:s19], [sflag:$0x1] =	stream.linear.gather [hbm4b:s8+s4], $0x4000, $0x38;
	[tilespmem:$0x1E400] =	vst v63  }
0x23: {  	s1 =	simm.s32 @!p0 $0x0;
	s26 =	simm.s32 @!p0 $0x1C000;
	s29 =	simm.s32 @!p0 $0x3  }
0x24: {  	[tilespmem:s26], [sflag:$0x3] =	stream.linear.gather @!p0 [hbm4b:s14+s1], $0x400, $0x38;
	[tilespmem:$0x1E400] =	vst v63  }
0x25: {  	_ =	swait.ge @!p0 [sflag:s29], $0x400  }
0x26: {  	[sflag:s29] =	ssyncset.done @!p0 $0x0  }
0x27: {  	[sflag:s29] =	ssyncadd.s32 @!p0 $0xFFFFFC00  }
0x28: {  	_ =	swait.ge [sflag:s20], $0x4000  }
0x29: {  	[sflag:s20] =	ssyncset.done $0x0  }
0x2a: {  	s0 =	sshll.u32 s10, $0x8;
	s26 =	sadd.s32 $0xFFFFF800, s13;
	[sflag:s20] =	ssyncadd.s32 $0xFFFFC000  }
0x2b: {  	[tilespmem:s21], [sflag:$0x2] =	stream.linear.gather [hbm4b:s26+s4], $0x4000, $0x38;
	[tilespmem:$0x1E400] =	vst v63  }
0x2c: {  	s29 =	sor.u32 $0x1C000, s0  }
0x2d: {  	[spmem:s2] =	stream.indirect.scatter.add.f32 [tilespmem:s19], [sflag:$0x3], $0x80, s29, s22, $0xb8;
	[tilespmem:$0x1E400] =	vst v63  }
0x2e: {  	_ =	swait.ge [sflag:s16], $0x4000  }
0x2f: {  	[sflag:s16] =	ssyncset.done $0x0  }
0x30: {  	[sflag:s16] =	ssyncadd.s32 $0xFFFFC000  }
0x31: {  	[spmem:s3] =	stream.indirect.scatter.add.f32 [tilespmem:s18], [sflag:$0x3], $0x80, s29, s23, $0xb8;
	[tilespmem:$0x1E400] =	vst v63  }
0x32: {  	_ =	swait.ge [sflag:s16], $0x2000  }
0x33: {  	[sflag:s16] =	ssyncset.done $0x0  }
0x34: {  	s6 =	sor.u32 $0x1C040, s0;
	[sflag:s16] =	ssyncadd.s32 $0xFFFFE000  }
0x35: {  	[spmem:s3] =	stream.indirect.scatter.add.f32 [tilespmem:s18], [sflag:$0x3], $0x80, s6, s23, $0xb8;
	[tilespmem:$0x1E400] =	vst v63  }
0x36: {  	_ =	swait.ge [sflag:s16], $0x2000  }
0x37: {  	[sflag:s16] =	ssyncset.done $0x0  }
0x38: {  	[sflag:s16] =	ssyncadd.s32 $0xFFFFE000  }
0x39: {  	_ =	swait.ge [sflag:s24], $0x4000  }
0x3a: {  	[sflag:s24] =	ssyncset.done $0x0  }
0x3b: {  	[sflag:s24] =	ssyncadd.s32 $0xFFFFC000  }
0x3c: {  	[tilespmem:s19], [sflag:$0x1] =	stream.linear.gather [hbm4b:s13+s4], $0x4000, $0x38;
	[tilespmem:$0x1E400] =	vst v63  }
0x3d: {  	s9 =	sor.u32 $0x1C080, s0  }
0x3e: {  	[spmem:s2] =	stream.indirect.scatter.add.f32 [tilespmem:s21], [sflag:$0x3], $0x80, s9, s22, $0xb8;
	[tilespmem:$0x1E400] =	vst v63  }
0x3f: {  	_ =	swait.ge [sflag:s16], $0x4000  }
0x40: {  	[sflag:s16] =	ssyncset.done $0x0  }
0x41: {  	[sflag:s16] =	ssyncadd.s32 $0xFFFFC000  }
0x42: {  	[spmem:s3] =	stream.indirect.scatter.add.f32 [tilespmem:s18], [sflag:$0x3], $0x80, s9, s23, $0xb8;
	[tilespmem:$0x1E400] =	vst v63  }
0x43: {  	s10 =	simm.s32 $0x1;
	s1 =	sadd.s32 $0x20, s14;
	_ =	swait.ge [sflag:s16], $0x2000  }
0x44: {  	s0 =	sor.u32 $0x1C0C0, s0;
	s29 =	sand.u32 $0x3, s10;
	[sflag:s16] =	ssyncset.done $0x0  }
0x45: {  	s26 =	simm.s32 $0x2;
	p1 =	sne.s32 s29, $0x0;
	[sflag:s16] =	ssyncadd.s32 $0xFFFFE000  }
0x46: {  	[spmem:s3] =	stream.indirect.scatter.add.f32 [tilespmem:s18], [sflag:$0x3], $0x80, s0, s23, $0xb8;
	[tilespmem:$0x1E400] =	vst v63  }
0x47: {  	s31 =	sshll.u32 s29, $0x8;
	s0 =	sadd.s32 $0x1000, s13;
	_ =	swait.ge [sflag:s16], $0x2000  }
.LBB2_2:
0x48: {  	s6 =	simm.s32 @!p1 $0x0  }
0x49: {  	s9 =	simm.s32 @!p1 $0x1C000;
	[sflag:s16] =	ssyncset.done $0x0;
	s29 =	smov.u32 s26  }
0x4a: {  	s26 =	sadd.s32 $0x1, s26;
	s10 =	simm.s32 @!p1 $0x3;
	[sflag:s16] =	ssyncadd.s32 $0xFFFFE000  }
0x4b: {  	[tilespmem:s9], [sflag:$0x3] =	stream.linear.gather @!p1 [hbm4b:s1+s6], $0x400, $0x38;
	[tilespmem:$0x1E400] =	vst v63  }
0x4c: {  	p0 =	sne.s32 s26, $0x7;
	_ =	swait.ge @!p1 [sflag:s10], $0x400  }
0x4d: {  	[sflag:s10] =	ssyncset.done @!p1 $0x0  }
0x4e: {  	[sflag:s10] =	ssyncadd.s32 @!p1 $0xFFFFFC00  }
0x4f: {  	_ =	swait.ge [sflag:s20], $0x4000  }
0x50: {  	[sflag:s20] =	ssyncset.done $0x0  }
0x51: {  	s6 =	sadd.s32 $0xFFFFF800, s0;
	[sflag:s20] =	ssyncadd.s32 $0xFFFFC000  }
0x52: {  	[tilespmem:s21], [sflag:$0x2] =	stream.linear.gather [hbm4b:s6+s4], $0x4000, $0x38;
	[tilespmem:$0x1E400] =	vst v63  }
0x53: {  	s6 =	sor.u32 $0x1C000, s31  }
0x54: {  	[spmem:s2] =	stream.indirect.scatter.add.f32 [tilespmem:s19], [sflag:$0x3], $0x80, s6, s22, $0xb8;
	[tilespmem:$0x1E400] =	vst v63  }
0x55: {  	_ =	swait.ge [sflag:s16], $0x4000  }
0x56: {  	[sflag:s16] =	ssyncset.done $0x0  }
0x57: {  	[sflag:s16] =	ssyncadd.s32 $0xFFFFC000  }
0x58: {  	[spmem:s3] =	stream.indirect.scatter.add.f32 [tilespmem:s18], [sflag:$0x3], $0x80, s6, s23, $0xb8;
	[tilespmem:$0x1E400] =	vst v63  }
0x59: {  	_ =	swait.ge [sflag:s16], $0x2000  }
0x5a: {  	[sflag:s16] =	ssyncset.done $0x0  }
0x5b: {  	s6 =	sor.u32 $0x1C040, s31;
	[sflag:s16] =	ssyncadd.s32 $0xFFFFE000  }
0x5c: {  	[spmem:s3] =	stream.indirect.scatter.add.f32 [tilespmem:s18], [sflag:$0x3], $0x80, s6, s23, $0xb8;
	[tilespmem:$0x1E400] =	vst v63  }
0x5d: {  	_ =	swait.ge [sflag:s16], $0x2000  }
0x5e: {  	[sflag:s16] =	ssyncset.done $0x0  }
0x5f: {  	[sflag:s16] =	ssyncadd.s32 $0xFFFFE000  }
0x60: {  	_ =	swait.ge [sflag:s24], $0x4000  }
0x61: {  	[sflag:s24] =	ssyncset.done $0x0  }
0x62: {  	[sflag:s24] =	ssyncadd.s32 $0xFFFFC000  }
0x63: {  	[tilespmem:s19], [sflag:$0x1] =	stream.linear.gather [hbm4b:s0+s4], $0x4000, $0x38;
	[tilespmem:$0x1E400] =	vst v63  }
0x64: {  	s6 =	sor.u32 $0x1C080, s31  }
0x65: {  	[spmem:s2] =	stream.indirect.scatter.add.f32 [tilespmem:s21], [sflag:$0x3], $0x80, s6, s22, $0xb8;
	[tilespmem:$0x1E400] =	vst v63  }
0x66: {  	_ =	swait.ge [sflag:s16], $0x4000  }
0x67: {  	[sflag:s16] =	ssyncset.done $0x0  }
0x68: {  	[sflag:s16] =	ssyncadd.s32 $0xFFFFC000  }
0x69: {  	[spmem:s3] =	stream.indirect.scatter.add.f32 [tilespmem:s18], [sflag:$0x3], $0x80, s6, s23, $0xb8;
	[tilespmem:$0x1E400] =	vst v63  }
.Ltmp0:
0x6a: {  	_ =	swait.ge [sflag:s16], $0x2000;
	(pc) =	sbr.rel @p0 .LBB2_2-.Ltmp0, $4  }
0x6b: {  	s1 =	sadd.s32 $0x20, s1;
	s0 =	sadd.s32 $0x1000, s0;
	[sflag:s16] =	ssyncset.done $0x0  }
0x6c: {  	s9 =	sor.u32 $0x1C0C0, s31;
	s6 =	sand.u32 $0x3, s29;
	[sflag:s16] =	ssyncadd.s32 $0xFFFFE000  }
0x6d: {  	[spmem:s3] =	stream.indirect.scatter.add.f32 [tilespmem:s18], [sflag:$0x3], $0x80, s9, s23, $0xb8;
	[tilespmem:$0x1E400] =	vst v63  }
0x6e: {  	p1 =	sne.s32 s6, $0x0;
	s31 =	sshll.u32 s6, $0x8;
	_ =	swait.ge [sflag:s16], $0x2000  }
0x6f: {  	[sflag:s16] =	ssyncset.done $0x0  }
0x70: {  	s6 =	simm.s32 @!p1 $0x0;
	s9 =	simm.s32 @!p1 $0x1C000;
	[sflag:s16] =	ssyncadd.s32 $0xFFFFE000  }
0x71: {  	[tilespmem:s9], [sflag:$0x3] =	stream.linear.gather @!p1 [hbm4b:s1+s6], $0x400, $0x38;
	[tilespmem:$0x1E400] =	vst v63  }
0x72: {  	s1 =	simm.s32 @!p1 $0x3  }
0x73: {  	_ =	swait.ge @!p1 [sflag:s1], $0x400  }
0x74: {  	[sflag:s1] =	ssyncset.done @!p1 $0x0  }
0x75: {  	[sflag:s1] =	ssyncadd.s32 @!p1 $0xFFFFFC00  }
0x76: {  	_ =	swait.ge [sflag:s20], $0x4000  }
0x77: {  	[sflag:s20] =	ssyncset.done $0x0  }
0x78: {  	s10 =	sadd.s32 $0xFFFFF800, s0;
	[sflag:s20] =	ssyncadd.s32 $0xFFFFC000  }
0x79: {  	[tilespmem:s21], [sflag:$0x2] =	stream.linear.gather [hbm4b:s10+s4], $0x4000, $0x38;
	[tilespmem:$0x1E400] =	vst v63  }
0x7a: {  	s26 =	sor.u32 $0x1C000, s31  }
0x7b: {  	[spmem:s2] =	stream.indirect.scatter.add.f32 [tilespmem:s19], [sflag:$0x3], $0x80, s26, s22, $0xb8;
	[tilespmem:$0x1E400] =	vst v63  }
0x7c: {  	_ =	swait.ge [sflag:s16], $0x4000  }
0x7d: {  	[sflag:s16] =	ssyncset.done $0x0  }
0x7e: {  	[sflag:s16] =	ssyncadd.s32 $0xFFFFC000  }
0x7f: {  	[spmem:s3] =	stream.indirect.scatter.add.f32 [tilespmem:s18], [sflag:$0x3], $0x80, s26, s23, $0xb8;
	[tilespmem:$0x1E400] =	vst v63  }
0x80: {  	_ =	swait.ge [sflag:s16], $0x2000  }
0x81: {  	[sflag:s16] =	ssyncset.done $0x0  }
0x82: {  	s29 =	sor.u32 $0x1C040, s31;
	[sflag:s16] =	ssyncadd.s32 $0xFFFFE000  }
0x83: {  	[spmem:s3] =	stream.indirect.scatter.add.f32 [tilespmem:s18], [sflag:$0x3], $0x80, s29, s23, $0xb8;
	[tilespmem:$0x1E400] =	vst v63  }
0x84: {  	_ =	swait.ge [sflag:s16], $0x2000  }
0x85: {  	[sflag:s16] =	ssyncset.done $0x0  }
0x86: {  	[sflag:s16] =	ssyncadd.s32 $0xFFFFE000  }
0x87: {  	_ =	swait.ge [sflag:s24], $0x4000  }
0x88: {  	[sflag:s24] =	ssyncset.done $0x0  }
0x89: {  	[sflag:s24] =	ssyncadd.s32 $0xFFFFC000  }
0x8a: {  	[tilespmem:s19], [sflag:$0x1] =	stream.linear.gather [hbm4b:s0+s4], $0x4000, $0x38;
	[tilespmem:$0x1E400] =	vst v63  }
0x8b: {  	s6 =	sor.u32 $0x1C080, s31  }
0x8c: {  	[spmem:s2] =	stream.indirect.scatter.add.f32 [tilespmem:s21], [sflag:$0x3], $0x80, s6, s22, $0xb8;
	[tilespmem:$0x1E400] =	vst v63  }
0x8d: {  	_ =	swait.ge [sflag:s16], $0x4000  }
0x8e: {  	[sflag:s16] =	ssyncset.done $0x0  }
0x8f: {  	[sflag:s16] =	ssyncadd.s32 $0xFFFFC000  }
0x90: {  	[spmem:s3] =	stream.indirect.scatter.add.f32 [tilespmem:s18], [sflag:$0x3], $0x80, s6, s23, $0xb8;
	[tilespmem:$0x1E400] =	vst v63  }
0x91: {  	_ =	swait.ge [sflag:s16], $0x2000  }
0x92: {  	[sflag:s16] =	ssyncset.done $0x0  }
0x93: {  	s9 =	sor.u32 $0x1C0C0, s31;
	[sflag:s16] =	ssyncadd.s32 $0xFFFFE000  }
0x94: {  	[spmem:s3] =	stream.indirect.scatter.add.f32 [tilespmem:s18], [sflag:$0x3], $0x80, s9, s23, $0xb8;
	[tilespmem:$0x1E400] =	vst v63  }
0x95: {  	_ =	swait.ge [sflag:s16], $0x2000  }
0x96: {  	[sflag:s16] =	ssyncset.done $0x0  }
0x97: {  	[sflag:s16] =	ssyncadd.s32 $0xFFFFE000  }
0x98: {  	_ =	swait.ge [sflag:s20], $0x4000  }
0x99: {  	[sflag:s20] =	ssyncset.done $0x0  }
0x9a: {  	[sflag:s20] =	ssyncadd.s32 $0xFFFFC000  }
0x9b: {  	[tilespmem:s21], [sflag:$0x2] =	stream.linear.gather [hbm4b:s12+s4], $0x4000, $0x38;
	[tilespmem:$0x1E400] =	vst v63  }
0x9c: {  	_ = 	snop  }
0x9d: {  	[spmem:s2] =	stream.indirect.scatter.add.f32 [tilespmem:s19], [sflag:$0x3], $0x80, s25, s22, $0xb8;
	[tilespmem:$0x1E400] =	vst v63  }
0x9e: {  	_ =	swait.ge [sflag:s16], $0x4000  }
0x9f: {  	[sflag:s16] =	ssyncset.done $0x0  }
0xa0: {  	[sflag:s16] =	ssyncadd.s32 $0xFFFFC000  }
0xa1: {  	[spmem:s3] =	stream.indirect.scatter.add.f32 [tilespmem:s18], [sflag:$0x3], $0x80, s25, s23, $0xb8;
	[tilespmem:$0x1E400] =	vst v63  }
0xa2: {  	_ =	swait.ge [sflag:s16], $0x2000  }
0xa3: {  	[sflag:s16] =	ssyncset.done $0x0  }
0xa4: {  	s10 =	simm.s32 $0x1C340;
	[sflag:s16] =	ssyncadd.s32 $0xFFFFE000  }
0xa5: {  	[spmem:s3] =	stream.indirect.scatter.add.f32 [tilespmem:s18], [sflag:$0x3], $0x80, s10, s23, $0xb8;
	[tilespmem:$0x1E400] =	vst v63  }
0xa6: {  	_ =	swait.ge [sflag:s16], $0x2000  }
0xa7: {  	[sflag:s16] =	ssyncset.done $0x0  }
0xa8: {  	[sflag:s16] =	ssyncadd.s32 $0xFFFFE000  }
0xa9: {  	_ =	swait.ge [sflag:s24], $0x4000  }
0xaa: {  	[sflag:s24] =	ssyncset.done $0x0  }
0xab: {  	[sflag:s24] =	ssyncadd.s32 $0xFFFFC000  }
0xac: {  	[spmem:s2] =	stream.indirect.scatter.add.f32 [tilespmem:s21], [sflag:$0x3], $0x80, s28, s22, $0xb8;
	[tilespmem:$0x1E400] =	vst v63  }
0xad: {  	_ =	swait.ge [sflag:s16], $0x4000  }
0xae: {  	[sflag:s16] =	ssyncset.done $0x0  }
0xaf: {  	[sflag:s16] =	ssyncadd.s32 $0xFFFFC000  }
0xb0: {  	[spmem:s3] =	stream.indirect.scatter.add.f32 [tilespmem:s18], [sflag:$0x3], $0x80, s28, s23, $0xb8;
	[tilespmem:$0x1E400] =	vst v63  }
0xb1: {  	_ =	swait.ge [sflag:s16], $0x2000  }
0xb2: {  	[sflag:s16] =	ssyncset.done $0x0  }
0xb3: {  	s26 =	simm.s32 $0x1C3C0;
	[sflag:s16] =	ssyncadd.s32 $0xFFFFE000  }
0xb4: {  	[spmem:s3] =	stream.indirect.scatter.add.f32 [tilespmem:s18], [sflag:$0x3], $0x80, s26, s23, $0xb8;
	[tilespmem:$0x1E400] =	vst v63  }
0xb5: {  	_ =	swait.ge [sflag:s16], $0x2000  }
0xb6: {  	[sflag:s16] =	ssyncset.done $0x0  }
0xb7: {  	[sflag:s16] =	ssyncadd.s32 $0xFFFFE000  }
0xb8: {  	[bflag:$0x0] =	sbarrier.arrive $0xFFFF  }
0xb9: {  	s29 =	rddreg [dreg:$0x5]  }
0xba: {  	[hbm:s29], [sflag:s7] =	dma.local [spmem:s15], $0x1400  }
0xbb: {  	s30 =	sadd.s32 $0x1, s30;
	_ =	swait.ge [sflag:s16], $0x1400  }
0xbc: {  	p0 =	sne.s32 s30, s11;
	[sflag:s16] =	ssyncset.done $0x0  }
.Ltmp1:
0xbd: {  	s31 =	rddreg [dreg:$0x6];
	[sflag:s16] =	ssyncadd.s32 $0xFFFFEC00;
	(pc) =	sbr.rel @p0 .LBB2_1-.Ltmp1, $4  }
0xbe: {  	[hbm:s31], [sflag:s7] =	dma.local [spmem:s17], $0x1400  }
0xbf: {  	_ =	swait.ge [sflag:s16], $0x1400  }
0xc0: {  	[sflag:s16] =	ssyncset.done $0x0  }
0xc1: {  	[sflag:s16] =	ssyncadd.s32 $0xFFFFEC00  }
0xc2: {  	_ =	sfence.sel $0x180000  }
0xc3: {  	[bflag:$0x0] =	sbarrier.arrive $0xFFFF  }
0xc4: {  	_ =	strace $0x9000004D  }
0xc5: {  	s0 =	stileid.u32;
	[bflag:$0x2] =	sbarrier.arrive $0xFFFF  }
0xc6: {  	p0 =	sne.s32 s0, $0x0;
	s0 =	rddreg [dreg:$0x3]  }
0xc7: {  	s0 =	sadd.s32 @!p0 $0x100000, s0  }
0xc8: {  	[sflag:s0] =	ssyncadd.tile.s32 @!p0 $0x1;
	_ =	shalt  }
.Lfunc_end2:
_tile_overlayer_lowered:
.L_overlay_start_2:
0xc9: {  	(tag) =	ssettag $0x2  }
0xca: {  	s0 =	rddreg [dreg:$0x0];
	s2 =	stileid.u32  }
0xcb: {  	s1 =	rddreg [dreg:$0x1];
	p0 =	sne.s32 s2, $0x0  }
0xcc: {  	s3 =	rddreg [dreg:$0x2];
	[bflag:$0x3] =	sbarrier.arrive $0xFFFF;
	s2 =	simm.s32 @!p0 $0x1C03  }
0xcd: {  	[timem:s3], [sflag:s2] =	dma.local @!p0 [hbm:s0], s1  }
0xce: {  	s0 =	simm.s32 @!p0 $0x3  }
0xcf: {  	_ =	swait.ge @!p0 [sflag:s0], s1  }
0xd0: {  	s1 =	ssub.s32 @!p0 $0x0, s1;
	[sflag:s0] =	ssyncset.done @!p0 $0x0  }
0xd1: {  	[sflag:s0] =	ssyncadd.s32 @!p0 s1  }
0xd2: {  	[bflag:$0x3] =	sbarrier.arrive $0xFFFF  }
0xd3: {  	_ =	shalt  }

// kernel: kernel.25.cloned.1.call-start
scs
__scs_entry_jumppad:
0x0: {  	(pc) =	sbr.rel $0x88, $3  }
0x1: {  	(tag) =	ssettag $0x0;
	lr =	simm.s32 $0x1  }
0x2: {  	[smem:$0x3F93] =	sst lr;
	_ =	strace $0xD0000000  }
0x3: {  	_ = 	snop  }
0x4: {  	_ = 	snop  }
0x5: {  	_ = 	snop  }
0x6: {  	_ = 	snop  }
0x7: {  	_ = 	snop  }
__scs_overlays_trampoline_lowered:
0x8: {  	[smem:$0x3FA2] =	sst s0  }
0x9: {  	[smem:$0x3FA3] =	sst s1  }
0xa: {  	[smem:$0x3FA4] =	sst s2  }
0xb: {  	[smem:$0x3FA5] =	sst s3  }
0xc: {  	[smem:$0x3FA6] =	sst s4  }
0xd: {  	[smem:$0x3FA7] =	sst s5  }
0xe: {  	[smem:$0x3FA8] =	sst s6  }
0xf: {  	[smem:$0x3FA9] =	sst s7  }
0x10: {  	[smem:$0x3FAA] =	sst s8  }
0x11: {  	[smem:$0x3FAB] =	sst s9;
	s0 =	simm.s32 @!p0 $0x0  }
0x12: {  	s1 =	sld [smem:$0x3F91];
	s0 =	simm.s32 @p0 $0x1  }
0x13: {  	[smem:$0x3FAC] =	sst s0;
	s0 =	simm.s32 @!p1 $0x0  }
0x14: {  	s2 =	sld [smem:$0x3F90];
	s0 =	simm.s32 @p1 $0x1  }
0x15: {  	[smem:$0x3FAD] =	sst s0;
	s0 =	simm.s32 @!p2 $0x0  }
0x16: {  	s3 =	sld [smem:$0x3FDB];
	s0 =	simm.s32 @p2 $0x1  }
0x17: {  	s4 =	simm.s32 $0x1BF5;
	[smem:$0x3FAF] =	sst s0  }
0x18: {  	s0 =	sld [smem:$0x3F92];
	_ =	swait.ge [sflag:s4], $0x0  }
0x19: {  	s7 =	sld [smem:$0x3F93]  }
0x1a: {  	s8 =	sadd.s32 $0xFFFFE003, lr  }
0x1b: {  	s9 =	sadd.s32 $0xFFFFFEF7, lr;
	s5 =	simm.s32 $0xFFFFFFFF;
	p2 =	slt.u32 s8, $0xFFFFF086  }
0x1c: {  	p1 =	slt.u32 s9, $0xF7A;
	s5 =	simm.s32 @!p2 $0x0  }
0x1d: {  	s5 =	simm.s32 @p1 $0x1;
	p0 =	seq.s32 s7, s2  }
0x1e: {  	s7 =	smul.u32 @!p0 $0xF7A, s2;
	p2 =	seq.s32 @!p0 s5, $0x0  }
0x1f: {  	s9 =	smul.u32 $0xF7A, s1;
	s8 =	simm.s32 @!p0 $0x1BF5;
	p2 =	por !p2, p0  }
0x20: {  	[sflag:s8] =	ssyncset.s32 @!p0 $0xFFFFF086;
	s6 =	sadd.s32 @!p0 s3, s7;
	s7 =	simm.s32 @!p0 $0x108  }
0x21: {  	s3 =	sadd.s32 s3, s9;
	s6 =	sadd.s32 @!p0 $0x88, s6;
	s7 =	simm.s32 @p2 $0x1082  }
0x22: {  	[simem:s7], [sflag:s8] =	dma.local @!p0 [hbm:s6], $0xF7A  }
0x23: {  	s9 =	sor.u32 $0xD0000000, s2;
	s6 =	simm.s32 $0x108;
	_ =	swait.ge @!p0 [sflag:s8], $0x0  }
0x24: {  	s3 =	sadd.s32 $0x88, s3;
	s6 =	simm.s32 @!p1 $0x1082;
	[sflag:s4] =	ssyncset.s32 $0xFFFFF086  }
0x25: {  	[simem:s6], [sflag:s4] =	dma.local [hbm:s3], $0xF7A  }
0x26: {  	[smem:$0x3F93] =	sst s1;
	(tag) =	ssettag s2;
	_ =	strace s9  }
0x27: {  	s1 =	sld [smem:$0x3FA3]  }
0x28: {  	s2 =	sld [smem:$0x3FA4]  }
0x29: {  	s4 =	sld [smem:$0x3FA6]  }
0x2a: {  	p0 =	seq.s32 s5, $0x0;
	s5 =	sld [smem:$0x3FA7]  }
0x2b: {  	s6 =	sld [smem:$0x3FA8]  }
0x2c: {  	s7 =	sld [smem:$0x3FA9]  }
0x2d: {  	s3 =	simm.s32 $0x108;
	s8 =	sld [smem:$0x3FAA]  }
0x2e: {  	s3 =	simm.s32 @!p0 $0x1082;
	s9 =	sld [smem:$0x3FAB]  }
0x2f: {  	lr =	sadd.s32 s0, s3;
	s0 =	sld [smem:$0x3FA2]  }
0x30: {  	s3 =	sld [smem:$0x3FA5]  }
0x31: {  	[smem:$0x3FAE] =	sst s10  }
0x32: {  	s10 =	sld [smem:$0x3FAC];
	_ =	sdelay $0x3  }
0x33: {  	p0 =	seq.s32 s10, $0x1;
	s10 =	sld [smem:$0x3FAE];
	_ =	sdelay $0x3  }
0x34: {  	[smem:$0x3FAE] =	sst s10  }
0x35: {  	s10 =	sld [smem:$0x3FAD];
	_ =	sdelay $0x3  }
0x36: {  	p1 =	seq.s32 s10, $0x1;
	s10 =	sld [smem:$0x3FAE];
	_ =	sdelay $0x3  }
0x37: {  	[smem:$0x3FAE] =	sst s10  }
0x38: {  	s10 =	sld [smem:$0x3FAF]  }
0x39: {  	_ = 	snop;
	(pc) =	sbr.ind lr, $3  }
0x3a: {  	_ = 	snop  }
0x3b: {  	_ = 	snop  }
0x3c: {  	p2 =	seq.s32 s10, $0x1;
	s10 =	sld [smem:$0x3FAE]  }
0x3d: {  	_ =	shalt  }
0x3e: {  	_ =	shalt  }
0x3f: {  	_ =	shalt  }
0x40: {  	_ =	shalt  }
0x41: {  	_ =	shalt  }
0x42: {  	_ =	shalt  }
0x43: {  	_ =	shalt  }
0x44: {  	_ =	shalt  }
0x45: {  	_ =	shalt  }
0x46: {  	_ =	shalt  }
0x47: {  	_ =	shalt  }
0x48: {  	_ =	shalt  }
0x49: {  	_ =	shalt  }
0x4a: {  	_ =	shalt  }
0x4b: {  	_ =	shalt  }
0x4c: {  	_ =	shalt  }
0x4d: {  	_ =	shalt  }
0x4e: {  	_ =	shalt  }
0x4f: {  	_ =	shalt  }
0x50: {  	_ =	shalt  }
0x51: {  	_ =	shalt  }
0x52: {  	_ =	shalt  }
0x53: {  	_ =	shalt  }
0x54: {  	_ =	shalt  }
0x55: {  	_ =	shalt  }
0x56: {  	_ =	shalt  }
0x57: {  	_ =	shalt  }
0x58: {  	_ =	shalt  }
0x59: {  	_ =	shalt  }
0x5a: {  	_ =	shalt  }
0x5b: {  	_ =	shalt  }
0x5c: {  	_ =	shalt  }
0x5d: {  	_ =	shalt  }
0x5e: {  	_ =	shalt  }
0x5f: {  	_ =	shalt  }
0x60: {  	_ =	shalt  }
0x61: {  	_ =	shalt  }
0x62: {  	_ =	shalt  }
0x63: {  	_ =	shalt  }
0x64: {  	_ =	shalt  }
0x65: {  	_ =	shalt  }
0x66: {  	_ =	shalt  }
0x67: {  	_ =	shalt  }
0x68: {  	_ =	shalt  }
0x69: {  	_ =	shalt  }
0x6a: {  	_ =	shalt  }
0x6b: {  	_ =	shalt  }
0x6c: {  	_ =	shalt  }
0x6d: {  	_ =	shalt  }
0x6e: {  	_ =	shalt  }
0x6f: {  	_ =	shalt  }
0x70: {  	_ =	shalt  }
0x71: {  	_ =	shalt  }
0x72: {  	_ =	shalt  }
0x73: {  	_ =	shalt  }
0x74: {  	_ =	shalt  }
0x75: {  	_ =	shalt  }
0x76: {  	_ =	shalt  }
0x77: {  	_ =	shalt  }
0x78: {  	_ =	shalt  }
0x79: {  	_ =	shalt  }
0x7a: {  	_ =	shalt  }
0x7b: {  	_ =	shalt  }
0x7c: {  	_ =	shalt  }
0x7d: {  	_ =	shalt  }
0x7e: {  	_ =	shalt  }
0x7f: {  	_ =	shalt  }
0x80: {  	_ =	shalt  }
0x81: {  	_ =	shalt  }
0x82: {  	_ =	shalt  }
0x83: {  	_ =	shalt  }
0x84: {  	_ =	shalt  }
0x85: {  	_ =	shalt  }
0x86: {  	_ =	shalt  }
0x87: {  	_ =	shalt  }
.Lfunc_end0:
.L_simem_size_0:
called_computation.4_lowered:
.L_overlay_start_0:
0x88: {  	s2 =	sld [smem:$0x3FD9]  }
0x89: {  	s3 =	sld [smem:$0x3FFE];
	_ =	sdelay $0x1  }
0x8a: {  	s1 =	srdreg.scid  }
0x8b: {  	s0 =	sand.u32 $0x1, s1  }
0x8c: {  	s17 =	sshll.u32 s0, $0xA;
	s2 =	sadd.s32 s3, s2  }
0x8d: {  	s2 =	sadd.s32 s2, s17  }
0x8e: {  	[smem:$0x3FBA] =	sst s2  }
0x8f: {  	_ = 	snop  }
0x90: {  	(tm) =	ssettm $0x1  }
0x91: {  	s18 =	sld [smem:$0x3FFB];
	_ =	sdelay $0x3  }
0x92: {  	_ =	strace s18  }
0x93: {  	s2 =	sld [smem:$0x3FFC];
	_ =	sdelay $0x3  }
0x94: {  	_ =	strace s2  }
0x95: {  	s2 =	sld [smem:$0x3FFD];
	_ =	sdelay $0x3  }
0x96: {  	_ =	strace s2  }
0x97: {  	_ =	strace $0x8FFFFFFF  }
0x98: {  	s19 =	sld [smem:$0x3FDB];
	_ =	sdelay $0x1  }
0x99: {  	s20 =	simm.s32 $_scs_section_size  }
0x9a: {  	s4 =	simm.s32 $_size__tile_overlayer_lowered;
	s5 =	simm.s32 $_tile_overlayer_lowered  }
0x9b: {  	s6 =	simm.s32 $0x1BFF;
	s21 =	sshll.u32 s5, $0x1;
	s3 =	sadd.s32 s20, s19  }
0x9c: {  	s22 =	simm.s32 $0x0;
	s4 =	sshll.u32 s4, $0x1;
	s5 =	sadd.s32 s21, s3  }
0x9d: {  	[timem:s22], [sflag:s6] =	dma.local [hbm:s5], s4  }
0x9e: {  	_ =	swait.ge [sflag:s6], s4  }
0x9f: {  	s4 =	ssub.s32 $0x0, s4;
	[sflag:s6] =	ssyncset.done $0x0  }
0xa0: {  	[sflag:s6] =	ssyncadd.s32 s4;
	_ =	sdelay $0x1  }
0xa1: {  	s23 =	simm.s32 $0x1B8B  }
0xa2: {  	_ =	swait.ge [sflag:s23], $0x1  }
0xa3: {  	[sflag:s23] =	ssyncset.done $0x0  }
0xa4: {  	[sflag:s23] =	ssyncadd.s32 $0xFFFFFFFF  }
0xa5: {  	s4 =	sld [smem:$0x0]  }
0xa6: {  	s5 =	sand.u32 $0xFFFFFFFE, s1  }
0xa7: {  	p0 =	sne.s32 s1, s5  }
0xa8: {  	s5 =	sshll.u32 @p0 s5, $0xE  }
0xa9: {  	s5 =	sadd.s32 @p0 $0x11B8D, s5;
	s6 =	sshll.u32 @p0 s4, $0x11  }
0xaa: {  	s5 =	sor.u32 @p0 s6, s5  }
0xab: {  	[sflag:s5] =	ssyncadd.remote.s32 @p0 $0x1;
	_ =	sdelay $0x1  }
0xac: {  	s5 =	simm.s32 @p0 $0x1B8D  }
0xad: {  	_ =	swait.eq @p0 [sflag:s5], $0x1  }
0xae: {  	[sflag:s5] =	ssyncadd.s32 @p0 $0xFFFFFFFF  }
0xaf: {  	s6 =	sshll.u32 @!p0 s1, $0xE  }
0xb0: {  	s6 =	sor.u32 @!p0 $0x4000, s6;
	s5 =	simm.s32 @!p0 $0x1B8D  }
0xb1: {  	s4 =	sshll.u32 @!p0 s4, $0x11;
	s6 =	sadd.s32 @!p0 $0x11B8D, s6;
	_ =	swait.eq @!p0 [sflag:s5], $0x1  }
0xb2: {  	s4 =	sor.u32 @!p0 s4, s6;
	[sflag:s5] =	ssyncadd.s32 @!p0 $0xFFFFFFFF  }
0xb3: {  	s25 =	simm.s32 $0x1B8E;
	s24 =	sld [smem:$0x3FFE];
	[sflag:s4] =	ssyncadd.remote.s32 @!p0 $0x1  }
0xb4: {  	s26 =	simm.s32 $execute0_lowered;
	[smem:$0x3FD2] =	sst s25  }
0xb5: {  	s5 =	sshll.u32 s26, $0x1;
	_ =	strace $0x8000004F;
	[dreg:$0x1] =	wrdreg $0xFFFFFFFF  }
0xb6: {  	s28 =	simm.s32 $_size_execute0_lowered;
	s3 =	sadd.s32 s3, s5;
	[dreg:$0x0] =	wrdreg $0x0  }
0xb7: {  	s5 =	sshll.u32 s28, $0x1;
	[dreg:$0x2] =	wrdreg s3  }
0xb8: {  	[dreg:$0x3] =	wrdreg s5  }
0xb9: {  	[dreg:$0x4] =	wrdreg $0xC0  }
0xba: {  	_ =	task [dreg:s22], $0x5FFFF  }
0xbb: {  	[dreg:$0x1] =	wrdreg $0xFFFFFFFF  }
0xbc: {  	[dreg:$0x0] =	wrdreg $0x60  }
0xbd: {  	[dreg:$0x2] =	wrdreg s24  }
0xbe: {  	[dreg:$0x3] =	wrdreg $0x0  }
0xbf: {  	[dreg:$0x4] =	wrdreg $0xA0000  }
0xc0: {  	[dreg:$0x5] =	wrdreg $0xD  }
0xc1: {  	_ =	task.clear_ibuf [dreg:s22], $0x6FFFF;
	_ =	strace $0x9000004F  }
0xc2: {  	s29 =	simm.s32 $0xD;
	_ =	strace $0x80000051  }
0xc3: {  	_ =	swait.ge [sflag:s29], $0x1  }
0xc4: {  	[sflag:s29] =	ssyncadd.s32 $0xFFFFFFFF  }
0xc5: {  	_ =	strace $0x90000051  }
0xc6: {  	_ =	sfence  }
0xc7: {  	s30 =	sld [smem:$0x0];
	_ =	sdelay $0x2  }
0xc8: {  	s31 =	sshll.u32 s1, $0xD;
	s1 =	sshrl.u32 s1, $0x2  }
0xc9: {  	s4 =	sand.u32 $0x4000, s31;
	s1 =	sadd.s32 s1, s30  }
0xca: {  	s0 =	sor.u32 s4, s0;
	s1 =	sshll.u32 s1, $0x11  }
0xcb: {  	s0 =	sor.u32 s1, s0  }
0xcc: {  	s0 =	sadd.s32 $0x8F2B, s0  }
0xcd: {  	[sflag:s0] =	ssyncadd.remote.s32 $0x1  }
0xce: {  	_ =	sfence.sel $0xFFFF  }
0xcf: {  	[dreg:$0x0] =	wrdreg $0xFFFFFFFF;
	(pc) =	sbr.abs _section_cstart, $3  }
0xd0: {  	[dreg:$0x1] =	wrdreg $0xFFFFFFFF  }
0xd1: {  	_ =	task.clear_ibuf [dreg:s22], $0x2FFFF;
	_ =	strace $0x9FFFFFFF  }
0xd2: {  	(tm) =	ssettm $0x7FFFFFFF  }
0xd3: {  	_ =	shalt  }
tec
execute0_lowered:
.L_overlay_start_1:
0x0: {  	(tag) =	ssettag $0x1  }
0x1: {  	s0 =	rddreg [dreg:$0x0]  }
0x2: {  	s2 =	rddreg [dreg:$0x1];
	s1 =	srdreg.scid  }
0x3: {  	s3 =	rddreg [dreg:$0x2];
	s13 =	stileid.u32;
	s4 =	simm.s32 $0x0  }
0x4: {  	s16 =	simm.s32 $0x3;
	s18 =	simm.s32 $0x1C400;
	s19 =	simm.s32 $0x14000  }
0x5: {  	s20 =	simm.s32 $0x1;
	s21 =	simm.s32 $0x18000;
	s22 =	simm.s32 $0x80  }
0x6: {  	s28 =	simm.s32 $0x1C380;
	s30 =	simm.s32 $0x0;
	s1 =	sand.u32 $0x1, s1  }
0x7: {  	s6 =	sshll.u32 s13, $0xB;
	s9 =	smul.u32 $0xA000, s13;
	[smem:$0x7FF] =	sst s4  }
0x8: {  	s10 =	sadd.s32 $0x3FDC00, s0;
	s24 =	sadd.s32 $0x10D800, s0;
	s25 =	sshll.u32 s13, $0x6  }
0x9: {  	s29 =	sshll.u32 s13, $0xF;
	s5 =	sshll.u32 s1, $0xF;
	s23 =	smul.u32 $0xA0000, s1  }
0xa: {  	_ =	strace $0x80000050;
	s11 =	ssub.s32 $0x2, s1;
	[dreg:$0x4] =	wrdreg s24  }
0xb: {  	s1 =	sshll.u32 s1, $0x13;
	s24 =	simm.s32 $0x2;
	s8 =	sor.u32 s6, s5  }
0xc: {  	s12 =	sshrl.u32 s11, $0x1;
	s15 =	sadd.s32 s9, s2;
	s17 =	sadd.s32 s9, s3  }
0xd: {  	s1 =	sadd.s32 s1, s10;
	s5 =	sshrl.u32 s8, $0x3;
	s7 =	sadd.s32 s9, s23  }
0xe: {  	s11 =	ssub.s32 s11, s12;
	s8 =	sshll.u32 s8, $0x4;
	s31 =	sadd.s32 s29, s1  }
0xf: {  	s15 =	sshrl.u32 s15, $0x3;
	s17 =	sshrl.u32 s17, $0x3;
	s23 =	simm.s32 $0x40  }
0x10: {  	s14 =	sadd.s32 s5, s0;
	s5 =	sadd.s32 $0x10C400, s0;
	s7 =	sshrl.u32 s7, $0x3  }
0x11: {  	s8 =	sadd.s32 s10, s8;
	s11 =	smax.u32 s11, $0x1;
	s0 =	sadd.s32 s7, s0  }
0x12: {  	s13 =	sadd.s32 $0x1000, s31;
	s7 =	sor.u32 $0x1C03, s25;
	s26 =	sadd.s32 $0x4FDC00, s0  }
0x13: {  	s12 =	sadd.s32 $0x7800, s8;
	s0 =	sadd.s32 $0x525C00, s0;
	[dreg:$0x5] =	wrdreg s26  }
0x14: {  	s14 =	sadd.s32 $0xA400, s14;
	s25 =	simm.s32 $0x1C300;
	[dreg:$0x6] =	wrdreg s0  }
.LBB2_1:
0x15: {  	[spmem:s15], [sflag:s7] =	dma.local [hbm:s5], $0x1400  }
0x16: {  	_ =	swait.ge [sflag:s16], $0x1400  }
0x17: {  	[sflag:s16] =	ssyncset.done $0x0  }
0x18: {  	[sflag:s16] =	ssyncadd.s32 $0xFFFFEC00  }
0x19: {  	[spmem:s17], [sflag:s7] =	dma.local [hbm:s5], $0x1400  }
0x1a: {  	_ =	swait.ge [sflag:s16], $0x1400  }
0x1b: {  	[sflag:s16] =	ssyncset.done $0x0  }
0x1c: {  	s0 =	rddreg [dreg:$0x4];
	[sflag:s16] =	ssyncadd.s32 $0xFFFFEC00  }
0x1d: {  	[tilespmem:s18], [sflag:$0x3] =	stream.linear.gather [hbm4b:s0+s4], $0x2000, $0x38;
	[tilespmem:$0x1E400] =	vst v63  }
0x1e: {  	_ =	swait.ge [sflag:s16], $0x2000  }
0x1f: {  	[sflag:s16] =	ssyncset.done $0x0  }
0x20: {  	s10 =	sand.u32 $0x3, s4;
	[sflag:s16] =	ssyncadd.s32 $0xFFFFE000  }
0x21: {  	p0 =	sne.s32 s10, $0x0;
	[bflag:$0x0] =	sbarrier.arrive $0xFFFF  }
0x22: {  	[tilespmem:s19], [sflag:$0x1] =	stream.linear.gather [hbm4b:s8+s4], $0x4000, $0x38;
	[tilespmem:$0x1E400] =	vst v63  }
0x23: {  	s1 =	simm.s32 @!p0 $0x0;
	s26 =	simm.s32 @!p0 $0x1C000;
	s29 =	simm.s32 @!p0 $0x3  }
0x24: {  	[tilespmem:s26], [sflag:$0x3] =	stream.linear.gather @!p0 [hbm4b:s14+s1], $0x400, $0x38;
	[tilespmem:$0x1E400] =	vst v63  }
0x25: {  	_ =	swait.ge @!p0 [sflag:s29], $0x400  }
0x26: {  	[sflag:s29] =	ssyncset.done @!p0 $0x0  }
0x27: {  	[sflag:s29] =	ssyncadd.s32 @!p0 $0xFFFFFC00  }
0x28: {  	_ =	swait.ge [sflag:s20], $0x4000  }
0x29: {  	[sflag:s20] =	ssyncset.done $0x0  }
0x2a: {  	s0 =	sshll.u32 s10, $0x8;
	s26 =	sadd.s32 $0xFFFFF800, s13;
	[sflag:s20] =	ssyncadd.s32 $0xFFFFC000  }
0x2b: {  	[tilespmem:s21], [sflag:$0x2] =	stream.linear.gather [hbm4b:s26+s4], $0x4000, $0x38;
	[tilespmem:$0x1E400] =	vst v63  }
0x2c: {  	s29 =	sor.u32 $0x1C000, s0  }
0x2d: {  	[spmem:s2] =	stream.indirect.scatter.add.f32 [tilespmem:s19], [sflag:$0x3], $0x80, s29, s22, $0xb8;
	[tilespmem:$0x1E400] =	vst v63  }
0x2e: {  	_ =	swait.ge [sflag:s16], $0x4000  }
0x2f: {  	[sflag:s16] =	ssyncset.done $0x0  }
0x30: {  	[sflag:s16] =	ssyncadd.s32 $0xFFFFC000  }
0x31: {  	[spmem:s3] =	stream.indirect.scatter.add.f32 [tilespmem:s18], [sflag:$0x3], $0x80, s29, s23, $0xb8;
	[tilespmem:$0x1E400] =	vst v63  }
0x32: {  	_ =	swait.ge [sflag:s16], $0x2000  }
0x33: {  	[sflag:s16] =	ssyncset.done $0x0  }
0x34: {  	s6 =	sor.u32 $0x1C040, s0;
	[sflag:s16] =	ssyncadd.s32 $0xFFFFE000  }
0x35: {  	[spmem:s3] =	stream.indirect.scatter.add.f32 [tilespmem:s18], [sflag:$0x3], $0x80, s6, s23, $0xb8;
	[tilespmem:$0x1E400] =	vst v63  }
0x36: {  	_ =	swait.ge [sflag:s16], $0x2000  }
0x37: {  	[sflag:s16] =	ssyncset.done $0x0  }
0x38: {  	[sflag:s16] =	ssyncadd.s32 $0xFFFFE000  }
0x39: {  	_ =	swait.ge [sflag:s24], $0x4000  }
0x3a: {  	[sflag:s24] =	ssyncset.done $0x0  }
0x3b: {  	[sflag:s24] =	ssyncadd.s32 $0xFFFFC000  }
0x3c: {  	[tilespmem:s19], [sflag:$0x1] =	stream.linear.gather [hbm4b:s13+s4], $0x4000, $0x38;
	[tilespmem:$0x1E400] =	vst v63  }
0x3d: {  	s9 =	sor.u32 $0x1C080, s0  }
0x3e: {  	[spmem:s2] =	stream.indirect.scatter.add.f32 [tilespmem:s21], [sflag:$0x3], $0x80, s9, s22, $0xb8;
	[tilespmem:$0x1E400] =	vst v63  }
0x3f: {  	_ =	swait.ge [sflag:s16], $0x4000  }
0x40: {  	[sflag:s16] =	ssyncset.done $0x0  }
0x41: {  	[sflag:s16] =	ssyncadd.s32 $0xFFFFC000  }
0x42: {  	[spmem:s3] =	stream.indirect.scatter.add.f32 [tilespmem:s18], [sflag:$0x3], $0x80, s9, s23, $0xb8;
	[tilespmem:$0x1E400] =	vst v63  }
0x43: {  	s10 =	simm.s32 $0x1;
	s1 =	sadd.s32 $0x20, s14;
	_ =	swait.ge [sflag:s16], $0x2000  }
0x44: {  	s0 =	sor.u32 $0x1C0C0, s0;
	s29 =	sand.u32 $0x3, s10;
	[sflag:s16] =	ssyncset.done $0x0  }
0x45: {  	s26 =	simm.s32 $0x2;
	p1 =	sne.s32 s29, $0x0;
	[sflag:s16] =	ssyncadd.s32 $0xFFFFE000  }
0x46: {  	[spmem:s3] =	stream.indirect.scatter.add.f32 [tilespmem:s18], [sflag:$0x3], $0x80, s0, s23, $0xb8;
	[tilespmem:$0x1E400] =	vst v63  }
0x47: {  	s31 =	sshll.u32 s29, $0x8;
	s0 =	sadd.s32 $0x1000, s13;
	_ =	swait.ge [sflag:s16], $0x2000  }
.LBB2_2:
0x48: {  	s6 =	simm.s32 @!p1 $0x0  }
0x49: {  	s9 =	simm.s32 @!p1 $0x1C000;
	[sflag:s16] =	ssyncset.done $0x0;
	s29 =	smov.u32 s26  }
0x4a: {  	s26 =	sadd.s32 $0x1, s26;
	s10 =	simm.s32 @!p1 $0x3;
	[sflag:s16] =	ssyncadd.s32 $0xFFFFE000  }
0x4b: {  	[tilespmem:s9], [sflag:$0x3] =	stream.linear.gather @!p1 [hbm4b:s1+s6], $0x400, $0x38;
	[tilespmem:$0x1E400] =	vst v63  }
0x4c: {  	p0 =	sne.s32 s26, $0x7;
	_ =	swait.ge @!p1 [sflag:s10], $0x400  }
0x4d: {  	[sflag:s10] =	ssyncset.done @!p1 $0x0  }
0x4e: {  	[sflag:s10] =	ssyncadd.s32 @!p1 $0xFFFFFC00  }
0x4f: {  	_ =	swait.ge [sflag:s20], $0x4000  }
0x50: {  	[sflag:s20] =	ssyncset.done $0x0  }
0x51: {  	s6 =	sadd.s32 $0xFFFFF800, s0;
	[sflag:s20] =	ssyncadd.s32 $0xFFFFC000  }
0x52: {  	[tilespmem:s21], [sflag:$0x2] =	stream.linear.gather [hbm4b:s6+s4], $0x4000, $0x38;
	[tilespmem:$0x1E400] =	vst v63  }
0x53: {  	s6 =	sor.u32 $0x1C000, s31  }
0x54: {  	[spmem:s2] =	stream.indirect.scatter.add.f32 [tilespmem:s19], [sflag:$0x3], $0x80, s6, s22, $0xb8;
	[tilespmem:$0x1E400] =	vst v63  }
0x55: {  	_ =	swait.ge [sflag:s16], $0x4000  }
0x56: {  	[sflag:s16] =	ssyncset.done $0x0  }
0x57: {  	[sflag:s16] =	ssyncadd.s32 $0xFFFFC000  }
0x58: {  	[spmem:s3] =	stream.indirect.scatter.add.f32 [tilespmem:s18], [sflag:$0x3], $0x80, s6, s23, $0xb8;
	[tilespmem:$0x1E400] =	vst v63  }
0x59: {  	_ =	swait.ge [sflag:s16], $0x2000  }
0x5a: {  	[sflag:s16] =	ssyncset.done $0x0  }
0x5b: {  	s6 =	sor.u32 $0x1C040, s31;
	[sflag:s16] =	ssyncadd.s32 $0xFFFFE000  }
0x5c: {  	[spmem:s3] =	stream.indirect.scatter.add.f32 [tilespmem:s18], [sflag:$0x3], $0x80, s6, s23, $0xb8;
	[tilespmem:$0x1E400] =	vst v63  }
0x5d: {  	_ =	swait.ge [sflag:s16], $0x2000  }
0x5e: {  	[sflag:s16] =	ssyncset.done $0x0  }
0x5f: {  	[sflag:s16] =	ssyncadd.s32 $0xFFFFE000  }
0x60: {  	_ =	swait.ge [sflag:s24], $0x4000  }
0x61: {  	[sflag:s24] =	ssyncset.done $0x0  }
0x62: {  	[sflag:s24] =	ssyncadd.s32 $0xFFFFC000  }
0x63: {  	[tilespmem:s19], [sflag:$0x1] =	stream.linear.gather [hbm4b:s0+s4], $0x4000, $0x38;
	[tilespmem:$0x1E400] =	vst v63  }
0x64: {  	s6 =	sor.u32 $0x1C080, s31  }
0x65: {  	[spmem:s2] =	stream.indirect.scatter.add.f32 [tilespmem:s21], [sflag:$0x3], $0x80, s6, s22, $0xb8;
	[tilespmem:$0x1E400] =	vst v63  }
0x66: {  	_ =	swait.ge [sflag:s16], $0x4000  }
0x67: {  	[sflag:s16] =	ssyncset.done $0x0  }
0x68: {  	[sflag:s16] =	ssyncadd.s32 $0xFFFFC000  }
0x69: {  	[spmem:s3] =	stream.indirect.scatter.add.f32 [tilespmem:s18], [sflag:$0x3], $0x80, s6, s23, $0xb8;
	[tilespmem:$0x1E400] =	vst v63  }
.Ltmp0:
0x6a: {  	_ =	swait.ge [sflag:s16], $0x2000;
	(pc) =	sbr.rel @p0 .LBB2_2-.Ltmp0, $4  }
0x6b: {  	s1 =	sadd.s32 $0x20, s1;
	s0 =	sadd.s32 $0x1000, s0;
	[sflag:s16] =	ssyncset.done $0x0  }
0x6c: {  	s9 =	sor.u32 $0x1C0C0, s31;
	s6 =	sand.u32 $0x3, s29;
	[sflag:s16] =	ssyncadd.s32 $0xFFFFE000  }
0x6d: {  	[spmem:s3] =	stream.indirect.scatter.add.f32 [tilespmem:s18], [sflag:$0x3], $0x80, s9, s23, $0xb8;
	[tilespmem:$0x1E400] =	vst v63  }
0x6e: {  	p1 =	sne.s32 s6, $0x0;
	s31 =	sshll.u32 s6, $0x8;
	_ =	swait.ge [sflag:s16], $0x2000  }
0x6f: {  	[sflag:s16] =	ssyncset.done $0x0  }
0x70: {  	s6 =	simm.s32 @!p1 $0x0;
	s9 =	simm.s32 @!p1 $0x1C000;
	[sflag:s16] =	ssyncadd.s32 $0xFFFFE000  }
0x71: {  	[tilespmem:s9], [sflag:$0x3] =	stream.linear.gather @!p1 [hbm4b:s1+s6], $0x400, $0x38;
	[tilespmem:$0x1E400] =	vst v63  }
0x72: {  	s1 =	simm.s32 @!p1 $0x3  }
0x73: {  	_ =	swait.ge @!p1 [sflag:s1], $0x400  }
0x74: {  	[sflag:s1] =	ssyncset.done @!p1 $0x0  }
0x75: {  	[sflag:s1] =	ssyncadd.s32 @!p1 $0xFFFFFC00  }
0x76: {  	_ =	swait.ge [sflag:s20], $0x4000  }
0x77: {  	[sflag:s20] =	ssyncset.done $0x0  }
0x78: {  	s10 =	sadd.s32 $0xFFFFF800, s0;
	[sflag:s20] =	ssyncadd.s32 $0xFFFFC000  }
0x79: {  	[tilespmem:s21], [sflag:$0x2] =	stream.linear.gather [hbm4b:s10+s4], $0x4000, $0x38;
	[tilespmem:$0x1E400] =	vst v63  }
0x7a: {  	s26 =	sor.u32 $0x1C000, s31  }
0x7b: {  	[spmem:s2] =	stream.indirect.scatter.add.f32 [tilespmem:s19], [sflag:$0x3], $0x80, s26, s22, $0xb8;
	[tilespmem:$0x1E400] =	vst v63  }
0x7c: {  	_ =	swait.ge [sflag:s16], $0x4000  }
0x7d: {  	[sflag:s16] =	ssyncset.done $0x0  }
0x7e: {  	[sflag:s16] =	ssyncadd.s32 $0xFFFFC000  }
0x7f: {  	[spmem:s3] =	stream.indirect.scatter.add.f32 [tilespmem:s18], [sflag:$0x3], $0x80, s26, s23, $0xb8;
	[tilespmem:$0x1E400] =	vst v63  }
0x80: {  	_ =	swait.ge [sflag:s16], $0x2000  }
0x81: {  	[sflag:s16] =	ssyncset.done $0x0  }
0x82: {  	s29 =	sor.u32 $0x1C040, s31;
	[sflag:s16] =	ssyncadd.s32 $0xFFFFE000  }
0x83: {  	[spmem:s3] =	stream.indirect.scatter.add.f32 [tilespmem:s18], [sflag:$0x3], $0x80, s29, s23, $0xb8;
	[tilespmem:$0x1E400] =	vst v63  }
0x84: {  	_ =	swait.ge [sflag:s16], $0x2000  }
0x85: {  	[sflag:s16] =	ssyncset.done $0x0  }
0x86: {  	[sflag:s16] =	ssyncadd.s32 $0xFFFFE000  }
0x87: {  	_ =	swait.ge [sflag:s24], $0x4000  }
0x88: {  	[sflag:s24] =	ssyncset.done $0x0  }
0x89: {  	[sflag:s24] =	ssyncadd.s32 $0xFFFFC000  }
0x8a: {  	[tilespmem:s19], [sflag:$0x1] =	stream.linear.gather [hbm4b:s0+s4], $0x4000, $0x38;
	[tilespmem:$0x1E400] =	vst v63  }
0x8b: {  	s6 =	sor.u32 $0x1C080, s31  }
0x8c: {  	[spmem:s2] =	stream.indirect.scatter.add.f32 [tilespmem:s21], [sflag:$0x3], $0x80, s6, s22, $0xb8;
	[tilespmem:$0x1E400] =	vst v63  }
0x8d: {  	_ =	swait.ge [sflag:s16], $0x4000  }
0x8e: {  	[sflag:s16] =	ssyncset.done $0x0  }
0x8f: {  	[sflag:s16] =	ssyncadd.s32 $0xFFFFC000  }
0x90: {  	[spmem:s3] =	stream.indirect.scatter.add.f32 [tilespmem:s18], [sflag:$0x3], $0x80, s6, s23, $0xb8;
	[tilespmem:$0x1E400] =	vst v63  }
0x91: {  	_ =	swait.ge [sflag:s16], $0x2000  }
0x92: {  	[sflag:s16] =	ssyncset.done $0x0  }
0x93: {  	s9 =	sor.u32 $0x1C0C0, s31;
	[sflag:s16] =	ssyncadd.s32 $0xFFFFE000  }
0x94: {  	[spmem:s3] =	stream.indirect.scatter.add.f32 [tilespmem:s18], [sflag:$0x3], $0x80, s9, s23, $0xb8;
	[tilespmem:$0x1E400] =	vst v63  }
0x95: {  	_ =	swait.ge [sflag:s16], $0x2000  }
0x96: {  	[sflag:s16] =	ssyncset.done $0x0  }
0x97: {  	[sflag:s16] =	ssyncadd.s32 $0xFFFFE000  }
0x98: {  	_ =	swait.ge [sflag:s20], $0x4000  }
0x99: {  	[sflag:s20] =	ssyncset.done $0x0  }
0x9a: {  	[sflag:s20] =	ssyncadd.s32 $0xFFFFC000  }
0x9b: {  	[tilespmem:s21], [sflag:$0x2] =	stream.linear.gather [hbm4b:s12+s4], $0x4000, $0x38;
	[tilespmem:$0x1E400] =	vst v63  }
0x9c: {  	_ = 	snop  }
0x9d: {  	[spmem:s2] =	stream.indirect.scatter.add.f32 [tilespmem:s19], [sflag:$0x3], $0x80, s25, s22, $0xb8;
	[tilespmem:$0x1E400] =	vst v63  }
0x9e: {  	_ =	swait.ge [sflag:s16], $0x4000  }
0x9f: {  	[sflag:s16] =	ssyncset.done $0x0  }
0xa0: {  	[sflag:s16] =	ssyncadd.s32 $0xFFFFC000  }
0xa1: {  	[spmem:s3] =	stream.indirect.scatter.add.f32 [tilespmem:s18], [sflag:$0x3], $0x80, s25, s23, $0xb8;
	[tilespmem:$0x1E400] =	vst v63  }
0xa2: {  	_ =	swait.ge [sflag:s16], $0x2000  }
0xa3: {  	[sflag:s16] =	ssyncset.done $0x0  }
0xa4: {  	s10 =	simm.s32 $0x1C340;
	[sflag:s16] =	ssyncadd.s32 $0xFFFFE000  }
0xa5: {  	[spmem:s3] =	stream.indirect.scatter.add.f32 [tilespmem:s18], [sflag:$0x3], $0x80, s10, s23, $0xb8;
	[tilespmem:$0x1E400] =	vst v63  }
0xa6: {  	_ =	swait.ge [sflag:s16], $0x2000  }
0xa7: {  	[sflag:s16] =	ssyncset.done $0x0  }
0xa8: {  	[sflag:s16] =	ssyncadd.s32 $0xFFFFE000  }
0xa9: {  	_ =	swait.ge [sflag:s24], $0x4000  }
0xaa: {  	[sflag:s24] =	ssyncset.done $0x0  }
0xab: {  	[sflag:s24] =	ssyncadd.s32 $0xFFFFC000  }
0xac: {  	[spmem:s2] =	stream.indirect.scatter.add.f32 [tilespmem:s21], [sflag:$0x3], $0x80, s28, s22, $0xb8;
	[tilespmem:$0x1E400] =	vst v63  }
0xad: {  	_ =	swait.ge [sflag:s16], $0x4000  }
0xae: {  	[sflag:s16] =	ssyncset.done $0x0  }
0xaf: {  	[sflag:s16] =	ssyncadd.s32 $0xFFFFC000  }
0xb0: {  	[spmem:s3] =	stream.indirect.scatter.add.f32 [tilespmem:s18], [sflag:$0x3], $0x80, s28, s23, $0xb8;
	[tilespmem:$0x1E400] =	vst v63  }
0xb1: {  	_ =	swait.ge [sflag:s16], $0x2000  }
0xb2: {  	[sflag:s16] =	ssyncset.done $0x0  }
0xb3: {  	s26 =	simm.s32 $0x1C3C0;
	[sflag:s16] =	ssyncadd.s32 $0xFFFFE000  }
0xb4: {  	[spmem:s3] =	stream.indirect.scatter.add.f32 [tilespmem:s18], [sflag:$0x3], $0x80, s26, s23, $0xb8;
	[tilespmem:$0x1E400] =	vst v63  }
0xb5: {  	_ =	swait.ge [sflag:s16], $0x2000  }
0xb6: {  	[sflag:s16] =	ssyncset.done $0x0  }
0xb7: {  	[sflag:s16] =	ssyncadd.s32 $0xFFFFE000  }
0xb8: {  	[bflag:$0x0] =	sbarrier.arrive $0xFFFF  }
0xb9: {  	s29 =	rddreg [dreg:$0x5]  }
0xba: {  	[hbm:s29], [sflag:s7] =	dma.local [spmem:s15], $0x1400  }
0xbb: {  	s30 =	sadd.s32 $0x1, s30;
	_ =	swait.ge [sflag:s16], $0x1400  }
0xbc: {  	p0 =	sne.s32 s30, s11;
	[sflag:s16] =	ssyncset.done $0x0  }
.Ltmp1:
0xbd: {  	s31 =	rddreg [dreg:$0x6];
	[sflag:s16] =	ssyncadd.s32 $0xFFFFEC00;
	(pc) =	sbr.rel @p0 .LBB2_1-.Ltmp1, $4  }
0xbe: {  	[hbm:s31], [sflag:s7] =	dma.local [spmem:s17], $0x1400  }
0xbf: {  	_ =	swait.ge [sflag:s16], $0x1400  }
0xc0: {  	[sflag:s16] =	ssyncset.done $0x0  }
0xc1: {  	[sflag:s16] =	ssyncadd.s32 $0xFFFFEC00  }
0xc2: {  	_ =	sfence.sel $0x180000  }
0xc3: {  	[bflag:$0x0] =	sbarrier.arrive $0xFFFF  }
0xc4: {  	_ =	strace $0x90000050  }
0xc5: {  	s0 =	stileid.u32;
	[bflag:$0x2] =	sbarrier.arrive $0xFFFF  }
0xc6: {  	p0 =	sne.s32 s0, $0x0;
	s0 =	rddreg [dreg:$0x3]  }
0xc7: {  	s0 =	sadd.s32 @!p0 $0x100000, s0  }
0xc8: {  	[sflag:s0] =	ssyncadd.tile.s32 @!p0 $0x1;
	_ =	shalt  }
.Lfunc_end2:
_tile_overlayer_lowered:
.L_overlay_start_2:
0xc9: {  	(tag) =	ssettag $0x2  }
0xca: {  	s0 =	rddreg [dreg:$0x0];
	s2 =	stileid.u32  }
0xcb: {  	s1 =	rddreg [dreg:$0x1];
	p0 =	sne.s32 s2, $0x0  }
0xcc: {  	s3 =	rddreg [dreg:$0x2];
	[bflag:$0x3] =	sbarrier.arrive $0xFFFF;
	s2 =	simm.s32 @!p0 $0x1C03  }
0xcd: {  	[timem:s3], [sflag:s2] =	dma.local @!p0 [hbm:s0], s1  }
0xce: {  	s0 =	simm.s32 @!p0 $0x3  }
0xcf: {  	_ =	swait.ge @!p0 [sflag:s0], s1  }
0xd0: {  	s1 =	ssub.s32 @!p0 $0x0, s1;
	[sflag:s0] =	ssyncset.done @!p0 $0x0  }
0xd1: {  	[sflag:s0] =	ssyncadd.s32 @!p0 s1  }
0xd2: {  	[bflag:$0x3] =	sbarrier.arrive $0xFFFF  }
0xd3: {  	_ =	shalt  }

</sc_bundles>
